<compile_context>
chip_gen: v7x
topology: tpu7x:2x2x1
jax: 0.10.2.dev20260603
libtpu: 0.0.44.dev20260713+nightly
codegen_flags: <defaults>
</compile_context>

<pallas_src>
import jax
import jax.numpy as jnp
from jax import lax
from jax.experimental import pallas as pl
from jax.experimental.pallas import tpu as pltpu
from jax.experimental.pallas import tpu_sc as plsc

NC = 2
NS = 16
NW = NC * NS
L = 16

N = 10000
E = 320000
D = 128
C = 80
EPW = E // NW
NCHUNK = EPW // C

_DNUMS = lax.GatherDimensionNumbers(
    offset_dims=(), collapsed_slice_dims=(0,), start_index_map=(0,))


def _perm(v, idx):
  return lax.gather(v, idx[:, None], _DNUMS, (1,),
                    mode=lax.GatherScatterMode.PROMISE_IN_BOUNDS)


_BITREV = [0, 8, 4, 12, 2, 10, 6, 14, 1, 9, 5, 13, 3, 11, 7, 15]


def _norm_body(xq_ref, xa_ref, nq_ref, na_ref):
  xq = xq_ref[...]
  xa = xa_ref[...]
  nq_ref[...] = jnp.sum(xq * xq, axis=1, keepdims=True)
  na_ref[...] = jnp.sum(xa * xa, axis=1, keepdims=True)


def _body(xq_hbm, xa_hbm, idxq_hbm, idxa_hbm, nq_hbm, na_hbm, out_hbm,
          idxq_v, idxa_v, rows_s0, rows_s1, rows_s2, nqv, nav, out_v,
          sq0, sq1, sq2, ss0, ss1, ss2, sn0, sn1, sn2, so0, so1, so2):
  rows_s = (rows_s0, rows_s1, rows_s2)
  sqs = (sq0, sq1, sq2)
  sss = (ss0, ss1, ss2)
  sns = (sn0, sn1, sn2)
  sos = (so0, so1, so2)

  wid = lax.axis_index("s") * NC + lax.axis_index("c")
  base = wid * EPW

  pltpu.sync_copy(idxq_hbm.at[pl.ds(base, EPW)], idxq_v)
  pltpu.sync_copy(idxa_hbm.at[pl.ds(base, EPW)], idxa_v)

  def q_copy(b, chunk):
    off = chunk * C
    return pltpu.make_async_copy(
        xq_hbm.at[idxq_v.at[pl.ds(off, C)]], rows_s[b], sqs[b])

  def a_copy(b, chunk):
    off = chunk * C
    return pltpu.make_async_copy(
        xa_hbm.at[idxa_v.at[pl.ds(off, C)]], rows_s[b], sss[b])

  def nq_copy(b, chunk):
    off = chunk * C
    return pltpu.make_async_copy(
        nq_hbm.at[idxq_v.at[pl.ds(off, C)]], nqv.at[b], sns[b])

  def na_copy(b, chunk):
    off = chunk * C
    return pltpu.make_async_copy(
        na_hbm.at[idxa_v.at[pl.ds(off, C)]], nav.at[b], sns[b])

  def out_copy(b, chunk):
    off = base + chunk * C
    return pltpu.make_async_copy(
        out_v.at[b], out_hbm.at[pl.ds(off, C)], sos[b])

  for b in range(3):
    q_copy(b, jnp.int32(b)).start()
    nq_copy(b, jnp.int32(b)).start()
    na_copy(b, jnp.int32(b)).start()
  for b in range(2):
    q_copy(b, jnp.int32(b)).wait()
    a_copy(b, jnp.int32(b)).start(add=True)

  lanes = lax.iota(jnp.int32, L)

  def step(b, chunk):
    a_copy(b, chunk).wait()
    nq_copy(b, chunk).wait()
    na_copy(b, chunk).wait()

    @pl.when(chunk >= 3)
    def _():
      out_copy(b, chunk).wait()

    rs = rows_s[b]

    def leaf(e):
      m = [rs[e, pl.ds(k * L, L)] for k in range(D // L)]
      m = [v * v for v in m]
      while len(m) > 1:
        m = [m[i] + m[i + 1] for i in range(0, len(m), 2)]
      return m[0]

    def merge(x, y, sh):
      xs = x + _perm(x, lanes ^ sh)
      ys = y + _perm(y, lanes ^ sh)
      return jnp.where((lanes & sh) == 0, xs, ys)

    def tree(base_e, j0, size):
      if size == 1:
        return leaf(base_e + _BITREV[j0])
      h = size // 2
      return merge(tree(base_e, j0, h), tree(base_e, j0 + h, h), L // size)

    def group_step(g, carry):
      base_e = g * L
      ssum = tree(base_e, 0, L)
      nq16 = nqv[b, pl.ds(base_e, L)]
      na16 = nav[b, pl.ds(base_e, L)]
      dots = (ssum - nq16 - na16) * 0.5
      out_v[b, pl.ds(base_e, L)] = 1.0 / (1.0 + jnp.exp(-dots))
      return carry

    lax.fori_loop(0, C // L, group_step, jnp.int32(0))

    out_copy(b, chunk).start()

    @pl.when(chunk + 3 < NCHUNK)
    def _():
      q_copy(b, chunk + 3).start()
      nq_copy(b, chunk + 3).start()
      na_copy(b, chunk + 3).start()

    @pl.when(chunk + 2 < NCHUNK)
    def _():
      b2 = (b + 2) % 3
      q_copy(b2, chunk + 2).wait()
      a_copy(b2, chunk + 2).start(add=True)

  def loop_body(i, carry):
    for b in range(3):
      @pl.when(i % 3 == b)
      def _(b=b):
        step(b, i)
    return carry

  lax.fori_loop(0, NCHUNK, loop_body, jnp.int32(0))

  for b in range(3):
    out_copy(b, jnp.int32(b)).wait()


@jax.jit
def _decoder(x_question, x_answer, idxq, idxa):
  nq, na = pl.pallas_call(
      _norm_body,
      out_shape=[jax.ShapeDtypeStruct((N, 1), jnp.float32),
                 jax.ShapeDtypeStruct((N, 1), jnp.float32)],
  )(x_question, x_answer)

  mesh = plsc.VectorSubcoreMesh(core_axis_name="c", subcore_axis_name="s")
  out = pl.kernel(
      _body,
      out_type=jax.ShapeDtypeStruct((E,), jnp.float32),
      mesh=mesh,
      scratch_types=[
          pltpu.VMEM((EPW,), jnp.int32),
          pltpu.VMEM((EPW,), jnp.int32),
          pltpu.VMEM((C, D), jnp.float32),
          pltpu.VMEM((C, D), jnp.float32),
          pltpu.VMEM((C, D), jnp.float32),
          pltpu.VMEM((3, C), jnp.float32),
          pltpu.VMEM((3, C), jnp.float32),
          pltpu.VMEM((3, C), jnp.float32),
          pltpu.SemaphoreType.DMA,
          pltpu.SemaphoreType.DMA,
          pltpu.SemaphoreType.DMA,
          pltpu.SemaphoreType.DMA,
          pltpu.SemaphoreType.DMA,
          pltpu.SemaphoreType.DMA,
          pltpu.SemaphoreType.DMA,
          pltpu.SemaphoreType.DMA,
          pltpu.SemaphoreType.DMA,
          pltpu.SemaphoreType.DMA,
          pltpu.SemaphoreType.DMA,
          pltpu.SemaphoreType.DMA,
      ],
  )(x_question, x_answer, idxq, idxa,
    nq.reshape(N), na.reshape(N))
  return out


def kernel(x_question, x_answer, edge_label_index):
  return _decoder(x_question, x_answer,
                  edge_label_index[0], edge_label_index[1])

# --- scband reference (transcript-rebuilt; emitter-appended) ---
"""Pipeline reference for scband-decoder-661424964322 (READ-ONLY COPY).

The authoritative reference and input builder live on the scoring server;
editing this copy changes nothing except your own understanding.
"""

import jax, jax.numpy as jnp
import numpy as np


def setup_inputs(seed: int = 0) -> dict:
    key = jax.random.key(seed)
    k1, k2, k3 = jax.random.split(key, 3)
    x_question = jax.random.normal(k1, (10000, 128), dtype=jnp.float32)
    x_answer = jax.random.normal(k2, (10000, 128), dtype=jnp.float32)
    edge_label_index = jax.random.randint(k3, (2, 320000), 0, 10000, dtype=jnp.int32)
    return {"x_question": x_question, "x_answer": x_answer, "edge_label_index": edge_label_index}


def reference(x_question, x_answer, edge_label_index):
    # gather per-edge node features (SparseCore gather)
    edge_feat_question = jnp.take(x_question, edge_label_index[0], axis=0)
    edge_feat_answer = jnp.take(x_answer, edge_label_index[1], axis=0)
    # per-edge dot product + sigmoid
    return jax.nn.sigmoid(jnp.sum(edge_feat_question * edge_feat_answer, axis=-1))

if __name__ == "__main__":
    import jax
    _d = setup_inputs()
    print(jax.jit(kernel)(*tuple(_d.values())))

</pallas_src>

<mosaic_0001>
#map = affine_map<(d0, d1) -> (0, 0)>
#map1 = affine_map<(d0, d1) -> (0)>
module attributes {stable_mosaic.version = 14 : i64} {
  func.func @_body(%arg0: i32, %arg1: i32, %arg2: memref<10000x128xf32, #tpu.memory_space<hbm>>, %arg3: memref<10000x128xf32, #tpu.memory_space<hbm>>, %arg4: memref<320000xi32, #tpu.memory_space<hbm>>, %arg5: memref<320000xi32, #tpu.memory_space<hbm>>, %arg6: memref<10000xf32, #tpu.memory_space<hbm>>, %arg7: memref<10000xf32, #tpu.memory_space<hbm>>, %arg8: memref<320000xf32, #tpu.memory_space<hbm>>, %arg9: memref<10000xi32, #tpu.memory_space<vmem>>, %arg10: memref<10000xi32, #tpu.memory_space<vmem>>, %arg11: memref<80x128xf32, #tpu.memory_space<vmem>>, %arg12: memref<80x128xf32, #tpu.memory_space<vmem>>, %arg13: memref<80x128xf32, #tpu.memory_space<vmem>>, %arg14: memref<3x80xf32, #tpu.memory_space<vmem>>, %arg15: memref<3x80xf32, #tpu.memory_space<vmem>>, %arg16: memref<3x80xf32, #tpu.memory_space<vmem>>, %arg17: memref<!tpu.dma_semaphore, #tpu.memory_space<semaphore_mem>>, %arg18: memref<!tpu.dma_semaphore, #tpu.memory_space<semaphore_mem>>, %arg19: memref<!tpu.dma_semaphore, #tpu.memory_space<semaphore_mem>>, %arg20: memref<!tpu.dma_semaphore, #tpu.memory_space<semaphore_mem>>, %arg21: memref<!tpu.dma_semaphore, #tpu.memory_space<semaphore_mem>>, %arg22: memref<!tpu.dma_semaphore, #tpu.memory_space<semaphore_mem>>, %arg23: memref<!tpu.dma_semaphore, #tpu.memory_space<semaphore_mem>>, %arg24: memref<!tpu.dma_semaphore, #tpu.memory_space<semaphore_mem>>, %arg25: memref<!tpu.dma_semaphore, #tpu.memory_space<semaphore_mem>>, %arg26: memref<!tpu.dma_semaphore, #tpu.memory_space<semaphore_mem>>, %arg27: memref<!tpu.dma_semaphore, #tpu.memory_space<semaphore_mem>>, %arg28: memref<!tpu.dma_semaphore, #tpu.memory_space<semaphore_mem>>) attributes {dimension_semantics = [#tpu.dimension_semantics<core_parallel>, #tpu.dimension_semantics<subcore_parallel>], iteration_bounds = array<i64: 2, 16>, scalar_prefetch = 0 : i64, scratch_operands = 20 : i64, tpu.core_type = #tpu.core_type<sc_vector_subcore>, window_params = [{transform_indices = #map}, {transform_indices = #map}, {transform_indices = #map1}, {transform_indices = #map1}, {transform_indices = #map1}, {transform_indices = #map1}, {transform_indices = #map1}]} {
    %mul3A = arith.constant 2 : i32
    %mul3A_0 = arith.muli %arg1, %mul3A : i32
    %add3A = arith.addi %mul3A_0, %arg0 : i32
    %mul3A_1 = arith.constant 10000 : i32
    %mul3A_2 = arith.muli %add3A, %mul3A_1 : i32
    "tpu.region"() ({
      %run_scoped3A = tpu.sem_alloc : memref<!tpu.dma_semaphore, #tpu.memory_space<semaphore_mem>>
      %dma_start3A_154 = tpu.memref_slice %arg4[%mul3A_2] : memref<320000xi32, #tpu.memory_space<hbm>> -> memref<10000xi32, #tpu.memory_space<hbm>>
      %dma_start3A_155 = tpu.memref_slice %arg4[%mul3A_2] : memref<320000xi32, #tpu.memory_space<hbm>> -> memref<10000xi32, #tpu.memory_space<hbm>>
      tpu.enqueue_dma source(%dma_start3A_155 : memref<10000xi32, #tpu.memory_space<hbm>>) target(%arg9 : memref<10000xi32, #tpu.memory_space<vmem>>) target_semaphore(%run_scoped3A : memref<!tpu.dma_semaphore, #tpu.memory_space<semaphore_mem>>)
      %dma_wait3A_156 = tpu.memref_slice %arg4[%mul3A_2] : memref<320000xi32, #tpu.memory_space<hbm>> -> memref<10000xi32, #tpu.memory_space<hbm>>
      %dma_wait3A_157 = tpu.memref_slice %arg4[%mul3A_2] : memref<320000xi32, #tpu.memory_space<hbm>> -> memref<10000xi32, #tpu.memory_space<hbm>>
      tpu.wait_dma2 semaphore(%run_scoped3A : memref<!tpu.dma_semaphore, #tpu.memory_space<semaphore_mem>>) src(%dma_wait3A_157 : memref<10000xi32, #tpu.memory_space<hbm>>) dst(%arg9 : memref<10000xi32, #tpu.memory_space<vmem>>)
      tpu.yield
    }) : () -> ()
    "tpu.region"() ({
      %run_scoped3A = tpu.sem_alloc : memref<!tpu.dma_semaphore, #tpu.memory_space<semaphore_mem>>
      %dma_start3A_154 = tpu.memref_slice %arg5[%mul3A_2] : memref<320000xi32, #tpu.memory_space<hbm>> -> memref<10000xi32, #tpu.memory_space<hbm>>
      %dma_start3A_155 = tpu.memref_slice %arg5[%mul3A_2] : memref<320000xi32, #tpu.memory_space<hbm>> -> memref<10000xi32, #tpu.memory_space<hbm>>
      tpu.enqueue_dma source(%dma_start3A_155 : memref<10000xi32, #tpu.memory_space<hbm>>) target(%arg10 : memref<10000xi32, #tpu.memory_space<vmem>>) target_semaphore(%run_scoped3A : memref<!tpu.dma_semaphore, #tpu.memory_space<semaphore_mem>>)
      %dma_wait3A_156 = tpu.memref_slice %arg5[%mul3A_2] : memref<320000xi32, #tpu.memory_space<hbm>> -> memref<10000xi32, #tpu.memory_space<hbm>>
      %dma_wait3A_157 = tpu.memref_slice %arg5[%mul3A_2] : memref<320000xi32, #tpu.memory_space<hbm>> -> memref<10000xi32, #tpu.memory_space<hbm>>
      tpu.wait_dma2 semaphore(%run_scoped3A : memref<!tpu.dma_semaphore, #tpu.memory_space<semaphore_mem>>) src(%dma_wait3A_157 : memref<10000xi32, #tpu.memory_space<hbm>>) dst(%arg10 : memref<10000xi32, #tpu.memory_space<vmem>>)
      tpu.yield
    }) : () -> ()
    %mul3A_3 = arith.constant 0 : i32
    %mul3A_4 = arith.constant 80 : i32
    %mul3A_5 = arith.muli %mul3A_3, %mul3A_4 : i32
    %dma_start3A = tpu.memref_slice %arg9[%mul3A_5] : memref<10000xi32, #tpu.memory_space<vmem>> -> memref<80xi32, #tpu.memory_space<vmem>>
    %dma_start3A_6 = arith.constant 0 : i32
    %dma_start3A_7 = arith.constant 0 : i32
    %dma_start3A_8 = tpu.memref_slice %arg2[%dma_start3A_6, %dma_start3A_7] : memref<10000x128xf32, #tpu.memory_space<hbm>> -> memref<10000x128xf32, #tpu.memory_space<hbm>>
    tpu.enqueue_indirect_dma source(%dma_start3A_8 : memref<10000x128xf32, #tpu.memory_space<hbm>>) target(%arg11 : memref<80x128xf32, #tpu.memory_space<vmem>>) offsets(%dma_start3A : memref<80xi32, #tpu.memory_space<vmem>>) semaphore(%arg17 : memref<!tpu.dma_semaphore, #tpu.memory_space<semaphore_mem>>)
    %mul3A_9 = arith.constant 0 : i32
    %mul3A_10 = arith.constant 80 : i32
    %mul3A_11 = arith.muli %mul3A_9, %mul3A_10 : i32
    %dma_start3A_12 = arith.constant 0 : i32
    %dma_start3A_13 = arith.constant 0 : i32
    %dma_start3A_14 = tpu.memref_slice %arg14[%dma_start3A_12, %dma_start3A_13] : memref<3x80xf32, #tpu.memory_space<vmem>> -> memref<1x80xf32, #tpu.memory_space<vmem>>
    %dma_start3A_15 = tpu.memref_squeeze %dma_start3A_14 : memref<1x80xf32, #tpu.memory_space<vmem>> -> memref<80xf32, #tpu.memory_space<vmem>>
    %dma_start3A_16 = tpu.memref_slice %arg9[%mul3A_11] : memref<10000xi32, #tpu.memory_space<vmem>> -> memref<80xi32, #tpu.memory_space<vmem>>
    %dma_start3A_17 = arith.constant 0 : i32
    %dma_start3A_18 = tpu.memref_slice %arg6[%dma_start3A_17] : memref<10000xf32, #tpu.memory_space<hbm>> -> memref<10000xf32, #tpu.memory_space<hbm>>
    tpu.enqueue_indirect_dma source(%dma_start3A_18 : memref<10000xf32, #tpu.memory_space<hbm>>) target(%dma_start3A_15 : memref<80xf32, #tpu.memory_space<vmem>>) offsets(%dma_start3A_16 : memref<80xi32, #tpu.memory_space<vmem>>) semaphore(%arg23 : memref<!tpu.dma_semaphore, #tpu.memory_space<semaphore_mem>>)
    %mul3A_19 = arith.constant 0 : i32
    %mul3A_20 = arith.constant 80 : i32
    %mul3A_21 = arith.muli %mul3A_19, %mul3A_20 : i32
    %dma_start3A_22 = arith.constant 0 : i32
    %dma_start3A_23 = arith.constant 0 : i32
    %dma_start3A_24 = tpu.memref_slice %arg15[%dma_start3A_22, %dma_start3A_23] : memref<3x80xf32, #tpu.memory_space<vmem>> -> memref<1x80xf32, #tpu.memory_space<vmem>>
    %dma_start3A_25 = tpu.memref_squeeze %dma_start3A_24 : memref<1x80xf32, #tpu.memory_space<vmem>> -> memref<80xf32, #tpu.memory_space<vmem>>
    %dma_start3A_26 = tpu.memref_slice %arg10[%mul3A_21] : memref<10000xi32, #tpu.memory_space<vmem>> -> memref<80xi32, #tpu.memory_space<vmem>>
    %dma_start3A_27 = arith.constant 0 : i32
    %dma_start3A_28 = tpu.memref_slice %arg7[%dma_start3A_27] : memref<10000xf32, #tpu.memory_space<hbm>> -> memref<10000xf32, #tpu.memory_space<hbm>>
    tpu.enqueue_indirect_dma source(%dma_start3A_28 : memref<10000xf32, #tpu.memory_space<hbm>>) target(%dma_start3A_25 : memref<80xf32, #tpu.memory_space<vmem>>) offsets(%dma_start3A_26 : memref<80xi32, #tpu.memory_space<vmem>>) semaphore(%arg23 : memref<!tpu.dma_semaphore, #tpu.memory_space<semaphore_mem>>)
    %mul3A_29 = arith.constant 1 : i32
    %mul3A_30 = arith.constant 80 : i32
    %mul3A_31 = arith.muli %mul3A_29, %mul3A_30 : i32
    %dma_start3A_32 = tpu.memref_slice %arg9[%mul3A_31] : memref<10000xi32, #tpu.memory_space<vmem>> -> memref<80xi32, #tpu.memory_space<vmem>>
    %dma_start3A_33 = arith.constant 0 : i32
    %dma_start3A_34 = arith.constant 0 : i32
    %dma_start3A_35 = tpu.memref_slice %arg2[%dma_start3A_33, %dma_start3A_34] : memref<10000x128xf32, #tpu.memory_space<hbm>> -> memref<10000x128xf32, #tpu.memory_space<hbm>>
    tpu.enqueue_indirect_dma source(%dma_start3A_35 : memref<10000x128xf32, #tpu.memory_space<hbm>>) target(%arg12 : memref<80x128xf32, #tpu.memory_space<vmem>>) offsets(%dma_start3A_32 : memref<80xi32, #tpu.memory_space<vmem>>) semaphore(%arg18 : memref<!tpu.dma_semaphore, #tpu.memory_space<semaphore_mem>>)
    %mul3A_36 = arith.constant 1 : i32
    %mul3A_37 = arith.constant 80 : i32
    %mul3A_38 = arith.muli %mul3A_36, %mul3A_37 : i32
    %dma_start3A_39 = arith.constant 1 : i32
    %dma_start3A_40 = arith.constant 0 : i32
    %dma_start3A_41 = tpu.memref_slice %arg14[%dma_start3A_39, %dma_start3A_40] : memref<3x80xf32, #tpu.memory_space<vmem>> -> memref<1x80xf32, #tpu.memory_space<vmem>>
    %dma_start3A_42 = tpu.memref_squeeze %dma_start3A_41 : memref<1x80xf32, #tpu.memory_space<vmem>> -> memref<80xf32, #tpu.memory_space<vmem>>
    %dma_start3A_43 = tpu.memref_slice %arg9[%mul3A_38] : memref<10000xi32, #tpu.memory_space<vmem>> -> memref<80xi32, #tpu.memory_space<vmem>>
    %dma_start3A_44 = arith.constant 0 : i32
    %dma_start3A_45 = tpu.memref_slice %arg6[%dma_start3A_44] : memref<10000xf32, #tpu.memory_space<hbm>> -> memref<10000xf32, #tpu.memory_space<hbm>>
    tpu.enqueue_indirect_dma source(%dma_start3A_45 : memref<10000xf32, #tpu.memory_space<hbm>>) target(%dma_start3A_42 : memref<80xf32, #tpu.memory_space<vmem>>) offsets(%dma_start3A_43 : memref<80xi32, #tpu.memory_space<vmem>>) semaphore(%arg24 : memref<!tpu.dma_semaphore, #tpu.memory_space<semaphore_mem>>)
    %mul3A_46 = arith.constant 1 : i32
    %mul3A_47 = arith.constant 80 : i32
    %mul3A_48 = arith.muli %mul3A_46, %mul3A_47 : i32
    %dma_start3A_49 = arith.constant 1 : i32
    %dma_start3A_50 = arith.constant 0 : i32
    %dma_start3A_51 = tpu.memref_slice %arg15[%dma_start3A_49, %dma_start3A_50] : memref<3x80xf32, #tpu.memory_space<vmem>> -> memref<1x80xf32, #tpu.memory_space<vmem>>
    %dma_start3A_52 = tpu.memref_squeeze %dma_start3A_51 : memref<1x80xf32, #tpu.memory_space<vmem>> -> memref<80xf32, #tpu.memory_space<vmem>>
    %dma_start3A_53 = tpu.memref_slice %arg10[%mul3A_48] : memref<10000xi32, #tpu.memory_space<vmem>> -> memref<80xi32, #tpu.memory_space<vmem>>
    %dma_start3A_54 = arith.constant 0 : i32
    %dma_start3A_55 = tpu.memref_slice %arg7[%dma_start3A_54] : memref<10000xf32, #tpu.memory_space<hbm>> -> memref<10000xf32, #tpu.memory_space<hbm>>
    tpu.enqueue_indirect_dma source(%dma_start3A_55 : memref<10000xf32, #tpu.memory_space<hbm>>) target(%dma_start3A_52 : memref<80xf32, #tpu.memory_space<vmem>>) offsets(%dma_start3A_53 : memref<80xi32, #tpu.memory_space<vmem>>) semaphore(%arg24 : memref<!tpu.dma_semaphore, #tpu.memory_space<semaphore_mem>>)
    %mul3A_56 = arith.constant 2 : i32
    %mul3A_57 = arith.constant 80 : i32
    %mul3A_58 = arith.muli %mul3A_56, %mul3A_57 : i32
    %dma_start3A_59 = tpu.memref_slice %arg9[%mul3A_58] : memref<10000xi32, #tpu.memory_space<vmem>> -> memref<80xi32, #tpu.memory_space<vmem>>
    %dma_start3A_60 = arith.constant 0 : i32
    %dma_start3A_61 = arith.constant 0 : i32
    %dma_start3A_62 = tpu.memref_slice %arg2[%dma_start3A_60, %dma_start3A_61] : memref<10000x128xf32, #tpu.memory_space<hbm>> -> memref<10000x128xf32, #tpu.memory_space<hbm>>
    tpu.enqueue_indirect_dma source(%dma_start3A_62 : memref<10000x128xf32, #tpu.memory_space<hbm>>) target(%arg13 : memref<80x128xf32, #tpu.memory_space<vmem>>) offsets(%dma_start3A_59 : memref<80xi32, #tpu.memory_space<vmem>>) semaphore(%arg19 : memref<!tpu.dma_semaphore, #tpu.memory_space<semaphore_mem>>)
    %mul3A_63 = arith.constant 2 : i32
    %mul3A_64 = arith.constant 80 : i32
    %mul3A_65 = arith.muli %mul3A_63, %mul3A_64 : i32
    %dma_start3A_66 = arith.constant 2 : i32
    %dma_start3A_67 = arith.constant 0 : i32
    %dma_start3A_68 = tpu.memref_slice %arg14[%dma_start3A_66, %dma_start3A_67] : memref<3x80xf32, #tpu.memory_space<vmem>> -> memref<1x80xf32, #tpu.memory_space<vmem>>
    %dma_start3A_69 = tpu.memref_squeeze %dma_start3A_68 : memref<1x80xf32, #tpu.memory_space<vmem>> -> memref<80xf32, #tpu.memory_space<vmem>>
    %dma_start3A_70 = tpu.memref_slice %arg9[%mul3A_65] : memref<10000xi32, #tpu.memory_space<vmem>> -> memref<80xi32, #tpu.memory_space<vmem>>
    %dma_start3A_71 = arith.constant 0 : i32
    %dma_start3A_72 = tpu.memref_slice %arg6[%dma_start3A_71] : memref<10000xf32, #tpu.memory_space<hbm>> -> memref<10000xf32, #tpu.memory_space<hbm>>
    tpu.enqueue_indirect_dma source(%dma_start3A_72 : memref<10000xf32, #tpu.memory_space<hbm>>) target(%dma_start3A_69 : memref<80xf32, #tpu.memory_space<vmem>>) offsets(%dma_start3A_70 : memref<80xi32, #tpu.memory_space<vmem>>) semaphore(%arg25 : memref<!tpu.dma_semaphore, #tpu.memory_space<semaphore_mem>>)
    %mul3A_73 = arith.constant 2 : i32
    %mul3A_74 = arith.constant 80 : i32
    %mul3A_75 = arith.muli %mul3A_73, %mul3A_74 : i32
    %dma_start3A_76 = arith.constant 2 : i32
    %dma_start3A_77 = arith.constant 0 : i32
    %dma_start3A_78 = tpu.memref_slice %arg15[%dma_start3A_76, %dma_start3A_77] : memref<3x80xf32, #tpu.memory_space<vmem>> -> memref<1x80xf32, #tpu.memory_space<vmem>>
    %dma_start3A_79 = tpu.memref_squeeze %dma_start3A_78 : memref<1x80xf32, #tpu.memory_space<vmem>> -> memref<80xf32, #tpu.memory_space<vmem>>
    %dma_start3A_80 = tpu.memref_slice %arg10[%mul3A_75] : memref<10000xi32, #tpu.memory_space<vmem>> -> memref<80xi32, #tpu.memory_space<vmem>>
    %dma_start3A_81 = arith.constant 0 : i32
    %dma_start3A_82 = tpu.memref_slice %arg7[%dma_start3A_81] : memref<10000xf32, #tpu.memory_space<hbm>> -> memref<10000xf32, #tpu.memory_space<hbm>>
    tpu.enqueue_indirect_dma source(%dma_start3A_82 : memref<10000xf32, #tpu.memory_space<hbm>>) target(%dma_start3A_79 : memref<80xf32, #tpu.memory_space<vmem>>) offsets(%dma_start3A_80 : memref<80xi32, #tpu.memory_space<vmem>>) semaphore(%arg25 : memref<!tpu.dma_semaphore, #tpu.memory_space<semaphore_mem>>)
    %mul3A_83 = arith.constant 0 : i32
    %mul3A_84 = arith.constant 80 : i32
    %mul3A_85 = arith.muli %mul3A_83, %mul3A_84 : i32
    %dma_wait3A = tpu.memref_slice %arg9[%mul3A_85] : memref<10000xi32, #tpu.memory_space<vmem>> -> memref<80xi32, #tpu.memory_space<vmem>>
    %dma_wait3A_86 = arith.constant 0 : i32
    %dma_wait3A_87 = arith.constant 0 : i32
    %dma_wait3A_88 = tpu.memref_slice %arg2[%dma_wait3A_86, %dma_wait3A_87] : memref<10000x128xf32, #tpu.memory_space<hbm>> -> memref<10000x128xf32, #tpu.memory_space<hbm>>
    tpu.wait_indirect_dma semaphore(%arg17 : memref<!tpu.dma_semaphore, #tpu.memory_space<semaphore_mem>>) src(%dma_wait3A_88 : memref<10000x128xf32, #tpu.memory_space<hbm>>) dst(%arg11 : memref<80x128xf32, #tpu.memory_space<vmem>>)
    %mul3A_89 = arith.constant 0 : i32
    %mul3A_90 = arith.constant 80 : i32
    %mul3A_91 = arith.muli %mul3A_89, %mul3A_90 : i32
    %dma_start3A_92 = tpu.memref_slice %arg10[%mul3A_91] : memref<10000xi32, #tpu.memory_space<vmem>> -> memref<80xi32, #tpu.memory_space<vmem>>
    %dma_start3A_93 = arith.constant 0 : i32
    %dma_start3A_94 = arith.constant 0 : i32
    %dma_start3A_95 = tpu.memref_slice %arg3[%dma_start3A_93, %dma_start3A_94] : memref<10000x128xf32, #tpu.memory_space<hbm>> -> memref<10000x128xf32, #tpu.memory_space<hbm>>
    tpu.enqueue_indirect_dma source(%dma_start3A_95 : memref<10000x128xf32, #tpu.memory_space<hbm>>) target(%arg11 : memref<80x128xf32, #tpu.memory_space<vmem>>) offsets(%dma_start3A_92 : memref<80xi32, #tpu.memory_space<vmem>>) semaphore(%arg20 : memref<!tpu.dma_semaphore, #tpu.memory_space<semaphore_mem>>) {add = true}
    %mul3A_96 = arith.constant 1 : i32
    %mul3A_97 = arith.constant 80 : i32
    %mul3A_98 = arith.muli %mul3A_96, %mul3A_97 : i32
    %dma_wait3A_99 = tpu.memref_slice %arg9[%mul3A_98] : memref<10000xi32, #tpu.memory_space<vmem>> -> memref<80xi32, #tpu.memory_space<vmem>>
    %dma_wait3A_100 = arith.constant 0 : i32
    %dma_wait3A_101 = arith.constant 0 : i32
    %dma_wait3A_102 = tpu.memref_slice %arg2[%dma_wait3A_100, %dma_wait3A_101] : memref<10000x128xf32, #tpu.memory_space<hbm>> -> memref<10000x128xf32, #tpu.memory_space<hbm>>
    tpu.wait_indirect_dma semaphore(%arg18 : memref<!tpu.dma_semaphore, #tpu.memory_space<semaphore_mem>>) src(%dma_wait3A_102 : memref<10000x128xf32, #tpu.memory_space<hbm>>) dst(%arg12 : memref<80x128xf32, #tpu.memory_space<vmem>>)
    %mul3A_103 = arith.constant 1 : i32
    %mul3A_104 = arith.constant 80 : i32
    %mul3A_105 = arith.muli %mul3A_103, %mul3A_104 : i32
    %dma_start3A_106 = tpu.memref_slice %arg10[%mul3A_105] : memref<10000xi32, #tpu.memory_space<vmem>> -> memref<80xi32, #tpu.memory_space<vmem>>
    %dma_start3A_107 = arith.constant 0 : i32
    %dma_start3A_108 = arith.constant 0 : i32
    %dma_start3A_109 = tpu.memref_slice %arg3[%dma_start3A_107, %dma_start3A_108] : memref<10000x128xf32, #tpu.memory_space<hbm>> -> memref<10000x128xf32, #tpu.memory_space<hbm>>
    tpu.enqueue_indirect_dma source(%dma_start3A_109 : memref<10000x128xf32, #tpu.memory_space<hbm>>) target(%arg12 : memref<80x128xf32, #tpu.memory_space<vmem>>) offsets(%dma_start3A_106 : memref<80xi32, #tpu.memory_space<vmem>>) semaphore(%arg21 : memref<!tpu.dma_semaphore, #tpu.memory_space<semaphore_mem>>) {add = true}
    %iota3A = tpu.iota {dimensions = array<i32: 0>} : vector<16xi32>
    %scan3A = arith.constant 0 : i32
    %scan3A_110 = arith.constant 0 : i32
    %scan3A_111 = arith.constant 125 : i32
    %scan3A_112 = arith.addi %scan3A_110, %scan3A_111 : i32
    %scan3A_113 = arith.constant 1 : i32
    scf.for %scan3A_154 = %scan3A_110 to %scan3A_112 step %scan3A_113  : i32 {
      %jit3A = arith.constant 3 : i32
      %eq3A = arith.constant 0 : i32
      %eq3A_155 = arith.cmpi eq, %jit3A, %eq3A : i32
      %jit3A_156 = arith.constant 1 : i32
      %select_n3A = arith.select %eq3A_155, %jit3A_156, %jit3A : i32
      %rem3A = arith.remsi %scan3A_154, %select_n3A : i32
      %ne3A = arith.constant 0 : i32
      %ne3A_157 = arith.cmpi ne, %rem3A, %ne3A : i32
      %lt3A = arith.constant 0 : i32
      %lt3A_158 = arith.cmpi slt, %rem3A, %lt3A : i32
      %lt3A_159 = arith.constant 0 : i32
      %lt3A_160 = arith.cmpi slt, %select_n3A, %lt3A_159 : i32
      %ne3A_161 = arith.xori %lt3A_158, %lt3A_160 : i1
      %and3A = arith.andi %ne3A_161, %ne3A_157 : i1
      %add3A_162 = arith.addi %rem3A, %select_n3A : i32
      %select_n3A_163 = arith.select %and3A, %add3A_162, %rem3A : i32
      %eq3A_164 = arith.constant 0 : i32
      %eq3A_165 = arith.cmpi eq, %select_n3A_163, %eq3A_164 : i32
      %convert_element_type3A = arith.extui %eq3A_165 : i1 to i32
      %cond3A = arith.constant 0 : i32
      %cond3A_166 = arith.cmpi ne, %convert_element_type3A, %cond3A : i32
      scf.if %cond3A_166 {
        %mul3A_209 = arith.constant 80 : i32
        %mul3A_210 = arith.muli %scan3A_154, %mul3A_209 : i32
        %dma_wait3A_211 = tpu.memref_slice %arg10[%mul3A_210] : memref<10000xi32, #tpu.memory_space<vmem>> -> memref<80xi32, #tpu.memory_space<vmem>>
        %dma_wait3A_212 = arith.constant 0 : i32
        %dma_wait3A_213 = arith.constant 0 : i32
        %dma_wait3A_214 = tpu.memref_slice %arg3[%dma_wait3A_212, %dma_wait3A_213] : memref<10000x128xf32, #tpu.memory_space<hbm>> -> memref<10000x128xf32, #tpu.memory_space<hbm>>
        tpu.wait_indirect_dma semaphore(%arg20 : memref<!tpu.dma_semaphore, #tpu.memory_space<semaphore_mem>>) src(%dma_wait3A_214 : memref<10000x128xf32, #tpu.memory_space<hbm>>) dst(%arg11 : memref<80x128xf32, #tpu.memory_space<vmem>>)
        %mul3A_215 = arith.constant 80 : i32
        %mul3A_216 = arith.muli %scan3A_154, %mul3A_215 : i32
        %dma_wait3A_217 = arith.constant 0 : i32
        %dma_wait3A_218 = arith.constant 0 : i32
        %dma_wait3A_219 = tpu.memref_slice %arg14[%dma_wait3A_217, %dma_wait3A_218] : memref<3x80xf32, #tpu.memory_space<vmem>> -> memref<1x80xf32, #tpu.memory_space<vmem>>
        %dma_wait3A_220 = tpu.memref_squeeze %dma_wait3A_219 : memref<1x80xf32, #tpu.memory_space<vmem>> -> memref<80xf32, #tpu.memory_space<vmem>>
        %dma_wait3A_221 = tpu.memref_slice %arg9[%mul3A_216] : memref<10000xi32, #tpu.memory_space<vmem>> -> memref<80xi32, #tpu.memory_space<vmem>>
        %dma_wait3A_222 = arith.constant 0 : i32
        %dma_wait3A_223 = tpu.memref_slice %arg6[%dma_wait3A_222] : memref<10000xf32, #tpu.memory_space<hbm>> -> memref<10000xf32, #tpu.memory_space<hbm>>
        tpu.wait_indirect_dma semaphore(%arg23 : memref<!tpu.dma_semaphore, #tpu.memory_space<semaphore_mem>>) src(%dma_wait3A_223 : memref<10000xf32, #tpu.memory_space<hbm>>) dst(%dma_wait3A_220 : memref<80xf32, #tpu.memory_space<vmem>>)
        %mul3A_224 = arith.constant 80 : i32
        %mul3A_225 = arith.muli %scan3A_154, %mul3A_224 : i32
        %dma_wait3A_226 = arith.constant 0 : i32
        %dma_wait3A_227 = arith.constant 0 : i32
        %dma_wait3A_228 = tpu.memref_slice %arg15[%dma_wait3A_226, %dma_wait3A_227] : memref<3x80xf32, #tpu.memory_space<vmem>> -> memref<1x80xf32, #tpu.memory_space<vmem>>
        %dma_wait3A_229 = tpu.memref_squeeze %dma_wait3A_228 : memref<1x80xf32, #tpu.memory_space<vmem>> -> memref<80xf32, #tpu.memory_space<vmem>>
        %dma_wait3A_230 = tpu.memref_slice %arg10[%mul3A_225] : memref<10000xi32, #tpu.memory_space<vmem>> -> memref<80xi32, #tpu.memory_space<vmem>>
        %dma_wait3A_231 = arith.constant 0 : i32
        %dma_wait3A_232 = tpu.memref_slice %arg7[%dma_wait3A_231] : memref<10000xf32, #tpu.memory_space<hbm>> -> memref<10000xf32, #tpu.memory_space<hbm>>
        tpu.wait_indirect_dma semaphore(%arg23 : memref<!tpu.dma_semaphore, #tpu.memory_space<semaphore_mem>>) src(%dma_wait3A_232 : memref<10000xf32, #tpu.memory_space<hbm>>) dst(%dma_wait3A_229 : memref<80xf32, #tpu.memory_space<vmem>>)
        %ge3A = arith.constant 3 : i32
        %ge3A_233 = arith.cmpi sge, %scan3A_154, %ge3A : i32
        %convert_element_type3A_234 = arith.extui %ge3A_233 : i1 to i32
        %cond3A_235 = arith.constant 0 : i32
        %cond3A_236 = arith.cmpi ne, %convert_element_type3A_234, %cond3A_235 : i32
        scf.if %cond3A_236 {
          %mul3A_269 = arith.constant 80 : i32
          %mul3A_270 = arith.muli %scan3A_154, %mul3A_269 : i32
          %add3A_271 = arith.addi %mul3A_2, %mul3A_270 : i32
          %dma_wait3A_272 = arith.constant 0 : i32
          %dma_wait3A_273 = arith.constant 0 : i32
          %dma_wait3A_274 = tpu.memref_slice %arg16[%dma_wait3A_272, %dma_wait3A_273] : memref<3x80xf32, #tpu.memory_space<vmem>> -> memref<1x80xf32, #tpu.memory_space<vmem>>
          %dma_wait3A_275 = tpu.memref_squeeze %dma_wait3A_274 : memref<1x80xf32, #tpu.memory_space<vmem>> -> memref<80xf32, #tpu.memory_space<vmem>>
          %dma_wait3A_276 = tpu.memref_slice %arg8[%add3A_271] : memref<320000xf32, #tpu.memory_space<hbm>> -> memref<80xf32, #tpu.memory_space<hbm>>
          %dma_wait3A_277 = tpu.memref_slice %arg8[%add3A_271] : memref<320000xf32, #tpu.memory_space<hbm>> -> memref<80xf32, #tpu.memory_space<hbm>>
          %dma_wait3A_278 = arith.constant 0 : i32
          %dma_wait3A_279 = tpu.memref_slice %arg16[%dma_wait3A_272, %dma_wait3A_278] : memref<3x80xf32, #tpu.memory_space<vmem>> -> memref<1x80xf32, #tpu.memory_space<vmem>>
          %dma_wait3A_280 = tpu.memref_squeeze %dma_wait3A_279 : memref<1x80xf32, #tpu.memory_space<vmem>> -> memref<80xf32, #tpu.memory_space<vmem>>
          tpu.wait_dma2 semaphore(%arg26 : memref<!tpu.dma_semaphore, #tpu.memory_space<semaphore_mem>>) src(%dma_wait3A_280 : memref<80xf32, #tpu.memory_space<vmem>>) dst(%dma_wait3A_277 : memref<80xf32, #tpu.memory_space<hbm>>)
        } else {
        }
        %scan3A_237 = arith.constant 0 : i32
        %scan3A_238 = arith.constant 0 : i32
        %scan3A_239 = arith.constant 5 : i32
        %scan3A_240 = arith.addi %scan3A_238, %scan3A_239 : i32
        %scan3A_241 = arith.constant 1 : i32
        scf.for %scan3A_269 = %scan3A_238 to %scan3A_240 step %scan3A_241  : i32 {
          %mul3A_270 = arith.constant 16 : i32
          %mul3A_271 = arith.muli %scan3A_269, %mul3A_270 : i32
          %add3A_272 = arith.constant 0 : i32
          %add3A_273 = arith.addi %mul3A_271, %add3A_272 : i32
          %get3A = arith.index_cast %add3A_273 : i32 to index
          %get3A_274 = arith.constant 0 : index
          %get3A_275 = tpu.vector_load %arg11[%get3A, %get3A_274] {strides = array<i32>} : memref<80x128xf32, #tpu.memory_space<vmem>>, vector<1x16xf32>,
          %get3A_276 = vector.shape_cast %get3A_275 : vector<1x16xf32> to vector<16xf32>
          %get3A_277 = arith.index_cast %add3A_273 : i32 to index
          %get3A_278 = arith.constant 16 : index
          %get3A_279 = tpu.vector_load %arg11[%get3A_277, %get3A_278] {strides = array<i32>} : memref<80x128xf32, #tpu.memory_space<vmem>>, vector<1x16xf32>,
          %get3A_280 = vector.shape_cast %get3A_279 : vector<1x16xf32> to vector<16xf32>
          %get3A_281 = arith.index_cast %add3A_273 : i32 to index
          %get3A_282 = arith.constant 32 : index
          %get3A_283 = tpu.vector_load %arg11[%get3A_281, %get3A_282] {strides = array<i32>} : memref<80x128xf32, #tpu.memory_space<vmem>>, vector<1x16xf32>,
          %get3A_284 = vector.shape_cast %get3A_283 : vector<1x16xf32> to vector<16xf32>
          %get3A_285 = arith.index_cast %add3A_273 : i32 to index
          %get3A_286 = arith.constant 48 : index
          %get3A_287 = tpu.vector_load %arg11[%get3A_285, %get3A_286] {strides = array<i32>} : memref<80x128xf32, #tpu.memory_space<vmem>>, vector<1x16xf32>,
          %get3A_288 = vector.shape_cast %get3A_287 : vector<1x16xf32> to vector<16xf32>
          %get3A_289 = arith.index_cast %add3A_273 : i32 to index
          %get3A_290 = arith.constant 64 : index
          %get3A_291 = tpu.vector_load %arg11[%get3A_289, %get3A_290] {strides = array<i32>} : memref<80x128xf32, #tpu.memory_space<vmem>>, vector<1x16xf32>,
          %get3A_292 = vector.shape_cast %get3A_291 : vector<1x16xf32> to vector<16xf32>
          %get3A_293 = arith.index_cast %add3A_273 : i32 to index
          %get3A_294 = arith.constant 80 : index
          %get3A_295 = tpu.vector_load %arg11[%get3A_293, %get3A_294] {strides = array<i32>} : memref<80x128xf32, #tpu.memory_space<vmem>>, vector<1x16xf32>,
          %get3A_296 = vector.shape_cast %get3A_295 : vector<1x16xf32> to vector<16xf32>
          %get3A_297 = arith.index_cast %add3A_273 : i32 to index
          %get3A_298 = arith.constant 96 : index
          %get3A_299 = tpu.vector_load %arg11[%get3A_297, %get3A_298] {strides = array<i32>} : memref<80x128xf32, #tpu.memory_space<vmem>>, vector<1x16xf32>,
          %get3A_300 = vector.shape_cast %get3A_299 : vector<1x16xf32> to vector<16xf32>
          %get3A_301 = arith.index_cast %add3A_273 : i32 to index
          %get3A_302 = arith.constant 112 : index
          %get3A_303 = tpu.vector_load %arg11[%get3A_301, %get3A_302] {strides = array<i32>} : memref<80x128xf32, #tpu.memory_space<vmem>>, vector<1x16xf32>,
          %get3A_304 = vector.shape_cast %get3A_303 : vector<1x16xf32> to vector<16xf32>
          %mul3A_305 = arith.mulf %get3A_276, %get3A_276 : vector<16xf32>
          %mul3A_306 = arith.mulf %get3A_280, %get3A_280 : vector<16xf32>
          %mul3A_307 = arith.mulf %get3A_284, %get3A_284 : vector<16xf32>
          %mul3A_308 = arith.mulf %get3A_288, %get3A_288 : vector<16xf32>
          %mul3A_309 = arith.mulf %get3A_292, %get3A_292 : vector<16xf32>
          %mul3A_310 = arith.mulf %get3A_296, %get3A_296 : vector<16xf32>
          %mul3A_311 = arith.mulf %get3A_300, %get3A_300 : vector<16xf32>
          %mul3A_312 = arith.mulf %get3A_304, %get3A_304 : vector<16xf32>
          %add3A_313 = arith.addf %mul3A_305, %mul3A_306 : vector<16xf32>
          %add3A_314 = arith.addf %mul3A_307, %mul3A_308 : vector<16xf32>
          %add3A_315 = arith.addf %mul3A_309, %mul3A_310 : vector<16xf32>
          %add3A_316 = arith.addf %mul3A_311, %mul3A_312 : vector<16xf32>
          %add3A_317 = arith.addf %add3A_313, %add3A_314 : vector<16xf32>
          %add3A_318 = arith.addf %add3A_315, %add3A_316 : vector<16xf32>
          %add3A_319 = arith.addf %add3A_317, %add3A_318 : vector<16xf32>
          %add3A_320 = arith.constant 8 : i32
          %add3A_321 = arith.addi %mul3A_271, %add3A_320 : i32
          %get3A_322 = arith.index_cast %add3A_321 : i32 to index
          %get3A_323 = arith.constant 0 : index
          %get3A_324 = tpu.vector_load %arg11[%get3A_322, %get3A_323] {strides = array<i32>} : memref<80x128xf32, #tpu.memory_space<vmem>>, vector<1x16xf32>,
          %get3A_325 = vector.shape_cast %get3A_324 : vector<1x16xf32> to vector<16xf32>
          %get3A_326 = arith.index_cast %add3A_321 : i32 to index
          %get3A_327 = arith.constant 16 : index
          %get3A_328 = tpu.vector_load %arg11[%get3A_326, %get3A_327] {strides = array<i32>} : memref<80x128xf32, #tpu.memory_space<vmem>>, vector<1x16xf32>,
          %get3A_329 = vector.shape_cast %get3A_328 : vector<1x16xf32> to vector<16xf32>
          %get3A_330 = arith.index_cast %add3A_321 : i32 to index
          %get3A_331 = arith.constant 32 : index
          %get3A_332 = tpu.vector_load %arg11[%get3A_330, %get3A_331] {strides = array<i32>} : memref<80x128xf32, #tpu.memory_space<vmem>>, vector<1x16xf32>,
          %get3A_333 = vector.shape_cast %get3A_332 : vector<1x16xf32> to vector<16xf32>
          %get3A_334 = arith.index_cast %add3A_321 : i32 to index
          %get3A_335 = arith.constant 48 : index
          %get3A_336 = tpu.vector_load %arg11[%get3A_334, %get3A_335] {strides = array<i32>} : memref<80x128xf32, #tpu.memory_space<vmem>>, vector<1x16xf32>,
          %get3A_337 = vector.shape_cast %get3A_336 : vector<1x16xf32> to vector<16xf32>
          %get3A_338 = arith.index_cast %add3A_321 : i32 to index
          %get3A_339 = arith.constant 64 : index
          %get3A_340 = tpu.vector_load %arg11[%get3A_338, %get3A_339] {strides = array<i32>} : memref<80x128xf32, #tpu.memory_space<vmem>>, vector<1x16xf32>,
          %get3A_341 = vector.shape_cast %get3A_340 : vector<1x16xf32> to vector<16xf32>
          %get3A_342 = arith.index_cast %add3A_321 : i32 to index
          %get3A_343 = arith.constant 80 : index
          %get3A_344 = tpu.vector_load %arg11[%get3A_342, %get3A_343] {strides = array<i32>} : memref<80x128xf32, #tpu.memory_space<vmem>>, vector<1x16xf32>,
          %get3A_345 = vector.shape_cast %get3A_344 : vector<1x16xf32> to vector<16xf32>
          %get3A_346 = arith.index_cast %add3A_321 : i32 to index
          %get3A_347 = arith.constant 96 : index
          %get3A_348 = tpu.vector_load %arg11[%get3A_346, %get3A_347] {strides = array<i32>} : memref<80x128xf32, #tpu.memory_space<vmem>>, vector<1x16xf32>,
          %get3A_349 = vector.shape_cast %get3A_348 : vector<1x16xf32> to vector<16xf32>
          %get3A_350 = arith.index_cast %add3A_321 : i32 to index
          %get3A_351 = arith.constant 112 : index
          %get3A_352 = tpu.vector_load %arg11[%get3A_350, %get3A_351] {strides = array<i32>} : memref<80x128xf32, #tpu.memory_space<vmem>>, vector<1x16xf32>,
          %get3A_353 = vector.shape_cast %get3A_352 : vector<1x16xf32> to vector<16xf32>
          %mul3A_354 = arith.mulf %get3A_325, %get3A_325 : vector<16xf32>
          %mul3A_355 = arith.mulf %get3A_329, %get3A_329 : vector<16xf32>
          %mul3A_356 = arith.mulf %get3A_333, %get3A_333 : vector<16xf32>
          %mul3A_357 = arith.mulf %get3A_337, %get3A_337 : vector<16xf32>
          %mul3A_358 = arith.mulf %get3A_341, %get3A_341 : vector<16xf32>
          %mul3A_359 = arith.mulf %get3A_345, %get3A_345 : vector<16xf32>
          %mul3A_360 = arith.mulf %get3A_349, %get3A_349 : vector<16xf32>
          %mul3A_361 = arith.mulf %get3A_353, %get3A_353 : vector<16xf32>
          %add3A_362 = arith.addf %mul3A_354, %mul3A_355 : vector<16xf32>
          %add3A_363 = arith.addf %mul3A_356, %mul3A_357 : vector<16xf32>
          %add3A_364 = arith.addf %mul3A_358, %mul3A_359 : vector<16xf32>
          %add3A_365 = arith.addf %mul3A_360, %mul3A_361 : vector<16xf32>
          %add3A_366 = arith.addf %add3A_362, %add3A_363 : vector<16xf32>
          %add3A_367 = arith.addf %add3A_364, %add3A_365 : vector<16xf32>
          %add3A_368 = arith.addf %add3A_366, %add3A_367 : vector<16xf32>
          %xor3A = arith.constant 8 : i32
          %xor3A_369 = vector.broadcast %xor3A : i32 to vector<16xi32>
          %xor3A_370 = arith.xori %iota3A, %xor3A_369 : vector<16xi32>
          %broadcast_in_dim3A = vector.shape_cast %xor3A_370 : vector<16xi32> to vector<16x1xi32>
          %gather3A = vector.shape_cast %broadcast_in_dim3A : vector<16x1xi32> to vector<16xi32>
          %gather3A_371 = tpu.dynamic_gather %add3A_319[%gather3A] in [0] : vector<16xf32>, vector<16xi32> -> vector<16xf32>
          %add3A_372 = arith.addf %add3A_319, %gather3A_371 : vector<16xf32>
          %xor3A_373 = arith.constant 8 : i32
          %xor3A_374 = vector.broadcast %xor3A_373 : i32 to vector<16xi32>
          %xor3A_375 = arith.xori %iota3A, %xor3A_374 : vector<16xi32>
          %broadcast_in_dim3A_376 = vector.shape_cast %xor3A_375 : vector<16xi32> to vector<16x1xi32>
          %gather3A_377 = vector.shape_cast %broadcast_in_dim3A_376 : vector<16x1xi32> to vector<16xi32>
          %gather3A_378 = tpu.dynamic_gather %add3A_368[%gather3A_377] in [0] : vector<16xf32>, vector<16xi32> -> vector<16xf32>
          %add3A_379 = arith.addf %add3A_368, %gather3A_378 : vector<16xf32>
          %and3A_380 = arith.constant 8 : i32
          %and3A_381 = vector.broadcast %and3A_380 : i32 to vector<16xi32>
          %and3A_382 = arith.andi %iota3A, %and3A_381 : vector<16xi32>
          %eq3A_383 = arith.constant 0 : i32
          %eq3A_384 = vector.broadcast %eq3A_383 : i32 to vector<16xi32>
          %eq3A_385 = arith.cmpi eq, %and3A_382, %eq3A_384 : vector<16xi32>
          %select_n3A_386 = arith.select %eq3A_385, %add3A_372, %add3A_379 : vector<16xi1>, vector<16xf32>
          %add3A_387 = arith.constant 4 : i32
          %add3A_388 = arith.addi %mul3A_271, %add3A_387 : i32
          %get3A_389 = arith.index_cast %add3A_388 : i32 to index
          %get3A_390 = arith.constant 0 : index
          %get3A_391 = tpu.vector_load %arg11[%get3A_389, %get3A_390] {strides = array<i32>} : memref<80x128xf32, #tpu.memory_space<vmem>>, vector<1x16xf32>,
          %get3A_392 = vector.shape_cast %get3A_391 : vector<1x16xf32> to vector<16xf32>
          %get3A_393 = arith.index_cast %add3A_388 : i32 to index
          %get3A_394 = arith.constant 16 : index
          %get3A_395 = tpu.vector_load %arg11[%get3A_393, %get3A_394] {strides = array<i32>} : memref<80x128xf32, #tpu.memory_space<vmem>>, vector<1x16xf32>,
          %get3A_396 = vector.shape_cast %get3A_395 : vector<1x16xf32> to vector<16xf32>
          %get3A_397 = arith.index_cast %add3A_388 : i32 to index
          %get3A_398 = arith.constant 32 : index
          %get3A_399 = tpu.vector_load %arg11[%get3A_397, %get3A_398] {strides = array<i32>} : memref<80x128xf32, #tpu.memory_space<vmem>>, vector<1x16xf32>,
          %get3A_400 = vector.shape_cast %get3A_399 : vector<1x16xf32> to vector<16xf32>
          %get3A_401 = arith.index_cast %add3A_388 : i32 to index
          %get3A_402 = arith.constant 48 : index
          %get3A_403 = tpu.vector_load %arg11[%get3A_401, %get3A_402] {strides = array<i32>} : memref<80x128xf32, #tpu.memory_space<vmem>>, vector<1x16xf32>,
          %get3A_404 = vector.shape_cast %get3A_403 : vector<1x16xf32> to vector<16xf32>
          %get3A_405 = arith.index_cast %add3A_388 : i32 to index
          %get3A_406 = arith.constant 64 : index
          %get3A_407 = tpu.vector_load %arg11[%get3A_405, %get3A_406] {strides = array<i32>} : memref<80x128xf32, #tpu.memory_space<vmem>>, vector<1x16xf32>,
          %get3A_408 = vector.shape_cast %get3A_407 : vector<1x16xf32> to vector<16xf32>
          %get3A_409 = arith.index_cast %add3A_388 : i32 to index
          %get3A_410 = arith.constant 80 : index
          %get3A_411 = tpu.vector_load %arg11[%get3A_409, %get3A_410] {strides = array<i32>} : memref<80x128xf32, #tpu.memory_space<vmem>>, vector<1x16xf32>,
          %get3A_412 = vector.shape_cast %get3A_411 : vector<1x16xf32> to vector<16xf32>
          %get3A_413 = arith.index_cast %add3A_388 : i32 to index
          %get3A_414 = arith.constant 96 : index
          %get3A_415 = tpu.vector_load %arg11[%get3A_413, %get3A_414] {strides = array<i32>} : memref<80x128xf32, #tpu.memory_space<vmem>>, vector<1x16xf32>,
          %get3A_416 = vector.shape_cast %get3A_415 : vector<1x16xf32> to vector<16xf32>
          %get3A_417 = arith.index_cast %add3A_388 : i32 to index
          %get3A_418 = arith.constant 112 : index
          %get3A_419 = tpu.vector_load %arg11[%get3A_417, %get3A_418] {strides = array<i32>} : memref<80x128xf32, #tpu.memory_space<vmem>>, vector<1x16xf32>,
          %get3A_420 = vector.shape_cast %get3A_419 : vector<1x16xf32> to vector<16xf32>
          %mul3A_421 = arith.mulf %get3A_392, %get3A_392 : vector<16xf32>
          %mul3A_422 = arith.mulf %get3A_396, %get3A_396 : vector<16xf32>
          %mul3A_423 = arith.mulf %get3A_400, %get3A_400 : vector<16xf32>
          %mul3A_424 = arith.mulf %get3A_404, %get3A_404 : vector<16xf32>
          %mul3A_425 = arith.mulf %get3A_408, %get3A_408 : vector<16xf32>
          %mul3A_426 = arith.mulf %get3A_412, %get3A_412 : vector<16xf32>
          %mul3A_427 = arith.mulf %get3A_416, %get3A_416 : vector<16xf32>
          %mul3A_428 = arith.mulf %get3A_420, %get3A_420 : vector<16xf32>
          %add3A_429 = arith.addf %mul3A_421, %mul3A_422 : vector<16xf32>
          %add3A_430 = arith.addf %mul3A_423, %mul3A_424 : vector<16xf32>
          %add3A_431 = arith.addf %mul3A_425, %mul3A_426 : vector<16xf32>
          %add3A_432 = arith.addf %mul3A_427, %mul3A_428 : vector<16xf32>
          %add3A_433 = arith.addf %add3A_429, %add3A_430 : vector<16xf32>
          %add3A_434 = arith.addf %add3A_431, %add3A_432 : vector<16xf32>
          %add3A_435 = arith.addf %add3A_433, %add3A_434 : vector<16xf32>
          %add3A_436 = arith.constant 12 : i32
          %add3A_437 = arith.addi %mul3A_271, %add3A_436 : i32
          %get3A_438 = arith.index_cast %add3A_437 : i32 to index
          %get3A_439 = arith.constant 0 : index
          %get3A_440 = tpu.vector_load %arg11[%get3A_438, %get3A_439] {strides = array<i32>} : memref<80x128xf32, #tpu.memory_space<vmem>>, vector<1x16xf32>,
          %get3A_441 = vector.shape_cast %get3A_440 : vector<1x16xf32> to vector<16xf32>
          %get3A_442 = arith.index_cast %add3A_437 : i32 to index
          %get3A_443 = arith.constant 16 : index
          %get3A_444 = tpu.vector_load %arg11[%get3A_442, %get3A_443] {strides = array<i32>} : memref<80x128xf32, #tpu.memory_space<vmem>>, vector<1x16xf32>,
          %get3A_445 = vector.shape_cast %get3A_444 : vector<1x16xf32> to vector<16xf32>
          %get3A_446 = arith.index_cast %add3A_437 : i32 to index
          %get3A_447 = arith.constant 32 : index
          %get3A_448 = tpu.vector_load %arg11[%get3A_446, %get3A_447] {strides = array<i32>} : memref<80x128xf32, #tpu.memory_space<vmem>>, vector<1x16xf32>,
          %get3A_449 = vector.shape_cast %get3A_448 : vector<1x16xf32> to vector<16xf32>
          %get3A_450 = arith.index_cast %add3A_437 : i32 to index
          %get3A_451 = arith.constant 48 : index
          %get3A_452 = tpu.vector_load %arg11[%get3A_450, %get3A_451] {strides = array<i32>} : memref<80x128xf32, #tpu.memory_space<vmem>>, vector<1x16xf32>,
          %get3A_453 = vector.shape_cast %get3A_452 : vector<1x16xf32> to vector<16xf32>
          %get3A_454 = arith.index_cast %add3A_437 : i32 to index
          %get3A_455 = arith.constant 64 : index
          %get3A_456 = tpu.vector_load %arg11[%get3A_454, %get3A_455] {strides = array<i32>} : memref<80x128xf32, #tpu.memory_space<vmem>>, vector<1x16xf32>,
          %get3A_457 = vector.shape_cast %get3A_456 : vector<1x16xf32> to vector<16xf32>
          %get3A_458 = arith.index_cast %add3A_437 : i32 to index
          %get3A_459 = arith.constant 80 : index
          %get3A_460 = tpu.vector_load %arg11[%get3A_458, %get3A_459] {strides = array<i32>} : memref<80x128xf32, #tpu.memory_space<vmem>>, vector<1x16xf32>,
          %get3A_461 = vector.shape_cast %get3A_460 : vector<1x16xf32> to vector<16xf32>
          %get3A_462 = arith.index_cast %add3A_437 : i32 to index
          %get3A_463 = arith.constant 96 : index
          %get3A_464 = tpu.vector_load %arg11[%get3A_462, %get3A_463] {strides = array<i32>} : memref<80x128xf32, #tpu.memory_space<vmem>>, vector<1x16xf32>,
          %get3A_465 = vector.shape_cast %get3A_464 : vector<1x16xf32> to vector<16xf32>
          %get3A_466 = arith.index_cast %add3A_437 : i32 to index
          %get3A_467 = arith.constant 112 : index
          %get3A_468 = tpu.vector_load %arg11[%get3A_466, %get3A_467] {strides = array<i32>} : memref<80x128xf32, #tpu.memory_space<vmem>>, vector<1x16xf32>,
          %get3A_469 = vector.shape_cast %get3A_468 : vector<1x16xf32> to vector<16xf32>
          %mul3A_470 = arith.mulf %get3A_441, %get3A_441 : vector<16xf32>
          %mul3A_471 = arith.mulf %get3A_445, %get3A_445 : vector<16xf32>
          %mul3A_472 = arith.mulf %get3A_449, %get3A_449 : vector<16xf32>
          %mul3A_473 = arith.mulf %get3A_453, %get3A_453 : vector<16xf32>
          %mul3A_474 = arith.mulf %get3A_457, %get3A_457 : vector<16xf32>
          %mul3A_475 = arith.mulf %get3A_461, %get3A_461 : vector<16xf32>
          %mul3A_476 = arith.mulf %get3A_465, %get3A_465 : vector<16xf32>
          %mul3A_477 = arith.mulf %get3A_469, %get3A_469 : vector<16xf32>
          %add3A_478 = arith.addf %mul3A_470, %mul3A_471 : vector<16xf32>
          %add3A_479 = arith.addf %mul3A_472, %mul3A_473 : vector<16xf32>
          %add3A_480 = arith.addf %mul3A_474, %mul3A_475 : vector<16xf32>
          %add3A_481 = arith.addf %mul3A_476, %mul3A_477 : vector<16xf32>
          %add3A_482 = arith.addf %add3A_478, %add3A_479 : vector<16xf32>
          %add3A_483 = arith.addf %add3A_480, %add3A_481 : vector<16xf32>
          %add3A_484 = arith.addf %add3A_482, %add3A_483 : vector<16xf32>
          %xor3A_485 = arith.constant 8 : i32
          %xor3A_486 = vector.broadcast %xor3A_485 : i32 to vector<16xi32>
          %xor3A_487 = arith.xori %iota3A, %xor3A_486 : vector<16xi32>
          %broadcast_in_dim3A_488 = vector.shape_cast %xor3A_487 : vector<16xi32> to vector<16x1xi32>
          %gather3A_489 = vector.shape_cast %broadcast_in_dim3A_488 : vector<16x1xi32> to vector<16xi32>
          %gather3A_490 = tpu.dynamic_gather %add3A_435[%gather3A_489] in [0] : vector<16xf32>, vector<16xi32> -> vector<16xf32>
          %add3A_491 = arith.addf %add3A_435, %gather3A_490 : vector<16xf32>
          %xor3A_492 = arith.constant 8 : i32
          %xor3A_493 = vector.broadcast %xor3A_492 : i32 to vector<16xi32>
          %xor3A_494 = arith.xori %iota3A, %xor3A_493 : vector<16xi32>
          %broadcast_in_dim3A_495 = vector.shape_cast %xor3A_494 : vector<16xi32> to vector<16x1xi32>
          %gather3A_496 = vector.shape_cast %broadcast_in_dim3A_495 : vector<16x1xi32> to vector<16xi32>
          %gather3A_497 = tpu.dynamic_gather %add3A_484[%gather3A_496] in [0] : vector<16xf32>, vector<16xi32> -> vector<16xf32>
          %add3A_498 = arith.addf %add3A_484, %gather3A_497 : vector<16xf32>
          %and3A_499 = arith.constant 8 : i32
          %and3A_500 = vector.broadcast %and3A_499 : i32 to vector<16xi32>
          %and3A_501 = arith.andi %iota3A, %and3A_500 : vector<16xi32>
          %eq3A_502 = arith.constant 0 : i32
          %eq3A_503 = vector.broadcast %eq3A_502 : i32 to vector<16xi32>
          %eq3A_504 = arith.cmpi eq, %and3A_501, %eq3A_503 : vector<16xi32>
          %select_n3A_505 = arith.select %eq3A_504, %add3A_491, %add3A_498 : vector<16xi1>, vector<16xf32>
          %xor3A_506 = arith.constant 4 : i32
          %xor3A_507 = vector.broadcast %xor3A_506 : i32 to vector<16xi32>
          %xor3A_508 = arith.xori %iota3A, %xor3A_507 : vector<16xi32>
          %broadcast_in_dim3A_509 = vector.shape_cast %xor3A_508 : vector<16xi32> to vector<16x1xi32>
          %gather3A_510 = vector.shape_cast %broadcast_in_dim3A_509 : vector<16x1xi32> to vector<16xi32>
          %gather3A_511 = tpu.dynamic_gather %select_n3A_386[%gather3A_510] in [0] : vector<16xf32>, vector<16xi32> -> vector<16xf32>
          %add3A_512 = arith.addf %select_n3A_386, %gather3A_511 : vector<16xf32>
          %xor3A_513 = arith.constant 4 : i32
          %xor3A_514 = vector.broadcast %xor3A_513 : i32 to vector<16xi32>
          %xor3A_515 = arith.xori %iota3A, %xor3A_514 : vector<16xi32>
          %broadcast_in_dim3A_516 = vector.shape_cast %xor3A_515 : vector<16xi32> to vector<16x1xi32>
          %gather3A_517 = vector.shape_cast %broadcast_in_dim3A_516 : vector<16x1xi32> to vector<16xi32>
          %gather3A_518 = tpu.dynamic_gather %select_n3A_505[%gather3A_517] in [0] : vector<16xf32>, vector<16xi32> -> vector<16xf32>
          %add3A_519 = arith.addf %select_n3A_505, %gather3A_518 : vector<16xf32>
          %and3A_520 = arith.constant 4 : i32
          %and3A_521 = vector.broadcast %and3A_520 : i32 to vector<16xi32>
          %and3A_522 = arith.andi %iota3A, %and3A_521 : vector<16xi32>
          %eq3A_523 = arith.constant 0 : i32
          %eq3A_524 = vector.broadcast %eq3A_523 : i32 to vector<16xi32>
          %eq3A_525 = arith.cmpi eq, %and3A_522, %eq3A_524 : vector<16xi32>
          %select_n3A_526 = arith.select %eq3A_525, %add3A_512, %add3A_519 : vector<16xi1>, vector<16xf32>
          %add3A_527 = arith.constant 2 : i32
          %add3A_528 = arith.addi %mul3A_271, %add3A_527 : i32
          %get3A_529 = arith.index_cast %add3A_528 : i32 to index
          %get3A_530 = arith.constant 0 : index
          %get3A_531 = tpu.vector_load %arg11[%get3A_529, %get3A_530] {strides = array<i32>} : memref<80x128xf32, #tpu.memory_space<vmem>>, vector<1x16xf32>,
          %get3A_532 = vector.shape_cast %get3A_531 : vector<1x16xf32> to vector<16xf32>
          %get3A_533 = arith.index_cast %add3A_528 : i32 to index
          %get3A_534 = arith.constant 16 : index
          %get3A_535 = tpu.vector_load %arg11[%get3A_533, %get3A_534] {strides = array<i32>} : memref<80x128xf32, #tpu.memory_space<vmem>>, vector<1x16xf32>,
          %get3A_536 = vector.shape_cast %get3A_535 : vector<1x16xf32> to vector<16xf32>
          %get3A_537 = arith.index_cast %add3A_528 : i32 to index
          %get3A_538 = arith.constant 32 : index
          %get3A_539 = tpu.vector_load %arg11[%get3A_537, %get3A_538] {strides = array<i32>} : memref<80x128xf32, #tpu.memory_space<vmem>>, vector<1x16xf32>,
          %get3A_540 = vector.shape_cast %get3A_539 : vector<1x16xf32> to vector<16xf32>
          %get3A_541 = arith.index_cast %add3A_528 : i32 to index
          %get3A_542 = arith.constant 48 : index
          %get3A_543 = tpu.vector_load %arg11[%get3A_541, %get3A_542] {strides = array<i32>} : memref<80x128xf32, #tpu.memory_space<vmem>>, vector<1x16xf32>,
          %get3A_544 = vector.shape_cast %get3A_543 : vector<1x16xf32> to vector<16xf32>
          %get3A_545 = arith.index_cast %add3A_528 : i32 to index
          %get3A_546 = arith.constant 64 : index
          %get3A_547 = tpu.vector_load %arg11[%get3A_545, %get3A_546] {strides = array<i32>} : memref<80x128xf32, #tpu.memory_space<vmem>>, vector<1x16xf32>,
          %get3A_548 = vector.shape_cast %get3A_547 : vector<1x16xf32> to vector<16xf32>
          %get3A_549 = arith.index_cast %add3A_528 : i32 to index
          %get3A_550 = arith.constant 80 : index
          %get3A_551 = tpu.vector_load %arg11[%get3A_549, %get3A_550] {strides = array<i32>} : memref<80x128xf32, #tpu.memory_space<vmem>>, vector<1x16xf32>,
          %get3A_552 = vector.shape_cast %get3A_551 : vector<1x16xf32> to vector<16xf32>
          %get3A_553 = arith.index_cast %add3A_528 : i32 to index
          %get3A_554 = arith.constant 96 : index
          %get3A_555 = tpu.vector_load %arg11[%get3A_553, %get3A_554] {strides = array<i32>} : memref<80x128xf32, #tpu.memory_space<vmem>>, vector<1x16xf32>,
          %get3A_556 = vector.shape_cast %get3A_555 : vector<1x16xf32> to vector<16xf32>
          %get3A_557 = arith.index_cast %add3A_528 : i32 to index
          %get3A_558 = arith.constant 112 : index
          %get3A_559 = tpu.vector_load %arg11[%get3A_557, %get3A_558] {strides = array<i32>} : memref<80x128xf32, #tpu.memory_space<vmem>>, vector<1x16xf32>,
          %get3A_560 = vector.shape_cast %get3A_559 : vector<1x16xf32> to vector<16xf32>
          %mul3A_561 = arith.mulf %get3A_532, %get3A_532 : vector<16xf32>
          %mul3A_562 = arith.mulf %get3A_536, %get3A_536 : vector<16xf32>
          %mul3A_563 = arith.mulf %get3A_540, %get3A_540 : vector<16xf32>
          %mul3A_564 = arith.mulf %get3A_544, %get3A_544 : vector<16xf32>
          %mul3A_565 = arith.mulf %get3A_548, %get3A_548 : vector<16xf32>
          %mul3A_566 = arith.mulf %get3A_552, %get3A_552 : vector<16xf32>
          %mul3A_567 = arith.mulf %get3A_556, %get3A_556 : vector<16xf32>
          %mul3A_568 = arith.mulf %get3A_560, %get3A_560 : vector<16xf32>
          %add3A_569 = arith.addf %mul3A_561, %mul3A_562 : vector<16xf32>
          %add3A_570 = arith.addf %mul3A_563, %mul3A_564 : vector<16xf32>
          %add3A_571 = arith.addf %mul3A_565, %mul3A_566 : vector<16xf32>
          %add3A_572 = arith.addf %mul3A_567, %mul3A_568 : vector<16xf32>
          %add3A_573 = arith.addf %add3A_569, %add3A_570 : vector<16xf32>
          %add3A_574 = arith.addf %add3A_571, %add3A_572 : vector<16xf32>
          %add3A_575 = arith.addf %add3A_573, %add3A_574 : vector<16xf32>
          %add3A_576 = arith.constant 10 : i32
          %add3A_577 = arith.addi %mul3A_271, %add3A_576 : i32
          %get3A_578 = arith.index_cast %add3A_577 : i32 to index
          %get3A_579 = arith.constant 0 : index
          %get3A_580 = tpu.vector_load %arg11[%get3A_578, %get3A_579] {strides = array<i32>} : memref<80x128xf32, #tpu.memory_space<vmem>>, vector<1x16xf32>,
          %get3A_581 = vector.shape_cast %get3A_580 : vector<1x16xf32> to vector<16xf32>
          %get3A_582 = arith.index_cast %add3A_577 : i32 to index
          %get3A_583 = arith.constant 16 : index
          %get3A_584 = tpu.vector_load %arg11[%get3A_582, %get3A_583] {strides = array<i32>} : memref<80x128xf32, #tpu.memory_space<vmem>>, vector<1x16xf32>,
          %get3A_585 = vector.shape_cast %get3A_584 : vector<1x16xf32> to vector<16xf32>
          %get3A_586 = arith.index_cast %add3A_577 : i32 to index
          %get3A_587 = arith.constant 32 : index
          %get3A_588 = tpu.vector_load %arg11[%get3A_586, %get3A_587] {strides = array<i32>} : memref<80x128xf32, #tpu.memory_space<vmem>>, vector<1x16xf32>,
          %get3A_589 = vector.shape_cast %get3A_588 : vector<1x16xf32> to vector<16xf32>
          %get3A_590 = arith.index_cast %add3A_577 : i32 to index
          %get3A_591 = arith.constant 48 : index
          %get3A_592 = tpu.vector_load %arg11[%get3A_590, %get3A_591] {strides = array<i32>} : memref<80x128xf32, #tpu.memory_space<vmem>>, vector<1x16xf32>,
          %get3A_593 = vector.shape_cast %get3A_592 : vector<1x16xf32> to vector<16xf32>
          %get3A_594 = arith.index_cast %add3A_577 : i32 to index
          %get3A_595 = arith.constant 64 : index
          %get3A_596 = tpu.vector_load %arg11[%get3A_594, %get3A_595] {strides = array<i32>} : memref<80x128xf32, #tpu.memory_space<vmem>>, vector<1x16xf32>,
          %get3A_597 = vector.shape_cast %get3A_596 : vector<1x16xf32> to vector<16xf32>
          %get3A_598 = arith.index_cast %add3A_577 : i32 to index
          %get3A_599 = arith.constant 80 : index
          %get3A_600 = tpu.vector_load %arg11[%get3A_598, %get3A_599] {strides = array<i32>} : memref<80x128xf32, #tpu.memory_space<vmem>>, vector<1x16xf32>,
          %get3A_601 = vector.shape_cast %get3A_600 : vector<1x16xf32> to vector<16xf32>
          %get3A_602 = arith.index_cast %add3A_577 : i32 to index
          %get3A_603 = arith.constant 96 : index
          %get3A_604 = tpu.vector_load %arg11[%get3A_602, %get3A_603] {strides = array<i32>} : memref<80x128xf32, #tpu.memory_space<vmem>>, vector<1x16xf32>,
          %get3A_605 = vector.shape_cast %get3A_604 : vector<1x16xf32> to vector<16xf32>
          %get3A_606 = arith.index_cast %add3A_577 : i32 to index
          %get3A_607 = arith.constant 112 : index
          %get3A_608 = tpu.vector_load %arg11[%get3A_606, %get3A_607] {strides = array<i32>} : memref<80x128xf32, #tpu.memory_space<vmem>>, vector<1x16xf32>,
          %get3A_609 = vector.shape_cast %get3A_608 : vector<1x16xf32> to vector<16xf32>
          %mul3A_610 = arith.mulf %get3A_581, %get3A_581 : vector<16xf32>
          %mul3A_611 = arith.mulf %get3A_585, %get3A_585 : vector<16xf32>
          %mul3A_612 = arith.mulf %get3A_589, %get3A_589 : vector<16xf32>
          %mul3A_613 = arith.mulf %get3A_593, %get3A_593 : vector<16xf32>
          %mul3A_614 = arith.mulf %get3A_597, %get3A_597 : vector<16xf32>
          %mul3A_615 = arith.mulf %get3A_601, %get3A_601 : vector<16xf32>
          %mul3A_616 = arith.mulf %get3A_605, %get3A_605 : vector<16xf32>
          %mul3A_617 = arith.mulf %get3A_609, %get3A_609 : vector<16xf32>
          %add3A_618 = arith.addf %mul3A_610, %mul3A_611 : vector<16xf32>
          %add3A_619 = arith.addf %mul3A_612, %mul3A_613 : vector<16xf32>
          %add3A_620 = arith.addf %mul3A_614, %mul3A_615 : vector<16xf32>
          %add3A_621 = arith.addf %mul3A_616, %mul3A_617 : vector<16xf32>
          %add3A_622 = arith.addf %add3A_618, %add3A_619 : vector<16xf32>
          %add3A_623 = arith.addf %add3A_620, %add3A_621 : vector<16xf32>
          %add3A_624 = arith.addf %add3A_622, %add3A_623 : vector<16xf32>
          %xor3A_625 = arith.constant 8 : i32
          %xor3A_626 = vector.broadcast %xor3A_625 : i32 to vector<16xi32>
          %xor3A_627 = arith.xori %iota3A, %xor3A_626 : vector<16xi32>
          %broadcast_in_dim3A_628 = vector.shape_cast %xor3A_627 : vector<16xi32> to vector<16x1xi32>
          %gather3A_629 = vector.shape_cast %broadcast_in_dim3A_628 : vector<16x1xi32> to vector<16xi32>
          %gather3A_630 = tpu.dynamic_gather %add3A_575[%gather3A_629] in [0] : vector<16xf32>, vector<16xi32> -> vector<16xf32>
          %add3A_631 = arith.addf %add3A_575, %gather3A_630 : vector<16xf32>
          %xor3A_632 = arith.constant 8 : i32
          %xor3A_633 = vector.broadcast %xor3A_632 : i32 to vector<16xi32>
          %xor3A_634 = arith.xori %iota3A, %xor3A_633 : vector<16xi32>
          %broadcast_in_dim3A_635 = vector.shape_cast %xor3A_634 : vector<16xi32> to vector<16x1xi32>
          %gather3A_636 = vector.shape_cast %broadcast_in_dim3A_635 : vector<16x1xi32> to vector<16xi32>
          %gather3A_637 = tpu.dynamic_gather %add3A_624[%gather3A_636] in [0] : vector<16xf32>, vector<16xi32> -> vector<16xf32>
          %add3A_638 = arith.addf %add3A_624, %gather3A_637 : vector<16xf32>
          %and3A_639 = arith.constant 8 : i32
          %and3A_640 = vector.broadcast %and3A_639 : i32 to vector<16xi32>
          %and3A_641 = arith.andi %iota3A, %and3A_640 : vector<16xi32>
          %eq3A_642 = arith.constant 0 : i32
          %eq3A_643 = vector.broadcast %eq3A_642 : i32 to vector<16xi32>
          %eq3A_644 = arith.cmpi eq, %and3A_641, %eq3A_643 : vector<16xi32>
          %select_n3A_645 = arith.select %eq3A_644, %add3A_631, %add3A_638 : vector<16xi1>, vector<16xf32>
          %add3A_646 = arith.constant 6 : i32
          %add3A_647 = arith.addi %mul3A_271, %add3A_646 : i32
          %get3A_648 = arith.index_cast %add3A_647 : i32 to index
          %get3A_649 = arith.constant 0 : index
          %get3A_650 = tpu.vector_load %arg11[%get3A_648, %get3A_649] {strides = array<i32>} : memref<80x128xf32, #tpu.memory_space<vmem>>, vector<1x16xf32>,
          %get3A_651 = vector.shape_cast %get3A_650 : vector<1x16xf32> to vector<16xf32>
          %get3A_652 = arith.index_cast %add3A_647 : i32 to index
          %get3A_653 = arith.constant 16 : index
          %get3A_654 = tpu.vector_load %arg11[%get3A_652, %get3A_653] {strides = array<i32>} : memref<80x128xf32, #tpu.memory_space<vmem>>, vector<1x16xf32>,
          %get3A_655 = vector.shape_cast %get3A_654 : vector<1x16xf32> to vector<16xf32>
          %get3A_656 = arith.index_cast %add3A_647 : i32 to index
          %get3A_657 = arith.constant 32 : index
          %get3A_658 = tpu.vector_load %arg11[%get3A_656, %get3A_657] {strides = array<i32>} : memref<80x128xf32, #tpu.memory_space<vmem>>, vector<1x16xf32>,
          %get3A_659 = vector.shape_cast %get3A_658 : vector<1x16xf32> to vector<16xf32>
          %get3A_660 = arith.index_cast %add3A_647 : i32 to index
          %get3A_661 = arith.constant 48 : index
          %get3A_662 = tpu.vector_load %arg11[%get3A_660, %get3A_661] {strides = array<i32>} : memref<80x128xf32, #tpu.memory_space<vmem>>, vector<1x16xf32>,
          %get3A_663 = vector.shape_cast %get3A_662 : vector<1x16xf32> to vector<16xf32>
          %get3A_664 = arith.index_cast %add3A_647 : i32 to index
          %get3A_665 = arith.constant 64 : index
          %get3A_666 = tpu.vector_load %arg11[%get3A_664, %get3A_665] {strides = array<i32>} : memref<80x128xf32, #tpu.memory_space<vmem>>, vector<1x16xf32>,
          %get3A_667 = vector.shape_cast %get3A_666 : vector<1x16xf32> to vector<16xf32>
          %get3A_668 = arith.index_cast %add3A_647 : i32 to index
          %get3A_669 = arith.constant 80 : index
          %get3A_670 = tpu.vector_load %arg11[%get3A_668, %get3A_669] {strides = array<i32>} : memref<80x128xf32, #tpu.memory_space<vmem>>, vector<1x16xf32>,
          %get3A_671 = vector.shape_cast %get3A_670 : vector<1x16xf32> to vector<16xf32>
          %get3A_672 = arith.index_cast %add3A_647 : i32 to index
          %get3A_673 = arith.constant 96 : index
          %get3A_674 = tpu.vector_load %arg11[%get3A_672, %get3A_673] {strides = array<i32>} : memref<80x128xf32, #tpu.memory_space<vmem>>, vector<1x16xf32>,
          %get3A_675 = vector.shape_cast %get3A_674 : vector<1x16xf32> to vector<16xf32>
          %get3A_676 = arith.index_cast %add3A_647 : i32 to index
          %get3A_677 = arith.constant 112 : index
          %get3A_678 = tpu.vector_load %arg11[%get3A_676, %get3A_677] {strides = array<i32>} : memref<80x128xf32, #tpu.memory_space<vmem>>, vector<1x16xf32>,
          %get3A_679 = vector.shape_cast %get3A_678 : vector<1x16xf32> to vector<16xf32>
          %mul3A_680 = arith.mulf %get3A_651, %get3A_651 : vector<16xf32>
          %mul3A_681 = arith.mulf %get3A_655, %get3A_655 : vector<16xf32>
          %mul3A_682 = arith.mulf %get3A_659, %get3A_659 : vector<16xf32>
          %mul3A_683 = arith.mulf %get3A_663, %get3A_663 : vector<16xf32>
          %mul3A_684 = arith.mulf %get3A_667, %get3A_667 : vector<16xf32>
          %mul3A_685 = arith.mulf %get3A_671, %get3A_671 : vector<16xf32>
          %mul3A_686 = arith.mulf %get3A_675, %get3A_675 : vector<16xf32>
          %mul3A_687 = arith.mulf %get3A_679, %get3A_679 : vector<16xf32>
          %add3A_688 = arith.addf %mul3A_680, %mul3A_681 : vector<16xf32>
          %add3A_689 = arith.addf %mul3A_682, %mul3A_683 : vector<16xf32>
          %add3A_690 = arith.addf %mul3A_684, %mul3A_685 : vector<16xf32>
          %add3A_691 = arith.addf %mul3A_686, %mul3A_687 : vector<16xf32>
          %add3A_692 = arith.addf %add3A_688, %add3A_689 : vector<16xf32>
          %add3A_693 = arith.addf %add3A_690, %add3A_691 : vector<16xf32>
          %add3A_694 = arith.addf %add3A_692, %add3A_693 : vector<16xf32>
          %add3A_695 = arith.constant 14 : i32
          %add3A_696 = arith.addi %mul3A_271, %add3A_695 : i32
          %get3A_697 = arith.index_cast %add3A_696 : i32 to index
          %get3A_698 = arith.constant 0 : index
          %get3A_699 = tpu.vector_load %arg11[%get3A_697, %get3A_698] {strides = array<i32>} : memref<80x128xf32, #tpu.memory_space<vmem>>, vector<1x16xf32>,
          %get3A_700 = vector.shape_cast %get3A_699 : vector<1x16xf32> to vector<16xf32>
          %get3A_701 = arith.index_cast %add3A_696 : i32 to index
          %get3A_702 = arith.constant 16 : index
          %get3A_703 = tpu.vector_load %arg11[%get3A_701, %get3A_702] {strides = array<i32>} : memref<80x128xf32, #tpu.memory_space<vmem>>, vector<1x16xf32>,
          %get3A_704 = vector.shape_cast %get3A_703 : vector<1x16xf32> to vector<16xf32>
          %get3A_705 = arith.index_cast %add3A_696 : i32 to index
          %get3A_706 = arith.constant 32 : index
          %get3A_707 = tpu.vector_load %arg11[%get3A_705, %get3A_706] {strides = array<i32>} : memref<80x128xf32, #tpu.memory_space<vmem>>, vector<1x16xf32>,
          %get3A_708 = vector.shape_cast %get3A_707 : vector<1x16xf32> to vector<16xf32>
          %get3A_709 = arith.index_cast %add3A_696 : i32 to index
          %get3A_710 = arith.constant 48 : index
          %get3A_711 = tpu.vector_load %arg11[%get3A_709, %get3A_710] {strides = array<i32>} : memref<80x128xf32, #tpu.memory_space<vmem>>, vector<1x16xf32>,
          %get3A_712 = vector.shape_cast %get3A_711 : vector<1x16xf32> to vector<16xf32>
          %get3A_713 = arith.index_cast %add3A_696 : i32 to index
          %get3A_714 = arith.constant 64 : index
          %get3A_715 = tpu.vector_load %arg11[%get3A_713, %get3A_714] {strides = array<i32>} : memref<80x128xf32, #tpu.memory_space<vmem>>, vector<1x16xf32>,
          %get3A_716 = vector.shape_cast %get3A_715 : vector<1x16xf32> to vector<16xf32>
          %get3A_717 = arith.index_cast %add3A_696 : i32 to index
          %get3A_718 = arith.constant 80 : index
          %get3A_719 = tpu.vector_load %arg11[%get3A_717, %get3A_718] {strides = array<i32>} : memref<80x128xf32, #tpu.memory_space<vmem>>, vector<1x16xf32>,
          %get3A_720 = vector.shape_cast %get3A_719 : vector<1x16xf32> to vector<16xf32>
          %get3A_721 = arith.index_cast %add3A_696 : i32 to index
          %get3A_722 = arith.constant 96 : index
          %get3A_723 = tpu.vector_load %arg11[%get3A_721, %get3A_722] {strides = array<i32>} : memref<80x128xf32, #tpu.memory_space<vmem>>, vector<1x16xf32>,
          %get3A_724 = vector.shape_cast %get3A_723 : vector<1x16xf32> to vector<16xf32>
          %get3A_725 = arith.index_cast %add3A_696 : i32 to index
          %get3A_726 = arith.constant 112 : index
          %get3A_727 = tpu.vector_load %arg11[%get3A_725, %get3A_726] {strides = array<i32>} : memref<80x128xf32, #tpu.memory_space<vmem>>, vector<1x16xf32>,
          %get3A_728 = vector.shape_cast %get3A_727 : vector<1x16xf32> to vector<16xf32>
          %mul3A_729 = arith.mulf %get3A_700, %get3A_700 : vector<16xf32>
          %mul3A_730 = arith.mulf %get3A_704, %get3A_704 : vector<16xf32>
          %mul3A_731 = arith.mulf %get3A_708, %get3A_708 : vector<16xf32>
          %mul3A_732 = arith.mulf %get3A_712, %get3A_712 : vector<16xf32>
          %mul3A_733 = arith.mulf %get3A_716, %get3A_716 : vector<16xf32>
          %mul3A_734 = arith.mulf %get3A_720, %get3A_720 : vector<16xf32>
          %mul3A_735 = arith.mulf %get3A_724, %get3A_724 : vector<16xf32>
          %mul3A_736 = arith.mulf %get3A_728, %get3A_728 : vector<16xf32>
          %add3A_737 = arith.addf %mul3A_729, %mul3A_730 : vector<16xf32>
          %add3A_738 = arith.addf %mul3A_731, %mul3A_732 : vector<16xf32>
          %add3A_739 = arith.addf %mul3A_733, %mul3A_734 : vector<16xf32>
          %add3A_740 = arith.addf %mul3A_735, %mul3A_736 : vector<16xf32>
          %add3A_741 = arith.addf %add3A_737, %add3A_738 : vector<16xf32>
          %add3A_742 = arith.addf %add3A_739, %add3A_740 : vector<16xf32>
          %add3A_743 = arith.addf %add3A_741, %add3A_742 : vector<16xf32>
          %xor3A_744 = arith.constant 8 : i32
          %xor3A_745 = vector.broadcast %xor3A_744 : i32 to vector<16xi32>
          %xor3A_746 = arith.xori %iota3A, %xor3A_745 : vector<16xi32>
          %broadcast_in_dim3A_747 = vector.shape_cast %xor3A_746 : vector<16xi32> to vector<16x1xi32>
          %gather3A_748 = vector.shape_cast %broadcast_in_dim3A_747 : vector<16x1xi32> to vector<16xi32>
          %gather3A_749 = tpu.dynamic_gather %add3A_694[%gather3A_748] in [0] : vector<16xf32>, vector<16xi32> -> vector<16xf32>
          %add3A_750 = arith.addf %add3A_694, %gather3A_749 : vector<16xf32>
          %xor3A_751 = arith.constant 8 : i32
          %xor3A_752 = vector.broadcast %xor3A_751 : i32 to vector<16xi32>
          %xor3A_753 = arith.xori %iota3A, %xor3A_752 : vector<16xi32>
          %broadcast_in_dim3A_754 = vector.shape_cast %xor3A_753 : vector<16xi32> to vector<16x1xi32>
          %gather3A_755 = vector.shape_cast %broadcast_in_dim3A_754 : vector<16x1xi32> to vector<16xi32>
          %gather3A_756 = tpu.dynamic_gather %add3A_743[%gather3A_755] in [0] : vector<16xf32>, vector<16xi32> -> vector<16xf32>
          %add3A_757 = arith.addf %add3A_743, %gather3A_756 : vector<16xf32>
          %and3A_758 = arith.constant 8 : i32
          %and3A_759 = vector.broadcast %and3A_758 : i32 to vector<16xi32>
          %and3A_760 = arith.andi %iota3A, %and3A_759 : vector<16xi32>
          %eq3A_761 = arith.constant 0 : i32
          %eq3A_762 = vector.broadcast %eq3A_761 : i32 to vector<16xi32>
          %eq3A_763 = arith.cmpi eq, %and3A_760, %eq3A_762 : vector<16xi32>
          %select_n3A_764 = arith.select %eq3A_763, %add3A_750, %add3A_757 : vector<16xi1>, vector<16xf32>
          %xor3A_765 = arith.constant 4 : i32
          %xor3A_766 = vector.broadcast %xor3A_765 : i32 to vector<16xi32>
          %xor3A_767 = arith.xori %iota3A, %xor3A_766 : vector<16xi32>
          %broadcast_in_dim3A_768 = vector.shape_cast %xor3A_767 : vector<16xi32> to vector<16x1xi32>
          %gather3A_769 = vector.shape_cast %broadcast_in_dim3A_768 : vector<16x1xi32> to vector<16xi32>
          %gather3A_770 = tpu.dynamic_gather %select_n3A_645[%gather3A_769] in [0] : vector<16xf32>, vector<16xi32> -> vector<16xf32>
          %add3A_771 = arith.addf %select_n3A_645, %gather3A_770 : vector<16xf32>
          %xor3A_772 = arith.constant 4 : i32
          %xor3A_773 = vector.broadcast %xor3A_772 : i32 to vector<16xi32>
          %xor3A_774 = arith.xori %iota3A, %xor3A_773 : vector<16xi32>
          %broadcast_in_dim3A_775 = vector.shape_cast %xor3A_774 : vector<16xi32> to vector<16x1xi32>
          %gather3A_776 = vector.shape_cast %broadcast_in_dim3A_775 : vector<16x1xi32> to vector<16xi32>
          %gather3A_777 = tpu.dynamic_gather %select_n3A_764[%gather3A_776] in [0] : vector<16xf32>, vector<16xi32> -> vector<16xf32>
          %add3A_778 = arith.addf %select_n3A_764, %gather3A_777 : vector<16xf32>
          %and3A_779 = arith.constant 4 : i32
          %and3A_780 = vector.broadcast %and3A_779 : i32 to vector<16xi32>
          %and3A_781 = arith.andi %iota3A, %and3A_780 : vector<16xi32>
          %eq3A_782 = arith.constant 0 : i32
          %eq3A_783 = vector.broadcast %eq3A_782 : i32 to vector<16xi32>
          %eq3A_784 = arith.cmpi eq, %and3A_781, %eq3A_783 : vector<16xi32>
          %select_n3A_785 = arith.select %eq3A_784, %add3A_771, %add3A_778 : vector<16xi1>, vector<16xf32>
          %xor3A_786 = arith.constant 2 : i32
          %xor3A_787 = vector.broadcast %xor3A_786 : i32 to vector<16xi32>
          %xor3A_788 = arith.xori %iota3A, %xor3A_787 : vector<16xi32>
          %broadcast_in_dim3A_789 = vector.shape_cast %xor3A_788 : vector<16xi32> to vector<16x1xi32>
          %gather3A_790 = vector.shape_cast %broadcast_in_dim3A_789 : vector<16x1xi32> to vector<16xi32>
          %gather3A_791 = tpu.dynamic_gather %select_n3A_526[%gather3A_790] in [0] : vector<16xf32>, vector<16xi32> -> vector<16xf32>
          %add3A_792 = arith.addf %select_n3A_526, %gather3A_791 : vector<16xf32>
          %xor3A_793 = arith.constant 2 : i32
          %xor3A_794 = vector.broadcast %xor3A_793 : i32 to vector<16xi32>
          %xor3A_795 = arith.xori %iota3A, %xor3A_794 : vector<16xi32>
          %broadcast_in_dim3A_796 = vector.shape_cast %xor3A_795 : vector<16xi32> to vector<16x1xi32>
          %gather3A_797 = vector.shape_cast %broadcast_in_dim3A_796 : vector<16x1xi32> to vector<16xi32>
          %gather3A_798 = tpu.dynamic_gather %select_n3A_785[%gather3A_797] in [0] : vector<16xf32>, vector<16xi32> -> vector<16xf32>
          %add3A_799 = arith.addf %select_n3A_785, %gather3A_798 : vector<16xf32>
          %and3A_800 = arith.constant 2 : i32
          %and3A_801 = vector.broadcast %and3A_800 : i32 to vector<16xi32>
          %and3A_802 = arith.andi %iota3A, %and3A_801 : vector<16xi32>
          %eq3A_803 = arith.constant 0 : i32
          %eq3A_804 = vector.broadcast %eq3A_803 : i32 to vector<16xi32>
          %eq3A_805 = arith.cmpi eq, %and3A_802, %eq3A_804 : vector<16xi32>
          %select_n3A_806 = arith.select %eq3A_805, %add3A_792, %add3A_799 : vector<16xi1>, vector<16xf32>
          %add3A_807 = arith.constant 1 : i32
          %add3A_808 = arith.addi %mul3A_271, %add3A_807 : i32
          %get3A_809 = arith.index_cast %add3A_808 : i32 to index
          %get3A_810 = arith.constant 0 : index
          %get3A_811 = tpu.vector_load %arg11[%get3A_809, %get3A_810] {strides = array<i32>} : memref<80x128xf32, #tpu.memory_space<vmem>>, vector<1x16xf32>,
          %get3A_812 = vector.shape_cast %get3A_811 : vector<1x16xf32> to vector<16xf32>
          %get3A_813 = arith.index_cast %add3A_808 : i32 to index
          %get3A_814 = arith.constant 16 : index
          %get3A_815 = tpu.vector_load %arg11[%get3A_813, %get3A_814] {strides = array<i32>} : memref<80x128xf32, #tpu.memory_space<vmem>>, vector<1x16xf32>,
          %get3A_816 = vector.shape_cast %get3A_815 : vector<1x16xf32> to vector<16xf32>
          %get3A_817 = arith.index_cast %add3A_808 : i32 to index
          %get3A_818 = arith.constant 32 : index
          %get3A_819 = tpu.vector_load %arg11[%get3A_817, %get3A_818] {strides = array<i32>} : memref<80x128xf32, #tpu.memory_space<vmem>>, vector<1x16xf32>,
          %get3A_820 = vector.shape_cast %get3A_819 : vector<1x16xf32> to vector<16xf32>
          %get3A_821 = arith.index_cast %add3A_808 : i32 to index
          %get3A_822 = arith.constant 48 : index
          %get3A_823 = tpu.vector_load %arg11[%get3A_821, %get3A_822] {strides = array<i32>} : memref<80x128xf32, #tpu.memory_space<vmem>>, vector<1x16xf32>,
          %get3A_824 = vector.shape_cast %get3A_823 : vector<1x16xf32> to vector<16xf32>
          %get3A_825 = arith.index_cast %add3A_808 : i32 to index
          %get3A_826 = arith.constant 64 : index
          %get3A_827 = tpu.vector_load %arg11[%get3A_825, %get3A_826] {strides = array<i32>} : memref<80x128xf32, #tpu.memory_space<vmem>>, vector<1x16xf32>,
          %get3A_828 = vector.shape_cast %get3A_827 : vector<1x16xf32> to vector<16xf32>
          %get3A_829 = arith.index_cast %add3A_808 : i32 to index
          %get3A_830 = arith.constant 80 : index
          %get3A_831 = tpu.vector_load %arg11[%get3A_829, %get3A_830] {strides = array<i32>} : memref<80x128xf32, #tpu.memory_space<vmem>>, vector<1x16xf32>,
          %get3A_832 = vector.shape_cast %get3A_831 : vector<1x16xf32> to vector<16xf32>
          %get3A_833 = arith.index_cast %add3A_808 : i32 to index
          %get3A_834 = arith.constant 96 : index
          %get3A_835 = tpu.vector_load %arg11[%get3A_833, %get3A_834] {strides = array<i32>} : memref<80x128xf32, #tpu.memory_space<vmem>>, vector<1x16xf32>,
          %get3A_836 = vector.shape_cast %get3A_835 : vector<1x16xf32> to vector<16xf32>
          %get3A_837 = arith.index_cast %add3A_808 : i32 to index
          %get3A_838 = arith.constant 112 : index
          %get3A_839 = tpu.vector_load %arg11[%get3A_837, %get3A_838] {strides = array<i32>} : memref<80x128xf32, #tpu.memory_space<vmem>>, vector<1x16xf32>,
          %get3A_840 = vector.shape_cast %get3A_839 : vector<1x16xf32> to vector<16xf32>
          %mul3A_841 = arith.mulf %get3A_812, %get3A_812 : vector<16xf32>
          %mul3A_842 = arith.mulf %get3A_816, %get3A_816 : vector<16xf32>
          %mul3A_843 = arith.mulf %get3A_820, %get3A_820 : vector<16xf32>
          %mul3A_844 = arith.mulf %get3A_824, %get3A_824 : vector<16xf32>
          %mul3A_845 = arith.mulf %get3A_828, %get3A_828 : vector<16xf32>
          %mul3A_846 = arith.mulf %get3A_832, %get3A_832 : vector<16xf32>
          %mul3A_847 = arith.mulf %get3A_836, %get3A_836 : vector<16xf32>
          %mul3A_848 = arith.mulf %get3A_840, %get3A_840 : vector<16xf32>
          %add3A_849 = arith.addf %mul3A_841, %mul3A_842 : vector<16xf32>
          %add3A_850 = arith.addf %mul3A_843, %mul3A_844 : vector<16xf32>
          %add3A_851 = arith.addf %mul3A_845, %mul3A_846 : vector<16xf32>
          %add3A_852 = arith.addf %mul3A_847, %mul3A_848 : vector<16xf32>
          %add3A_853 = arith.addf %add3A_849, %add3A_850 : vector<16xf32>
          %add3A_854 = arith.addf %add3A_851, %add3A_852 : vector<16xf32>
          %add3A_855 = arith.addf %add3A_853, %add3A_854 : vector<16xf32>
          %add3A_856 = arith.constant 9 : i32
          %add3A_857 = arith.addi %mul3A_271, %add3A_856 : i32
          %get3A_858 = arith.index_cast %add3A_857 : i32 to index
          %get3A_859 = arith.constant 0 : index
          %get3A_860 = tpu.vector_load %arg11[%get3A_858, %get3A_859] {strides = array<i32>} : memref<80x128xf32, #tpu.memory_space<vmem>>, vector<1x16xf32>,
          %get3A_861 = vector.shape_cast %get3A_860 : vector<1x16xf32> to vector<16xf32>
          %get3A_862 = arith.index_cast %add3A_857 : i32 to index
          %get3A_863 = arith.constant 16 : index
          %get3A_864 = tpu.vector_load %arg11[%get3A_862, %get3A_863] {strides = array<i32>} : memref<80x128xf32, #tpu.memory_space<vmem>>, vector<1x16xf32>,
          %get3A_865 = vector.shape_cast %get3A_864 : vector<1x16xf32> to vector<16xf32>
          %get3A_866 = arith.index_cast %add3A_857 : i32 to index
          %get3A_867 = arith.constant 32 : index
          %get3A_868 = tpu.vector_load %arg11[%get3A_866, %get3A_867] {strides = array<i32>} : memref<80x128xf32, #tpu.memory_space<vmem>>, vector<1x16xf32>,
          %get3A_869 = vector.shape_cast %get3A_868 : vector<1x16xf32> to vector<16xf32>
          %get3A_870 = arith.index_cast %add3A_857 : i32 to index
          %get3A_871 = arith.constant 48 : index
          %get3A_872 = tpu.vector_load %arg11[%get3A_870, %get3A_871] {strides = array<i32>} : memref<80x128xf32, #tpu.memory_space<vmem>>, vector<1x16xf32>,
          %get3A_873 = vector.shape_cast %get3A_872 : vector<1x16xf32> to vector<16xf32>
          %get3A_874 = arith.index_cast %add3A_857 : i32 to index
          %get3A_875 = arith.constant 64 : index
          %get3A_876 = tpu.vector_load %arg11[%get3A_874, %get3A_875] {strides = array<i32>} : memref<80x128xf32, #tpu.memory_space<vmem>>, vector<1x16xf32>,
          %get3A_877 = vector.shape_cast %get3A_876 : vector<1x16xf32> to vector<16xf32>
          %get3A_878 = arith.index_cast %add3A_857 : i32 to index
          %get3A_879 = arith.constant 80 : index
          %get3A_880 = tpu.vector_load %arg11[%get3A_878, %get3A_879] {strides = array<i32>} : memref<80x128xf32, #tpu.memory_space<vmem>>, vector<1x16xf32>,
          %get3A_881 = vector.shape_cast %get3A_880 : vector<1x16xf32> to vector<16xf32>
          %get3A_882 = arith.index_cast %add3A_857 : i32 to index
          %get3A_883 = arith.constant 96 : index
          %get3A_884 = tpu.vector_load %arg11[%get3A_882, %get3A_883] {strides = array<i32>} : memref<80x128xf32, #tpu.memory_space<vmem>>, vector<1x16xf32>,
          %get3A_885 = vector.shape_cast %get3A_884 : vector<1x16xf32> to vector<16xf32>
          %get3A_886 = arith.index_cast %add3A_857 : i32 to index
          %get3A_887 = arith.constant 112 : index
          %get3A_888 = tpu.vector_load %arg11[%get3A_886, %get3A_887] {strides = array<i32>} : memref<80x128xf32, #tpu.memory_space<vmem>>, vector<1x16xf32>,
          %get3A_889 = vector.shape_cast %get3A_888 : vector<1x16xf32> to vector<16xf32>
          %mul3A_890 = arith.mulf %get3A_861, %get3A_861 : vector<16xf32>
          %mul3A_891 = arith.mulf %get3A_865, %get3A_865 : vector<16xf32>
          %mul3A_892 = arith.mulf %get3A_869, %get3A_869 : vector<16xf32>
          %mul3A_893 = arith.mulf %get3A_873, %get3A_873 : vector<16xf32>
          %mul3A_894 = arith.mulf %get3A_877, %get3A_877 : vector<16xf32>
          %mul3A_895 = arith.mulf %get3A_881, %get3A_881 : vector<16xf32>
          %mul3A_896 = arith.mulf %get3A_885, %get3A_885 : vector<16xf32>
          %mul3A_897 = arith.mulf %get3A_889, %get3A_889 : vector<16xf32>
          %add3A_898 = arith.addf %mul3A_890, %mul3A_891 : vector<16xf32>
          %add3A_899 = arith.addf %mul3A_892, %mul3A_893 : vector<16xf32>
          %add3A_900 = arith.addf %mul3A_894, %mul3A_895 : vector<16xf32>
          %add3A_901 = arith.addf %mul3A_896, %mul3A_897 : vector<16xf32>
          %add3A_902 = arith.addf %add3A_898, %add3A_899 : vector<16xf32>
          %add3A_903 = arith.addf %add3A_900, %add3A_901 : vector<16xf32>
          %add3A_904 = arith.addf %add3A_902, %add3A_903 : vector<16xf32>
          %xor3A_905 = arith.constant 8 : i32
          %xor3A_906 = vector.broadcast %xor3A_905 : i32 to vector<16xi32>
          %xor3A_907 = arith.xori %iota3A, %xor3A_906 : vector<16xi32>
          %broadcast_in_dim3A_908 = vector.shape_cast %xor3A_907 : vector<16xi32> to vector<16x1xi32>
          %gather3A_909 = vector.shape_cast %broadcast_in_dim3A_908 : vector<16x1xi32> to vector<16xi32>
          %gather3A_910 = tpu.dynamic_gather %add3A_855[%gather3A_909] in [0] : vector<16xf32>, vector<16xi32> -> vector<16xf32>
          %add3A_911 = arith.addf %add3A_855, %gather3A_910 : vector<16xf32>
          %xor3A_912 = arith.constant 8 : i32
          %xor3A_913 = vector.broadcast %xor3A_912 : i32 to vector<16xi32>
          %xor3A_914 = arith.xori %iota3A, %xor3A_913 : vector<16xi32>
          %broadcast_in_dim3A_915 = vector.shape_cast %xor3A_914 : vector<16xi32> to vector<16x1xi32>
          %gather3A_916 = vector.shape_cast %broadcast_in_dim3A_915 : vector<16x1xi32> to vector<16xi32>
          %gather3A_917 = tpu.dynamic_gather %add3A_904[%gather3A_916] in [0] : vector<16xf32>, vector<16xi32> -> vector<16xf32>
          %add3A_918 = arith.addf %add3A_904, %gather3A_917 : vector<16xf32>
          %and3A_919 = arith.constant 8 : i32
          %and3A_920 = vector.broadcast %and3A_919 : i32 to vector<16xi32>
          %and3A_921 = arith.andi %iota3A, %and3A_920 : vector<16xi32>
          %eq3A_922 = arith.constant 0 : i32
          %eq3A_923 = vector.broadcast %eq3A_922 : i32 to vector<16xi32>
          %eq3A_924 = arith.cmpi eq, %and3A_921, %eq3A_923 : vector<16xi32>
          %select_n3A_925 = arith.select %eq3A_924, %add3A_911, %add3A_918 : vector<16xi1>, vector<16xf32>
          %add3A_926 = arith.constant 5 : i32
          %add3A_927 = arith.addi %mul3A_271, %add3A_926 : i32
          %get3A_928 = arith.index_cast %add3A_927 : i32 to index
          %get3A_929 = arith.constant 0 : index
          %get3A_930 = tpu.vector_load %arg11[%get3A_928, %get3A_929] {strides = array<i32>} : memref<80x128xf32, #tpu.memory_space<vmem>>, vector<1x16xf32>,
          %get3A_931 = vector.shape_cast %get3A_930 : vector<1x16xf32> to vector<16xf32>
          %get3A_932 = arith.index_cast %add3A_927 : i32 to index
          %get3A_933 = arith.constant 16 : index
          %get3A_934 = tpu.vector_load %arg11[%get3A_932, %get3A_933] {strides = array<i32>} : memref<80x128xf32, #tpu.memory_space<vmem>>, vector<1x16xf32>,
          %get3A_935 = vector.shape_cast %get3A_934 : vector<1x16xf32> to vector<16xf32>
          %get3A_936 = arith.index_cast %add3A_927 : i32 to index
          %get3A_937 = arith.constant 32 : index
          %get3A_938 = tpu.vector_load %arg11[%get3A_936, %get3A_937] {strides = array<i32>} : memref<80x128xf32, #tpu.memory_space<vmem>>, vector<1x16xf32>,
          %get3A_939 = vector.shape_cast %get3A_938 : vector<1x16xf32> to vector<16xf32>
          %get3A_940 = arith.index_cast %add3A_927 : i32 to index
          %get3A_941 = arith.constant 48 : index
          %get3A_942 = tpu.vector_load %arg11[%get3A_940, %get3A_941] {strides = array<i32>} : memref<80x128xf32, #tpu.memory_space<vmem>>, vector<1x16xf32>,
          %get3A_943 = vector.shape_cast %get3A_942 : vector<1x16xf32> to vector<16xf32>
          %get3A_944 = arith.index_cast %add3A_927 : i32 to index
          %get3A_945 = arith.constant 64 : index
          %get3A_946 = tpu.vector_load %arg11[%get3A_944, %get3A_945] {strides = array<i32>} : memref<80x128xf32, #tpu.memory_space<vmem>>, vector<1x16xf32>,
          %get3A_947 = vector.shape_cast %get3A_946 : vector<1x16xf32> to vector<16xf32>
          %get3A_948 = arith.index_cast %add3A_927 : i32 to index
          %get3A_949 = arith.constant 80 : index
          %get3A_950 = tpu.vector_load %arg11[%get3A_948, %get3A_949] {strides = array<i32>} : memref<80x128xf32, #tpu.memory_space<vmem>>, vector<1x16xf32>,
          %get3A_951 = vector.shape_cast %get3A_950 : vector<1x16xf32> to vector<16xf32>
          %get3A_952 = arith.index_cast %add3A_927 : i32 to index
          %get3A_953 = arith.constant 96 : index
          %get3A_954 = tpu.vector_load %arg11[%get3A_952, %get3A_953] {strides = array<i32>} : memref<80x128xf32, #tpu.memory_space<vmem>>, vector<1x16xf32>,
          %get3A_955 = vector.shape_cast %get3A_954 : vector<1x16xf32> to vector<16xf32>
          %get3A_956 = arith.index_cast %add3A_927 : i32 to index
          %get3A_957 = arith.constant 112 : index
          %get3A_958 = tpu.vector_load %arg11[%get3A_956, %get3A_957] {strides = array<i32>} : memref<80x128xf32, #tpu.memory_space<vmem>>, vector<1x16xf32>,
          %get3A_959 = vector.shape_cast %get3A_958 : vector<1x16xf32> to vector<16xf32>
          %mul3A_960 = arith.mulf %get3A_931, %get3A_931 : vector<16xf32>
          %mul3A_961 = arith.mulf %get3A_935, %get3A_935 : vector<16xf32>
          %mul3A_962 = arith.mulf %get3A_939, %get3A_939 : vector<16xf32>
          %mul3A_963 = arith.mulf %get3A_943, %get3A_943 : vector<16xf32>
          %mul3A_964 = arith.mulf %get3A_947, %get3A_947 : vector<16xf32>
          %mul3A_965 = arith.mulf %get3A_951, %get3A_951 : vector<16xf32>
          %mul3A_966 = arith.mulf %get3A_955, %get3A_955 : vector<16xf32>
          %mul3A_967 = arith.mulf %get3A_959, %get3A_959 : vector<16xf32>
          %add3A_968 = arith.addf %mul3A_960, %mul3A_961 : vector<16xf32>
          %add3A_969 = arith.addf %mul3A_962, %mul3A_963 : vector<16xf32>
          %add3A_970 = arith.addf %mul3A_964, %mul3A_965 : vector<16xf32>
          %add3A_971 = arith.addf %mul3A_966, %mul3A_967 : vector<16xf32>
          %add3A_972 = arith.addf %add3A_968, %add3A_969 : vector<16xf32>
          %add3A_973 = arith.addf %add3A_970, %add3A_971 : vector<16xf32>
          %add3A_974 = arith.addf %add3A_972, %add3A_973 : vector<16xf32>
          %add3A_975 = arith.constant 13 : i32
          %add3A_976 = arith.addi %mul3A_271, %add3A_975 : i32
          %get3A_977 = arith.index_cast %add3A_976 : i32 to index
          %get3A_978 = arith.constant 0 : index
          %get3A_979 = tpu.vector_load %arg11[%get3A_977, %get3A_978] {strides = array<i32>} : memref<80x128xf32, #tpu.memory_space<vmem>>, vector<1x16xf32>,
          %get3A_980 = vector.shape_cast %get3A_979 : vector<1x16xf32> to vector<16xf32>
          %get3A_981 = arith.index_cast %add3A_976 : i32 to index
          %get3A_982 = arith.constant 16 : index
          %get3A_983 = tpu.vector_load %arg11[%get3A_981, %get3A_982] {strides = array<i32>} : memref<80x128xf32, #tpu.memory_space<vmem>>, vector<1x16xf32>,
          %get3A_984 = vector.shape_cast %get3A_983 : vector<1x16xf32> to vector<16xf32>
          %get3A_985 = arith.index_cast %add3A_976 : i32 to index
          %get3A_986 = arith.constant 32 : index
          %get3A_987 = tpu.vector_load %arg11[%get3A_985, %get3A_986] {strides = array<i32>} : memref<80x128xf32, #tpu.memory_space<vmem>>, vector<1x16xf32>,
          %get3A_988 = vector.shape_cast %get3A_987 : vector<1x16xf32> to vector<16xf32>
          %get3A_989 = arith.index_cast %add3A_976 : i32 to index
          %get3A_990 = arith.constant 48 : index
          %get3A_991 = tpu.vector_load %arg11[%get3A_989, %get3A_990] {strides = array<i32>} : memref<80x128xf32, #tpu.memory_space<vmem>>, vector<1x16xf32>,
          %get3A_992 = vector.shape_cast %get3A_991 : vector<1x16xf32> to vector<16xf32>
          %get3A_993 = arith.index_cast %add3A_976 : i32 to index
          %get3A_994 = arith.constant 64 : index
          %get3A_995 = tpu.vector_load %arg11[%get3A_993, %get3A_994] {strides = array<i32>} : memref<80x128xf32, #tpu.memory_space<vmem>>, vector<1x16xf32>,
          %get3A_996 = vector.shape_cast %get3A_995 : vector<1x16xf32> to vector<16xf32>
          %get3A_997 = arith.index_cast %add3A_976 : i32 to index
          %get3A_998 = arith.constant 80 : index
          %get3A_999 = tpu.vector_load %arg11[%get3A_997, %get3A_998] {strides = array<i32>} : memref<80x128xf32, #tpu.memory_space<vmem>>, vector<1x16xf32>,
          %get3A_1000 = vector.shape_cast %get3A_999 : vector<1x16xf32> to vector<16xf32>
          %get3A_1001 = arith.index_cast %add3A_976 : i32 to index
          %get3A_1002 = arith.constant 96 : index
          %get3A_1003 = tpu.vector_load %arg11[%get3A_1001, %get3A_1002] {strides = array<i32>} : memref<80x128xf32, #tpu.memory_space<vmem>>, vector<1x16xf32>,
          %get3A_1004 = vector.shape_cast %get3A_1003 : vector<1x16xf32> to vector<16xf32>
          %get3A_1005 = arith.index_cast %add3A_976 : i32 to index
          %get3A_1006 = arith.constant 112 : index
          %get3A_1007 = tpu.vector_load %arg11[%get3A_1005, %get3A_1006] {strides = array<i32>} : memref<80x128xf32, #tpu.memory_space<vmem>>, vector<1x16xf32>,
          %get3A_1008 = vector.shape_cast %get3A_1007 : vector<1x16xf32> to vector<16xf32>
          %mul3A_1009 = arith.mulf %get3A_980, %get3A_980 : vector<16xf32>
          %mul3A_1010 = arith.mulf %get3A_984, %get3A_984 : vector<16xf32>
          %mul3A_1011 = arith.mulf %get3A_988, %get3A_988 : vector<16xf32>
          %mul3A_1012 = arith.mulf %get3A_992, %get3A_992 : vector<16xf32>
          %mul3A_1013 = arith.mulf %get3A_996, %get3A_996 : vector<16xf32>
          %mul3A_1014 = arith.mulf %get3A_1000, %get3A_1000 : vector<16xf32>
          %mul3A_1015 = arith.mulf %get3A_1004, %get3A_1004 : vector<16xf32>
          %mul3A_1016 = arith.mulf %get3A_1008, %get3A_1008 : vector<16xf32>
          %add3A_1017 = arith.addf %mul3A_1009, %mul3A_1010 : vector<16xf32>
          %add3A_1018 = arith.addf %mul3A_1011, %mul3A_1012 : vector<16xf32>
          %add3A_1019 = arith.addf %mul3A_1013, %mul3A_1014 : vector<16xf32>
          %add3A_1020 = arith.addf %mul3A_1015, %mul3A_1016 : vector<16xf32>
          %add3A_1021 = arith.addf %add3A_1017, %add3A_1018 : vector<16xf32>
          %add3A_1022 = arith.addf %add3A_1019, %add3A_1020 : vector<16xf32>
          %add3A_1023 = arith.addf %add3A_1021, %add3A_1022 : vector<16xf32>
          %xor3A_1024 = arith.constant 8 : i32
          %xor3A_1025 = vector.broadcast %xor3A_1024 : i32 to vector<16xi32>
          %xor3A_1026 = arith.xori %iota3A, %xor3A_1025 : vector<16xi32>
          %broadcast_in_dim3A_1027 = vector.shape_cast %xor3A_1026 : vector<16xi32> to vector<16x1xi32>
          %gather3A_1028 = vector.shape_cast %broadcast_in_dim3A_1027 : vector<16x1xi32> to vector<16xi32>
          %gather3A_1029 = tpu.dynamic_gather %add3A_974[%gather3A_1028] in [0] : vector<16xf32>, vector<16xi32> -> vector<16xf32>
          %add3A_1030 = arith.addf %add3A_974, %gather3A_1029 : vector<16xf32>
          %xor3A_1031 = arith.constant 8 : i32
          %xor3A_1032 = vector.broadcast %xor3A_1031 : i32 to vector<16xi32>
          %xor3A_1033 = arith.xori %iota3A, %xor3A_1032 : vector<16xi32>
          %broadcast_in_dim3A_1034 = vector.shape_cast %xor3A_1033 : vector<16xi32> to vector<16x1xi32>
          %gather3A_1035 = vector.shape_cast %broadcast_in_dim3A_1034 : vector<16x1xi32> to vector<16xi32>
          %gather3A_1036 = tpu.dynamic_gather %add3A_1023[%gather3A_1035] in [0] : vector<16xf32>, vector<16xi32> -> vector<16xf32>
          %add3A_1037 = arith.addf %add3A_1023, %gather3A_1036 : vector<16xf32>
          %and3A_1038 = arith.constant 8 : i32
          %and3A_1039 = vector.broadcast %and3A_1038 : i32 to vector<16xi32>
          %and3A_1040 = arith.andi %iota3A, %and3A_1039 : vector<16xi32>
          %eq3A_1041 = arith.constant 0 : i32
          %eq3A_1042 = vector.broadcast %eq3A_1041 : i32 to vector<16xi32>
          %eq3A_1043 = arith.cmpi eq, %and3A_1040, %eq3A_1042 : vector<16xi32>
          %select_n3A_1044 = arith.select %eq3A_1043, %add3A_1030, %add3A_1037 : vector<16xi1>, vector<16xf32>
          %xor3A_1045 = arith.constant 4 : i32
          %xor3A_1046 = vector.broadcast %xor3A_1045 : i32 to vector<16xi32>
          %xor3A_1047 = arith.xori %iota3A, %xor3A_1046 : vector<16xi32>
          %broadcast_in_dim3A_1048 = vector.shape_cast %xor3A_1047 : vector<16xi32> to vector<16x1xi32>
          %gather3A_1049 = vector.shape_cast %broadcast_in_dim3A_1048 : vector<16x1xi32> to vector<16xi32>
          %gather3A_1050 = tpu.dynamic_gather %select_n3A_925[%gather3A_1049] in [0] : vector<16xf32>, vector<16xi32> -> vector<16xf32>
          %add3A_1051 = arith.addf %select_n3A_925, %gather3A_1050 : vector<16xf32>
          %xor3A_1052 = arith.constant 4 : i32
          %xor3A_1053 = vector.broadcast %xor3A_1052 : i32 to vector<16xi32>
          %xor3A_1054 = arith.xori %iota3A, %xor3A_1053 : vector<16xi32>
          %broadcast_in_dim3A_1055 = vector.shape_cast %xor3A_1054 : vector<16xi32> to vector<16x1xi32>
          %gather3A_1056 = vector.shape_cast %broadcast_in_dim3A_1055 : vector<16x1xi32> to vector<16xi32>
          %gather3A_1057 = tpu.dynamic_gather %select_n3A_1044[%gather3A_1056] in [0] : vector<16xf32>, vector<16xi32> -> vector<16xf32>
          %add3A_1058 = arith.addf %select_n3A_1044, %gather3A_1057 : vector<16xf32>
          %and3A_1059 = arith.constant 4 : i32
          %and3A_1060 = vector.broadcast %and3A_1059 : i32 to vector<16xi32>
          %and3A_1061 = arith.andi %iota3A, %and3A_1060 : vector<16xi32>
          %eq3A_1062 = arith.constant 0 : i32
          %eq3A_1063 = vector.broadcast %eq3A_1062 : i32 to vector<16xi32>
          %eq3A_1064 = arith.cmpi eq, %and3A_1061, %eq3A_1063 : vector<16xi32>
          %select_n3A_1065 = arith.select %eq3A_1064, %add3A_1051, %add3A_1058 : vector<16xi1>, vector<16xf32>
          %add3A_1066 = arith.constant 3 : i32
          %add3A_1067 = arith.addi %mul3A_271, %add3A_1066 : i32
          %get3A_1068 = arith.index_cast %add3A_1067 : i32 to index
          %get3A_1069 = arith.constant 0 : index
          %get3A_1070 = tpu.vector_load %arg11[%get3A_1068, %get3A_1069] {strides = array<i32>} : memref<80x128xf32, #tpu.memory_space<vmem>>, vector<1x16xf32>,
          %get3A_1071 = vector.shape_cast %get3A_1070 : vector<1x16xf32> to vector<16xf32>
          %get3A_1072 = arith.index_cast %add3A_1067 : i32 to index
          %get3A_1073 = arith.constant 16 : index
          %get3A_1074 = tpu.vector_load %arg11[%get3A_1072, %get3A_1073] {strides = array<i32>} : memref<80x128xf32, #tpu.memory_space<vmem>>, vector<1x16xf32>,
          %get3A_1075 = vector.shape_cast %get3A_1074 : vector<1x16xf32> to vector<16xf32>
          %get3A_1076 = arith.index_cast %add3A_1067 : i32 to index
          %get3A_1077 = arith.constant 32 : index
          %get3A_1078 = tpu.vector_load %arg11[%get3A_1076, %get3A_1077] {strides = array<i32>} : memref<80x128xf32, #tpu.memory_space<vmem>>, vector<1x16xf32>,
          %get3A_1079 = vector.shape_cast %get3A_1078 : vector<1x16xf32> to vector<16xf32>
          %get3A_1080 = arith.index_cast %add3A_1067 : i32 to index
          %get3A_1081 = arith.constant 48 : index
          %get3A_1082 = tpu.vector_load %arg11[%get3A_1080, %get3A_1081] {strides = array<i32>} : memref<80x128xf32, #tpu.memory_space<vmem>>, vector<1x16xf32>,
          %get3A_1083 = vector.shape_cast %get3A_1082 : vector<1x16xf32> to vector<16xf32>
          %get3A_1084 = arith.index_cast %add3A_1067 : i32 to index
          %get3A_1085 = arith.constant 64 : index
          %get3A_1086 = tpu.vector_load %arg11[%get3A_1084, %get3A_1085] {strides = array<i32>} : memref<80x128xf32, #tpu.memory_space<vmem>>, vector<1x16xf32>,
          %get3A_1087 = vector.shape_cast %get3A_1086 : vector<1x16xf32> to vector<16xf32>
          %get3A_1088 = arith.index_cast %add3A_1067 : i32 to index
          %get3A_1089 = arith.constant 80 : index
          %get3A_1090 = tpu.vector_load %arg11[%get3A_1088, %get3A_1089] {strides = array<i32>} : memref<80x128xf32, #tpu.memory_space<vmem>>, vector<1x16xf32>,
          %get3A_1091 = vector.shape_cast %get3A_1090 : vector<1x16xf32> to vector<16xf32>
          %get3A_1092 = arith.index_cast %add3A_1067 : i32 to index
          %get3A_1093 = arith.constant 96 : index
          %get3A_1094 = tpu.vector_load %arg11[%get3A_1092, %get3A_1093] {strides = array<i32>} : memref<80x128xf32, #tpu.memory_space<vmem>>, vector<1x16xf32>,
          %get3A_1095 = vector.shape_cast %get3A_1094 : vector<1x16xf32> to vector<16xf32>
          %get3A_1096 = arith.index_cast %add3A_1067 : i32 to index
          %get3A_1097 = arith.constant 112 : index
          %get3A_1098 = tpu.vector_load %arg11[%get3A_1096, %get3A_1097] {strides = array<i32>} : memref<80x128xf32, #tpu.memory_space<vmem>>, vector<1x16xf32>,
          %get3A_1099 = vector.shape_cast %get3A_1098 : vector<1x16xf32> to vector<16xf32>
          %mul3A_1100 = arith.mulf %get3A_1071, %get3A_1071 : vector<16xf32>
          %mul3A_1101 = arith.mulf %get3A_1075, %get3A_1075 : vector<16xf32>
          %mul3A_1102 = arith.mulf %get3A_1079, %get3A_1079 : vector<16xf32>
          %mul3A_1103 = arith.mulf %get3A_1083, %get3A_1083 : vector<16xf32>
          %mul3A_1104 = arith.mulf %get3A_1087, %get3A_1087 : vector<16xf32>
          %mul3A_1105 = arith.mulf %get3A_1091, %get3A_1091 : vector<16xf32>
          %mul3A_1106 = arith.mulf %get3A_1095, %get3A_1095 : vector<16xf32>
          %mul3A_1107 = arith.mulf %get3A_1099, %get3A_1099 : vector<16xf32>
          %add3A_1108 = arith.addf %mul3A_1100, %mul3A_1101 : vector<16xf32>
          %add3A_1109 = arith.addf %mul3A_1102, %mul3A_1103 : vector<16xf32>
          %add3A_1110 = arith.addf %mul3A_1104, %mul3A_1105 : vector<16xf32>
          %add3A_1111 = arith.addf %mul3A_1106, %mul3A_1107 : vector<16xf32>
          %add3A_1112 = arith.addf %add3A_1108, %add3A_1109 : vector<16xf32>
          %add3A_1113 = arith.addf %add3A_1110, %add3A_1111 : vector<16xf32>
          %add3A_1114 = arith.addf %add3A_1112, %add3A_1113 : vector<16xf32>
          %add3A_1115 = arith.constant 11 : i32
          %add3A_1116 = arith.addi %mul3A_271, %add3A_1115 : i32
          %get3A_1117 = arith.index_cast %add3A_1116 : i32 to index
          %get3A_1118 = arith.constant 0 : index
          %get3A_1119 = tpu.vector_load %arg11[%get3A_1117, %get3A_1118] {strides = array<i32>} : memref<80x128xf32, #tpu.memory_space<vmem>>, vector<1x16xf32>,
          %get3A_1120 = vector.shape_cast %get3A_1119 : vector<1x16xf32> to vector<16xf32>
          %get3A_1121 = arith.index_cast %add3A_1116 : i32 to index
          %get3A_1122 = arith.constant 16 : index
          %get3A_1123 = tpu.vector_load %arg11[%get3A_1121, %get3A_1122] {strides = array<i32>} : memref<80x128xf32, #tpu.memory_space<vmem>>, vector<1x16xf32>,
          %get3A_1124 = vector.shape_cast %get3A_1123 : vector<1x16xf32> to vector<16xf32>
          %get3A_1125 = arith.index_cast %add3A_1116 : i32 to index
          %get3A_1126 = arith.constant 32 : index
          %get3A_1127 = tpu.vector_load %arg11[%get3A_1125, %get3A_1126] {strides = array<i32>} : memref<80x128xf32, #tpu.memory_space<vmem>>, vector<1x16xf32>,
          %get3A_1128 = vector.shape_cast %get3A_1127 : vector<1x16xf32> to vector<16xf32>
          %get3A_1129 = arith.index_cast %add3A_1116 : i32 to index
          %get3A_1130 = arith.constant 48 : index
          %get3A_1131 = tpu.vector_load %arg11[%get3A_1129, %get3A_1130] {strides = array<i32>} : memref<80x128xf32, #tpu.memory_space<vmem>>, vector<1x16xf32>,
          %get3A_1132 = vector.shape_cast %get3A_1131 : vector<1x16xf32> to vector<16xf32>
          %get3A_1133 = arith.index_cast %add3A_1116 : i32 to index
          %get3A_1134 = arith.constant 64 : index
          %get3A_1135 = tpu.vector_load %arg11[%get3A_1133, %get3A_1134] {strides = array<i32>} : memref<80x128xf32, #tpu.memory_space<vmem>>, vector<1x16xf32>,
          %get3A_1136 = vector.shape_cast %get3A_1135 : vector<1x16xf32> to vector<16xf32>
          %get3A_1137 = arith.index_cast %add3A_1116 : i32 to index
          %get3A_1138 = arith.constant 80 : index
          %get3A_1139 = tpu.vector_load %arg11[%get3A_1137, %get3A_1138] {strides = array<i32>} : memref<80x128xf32, #tpu.memory_space<vmem>>, vector<1x16xf32>,
          %get3A_1140 = vector.shape_cast %get3A_1139 : vector<1x16xf32> to vector<16xf32>
          %get3A_1141 = arith.index_cast %add3A_1116 : i32 to index
          %get3A_1142 = arith.constant 96 : index
          %get3A_1143 = tpu.vector_load %arg11[%get3A_1141, %get3A_1142] {strides = array<i32>} : memref<80x128xf32, #tpu.memory_space<vmem>>, vector<1x16xf32>,
          %get3A_1144 = vector.shape_cast %get3A_1143 : vector<1x16xf32> to vector<16xf32>
          %get3A_1145 = arith.index_cast %add3A_1116 : i32 to index
          %get3A_1146 = arith.constant 112 : index
          %get3A_1147 = tpu.vector_load %arg11[%get3A_1145, %get3A_1146] {strides = array<i32>} : memref<80x128xf32, #tpu.memory_space<vmem>>, vector<1x16xf32>,
          %get3A_1148 = vector.shape_cast %get3A_1147 : vector<1x16xf32> to vector<16xf32>
          %mul3A_1149 = arith.mulf %get3A_1120, %get3A_1120 : vector<16xf32>
          %mul3A_1150 = arith.mulf %get3A_1124, %get3A_1124 : vector<16xf32>
          %mul3A_1151 = arith.mulf %get3A_1128, %get3A_1128 : vector<16xf32>
          %mul3A_1152 = arith.mulf %get3A_1132, %get3A_1132 : vector<16xf32>
          %mul3A_1153 = arith.mulf %get3A_1136, %get3A_1136 : vector<16xf32>
          %mul3A_1154 = arith.mulf %get3A_1140, %get3A_1140 : vector<16xf32>
          %mul3A_1155 = arith.mulf %get3A_1144, %get3A_1144 : vector<16xf32>
          %mul3A_1156 = arith.mulf %get3A_1148, %get3A_1148 : vector<16xf32>
          %add3A_1157 = arith.addf %mul3A_1149, %mul3A_1150 : vector<16xf32>
          %add3A_1158 = arith.addf %mul3A_1151, %mul3A_1152 : vector<16xf32>
          %add3A_1159 = arith.addf %mul3A_1153, %mul3A_1154 : vector<16xf32>
          %add3A_1160 = arith.addf %mul3A_1155, %mul3A_1156 : vector<16xf32>
          %add3A_1161 = arith.addf %add3A_1157, %add3A_1158 : vector<16xf32>
          %add3A_1162 = arith.addf %add3A_1159, %add3A_1160 : vector<16xf32>
          %add3A_1163 = arith.addf %add3A_1161, %add3A_1162 : vector<16xf32>
          %xor3A_1164 = arith.constant 8 : i32
          %xor3A_1165 = vector.broadcast %xor3A_1164 : i32 to vector<16xi32>
          %xor3A_1166 = arith.xori %iota3A, %xor3A_1165 : vector<16xi32>
          %broadcast_in_dim3A_1167 = vector.shape_cast %xor3A_1166 : vector<16xi32> to vector<16x1xi32>
          %gather3A_1168 = vector.shape_cast %broadcast_in_dim3A_1167 : vector<16x1xi32> to vector<16xi32>
          %gather3A_1169 = tpu.dynamic_gather %add3A_1114[%gather3A_1168] in [0] : vector<16xf32>, vector<16xi32> -> vector<16xf32>
          %add3A_1170 = arith.addf %add3A_1114, %gather3A_1169 : vector<16xf32>
          %xor3A_1171 = arith.constant 8 : i32
          %xor3A_1172 = vector.broadcast %xor3A_1171 : i32 to vector<16xi32>
          %xor3A_1173 = arith.xori %iota3A, %xor3A_1172 : vector<16xi32>
          %broadcast_in_dim3A_1174 = vector.shape_cast %xor3A_1173 : vector<16xi32> to vector<16x1xi32>
          %gather3A_1175 = vector.shape_cast %broadcast_in_dim3A_1174 : vector<16x1xi32> to vector<16xi32>
          %gather3A_1176 = tpu.dynamic_gather %add3A_1163[%gather3A_1175] in [0] : vector<16xf32>, vector<16xi32> -> vector<16xf32>
          %add3A_1177 = arith.addf %add3A_1163, %gather3A_1176 : vector<16xf32>
          %and3A_1178 = arith.constant 8 : i32
          %and3A_1179 = vector.broadcast %and3A_1178 : i32 to vector<16xi32>
          %and3A_1180 = arith.andi %iota3A, %and3A_1179 : vector<16xi32>
          %eq3A_1181 = arith.constant 0 : i32
          %eq3A_1182 = vector.broadcast %eq3A_1181 : i32 to vector<16xi32>
          %eq3A_1183 = arith.cmpi eq, %and3A_1180, %eq3A_1182 : vector<16xi32>
          %select_n3A_1184 = arith.select %eq3A_1183, %add3A_1170, %add3A_1177 : vector<16xi1>, vector<16xf32>
          %add3A_1185 = arith.constant 7 : i32
          %add3A_1186 = arith.addi %mul3A_271, %add3A_1185 : i32
          %get3A_1187 = arith.index_cast %add3A_1186 : i32 to index
          %get3A_1188 = arith.constant 0 : index
          %get3A_1189 = tpu.vector_load %arg11[%get3A_1187, %get3A_1188] {strides = array<i32>} : memref<80x128xf32, #tpu.memory_space<vmem>>, vector<1x16xf32>,
          %get3A_1190 = vector.shape_cast %get3A_1189 : vector<1x16xf32> to vector<16xf32>
          %get3A_1191 = arith.index_cast %add3A_1186 : i32 to index
          %get3A_1192 = arith.constant 16 : index
          %get3A_1193 = tpu.vector_load %arg11[%get3A_1191, %get3A_1192] {strides = array<i32>} : memref<80x128xf32, #tpu.memory_space<vmem>>, vector<1x16xf32>,
          %get3A_1194 = vector.shape_cast %get3A_1193 : vector<1x16xf32> to vector<16xf32>
          %get3A_1195 = arith.index_cast %add3A_1186 : i32 to index
          %get3A_1196 = arith.constant 32 : index
          %get3A_1197 = tpu.vector_load %arg11[%get3A_1195, %get3A_1196] {strides = array<i32>} : memref<80x128xf32, #tpu.memory_space<vmem>>, vector<1x16xf32>,
          %get3A_1198 = vector.shape_cast %get3A_1197 : vector<1x16xf32> to vector<16xf32>
          %get3A_1199 = arith.index_cast %add3A_1186 : i32 to index
          %get3A_1200 = arith.constant 48 : index
          %get3A_1201 = tpu.vector_load %arg11[%get3A_1199, %get3A_1200] {strides = array<i32>} : memref<80x128xf32, #tpu.memory_space<vmem>>, vector<1x16xf32>,
          %get3A_1202 = vector.shape_cast %get3A_1201 : vector<1x16xf32> to vector<16xf32>
          %get3A_1203 = arith.index_cast %add3A_1186 : i32 to index
          %get3A_1204 = arith.constant 64 : index
          %get3A_1205 = tpu.vector_load %arg11[%get3A_1203, %get3A_1204] {strides = array<i32>} : memref<80x128xf32, #tpu.memory_space<vmem>>, vector<1x16xf32>,
          %get3A_1206 = vector.shape_cast %get3A_1205 : vector<1x16xf32> to vector<16xf32>
          %get3A_1207 = arith.index_cast %add3A_1186 : i32 to index
          %get3A_1208 = arith.constant 80 : index
          %get3A_1209 = tpu.vector_load %arg11[%get3A_1207, %get3A_1208] {strides = array<i32>} : memref<80x128xf32, #tpu.memory_space<vmem>>, vector<1x16xf32>,
          %get3A_1210 = vector.shape_cast %get3A_1209 : vector<1x16xf32> to vector<16xf32>
          %get3A_1211 = arith.index_cast %add3A_1186 : i32 to index
          %get3A_1212 = arith.constant 96 : index
          %get3A_1213 = tpu.vector_load %arg11[%get3A_1211, %get3A_1212] {strides = array<i32>} : memref<80x128xf32, #tpu.memory_space<vmem>>, vector<1x16xf32>,
          %get3A_1214 = vector.shape_cast %get3A_1213 : vector<1x16xf32> to vector<16xf32>
          %get3A_1215 = arith.index_cast %add3A_1186 : i32 to index
          %get3A_1216 = arith.constant 112 : index
          %get3A_1217 = tpu.vector_load %arg11[%get3A_1215, %get3A_1216] {strides = array<i32>} : memref<80x128xf32, #tpu.memory_space<vmem>>, vector<1x16xf32>,
          %get3A_1218 = vector.shape_cast %get3A_1217 : vector<1x16xf32> to vector<16xf32>
          %mul3A_1219 = arith.mulf %get3A_1190, %get3A_1190 : vector<16xf32>
          %mul3A_1220 = arith.mulf %get3A_1194, %get3A_1194 : vector<16xf32>
          %mul3A_1221 = arith.mulf %get3A_1198, %get3A_1198 : vector<16xf32>
          %mul3A_1222 = arith.mulf %get3A_1202, %get3A_1202 : vector<16xf32>
          %mul3A_1223 = arith.mulf %get3A_1206, %get3A_1206 : vector<16xf32>
          %mul3A_1224 = arith.mulf %get3A_1210, %get3A_1210 : vector<16xf32>
          %mul3A_1225 = arith.mulf %get3A_1214, %get3A_1214 : vector<16xf32>
          %mul3A_1226 = arith.mulf %get3A_1218, %get3A_1218 : vector<16xf32>
          %add3A_1227 = arith.addf %mul3A_1219, %mul3A_1220 : vector<16xf32>
          %add3A_1228 = arith.addf %mul3A_1221, %mul3A_1222 : vector<16xf32>
          %add3A_1229 = arith.addf %mul3A_1223, %mul3A_1224 : vector<16xf32>
          %add3A_1230 = arith.addf %mul3A_1225, %mul3A_1226 : vector<16xf32>
          %add3A_1231 = arith.addf %add3A_1227, %add3A_1228 : vector<16xf32>
          %add3A_1232 = arith.addf %add3A_1229, %add3A_1230 : vector<16xf32>
          %add3A_1233 = arith.addf %add3A_1231, %add3A_1232 : vector<16xf32>
          %add3A_1234 = arith.constant 15 : i32
          %add3A_1235 = arith.addi %mul3A_271, %add3A_1234 : i32
          %get3A_1236 = arith.index_cast %add3A_1235 : i32 to index
          %get3A_1237 = arith.constant 0 : index
          %get3A_1238 = tpu.vector_load %arg11[%get3A_1236, %get3A_1237] {strides = array<i32>} : memref<80x128xf32, #tpu.memory_space<vmem>>, vector<1x16xf32>,
          %get3A_1239 = vector.shape_cast %get3A_1238 : vector<1x16xf32> to vector<16xf32>
          %get3A_1240 = arith.index_cast %add3A_1235 : i32 to index
          %get3A_1241 = arith.constant 16 : index
          %get3A_1242 = tpu.vector_load %arg11[%get3A_1240, %get3A_1241] {strides = array<i32>} : memref<80x128xf32, #tpu.memory_space<vmem>>, vector<1x16xf32>,
          %get3A_1243 = vector.shape_cast %get3A_1242 : vector<1x16xf32> to vector<16xf32>
          %get3A_1244 = arith.index_cast %add3A_1235 : i32 to index
          %get3A_1245 = arith.constant 32 : index
          %get3A_1246 = tpu.vector_load %arg11[%get3A_1244, %get3A_1245] {strides = array<i32>} : memref<80x128xf32, #tpu.memory_space<vmem>>, vector<1x16xf32>,
          %get3A_1247 = vector.shape_cast %get3A_1246 : vector<1x16xf32> to vector<16xf32>
          %get3A_1248 = arith.index_cast %add3A_1235 : i32 to index
          %get3A_1249 = arith.constant 48 : index
          %get3A_1250 = tpu.vector_load %arg11[%get3A_1248, %get3A_1249] {strides = array<i32>} : memref<80x128xf32, #tpu.memory_space<vmem>>, vector<1x16xf32>,
          %get3A_1251 = vector.shape_cast %get3A_1250 : vector<1x16xf32> to vector<16xf32>
          %get3A_1252 = arith.index_cast %add3A_1235 : i32 to index
          %get3A_1253 = arith.constant 64 : index
          %get3A_1254 = tpu.vector_load %arg11[%get3A_1252, %get3A_1253] {strides = array<i32>} : memref<80x128xf32, #tpu.memory_space<vmem>>, vector<1x16xf32>,
          %get3A_1255 = vector.shape_cast %get3A_1254 : vector<1x16xf32> to vector<16xf32>
          %get3A_1256 = arith.index_cast %add3A_1235 : i32 to index
          %get3A_1257 = arith.constant 80 : index
          %get3A_1258 = tpu.vector_load %arg11[%get3A_1256, %get3A_1257] {strides = array<i32>} : memref<80x128xf32, #tpu.memory_space<vmem>>, vector<1x16xf32>,
          %get3A_1259 = vector.shape_cast %get3A_1258 : vector<1x16xf32> to vector<16xf32>
          %get3A_1260 = arith.index_cast %add3A_1235 : i32 to index
          %get3A_1261 = arith.constant 96 : index
          %get3A_1262 = tpu.vector_load %arg11[%get3A_1260, %get3A_1261] {strides = array<i32>} : memref<80x128xf32, #tpu.memory_space<vmem>>, vector<1x16xf32>,
          %get3A_1263 = vector.shape_cast %get3A_1262 : vector<1x16xf32> to vector<16xf32>
          %get3A_1264 = arith.index_cast %add3A_1235 : i32 to index
          %get3A_1265 = arith.constant 112 : index
          %get3A_1266 = tpu.vector_load %arg11[%get3A_1264, %get3A_1265] {strides = array<i32>} : memref<80x128xf32, #tpu.memory_space<vmem>>, vector<1x16xf32>,
          %get3A_1267 = vector.shape_cast %get3A_1266 : vector<1x16xf32> to vector<16xf32>
          %mul3A_1268 = arith.mulf %get3A_1239, %get3A_1239 : vector<16xf32>
          %mul3A_1269 = arith.mulf %get3A_1243, %get3A_1243 : vector<16xf32>
          %mul3A_1270 = arith.mulf %get3A_1247, %get3A_1247 : vector<16xf32>
          %mul3A_1271 = arith.mulf %get3A_1251, %get3A_1251 : vector<16xf32>
          %mul3A_1272 = arith.mulf %get3A_1255, %get3A_1255 : vector<16xf32>
          %mul3A_1273 = arith.mulf %get3A_1259, %get3A_1259 : vector<16xf32>
          %mul3A_1274 = arith.mulf %get3A_1263, %get3A_1263 : vector<16xf32>
          %mul3A_1275 = arith.mulf %get3A_1267, %get3A_1267 : vector<16xf32>
          %add3A_1276 = arith.addf %mul3A_1268, %mul3A_1269 : vector<16xf32>
          %add3A_1277 = arith.addf %mul3A_1270, %mul3A_1271 : vector<16xf32>
          %add3A_1278 = arith.addf %mul3A_1272, %mul3A_1273 : vector<16xf32>
          %add3A_1279 = arith.addf %mul3A_1274, %mul3A_1275 : vector<16xf32>
          %add3A_1280 = arith.addf %add3A_1276, %add3A_1277 : vector<16xf32>
          %add3A_1281 = arith.addf %add3A_1278, %add3A_1279 : vector<16xf32>
          %add3A_1282 = arith.addf %add3A_1280, %add3A_1281 : vector<16xf32>
          %xor3A_1283 = arith.constant 8 : i32
          %xor3A_1284 = vector.broadcast %xor3A_1283 : i32 to vector<16xi32>
          %xor3A_1285 = arith.xori %iota3A, %xor3A_1284 : vector<16xi32>
          %broadcast_in_dim3A_1286 = vector.shape_cast %xor3A_1285 : vector<16xi32> to vector<16x1xi32>
          %gather3A_1287 = vector.shape_cast %broadcast_in_dim3A_1286 : vector<16x1xi32> to vector<16xi32>
          %gather3A_1288 = tpu.dynamic_gather %add3A_1233[%gather3A_1287] in [0] : vector<16xf32>, vector<16xi32> -> vector<16xf32>
          %add3A_1289 = arith.addf %add3A_1233, %gather3A_1288 : vector<16xf32>
          %xor3A_1290 = arith.constant 8 : i32
          %xor3A_1291 = vector.broadcast %xor3A_1290 : i32 to vector<16xi32>
          %xor3A_1292 = arith.xori %iota3A, %xor3A_1291 : vector<16xi32>
          %broadcast_in_dim3A_1293 = vector.shape_cast %xor3A_1292 : vector<16xi32> to vector<16x1xi32>
          %gather3A_1294 = vector.shape_cast %broadcast_in_dim3A_1293 : vector<16x1xi32> to vector<16xi32>
          %gather3A_1295 = tpu.dynamic_gather %add3A_1282[%gather3A_1294] in [0] : vector<16xf32>, vector<16xi32> -> vector<16xf32>
          %add3A_1296 = arith.addf %add3A_1282, %gather3A_1295 : vector<16xf32>
          %and3A_1297 = arith.constant 8 : i32
          %and3A_1298 = vector.broadcast %and3A_1297 : i32 to vector<16xi32>
          %and3A_1299 = arith.andi %iota3A, %and3A_1298 : vector<16xi32>
          %eq3A_1300 = arith.constant 0 : i32
          %eq3A_1301 = vector.broadcast %eq3A_1300 : i32 to vector<16xi32>
          %eq3A_1302 = arith.cmpi eq, %and3A_1299, %eq3A_1301 : vector<16xi32>
          %select_n3A_1303 = arith.select %eq3A_1302, %add3A_1289, %add3A_1296 : vector<16xi1>, vector<16xf32>
          %xor3A_1304 = arith.constant 4 : i32
          %xor3A_1305 = vector.broadcast %xor3A_1304 : i32 to vector<16xi32>
          %xor3A_1306 = arith.xori %iota3A, %xor3A_1305 : vector<16xi32>
          %broadcast_in_dim3A_1307 = vector.shape_cast %xor3A_1306 : vector<16xi32> to vector<16x1xi32>
          %gather3A_1308 = vector.shape_cast %broadcast_in_dim3A_1307 : vector<16x1xi32> to vector<16xi32>
          %gather3A_1309 = tpu.dynamic_gather %select_n3A_1184[%gather3A_1308] in [0] : vector<16xf32>, vector<16xi32> -> vector<16xf32>
          %add3A_1310 = arith.addf %select_n3A_1184, %gather3A_1309 : vector<16xf32>
          %xor3A_1311 = arith.constant 4 : i32
          %xor3A_1312 = vector.broadcast %xor3A_1311 : i32 to vector<16xi32>
          %xor3A_1313 = arith.xori %iota3A, %xor3A_1312 : vector<16xi32>
          %broadcast_in_dim3A_1314 = vector.shape_cast %xor3A_1313 : vector<16xi32> to vector<16x1xi32>
          %gather3A_1315 = vector.shape_cast %broadcast_in_dim3A_1314 : vector<16x1xi32> to vector<16xi32>
          %gather3A_1316 = tpu.dynamic_gather %select_n3A_1303[%gather3A_1315] in [0] : vector<16xf32>, vector<16xi32> -> vector<16xf32>
          %add3A_1317 = arith.addf %select_n3A_1303, %gather3A_1316 : vector<16xf32>
          %and3A_1318 = arith.constant 4 : i32
          %and3A_1319 = vector.broadcast %and3A_1318 : i32 to vector<16xi32>
          %and3A_1320 = arith.andi %iota3A, %and3A_1319 : vector<16xi32>
          %eq3A_1321 = arith.constant 0 : i32
          %eq3A_1322 = vector.broadcast %eq3A_1321 : i32 to vector<16xi32>
          %eq3A_1323 = arith.cmpi eq, %and3A_1320, %eq3A_1322 : vector<16xi32>
          %select_n3A_1324 = arith.select %eq3A_1323, %add3A_1310, %add3A_1317 : vector<16xi1>, vector<16xf32>
          %xor3A_1325 = arith.constant 2 : i32
          %xor3A_1326 = vector.broadcast %xor3A_1325 : i32 to vector<16xi32>
          %xor3A_1327 = arith.xori %iota3A, %xor3A_1326 : vector<16xi32>
          %broadcast_in_dim3A_1328 = vector.shape_cast %xor3A_1327 : vector<16xi32> to vector<16x1xi32>
          %gather3A_1329 = vector.shape_cast %broadcast_in_dim3A_1328 : vector<16x1xi32> to vector<16xi32>
          %gather3A_1330 = tpu.dynamic_gather %select_n3A_1065[%gather3A_1329] in [0] : vector<16xf32>, vector<16xi32> -> vector<16xf32>
          %add3A_1331 = arith.addf %select_n3A_1065, %gather3A_1330 : vector<16xf32>
          %xor3A_1332 = arith.constant 2 : i32
          %xor3A_1333 = vector.broadcast %xor3A_1332 : i32 to vector<16xi32>
          %xor3A_1334 = arith.xori %iota3A, %xor3A_1333 : vector<16xi32>
          %broadcast_in_dim3A_1335 = vector.shape_cast %xor3A_1334 : vector<16xi32> to vector<16x1xi32>
          %gather3A_1336 = vector.shape_cast %broadcast_in_dim3A_1335 : vector<16x1xi32> to vector<16xi32>
          %gather3A_1337 = tpu.dynamic_gather %select_n3A_1324[%gather3A_1336] in [0] : vector<16xf32>, vector<16xi32> -> vector<16xf32>
          %add3A_1338 = arith.addf %select_n3A_1324, %gather3A_1337 : vector<16xf32>
          %and3A_1339 = arith.constant 2 : i32
          %and3A_1340 = vector.broadcast %and3A_1339 : i32 to vector<16xi32>
          %and3A_1341 = arith.andi %iota3A, %and3A_1340 : vector<16xi32>
          %eq3A_1342 = arith.constant 0 : i32
          %eq3A_1343 = vector.broadcast %eq3A_1342 : i32 to vector<16xi32>
          %eq3A_1344 = arith.cmpi eq, %and3A_1341, %eq3A_1343 : vector<16xi32>
          %select_n3A_1345 = arith.select %eq3A_1344, %add3A_1331, %add3A_1338 : vector<16xi1>, vector<16xf32>
          %xor3A_1346 = arith.constant 1 : i32
          %xor3A_1347 = vector.broadcast %xor3A_1346 : i32 to vector<16xi32>
          %xor3A_1348 = arith.xori %iota3A, %xor3A_1347 : vector<16xi32>
          %broadcast_in_dim3A_1349 = vector.shape_cast %xor3A_1348 : vector<16xi32> to vector<16x1xi32>
          %gather3A_1350 = vector.shape_cast %broadcast_in_dim3A_1349 : vector<16x1xi32> to vector<16xi32>
          %gather3A_1351 = tpu.dynamic_gather %select_n3A_806[%gather3A_1350] in [0] : vector<16xf32>, vector<16xi32> -> vector<16xf32>
          %add3A_1352 = arith.addf %select_n3A_806, %gather3A_1351 : vector<16xf32>
          %xor3A_1353 = arith.constant 1 : i32
          %xor3A_1354 = vector.broadcast %xor3A_1353 : i32 to vector<16xi32>
          %xor3A_1355 = arith.xori %iota3A, %xor3A_1354 : vector<16xi32>
          %broadcast_in_dim3A_1356 = vector.shape_cast %xor3A_1355 : vector<16xi32> to vector<16x1xi32>
          %gather3A_1357 = vector.shape_cast %broadcast_in_dim3A_1356 : vector<16x1xi32> to vector<16xi32>
          %gather3A_1358 = tpu.dynamic_gather %select_n3A_1345[%gather3A_1357] in [0] : vector<16xf32>, vector<16xi32> -> vector<16xf32>
          %add3A_1359 = arith.addf %select_n3A_1345, %gather3A_1358 : vector<16xf32>
          %and3A_1360 = arith.constant 1 : i32
          %and3A_1361 = vector.broadcast %and3A_1360 : i32 to vector<16xi32>
          %and3A_1362 = arith.andi %iota3A, %and3A_1361 : vector<16xi32>
          %eq3A_1363 = arith.constant 0 : i32
          %eq3A_1364 = vector.broadcast %eq3A_1363 : i32 to vector<16xi32>
          %eq3A_1365 = arith.cmpi eq, %and3A_1362, %eq3A_1364 : vector<16xi32>
          %select_n3A_1366 = arith.select %eq3A_1365, %add3A_1352, %add3A_1359 : vector<16xi1>, vector<16xf32>
          %get3A_1367 = arith.constant 0 : i32
          %get3A_1368 = arith.index_cast %get3A_1367 : i32 to index
          %get3A_1369 = arith.index_cast %mul3A_271 : i32 to index
          %get3A_1370 = tpu.vector_load %arg14[%get3A_1368, %get3A_1369] {strides = array<i32>} : memref<3x80xf32, #tpu.memory_space<vmem>>, vector<1x16xf32>,
          %get3A_1371 = vector.shape_cast %get3A_1370 : vector<1x16xf32> to vector<16xf32>
          %get3A_1372 = arith.constant 0 : i32
          %get3A_1373 = arith.index_cast %get3A_1372 : i32 to index
          %get3A_1374 = arith.index_cast %mul3A_271 : i32 to index
          %get3A_1375 = tpu.vector_load %arg15[%get3A_1373, %get3A_1374] {strides = array<i32>} : memref<3x80xf32, #tpu.memory_space<vmem>>, vector<1x16xf32>,
          %get3A_1376 = vector.shape_cast %get3A_1375 : vector<1x16xf32> to vector<16xf32>
          %sub3A = arith.subf %select_n3A_1366, %get3A_1371 : vector<16xf32>
          %sub3A_1377 = arith.subf %sub3A, %get3A_1376 : vector<16xf32>
          %mul3A_1378 = arith.constant 5.000000e-01 : f32
          %mul3A_1379 = vector.broadcast %mul3A_1378 : f32 to vector<16xf32>
          %mul3A_1380 = arith.mulf %sub3A_1377, %mul3A_1379 : vector<16xf32>
          %neg3A = arith.constant 0.000000e+00 : f32
          %neg3A_1381 = vector.broadcast %neg3A : f32 to vector<16xf32>
          %neg3A_1382 = arith.subf %neg3A_1381, %mul3A_1380 : vector<16xf32>
          %exp3A = math.exp %neg3A_1382 : vector<16xf32>
          %add3A_1383 = arith.constant 1.000000e+00 : f32
          %add3A_1384 = vector.broadcast %add3A_1383 : f32 to vector<16xf32>
          %add3A_1385 = arith.addf %add3A_1384, %exp3A : vector<16xf32>
          %div3A = arith.constant 1.000000e+00 : f32
          %div3A_1386 = vector.broadcast %div3A : f32 to vector<16xf32>
          %div3A_1387 = arith.divf %div3A_1386, %add3A_1385 : vector<16xf32>
          %swap3A = arith.constant 0 : i32
          %swap3A_1388 = arith.index_cast %swap3A : i32 to index
          %swap3A_1389 = arith.index_cast %mul3A_271 : i32 to index
          %swap3A_1390 = tpu.vector_load %arg16[%swap3A_1388, %swap3A_1389] {strides = array<i32>} : memref<3x80xf32, #tpu.memory_space<vmem>>, vector<1x16xf32>,
          %swap3A_1391 = vector.shape_cast %swap3A_1390 : vector<1x16xf32> to vector<16xf32>
          %swap3A_1392 = vector.shape_cast %div3A_1387 : vector<16xf32> to vector<1x16xf32>
          tpu.vector_store %arg16[%swap3A_1388, %swap3A_1389], %swap3A_1392 {strides = array<i32>} : memref<3x80xf32, #tpu.memory_space<vmem>>, vector<1x16xf32>,
        }
        %scan3A_242 = arith.constant 5 : i32
        %mul3A_243 = arith.constant 80 : i32
        %mul3A_244 = arith.muli %scan3A_154, %mul3A_243 : i32
        %add3A_245 = arith.addi %mul3A_2, %mul3A_244 : i32
        %dma_start3A_246 = arith.constant 0 : i32
        %dma_start3A_247 = arith.constant 0 : i32
        %dma_start3A_248 = tpu.memref_slice %arg16[%dma_start3A_246, %dma_start3A_247] : memref<3x80xf32, #tpu.memory_space<vmem>> -> memref<1x80xf32, #tpu.memory_space<vmem>>
        %dma_start3A_249 = tpu.memref_squeeze %dma_start3A_248 : memref<1x80xf32, #tpu.memory_space<vmem>> -> memref<80xf32, #tpu.memory_space<vmem>>
        %dma_start3A_250 = tpu.memref_slice %arg8[%add3A_245] : memref<320000xf32, #tpu.memory_space<hbm>> -> memref<80xf32, #tpu.memory_space<hbm>>
        %dma_start3A_251 = tpu.memref_slice %arg8[%add3A_245] : memref<320000xf32, #tpu.memory_space<hbm>> -> memref<80xf32, #tpu.memory_space<hbm>>
        %dma_start3A_252 = arith.constant 0 : i32
        %dma_start3A_253 = tpu.memref_slice %arg16[%dma_start3A_246, %dma_start3A_252] : memref<3x80xf32, #tpu.memory_space<vmem>> -> memref<1x80xf32, #tpu.memory_space<vmem>>
        %dma_start3A_254 = tpu.memref_squeeze %dma_start3A_253 : memref<1x80xf32, #tpu.memory_space<vmem>> -> memref<80xf32, #tpu.memory_space<vmem>>
        tpu.enqueue_dma source(%dma_start3A_254 : memref<80xf32, #tpu.memory_space<vmem>>) target(%dma_start3A_251 : memref<80xf32, #tpu.memory_space<hbm>>) target_semaphore(%arg26 : memref<!tpu.dma_semaphore, #tpu.memory_space<semaphore_mem>>)
        %add3A_255 = arith.constant 3 : i32
        %add3A_256 = arith.addi %scan3A_154, %add3A_255 : i32
        %lt3A_257 = arith.constant 125 : i32
        %lt3A_258 = arith.cmpi slt, %add3A_256, %lt3A_257 : i32
        %convert_element_type3A_259 = arith.extui %lt3A_258 : i1 to i32
        %cond3A_260 = arith.constant 0 : i32
        %cond3A_261 = arith.cmpi ne, %convert_element_type3A_259, %cond3A_260 : i32
        scf.if %cond3A_261 {
          %add3A_269 = arith.constant 3 : i32
          %add3A_270 = arith.addi %scan3A_154, %add3A_269 : i32
          %mul3A_271 = arith.constant 80 : i32
          %mul3A_272 = arith.muli %add3A_270, %mul3A_271 : i32
          %dma_start3A_273 = tpu.memref_slice %arg9[%mul3A_272] : memref<10000xi32, #tpu.memory_space<vmem>> -> memref<80xi32, #tpu.memory_space<vmem>>
          %dma_start3A_274 = arith.constant 0 : i32
          %dma_start3A_275 = arith.constant 0 : i32
          %dma_start3A_276 = tpu.memref_slice %arg2[%dma_start3A_274, %dma_start3A_275] : memref<10000x128xf32, #tpu.memory_space<hbm>> -> memref<10000x128xf32, #tpu.memory_space<hbm>>
          tpu.enqueue_indirect_dma source(%dma_start3A_276 : memref<10000x128xf32, #tpu.memory_space<hbm>>) target(%arg11 : memref<80x128xf32, #tpu.memory_space<vmem>>) offsets(%dma_start3A_273 : memref<80xi32, #tpu.memory_space<vmem>>) semaphore(%arg17 : memref<!tpu.dma_semaphore, #tpu.memory_space<semaphore_mem>>)
          %add3A_277 = arith.constant 3 : i32
          %add3A_278 = arith.addi %scan3A_154, %add3A_277 : i32
          %mul3A_279 = arith.constant 80 : i32
          %mul3A_280 = arith.muli %add3A_278, %mul3A_279 : i32
          %dma_start3A_281 = arith.constant 0 : i32
          %dma_start3A_282 = arith.constant 0 : i32
          %dma_start3A_283 = tpu.memref_slice %arg14[%dma_start3A_281, %dma_start3A_282] : memref<3x80xf32, #tpu.memory_space<vmem>> -> memref<1x80xf32, #tpu.memory_space<vmem>>
          %dma_start3A_284 = tpu.memref_squeeze %dma_start3A_283 : memref<1x80xf32, #tpu.memory_space<vmem>> -> memref<80xf32, #tpu.memory_space<vmem>>
          %dma_start3A_285 = tpu.memref_slice %arg9[%mul3A_280] : memref<10000xi32, #tpu.memory_space<vmem>> -> memref<80xi32, #tpu.memory_space<vmem>>
          %dma_start3A_286 = arith.constant 0 : i32
          %dma_start3A_287 = tpu.memref_slice %arg6[%dma_start3A_286] : memref<10000xf32, #tpu.memory_space<hbm>> -> memref<10000xf32, #tpu.memory_space<hbm>>
          tpu.enqueue_indirect_dma source(%dma_start3A_287 : memref<10000xf32, #tpu.memory_space<hbm>>) target(%dma_start3A_284 : memref<80xf32, #tpu.memory_space<vmem>>) offsets(%dma_start3A_285 : memref<80xi32, #tpu.memory_space<vmem>>) semaphore(%arg23 : memref<!tpu.dma_semaphore, #tpu.memory_space<semaphore_mem>>)
          %add3A_288 = arith.constant 3 : i32
          %add3A_289 = arith.addi %scan3A_154, %add3A_288 : i32
          %mul3A_290 = arith.constant 80 : i32
          %mul3A_291 = arith.muli %add3A_289, %mul3A_290 : i32
          %dma_start3A_292 = arith.constant 0 : i32
          %dma_start3A_293 = arith.constant 0 : i32
          %dma_start3A_294 = tpu.memref_slice %arg15[%dma_start3A_292, %dma_start3A_293] : memref<3x80xf32, #tpu.memory_space<vmem>> -> memref<1x80xf32, #tpu.memory_space<vmem>>
          %dma_start3A_295 = tpu.memref_squeeze %dma_start3A_294 : memref<1x80xf32, #tpu.memory_space<vmem>> -> memref<80xf32, #tpu.memory_space<vmem>>
          %dma_start3A_296 = tpu.memref_slice %arg10[%mul3A_291] : memref<10000xi32, #tpu.memory_space<vmem>> -> memref<80xi32, #tpu.memory_space<vmem>>
          %dma_start3A_297 = arith.constant 0 : i32
          %dma_start3A_298 = tpu.memref_slice %arg7[%dma_start3A_297] : memref<10000xf32, #tpu.memory_space<hbm>> -> memref<10000xf32, #tpu.memory_space<hbm>>
          tpu.enqueue_indirect_dma source(%dma_start3A_298 : memref<10000xf32, #tpu.memory_space<hbm>>) target(%dma_start3A_295 : memref<80xf32, #tpu.memory_space<vmem>>) offsets(%dma_start3A_296 : memref<80xi32, #tpu.memory_space<vmem>>) semaphore(%arg23 : memref<!tpu.dma_semaphore, #tpu.memory_space<semaphore_mem>>)
        } else {
        }
        %add3A_262 = arith.constant 2 : i32
        %add3A_263 = arith.addi %scan3A_154, %add3A_262 : i32
        %lt3A_264 = arith.constant 125 : i32
        %lt3A_265 = arith.cmpi slt, %add3A_263, %lt3A_264 : i32
        %convert_element_type3A_266 = arith.extui %lt3A_265 : i1 to i32
        %cond3A_267 = arith.constant 0 : i32
        %cond3A_268 = arith.cmpi ne, %convert_element_type3A_266, %cond3A_267 : i32
        scf.if %cond3A_268 {
          %add3A_269 = arith.constant 2 : i32
          %add3A_270 = arith.addi %scan3A_154, %add3A_269 : i32
          %mul3A_271 = arith.constant 80 : i32
          %mul3A_272 = arith.muli %add3A_270, %mul3A_271 : i32
          %dma_wait3A_273 = tpu.memref_slice %arg9[%mul3A_272] : memref<10000xi32, #tpu.memory_space<vmem>> -> memref<80xi32, #tpu.memory_space<vmem>>
          %dma_wait3A_274 = arith.constant 0 : i32
          %dma_wait3A_275 = arith.constant 0 : i32
          %dma_wait3A_276 = tpu.memref_slice %arg2[%dma_wait3A_274, %dma_wait3A_275] : memref<10000x128xf32, #tpu.memory_space<hbm>> -> memref<10000x128xf32, #tpu.memory_space<hbm>>
          tpu.wait_indirect_dma semaphore(%arg19 : memref<!tpu.dma_semaphore, #tpu.memory_space<semaphore_mem>>) src(%dma_wait3A_276 : memref<10000x128xf32, #tpu.memory_space<hbm>>) dst(%arg13 : memref<80x128xf32, #tpu.memory_space<vmem>>)
          %add3A_277 = arith.constant 2 : i32
          %add3A_278 = arith.addi %scan3A_154, %add3A_277 : i32
          %mul3A_279 = arith.constant 80 : i32
          %mul3A_280 = arith.muli %add3A_278, %mul3A_279 : i32
          %dma_start3A_281 = tpu.memref_slice %arg10[%mul3A_280] : memref<10000xi32, #tpu.memory_space<vmem>> -> memref<80xi32, #tpu.memory_space<vmem>>
          %dma_start3A_282 = arith.constant 0 : i32
          %dma_start3A_283 = arith.constant 0 : i32
          %dma_start3A_284 = tpu.memref_slice %arg3[%dma_start3A_282, %dma_start3A_283] : memref<10000x128xf32, #tpu.memory_space<hbm>> -> memref<10000x128xf32, #tpu.memory_space<hbm>>
          tpu.enqueue_indirect_dma source(%dma_start3A_284 : memref<10000x128xf32, #tpu.memory_space<hbm>>) target(%arg13 : memref<80x128xf32, #tpu.memory_space<vmem>>) offsets(%dma_start3A_281 : memref<80xi32, #tpu.memory_space<vmem>>) semaphore(%arg22 : memref<!tpu.dma_semaphore, #tpu.memory_space<semaphore_mem>>) {add = true}
        } else {
        }
      } else {
      }
      %jit3A_167 = arith.constant 3 : i32
      %eq3A_168 = arith.constant 0 : i32
      %eq3A_169 = arith.cmpi eq, %jit3A_167, %eq3A_168 : i32
      %jit3A_170 = arith.constant 1 : i32
      %select_n3A_171 = arith.select %eq3A_169, %jit3A_170, %jit3A_167 : i32
      %rem3A_172 = arith.remsi %scan3A_154, %select_n3A_171 : i32
      %ne3A_173 = arith.constant 0 : i32
      %ne3A_174 = arith.cmpi ne, %rem3A_172, %ne3A_173 : i32
      %lt3A_175 = arith.constant 0 : i32
      %lt3A_176 = arith.cmpi slt, %rem3A_172, %lt3A_175 : i32
      %lt3A_177 = arith.constant 0 : i32
      %lt3A_178 = arith.cmpi slt, %select_n3A_171, %lt3A_177 : i32
      %ne3A_179 = arith.xori %lt3A_176, %lt3A_178 : i1
      %and3A_180 = arith.andi %ne3A_179, %ne3A_174 : i1
      %add3A_181 = arith.addi %rem3A_172, %select_n3A_171 : i32
      %select_n3A_182 = arith.select %and3A_180, %add3A_181, %rem3A_172 : i32
      %eq3A_183 = arith.constant 1 : i32
      %eq3A_184 = arith.cmpi eq, %select_n3A_182, %eq3A_183 : i32
      %convert_element_type3A_185 = arith.extui %eq3A_184 : i1 to i32
      %cond3A_186 = arith.constant 0 : i32
      %cond3A_187 = arith.cmpi ne, %convert_element_type3A_185, %cond3A_186 : i32
      scf.if %cond3A_187 {
        %mul3A_209 = arith.constant 80 : i32
        %mul3A_210 = arith.muli %scan3A_154, %mul3A_209 : i32
        %dma_wait3A_211 = tpu.memref_slice %arg10[%mul3A_210] : memref<10000xi32, #tpu.memory_space<vmem>> -> memref<80xi32, #tpu.memory_space<vmem>>
        %dma_wait3A_212 = arith.constant 0 : i32
        %dma_wait3A_213 = arith.constant 0 : i32
        %dma_wait3A_214 = tpu.memref_slice %arg3[%dma_wait3A_212, %dma_wait3A_213] : memref<10000x128xf32, #tpu.memory_space<hbm>> -> memref<10000x128xf32, #tpu.memory_space<hbm>>
        tpu.wait_indirect_dma semaphore(%arg21 : memref<!tpu.dma_semaphore, #tpu.memory_space<semaphore_mem>>) src(%dma_wait3A_214 : memref<10000x128xf32, #tpu.memory_space<hbm>>) dst(%arg12 : memref<80x128xf32, #tpu.memory_space<vmem>>)
        %mul3A_215 = arith.constant 80 : i32
        %mul3A_216 = arith.muli %scan3A_154, %mul3A_215 : i32
        %dma_wait3A_217 = arith.constant 1 : i32
        %dma_wait3A_218 = arith.constant 0 : i32
        %dma_wait3A_219 = tpu.memref_slice %arg14[%dma_wait3A_217, %dma_wait3A_218] : memref<3x80xf32, #tpu.memory_space<vmem>> -> memref<1x80xf32, #tpu.memory_space<vmem>>
        %dma_wait3A_220 = tpu.memref_squeeze %dma_wait3A_219 : memref<1x80xf32, #tpu.memory_space<vmem>> -> memref<80xf32, #tpu.memory_space<vmem>>
        %dma_wait3A_221 = tpu.memref_slice %arg9[%mul3A_216] : memref<10000xi32, #tpu.memory_space<vmem>> -> memref<80xi32, #tpu.memory_space<vmem>>
        %dma_wait3A_222 = arith.constant 0 : i32
        %dma_wait3A_223 = tpu.memref_slice %arg6[%dma_wait3A_222] : memref<10000xf32, #tpu.memory_space<hbm>> -> memref<10000xf32, #tpu.memory_space<hbm>>
        tpu.wait_indirect_dma semaphore(%arg24 : memref<!tpu.dma_semaphore, #tpu.memory_space<semaphore_mem>>) src(%dma_wait3A_223 : memref<10000xf32, #tpu.memory_space<hbm>>) dst(%dma_wait3A_220 : memref<80xf32, #tpu.memory_space<vmem>>)
        %mul3A_224 = arith.constant 80 : i32
        %mul3A_225 = arith.muli %scan3A_154, %mul3A_224 : i32
        %dma_wait3A_226 = arith.constant 1 : i32
        %dma_wait3A_227 = arith.constant 0 : i32
        %dma_wait3A_228 = tpu.memref_slice %arg15[%dma_wait3A_226, %dma_wait3A_227] : memref<3x80xf32, #tpu.memory_space<vmem>> -> memref<1x80xf32, #tpu.memory_space<vmem>>
        %dma_wait3A_229 = tpu.memref_squeeze %dma_wait3A_228 : memref<1x80xf32, #tpu.memory_space<vmem>> -> memref<80xf32, #tpu.memory_space<vmem>>
        %dma_wait3A_230 = tpu.memref_slice %arg10[%mul3A_225] : memref<10000xi32, #tpu.memory_space<vmem>> -> memref<80xi32, #tpu.memory_space<vmem>>
        %dma_wait3A_231 = arith.constant 0 : i32
        %dma_wait3A_232 = tpu.memref_slice %arg7[%dma_wait3A_231] : memref<10000xf32, #tpu.memory_space<hbm>> -> memref<10000xf32, #tpu.memory_space<hbm>>
        tpu.wait_indirect_dma semaphore(%arg24 : memref<!tpu.dma_semaphore, #tpu.memory_space<semaphore_mem>>) src(%dma_wait3A_232 : memref<10000xf32, #tpu.memory_space<hbm>>) dst(%dma_wait3A_229 : memref<80xf32, #tpu.memory_space<vmem>>)
        %ge3A = arith.constant 3 : i32
        %ge3A_233 = arith.cmpi sge, %scan3A_154, %ge3A : i32
        %convert_element_type3A_234 = arith.extui %ge3A_233 : i1 to i32
        %cond3A_235 = arith.constant 0 : i32
        %cond3A_236 = arith.cmpi ne, %convert_element_type3A_234, %cond3A_235 : i32
        scf.if %cond3A_236 {
          %mul3A_269 = arith.constant 80 : i32
          %mul3A_270 = arith.muli %scan3A_154, %mul3A_269 : i32
          %add3A_271 = arith.addi %mul3A_2, %mul3A_270 : i32
          %dma_wait3A_272 = arith.constant 1 : i32
          %dma_wait3A_273 = arith.constant 0 : i32
          %dma_wait3A_274 = tpu.memref_slice %arg16[%dma_wait3A_272, %dma_wait3A_273] : memref<3x80xf32, #tpu.memory_space<vmem>> -> memref<1x80xf32, #tpu.memory_space<vmem>>
          %dma_wait3A_275 = tpu.memref_squeeze %dma_wait3A_274 : memref<1x80xf32, #tpu.memory_space<vmem>> -> memref<80xf32, #tpu.memory_space<vmem>>
          %dma_wait3A_276 = tpu.memref_slice %arg8[%add3A_271] : memref<320000xf32, #tpu.memory_space<hbm>> -> memref<80xf32, #tpu.memory_space<hbm>>
          %dma_wait3A_277 = tpu.memref_slice %arg8[%add3A_271] : memref<320000xf32, #tpu.memory_space<hbm>> -> memref<80xf32, #tpu.memory_space<hbm>>
          %dma_wait3A_278 = arith.constant 0 : i32
          %dma_wait3A_279 = tpu.memref_slice %arg16[%dma_wait3A_272, %dma_wait3A_278] : memref<3x80xf32, #tpu.memory_space<vmem>> -> memref<1x80xf32, #tpu.memory_space<vmem>>
          %dma_wait3A_280 = tpu.memref_squeeze %dma_wait3A_279 : memref<1x80xf32, #tpu.memory_space<vmem>> -> memref<80xf32, #tpu.memory_space<vmem>>
          tpu.wait_dma2 semaphore(%arg27 : memref<!tpu.dma_semaphore, #tpu.memory_space<semaphore_mem>>) src(%dma_wait3A_280 : memref<80xf32, #tpu.memory_space<vmem>>) dst(%dma_wait3A_277 : memref<80xf32, #tpu.memory_space<hbm>>)
        } else {
        }
        %scan3A_237 = arith.constant 0 : i32
        %scan3A_238 = arith.constant 0 : i32
        %scan3A_239 = arith.constant 5 : i32
        %scan3A_240 = arith.addi %scan3A_238, %scan3A_239 : i32
        %scan3A_241 = arith.constant 1 : i32
        scf.for %scan3A_269 = %scan3A_238 to %scan3A_240 step %scan3A_241  : i32 {
          %mul3A_270 = arith.constant 16 : i32
          %mul3A_271 = arith.muli %scan3A_269, %mul3A_270 : i32
          %add3A_272 = arith.constant 0 : i32
          %add3A_273 = arith.addi %mul3A_271, %add3A_272 : i32
          %get3A = arith.index_cast %add3A_273 : i32 to index
          %get3A_274 = arith.constant 0 : index
          %get3A_275 = tpu.vector_load %arg12[%get3A, %get3A_274] {strides = array<i32>} : memref<80x128xf32, #tpu.memory_space<vmem>>, vector<1x16xf32>,
          %get3A_276 = vector.shape_cast %get3A_275 : vector<1x16xf32> to vector<16xf32>
          %get3A_277 = arith.index_cast %add3A_273 : i32 to index
          %get3A_278 = arith.constant 16 : index
          %get3A_279 = tpu.vector_load %arg12[%get3A_277, %get3A_278] {strides = array<i32>} : memref<80x128xf32, #tpu.memory_space<vmem>>, vector<1x16xf32>,
          %get3A_280 = vector.shape_cast %get3A_279 : vector<1x16xf32> to vector<16xf32>
          %get3A_281 = arith.index_cast %add3A_273 : i32 to index
          %get3A_282 = arith.constant 32 : index
          %get3A_283 = tpu.vector_load %arg12[%get3A_281, %get3A_282] {strides = array<i32>} : memref<80x128xf32, #tpu.memory_space<vmem>>, vector<1x16xf32>,
          %get3A_284 = vector.shape_cast %get3A_283 : vector<1x16xf32> to vector<16xf32>
          %get3A_285 = arith.index_cast %add3A_273 : i32 to index
          %get3A_286 = arith.constant 48 : index
          %get3A_287 = tpu.vector_load %arg12[%get3A_285, %get3A_286] {strides = array<i32>} : memref<80x128xf32, #tpu.memory_space<vmem>>, vector<1x16xf32>,
          %get3A_288 = vector.shape_cast %get3A_287 : vector<1x16xf32> to vector<16xf32>
          %get3A_289 = arith.index_cast %add3A_273 : i32 to index
          %get3A_290 = arith.constant 64 : index
          %get3A_291 = tpu.vector_load %arg12[%get3A_289, %get3A_290] {strides = array<i32>} : memref<80x128xf32, #tpu.memory_space<vmem>>, vector<1x16xf32>,
          %get3A_292 = vector.shape_cast %get3A_291 : vector<1x16xf32> to vector<16xf32>
          %get3A_293 = arith.index_cast %add3A_273 : i32 to index
          %get3A_294 = arith.constant 80 : index
          %get3A_295 = tpu.vector_load %arg12[%get3A_293, %get3A_294] {strides = array<i32>} : memref<80x128xf32, #tpu.memory_space<vmem>>, vector<1x16xf32>,
          %get3A_296 = vector.shape_cast %get3A_295 : vector<1x16xf32> to vector<16xf32>
          %get3A_297 = arith.index_cast %add3A_273 : i32 to index
          %get3A_298 = arith.constant 96 : index
          %get3A_299 = tpu.vector_load %arg12[%get3A_297, %get3A_298] {strides = array<i32>} : memref<80x128xf32, #tpu.memory_space<vmem>>, vector<1x16xf32>,
          %get3A_300 = vector.shape_cast %get3A_299 : vector<1x16xf32> to vector<16xf32>
          %get3A_301 = arith.index_cast %add3A_273 : i32 to index
          %get3A_302 = arith.constant 112 : index
          %get3A_303 = tpu.vector_load %arg12[%get3A_301, %get3A_302] {strides = array<i32>} : memref<80x128xf32, #tpu.memory_space<vmem>>, vector<1x16xf32>,
          %get3A_304 = vector.shape_cast %get3A_303 : vector<1x16xf32> to vector<16xf32>
          %mul3A_305 = arith.mulf %get3A_276, %get3A_276 : vector<16xf32>
          %mul3A_306 = arith.mulf %get3A_280, %get3A_280 : vector<16xf32>
          %mul3A_307 = arith.mulf %get3A_284, %get3A_284 : vector<16xf32>
          %mul3A_308 = arith.mulf %get3A_288, %get3A_288 : vector<16xf32>
          %mul3A_309 = arith.mulf %get3A_292, %get3A_292 : vector<16xf32>
          %mul3A_310 = arith.mulf %get3A_296, %get3A_296 : vector<16xf32>
          %mul3A_311 = arith.mulf %get3A_300, %get3A_300 : vector<16xf32>
          %mul3A_312 = arith.mulf %get3A_304, %get3A_304 : vector<16xf32>
          %add3A_313 = arith.addf %mul3A_305, %mul3A_306 : vector<16xf32>
          %add3A_314 = arith.addf %mul3A_307, %mul3A_308 : vector<16xf32>
          %add3A_315 = arith.addf %mul3A_309, %mul3A_310 : vector<16xf32>
          %add3A_316 = arith.addf %mul3A_311, %mul3A_312 : vector<16xf32>
          %add3A_317 = arith.addf %add3A_313, %add3A_314 : vector<16xf32>
          %add3A_318 = arith.addf %add3A_315, %add3A_316 : vector<16xf32>
          %add3A_319 = arith.addf %add3A_317, %add3A_318 : vector<16xf32>
          %add3A_320 = arith.constant 8 : i32
          %add3A_321 = arith.addi %mul3A_271, %add3A_320 : i32
          %get3A_322 = arith.index_cast %add3A_321 : i32 to index
          %get3A_323 = arith.constant 0 : index
          %get3A_324 = tpu.vector_load %arg12[%get3A_322, %get3A_323] {strides = array<i32>} : memref<80x128xf32, #tpu.memory_space<vmem>>, vector<1x16xf32>,
          %get3A_325 = vector.shape_cast %get3A_324 : vector<1x16xf32> to vector<16xf32>
          %get3A_326 = arith.index_cast %add3A_321 : i32 to index
          %get3A_327 = arith.constant 16 : index
          %get3A_328 = tpu.vector_load %arg12[%get3A_326, %get3A_327] {strides = array<i32>} : memref<80x128xf32, #tpu.memory_space<vmem>>, vector<1x16xf32>,
          %get3A_329 = vector.shape_cast %get3A_328 : vector<1x16xf32> to vector<16xf32>
          %get3A_330 = arith.index_cast %add3A_321 : i32 to index
          %get3A_331 = arith.constant 32 : index
          %get3A_332 = tpu.vector_load %arg12[%get3A_330, %get3A_331] {strides = array<i32>} : memref<80x128xf32, #tpu.memory_space<vmem>>, vector<1x16xf32>,
          %get3A_333 = vector.shape_cast %get3A_332 : vector<1x16xf32> to vector<16xf32>
          %get3A_334 = arith.index_cast %add3A_321 : i32 to index
          %get3A_335 = arith.constant 48 : index
          %get3A_336 = tpu.vector_load %arg12[%get3A_334, %get3A_335] {strides = array<i32>} : memref<80x128xf32, #tpu.memory_space<vmem>>, vector<1x16xf32>,
          %get3A_337 = vector.shape_cast %get3A_336 : vector<1x16xf32> to vector<16xf32>
          %get3A_338 = arith.index_cast %add3A_321 : i32 to index
          %get3A_339 = arith.constant 64 : index
          %get3A_340 = tpu.vector_load %arg12[%get3A_338, %get3A_339] {strides = array<i32>} : memref<80x128xf32, #tpu.memory_space<vmem>>, vector<1x16xf32>,
          %get3A_341 = vector.shape_cast %get3A_340 : vector<1x16xf32> to vector<16xf32>
          %get3A_342 = arith.index_cast %add3A_321 : i32 to index
          %get3A_343 = arith.constant 80 : index
          %get3A_344 = tpu.vector_load %arg12[%get3A_342, %get3A_343] {strides = array<i32>} : memref<80x128xf32, #tpu.memory_space<vmem>>, vector<1x16xf32>,
          %get3A_345 = vector.shape_cast %get3A_344 : vector<1x16xf32> to vector<16xf32>
          %get3A_346 = arith.index_cast %add3A_321 : i32 to index
          %get3A_347 = arith.constant 96 : index
          %get3A_348 = tpu.vector_load %arg12[%get3A_346, %get3A_347] {strides = array<i32>} : memref<80x128xf32, #tpu.memory_space<vmem>>, vector<1x16xf32>,
          %get3A_349 = vector.shape_cast %get3A_348 : vector<1x16xf32> to vector<16xf32>
          %get3A_350 = arith.index_cast %add3A_321 : i32 to index
          %get3A_351 = arith.constant 112 : index
          %get3A_352 = tpu.vector_load %arg12[%get3A_350, %get3A_351] {strides = array<i32>} : memref<80x128xf32, #tpu.memory_space<vmem>>, vector<1x16xf32>,
          %get3A_353 = vector.shape_cast %get3A_352 : vector<1x16xf32> to vector<16xf32>
          %mul3A_354 = arith.mulf %get3A_325, %get3A_325 : vector<16xf32>
          %mul3A_355 = arith.mulf %get3A_329, %get3A_329 : vector<16xf32>
          %mul3A_356 = arith.mulf %get3A_333, %get3A_333 : vector<16xf32>
          %mul3A_357 = arith.mulf %get3A_337, %get3A_337 : vector<16xf32>
          %mul3A_358 = arith.mulf %get3A_341, %get3A_341 : vector<16xf32>
          %mul3A_359 = arith.mulf %get3A_345, %get3A_345 : vector<16xf32>
          %mul3A_360 = arith.mulf %get3A_349, %get3A_349 : vector<16xf32>
          %mul3A_361 = arith.mulf %get3A_353, %get3A_353 : vector<16xf32>
          %add3A_362 = arith.addf %mul3A_354, %mul3A_355 : vector<16xf32>
          %add3A_363 = arith.addf %mul3A_356, %mul3A_357 : vector<16xf32>
          %add3A_364 = arith.addf %mul3A_358, %mul3A_359 : vector<16xf32>
          %add3A_365 = arith.addf %mul3A_360, %mul3A_361 : vector<16xf32>
          %add3A_366 = arith.addf %add3A_362, %add3A_363 : vector<16xf32>
          %add3A_367 = arith.addf %add3A_364, %add3A_365 : vector<16xf32>
          %add3A_368 = arith.addf %add3A_366, %add3A_367 : vector<16xf32>
          %xor3A = arith.constant 8 : i32
          %xor3A_369 = vector.broadcast %xor3A : i32 to vector<16xi32>
          %xor3A_370 = arith.xori %iota3A, %xor3A_369 : vector<16xi32>
          %broadcast_in_dim3A = vector.shape_cast %xor3A_370 : vector<16xi32> to vector<16x1xi32>
          %gather3A = vector.shape_cast %broadcast_in_dim3A : vector<16x1xi32> to vector<16xi32>
          %gather3A_371 = tpu.dynamic_gather %add3A_319[%gather3A] in [0] : vector<16xf32>, vector<16xi32> -> vector<16xf32>
          %add3A_372 = arith.addf %add3A_319, %gather3A_371 : vector<16xf32>
          %xor3A_373 = arith.constant 8 : i32
          %xor3A_374 = vector.broadcast %xor3A_373 : i32 to vector<16xi32>
          %xor3A_375 = arith.xori %iota3A, %xor3A_374 : vector<16xi32>
          %broadcast_in_dim3A_376 = vector.shape_cast %xor3A_375 : vector<16xi32> to vector<16x1xi32>
          %gather3A_377 = vector.shape_cast %broadcast_in_dim3A_376 : vector<16x1xi32> to vector<16xi32>
          %gather3A_378 = tpu.dynamic_gather %add3A_368[%gather3A_377] in [0] : vector<16xf32>, vector<16xi32> -> vector<16xf32>
          %add3A_379 = arith.addf %add3A_368, %gather3A_378 : vector<16xf32>
          %and3A_380 = arith.constant 8 : i32
          %and3A_381 = vector.broadcast %and3A_380 : i32 to vector<16xi32>
          %and3A_382 = arith.andi %iota3A, %and3A_381 : vector<16xi32>
          %eq3A_383 = arith.constant 0 : i32
          %eq3A_384 = vector.broadcast %eq3A_383 : i32 to vector<16xi32>
          %eq3A_385 = arith.cmpi eq, %and3A_382, %eq3A_384 : vector<16xi32>
          %select_n3A_386 = arith.select %eq3A_385, %add3A_372, %add3A_379 : vector<16xi1>, vector<16xf32>
          %add3A_387 = arith.constant 4 : i32
          %add3A_388 = arith.addi %mul3A_271, %add3A_387 : i32
          %get3A_389 = arith.index_cast %add3A_388 : i32 to index
          %get3A_390 = arith.constant 0 : index
          %get3A_391 = tpu.vector_load %arg12[%get3A_389, %get3A_390] {strides = array<i32>} : memref<80x128xf32, #tpu.memory_space<vmem>>, vector<1x16xf32>,
          %get3A_392 = vector.shape_cast %get3A_391 : vector<1x16xf32> to vector<16xf32>
          %get3A_393 = arith.index_cast %add3A_388 : i32 to index
          %get3A_394 = arith.constant 16 : index
          %get3A_395 = tpu.vector_load %arg12[%get3A_393, %get3A_394] {strides = array<i32>} : memref<80x128xf32, #tpu.memory_space<vmem>>, vector<1x16xf32>,
          %get3A_396 = vector.shape_cast %get3A_395 : vector<1x16xf32> to vector<16xf32>
          %get3A_397 = arith.index_cast %add3A_388 : i32 to index
          %get3A_398 = arith.constant 32 : index
          %get3A_399 = tpu.vector_load %arg12[%get3A_397, %get3A_398] {strides = array<i32>} : memref<80x128xf32, #tpu.memory_space<vmem>>, vector<1x16xf32>,
          %get3A_400 = vector.shape_cast %get3A_399 : vector<1x16xf32> to vector<16xf32>
          %get3A_401 = arith.index_cast %add3A_388 : i32 to index
          %get3A_402 = arith.constant 48 : index
          %get3A_403 = tpu.vector_load %arg12[%get3A_401, %get3A_402] {strides = array<i32>} : memref<80x128xf32, #tpu.memory_space<vmem>>, vector<1x16xf32>,
          %get3A_404 = vector.shape_cast %get3A_403 : vector<1x16xf32> to vector<16xf32>
          %get3A_405 = arith.index_cast %add3A_388 : i32 to index
          %get3A_406 = arith.constant 64 : index
          %get3A_407 = tpu.vector_load %arg12[%get3A_405, %get3A_406] {strides = array<i32>} : memref<80x128xf32, #tpu.memory_space<vmem>>, vector<1x16xf32>,
          %get3A_408 = vector.shape_cast %get3A_407 : vector<1x16xf32> to vector<16xf32>
          %get3A_409 = arith.index_cast %add3A_388 : i32 to index
          %get3A_410 = arith.constant 80 : index
          %get3A_411 = tpu.vector_load %arg12[%get3A_409, %get3A_410] {strides = array<i32>} : memref<80x128xf32, #tpu.memory_space<vmem>>, vector<1x16xf32>,
          %get3A_412 = vector.shape_cast %get3A_411 : vector<1x16xf32> to vector<16xf32>
          %get3A_413 = arith.index_cast %add3A_388 : i32 to index
          %get3A_414 = arith.constant 96 : index
          %get3A_415 = tpu.vector_load %arg12[%get3A_413, %get3A_414] {strides = array<i32>} : memref<80x128xf32, #tpu.memory_space<vmem>>, vector<1x16xf32>,
          %get3A_416 = vector.shape_cast %get3A_415 : vector<1x16xf32> to vector<16xf32>
          %get3A_417 = arith.index_cast %add3A_388 : i32 to index
          %get3A_418 = arith.constant 112 : index
          %get3A_419 = tpu.vector_load %arg12[%get3A_417, %get3A_418] {strides = array<i32>} : memref<80x128xf32, #tpu.memory_space<vmem>>, vector<1x16xf32>,
          %get3A_420 = vector.shape_cast %get3A_419 : vector<1x16xf32> to vector<16xf32>
          %mul3A_421 = arith.mulf %get3A_392, %get3A_392 : vector<16xf32>
          %mul3A_422 = arith.mulf %get3A_396, %get3A_396 : vector<16xf32>
          %mul3A_423 = arith.mulf %get3A_400, %get3A_400 : vector<16xf32>
          %mul3A_424 = arith.mulf %get3A_404, %get3A_404 : vector<16xf32>
          %mul3A_425 = arith.mulf %get3A_408, %get3A_408 : vector<16xf32>
          %mul3A_426 = arith.mulf %get3A_412, %get3A_412 : vector<16xf32>
          %mul3A_427 = arith.mulf %get3A_416, %get3A_416 : vector<16xf32>
          %mul3A_428 = arith.mulf %get3A_420, %get3A_420 : vector<16xf32>
          %add3A_429 = arith.addf %mul3A_421, %mul3A_422 : vector<16xf32>
          %add3A_430 = arith.addf %mul3A_423, %mul3A_424 : vector<16xf32>
          %add3A_431 = arith.addf %mul3A_425, %mul3A_426 : vector<16xf32>
          %add3A_432 = arith.addf %mul3A_427, %mul3A_428 : vector<16xf32>
          %add3A_433 = arith.addf %add3A_429, %add3A_430 : vector<16xf32>
          %add3A_434 = arith.addf %add3A_431, %add3A_432 : vector<16xf32>
          %add3A_435 = arith.addf %add3A_433, %add3A_434 : vector<16xf32>
          %add3A_436 = arith.constant 12 : i32
          %add3A_437 = arith.addi %mul3A_271, %add3A_436 : i32
          %get3A_438 = arith.index_cast %add3A_437 : i32 to index
          %get3A_439 = arith.constant 0 : index
          %get3A_440 = tpu.vector_load %arg12[%get3A_438, %get3A_439] {strides = array<i32>} : memref<80x128xf32, #tpu.memory_space<vmem>>, vector<1x16xf32>,
          %get3A_441 = vector.shape_cast %get3A_440 : vector<1x16xf32> to vector<16xf32>
          %get3A_442 = arith.index_cast %add3A_437 : i32 to index
          %get3A_443 = arith.constant 16 : index
          %get3A_444 = tpu.vector_load %arg12[%get3A_442, %get3A_443] {strides = array<i32>} : memref<80x128xf32, #tpu.memory_space<vmem>>, vector<1x16xf32>,
          %get3A_445 = vector.shape_cast %get3A_444 : vector<1x16xf32> to vector<16xf32>
          %get3A_446 = arith.index_cast %add3A_437 : i32 to index
          %get3A_447 = arith.constant 32 : index
          %get3A_448 = tpu.vector_load %arg12[%get3A_446, %get3A_447] {strides = array<i32>} : memref<80x128xf32, #tpu.memory_space<vmem>>, vector<1x16xf32>,
          %get3A_449 = vector.shape_cast %get3A_448 : vector<1x16xf32> to vector<16xf32>
          %get3A_450 = arith.index_cast %add3A_437 : i32 to index
          %get3A_451 = arith.constant 48 : index
          %get3A_452 = tpu.vector_load %arg12[%get3A_450, %get3A_451] {strides = array<i32>} : memref<80x128xf32, #tpu.memory_space<vmem>>, vector<1x16xf32>,
          %get3A_453 = vector.shape_cast %get3A_452 : vector<1x16xf32> to vector<16xf32>
          %get3A_454 = arith.index_cast %add3A_437 : i32 to index
          %get3A_455 = arith.constant 64 : index
          %get3A_456 = tpu.vector_load %arg12[%get3A_454, %get3A_455] {strides = array<i32>} : memref<80x128xf32, #tpu.memory_space<vmem>>, vector<1x16xf32>,
          %get3A_457 = vector.shape_cast %get3A_456 : vector<1x16xf32> to vector<16xf32>
          %get3A_458 = arith.index_cast %add3A_437 : i32 to index
          %get3A_459 = arith.constant 80 : index
          %get3A_460 = tpu.vector_load %arg12[%get3A_458, %get3A_459] {strides = array<i32>} : memref<80x128xf32, #tpu.memory_space<vmem>>, vector<1x16xf32>,
          %get3A_461 = vector.shape_cast %get3A_460 : vector<1x16xf32> to vector<16xf32>
          %get3A_462 = arith.index_cast %add3A_437 : i32 to index
          %get3A_463 = arith.constant 96 : index
          %get3A_464 = tpu.vector_load %arg12[%get3A_462, %get3A_463] {strides = array<i32>} : memref<80x128xf32, #tpu.memory_space<vmem>>, vector<1x16xf32>,
          %get3A_465 = vector.shape_cast %get3A_464 : vector<1x16xf32> to vector<16xf32>
          %get3A_466 = arith.index_cast %add3A_437 : i32 to index
          %get3A_467 = arith.constant 112 : index
          %get3A_468 = tpu.vector_load %arg12[%get3A_466, %get3A_467] {strides = array<i32>} : memref<80x128xf32, #tpu.memory_space<vmem>>, vector<1x16xf32>,
          %get3A_469 = vector.shape_cast %get3A_468 : vector<1x16xf32> to vector<16xf32>
          %mul3A_470 = arith.mulf %get3A_441, %get3A_441 : vector<16xf32>
          %mul3A_471 = arith.mulf %get3A_445, %get3A_445 : vector<16xf32>
          %mul3A_472 = arith.mulf %get3A_449, %get3A_449 : vector<16xf32>
          %mul3A_473 = arith.mulf %get3A_453, %get3A_453 : vector<16xf32>
          %mul3A_474 = arith.mulf %get3A_457, %get3A_457 : vector<16xf32>
          %mul3A_475 = arith.mulf %get3A_461, %get3A_461 : vector<16xf32>
          %mul3A_476 = arith.mulf %get3A_465, %get3A_465 : vector<16xf32>
          %mul3A_477 = arith.mulf %get3A_469, %get3A_469 : vector<16xf32>
          %add3A_478 = arith.addf %mul3A_470, %mul3A_471 : vector<16xf32>
          %add3A_479 = arith.addf %mul3A_472, %mul3A_473 : vector<16xf32>
          %add3A_480 = arith.addf %mul3A_474, %mul3A_475 : vector<16xf32>
          %add3A_481 = arith.addf %mul3A_476, %mul3A_477 : vector<16xf32>
          %add3A_482 = arith.addf %add3A_478, %add3A_479 : vector<16xf32>
          %add3A_483 = arith.addf %add3A_480, %add3A_481 : vector<16xf32>
          %add3A_484 = arith.addf %add3A_482, %add3A_483 : vector<16xf32>
          %xor3A_485 = arith.constant 8 : i32
          %xor3A_486 = vector.broadcast %xor3A_485 : i32 to vector<16xi32>
          %xor3A_487 = arith.xori %iota3A, %xor3A_486 : vector<16xi32>
          %broadcast_in_dim3A_488 = vector.shape_cast %xor3A_487 : vector<16xi32> to vector<16x1xi32>
          %gather3A_489 = vector.shape_cast %broadcast_in_dim3A_488 : vector<16x1xi32> to vector<16xi32>
          %gather3A_490 = tpu.dynamic_gather %add3A_435[%gather3A_489] in [0] : vector<16xf32>, vector<16xi32> -> vector<16xf32>
          %add3A_491 = arith.addf %add3A_435, %gather3A_490 : vector<16xf32>
          %xor3A_492 = arith.constant 8 : i32
          %xor3A_493 = vector.broadcast %xor3A_492 : i32 to vector<16xi32>
          %xor3A_494 = arith.xori %iota3A, %xor3A_493 : vector<16xi32>
          %broadcast_in_dim3A_495 = vector.shape_cast %xor3A_494 : vector<16xi32> to vector<16x1xi32>
          %gather3A_496 = vector.shape_cast %broadcast_in_dim3A_495 : vector<16x1xi32> to vector<16xi32>
          %gather3A_497 = tpu.dynamic_gather %add3A_484[%gather3A_496] in [0] : vector<16xf32>, vector<16xi32> -> vector<16xf32>
          %add3A_498 = arith.addf %add3A_484, %gather3A_497 : vector<16xf32>
          %and3A_499 = arith.constant 8 : i32
          %and3A_500 = vector.broadcast %and3A_499 : i32 to vector<16xi32>
          %and3A_501 = arith.andi %iota3A, %and3A_500 : vector<16xi32>
          %eq3A_502 = arith.constant 0 : i32
          %eq3A_503 = vector.broadcast %eq3A_502 : i32 to vector<16xi32>
          %eq3A_504 = arith.cmpi eq, %and3A_501, %eq3A_503 : vector<16xi32>
          %select_n3A_505 = arith.select %eq3A_504, %add3A_491, %add3A_498 : vector<16xi1>, vector<16xf32>
          %xor3A_506 = arith.constant 4 : i32
          %xor3A_507 = vector.broadcast %xor3A_506 : i32 to vector<16xi32>
          %xor3A_508 = arith.xori %iota3A, %xor3A_507 : vector<16xi32>
          %broadcast_in_dim3A_509 = vector.shape_cast %xor3A_508 : vector<16xi32> to vector<16x1xi32>
          %gather3A_510 = vector.shape_cast %broadcast_in_dim3A_509 : vector<16x1xi32> to vector<16xi32>
          %gather3A_511 = tpu.dynamic_gather %select_n3A_386[%gather3A_510] in [0] : vector<16xf32>, vector<16xi32> -> vector<16xf32>
          %add3A_512 = arith.addf %select_n3A_386, %gather3A_511 : vector<16xf32>
          %xor3A_513 = arith.constant 4 : i32
          %xor3A_514 = vector.broadcast %xor3A_513 : i32 to vector<16xi32>
          %xor3A_515 = arith.xori %iota3A, %xor3A_514 : vector<16xi32>
          %broadcast_in_dim3A_516 = vector.shape_cast %xor3A_515 : vector<16xi32> to vector<16x1xi32>
          %gather3A_517 = vector.shape_cast %broadcast_in_dim3A_516 : vector<16x1xi32> to vector<16xi32>
          %gather3A_518 = tpu.dynamic_gather %select_n3A_505[%gather3A_517] in [0] : vector<16xf32>, vector<16xi32> -> vector<16xf32>
          %add3A_519 = arith.addf %select_n3A_505, %gather3A_518 : vector<16xf32>
          %and3A_520 = arith.constant 4 : i32
          %and3A_521 = vector.broadcast %and3A_520 : i32 to vector<16xi32>
          %and3A_522 = arith.andi %iota3A, %and3A_521 : vector<16xi32>
          %eq3A_523 = arith.constant 0 : i32
          %eq3A_524 = vector.broadcast %eq3A_523 : i32 to vector<16xi32>
          %eq3A_525 = arith.cmpi eq, %and3A_522, %eq3A_524 : vector<16xi32>
          %select_n3A_526 = arith.select %eq3A_525, %add3A_512, %add3A_519 : vector<16xi1>, vector<16xf32>
          %add3A_527 = arith.constant 2 : i32
          %add3A_528 = arith.addi %mul3A_271, %add3A_527 : i32
          %get3A_529 = arith.index_cast %add3A_528 : i32 to index
          %get3A_530 = arith.constant 0 : index
          %get3A_531 = tpu.vector_load %arg12[%get3A_529, %get3A_530] {strides = array<i32>} : memref<80x128xf32, #tpu.memory_space<vmem>>, vector<1x16xf32>,
          %get3A_532 = vector.shape_cast %get3A_531 : vector<1x16xf32> to vector<16xf32>
          %get3A_533 = arith.index_cast %add3A_528 : i32 to index
          %get3A_534 = arith.constant 16 : index
          %get3A_535 = tpu.vector_load %arg12[%get3A_533, %get3A_534] {strides = array<i32>} : memref<80x128xf32, #tpu.memory_space<vmem>>, vector<1x16xf32>,
          %get3A_536 = vector.shape_cast %get3A_535 : vector<1x16xf32> to vector<16xf32>
          %get3A_537 = arith.index_cast %add3A_528 : i32 to index
          %get3A_538 = arith.constant 32 : index
          %get3A_539 = tpu.vector_load %arg12[%get3A_537, %get3A_538] {strides = array<i32>} : memref<80x128xf32, #tpu.memory_space<vmem>>, vector<1x16xf32>,
          %get3A_540 = vector.shape_cast %get3A_539 : vector<1x16xf32> to vector<16xf32>
          %get3A_541 = arith.index_cast %add3A_528 : i32 to index
          %get3A_542 = arith.constant 48 : index
          %get3A_543 = tpu.vector_load %arg12[%get3A_541, %get3A_542] {strides = array<i32>} : memref<80x128xf32, #tpu.memory_space<vmem>>, vector<1x16xf32>,
          %get3A_544 = vector.shape_cast %get3A_543 : vector<1x16xf32> to vector<16xf32>
          %get3A_545 = arith.index_cast %add3A_528 : i32 to index
          %get3A_546 = arith.constant 64 : index
          %get3A_547 = tpu.vector_load %arg12[%get3A_545, %get3A_546] {strides = array<i32>} : memref<80x128xf32, #tpu.memory_space<vmem>>, vector<1x16xf32>,
          %get3A_548 = vector.shape_cast %get3A_547 : vector<1x16xf32> to vector<16xf32>
          %get3A_549 = arith.index_cast %add3A_528 : i32 to index
          %get3A_550 = arith.constant 80 : index
          %get3A_551 = tpu.vector_load %arg12[%get3A_549, %get3A_550] {strides = array<i32>} : memref<80x128xf32, #tpu.memory_space<vmem>>, vector<1x16xf32>,
          %get3A_552 = vector.shape_cast %get3A_551 : vector<1x16xf32> to vector<16xf32>
          %get3A_553 = arith.index_cast %add3A_528 : i32 to index
          %get3A_554 = arith.constant 96 : index
          %get3A_555 = tpu.vector_load %arg12[%get3A_553, %get3A_554] {strides = array<i32>} : memref<80x128xf32, #tpu.memory_space<vmem>>, vector<1x16xf32>,
          %get3A_556 = vector.shape_cast %get3A_555 : vector<1x16xf32> to vector<16xf32>
          %get3A_557 = arith.index_cast %add3A_528 : i32 to index
          %get3A_558 = arith.constant 112 : index
          %get3A_559 = tpu.vector_load %arg12[%get3A_557, %get3A_558] {strides = array<i32>} : memref<80x128xf32, #tpu.memory_space<vmem>>, vector<1x16xf32>,
          %get3A_560 = vector.shape_cast %get3A_559 : vector<1x16xf32> to vector<16xf32>
          %mul3A_561 = arith.mulf %get3A_532, %get3A_532 : vector<16xf32>
          %mul3A_562 = arith.mulf %get3A_536, %get3A_536 : vector<16xf32>
          %mul3A_563 = arith.mulf %get3A_540, %get3A_540 : vector<16xf32>
          %mul3A_564 = arith.mulf %get3A_544, %get3A_544 : vector<16xf32>
          %mul3A_565 = arith.mulf %get3A_548, %get3A_548 : vector<16xf32>
          %mul3A_566 = arith.mulf %get3A_552, %get3A_552 : vector<16xf32>
          %mul3A_567 = arith.mulf %get3A_556, %get3A_556 : vector<16xf32>
          %mul3A_568 = arith.mulf %get3A_560, %get3A_560 : vector<16xf32>
          %add3A_569 = arith.addf %mul3A_561, %mul3A_562 : vector<16xf32>
          %add3A_570 = arith.addf %mul3A_563, %mul3A_564 : vector<16xf32>
          %add3A_571 = arith.addf %mul3A_565, %mul3A_566 : vector<16xf32>
          %add3A_572 = arith.addf %mul3A_567, %mul3A_568 : vector<16xf32>
          %add3A_573 = arith.addf %add3A_569, %add3A_570 : vector<16xf32>
          %add3A_574 = arith.addf %add3A_571, %add3A_572 : vector<16xf32>
          %add3A_575 = arith.addf %add3A_573, %add3A_574 : vector<16xf32>
          %add3A_576 = arith.constant 10 : i32
          %add3A_577 = arith.addi %mul3A_271, %add3A_576 : i32
          %get3A_578 = arith.index_cast %add3A_577 : i32 to index
          %get3A_579 = arith.constant 0 : index
          %get3A_580 = tpu.vector_load %arg12[%get3A_578, %get3A_579] {strides = array<i32>} : memref<80x128xf32, #tpu.memory_space<vmem>>, vector<1x16xf32>,
          %get3A_581 = vector.shape_cast %get3A_580 : vector<1x16xf32> to vector<16xf32>
          %get3A_582 = arith.index_cast %add3A_577 : i32 to index
          %get3A_583 = arith.constant 16 : index
          %get3A_584 = tpu.vector_load %arg12[%get3A_582, %get3A_583] {strides = array<i32>} : memref<80x128xf32, #tpu.memory_space<vmem>>, vector<1x16xf32>,
          %get3A_585 = vector.shape_cast %get3A_584 : vector<1x16xf32> to vector<16xf32>
          %get3A_586 = arith.index_cast %add3A_577 : i32 to index
          %get3A_587 = arith.constant 32 : index
          %get3A_588 = tpu.vector_load %arg12[%get3A_586, %get3A_587] {strides = array<i32>} : memref<80x128xf32, #tpu.memory_space<vmem>>, vector<1x16xf32>,
          %get3A_589 = vector.shape_cast %get3A_588 : vector<1x16xf32> to vector<16xf32>
          %get3A_590 = arith.index_cast %add3A_577 : i32 to index
          %get3A_591 = arith.constant 48 : index
          %get3A_592 = tpu.vector_load %arg12[%get3A_590, %get3A_591] {strides = array<i32>} : memref<80x128xf32, #tpu.memory_space<vmem>>, vector<1x16xf32>,
          %get3A_593 = vector.shape_cast %get3A_592 : vector<1x16xf32> to vector<16xf32>
          %get3A_594 = arith.index_cast %add3A_577 : i32 to index
          %get3A_595 = arith.constant 64 : index
          %get3A_596 = tpu.vector_load %arg12[%get3A_594, %get3A_595] {strides = array<i32>} : memref<80x128xf32, #tpu.memory_space<vmem>>, vector<1x16xf32>,
          %get3A_597 = vector.shape_cast %get3A_596 : vector<1x16xf32> to vector<16xf32>
          %get3A_598 = arith.index_cast %add3A_577 : i32 to index
          %get3A_599 = arith.constant 80 : index
          %get3A_600 = tpu.vector_load %arg12[%get3A_598, %get3A_599] {strides = array<i32>} : memref<80x128xf32, #tpu.memory_space<vmem>>, vector<1x16xf32>,
          %get3A_601 = vector.shape_cast %get3A_600 : vector<1x16xf32> to vector<16xf32>
          %get3A_602 = arith.index_cast %add3A_577 : i32 to index
          %get3A_603 = arith.constant 96 : index
          %get3A_604 = tpu.vector_load %arg12[%get3A_602, %get3A_603] {strides = array<i32>} : memref<80x128xf32, #tpu.memory_space<vmem>>, vector<1x16xf32>,
          %get3A_605 = vector.shape_cast %get3A_604 : vector<1x16xf32> to vector<16xf32>
          %get3A_606 = arith.index_cast %add3A_577 : i32 to index
          %get3A_607 = arith.constant 112 : index
          %get3A_608 = tpu.vector_load %arg12[%get3A_606, %get3A_607] {strides = array<i32>} : memref<80x128xf32, #tpu.memory_space<vmem>>, vector<1x16xf32>,
          %get3A_609 = vector.shape_cast %get3A_608 : vector<1x16xf32> to vector<16xf32>
          %mul3A_610 = arith.mulf %get3A_581, %get3A_581 : vector<16xf32>
          %mul3A_611 = arith.mulf %get3A_585, %get3A_585 : vector<16xf32>
          %mul3A_612 = arith.mulf %get3A_589, %get3A_589 : vector<16xf32>
          %mul3A_613 = arith.mulf %get3A_593, %get3A_593 : vector<16xf32>
          %mul3A_614 = arith.mulf %get3A_597, %get3A_597 : vector<16xf32>
          %mul3A_615 = arith.mulf %get3A_601, %get3A_601 : vector<16xf32>
          %mul3A_616 = arith.mulf %get3A_605, %get3A_605 : vector<16xf32>
          %mul3A_617 = arith.mulf %get3A_609, %get3A_609 : vector<16xf32>
          %add3A_618 = arith.addf %mul3A_610, %mul3A_611 : vector<16xf32>
          %add3A_619 = arith.addf %mul3A_612, %mul3A_613 : vector<16xf32>
          %add3A_620 = arith.addf %mul3A_614, %mul3A_615 : vector<16xf32>
          %add3A_621 = arith.addf %mul3A_616, %mul3A_617 : vector<16xf32>
          %add3A_622 = arith.addf %add3A_618, %add3A_619 : vector<16xf32>
          %add3A_623 = arith.addf %add3A_620, %add3A_621 : vector<16xf32>
          %add3A_624 = arith.addf %add3A_622, %add3A_623 : vector<16xf32>
          %xor3A_625 = arith.constant 8 : i32
          %xor3A_626 = vector.broadcast %xor3A_625 : i32 to vector<16xi32>
          %xor3A_627 = arith.xori %iota3A, %xor3A_626 : vector<16xi32>
          %broadcast_in_dim3A_628 = vector.shape_cast %xor3A_627 : vector<16xi32> to vector<16x1xi32>
          %gather3A_629 = vector.shape_cast %broadcast_in_dim3A_628 : vector<16x1xi32> to vector<16xi32>
          %gather3A_630 = tpu.dynamic_gather %add3A_575[%gather3A_629] in [0] : vector<16xf32>, vector<16xi32> -> vector<16xf32>
          %add3A_631 = arith.addf %add3A_575, %gather3A_630 : vector<16xf32>
          %xor3A_632 = arith.constant 8 : i32
          %xor3A_633 = vector.broadcast %xor3A_632 : i32 to vector<16xi32>
          %xor3A_634 = arith.xori %iota3A, %xor3A_633 : vector<16xi32>
          %broadcast_in_dim3A_635 = vector.shape_cast %xor3A_634 : vector<16xi32> to vector<16x1xi32>
          %gather3A_636 = vector.shape_cast %broadcast_in_dim3A_635 : vector<16x1xi32> to vector<16xi32>
          %gather3A_637 = tpu.dynamic_gather %add3A_624[%gather3A_636] in [0] : vector<16xf32>, vector<16xi32> -> vector<16xf32>
          %add3A_638 = arith.addf %add3A_624, %gather3A_637 : vector<16xf32>
          %and3A_639 = arith.constant 8 : i32
          %and3A_640 = vector.broadcast %and3A_639 : i32 to vector<16xi32>
          %and3A_641 = arith.andi %iota3A, %and3A_640 : vector<16xi32>
          %eq3A_642 = arith.constant 0 : i32
          %eq3A_643 = vector.broadcast %eq3A_642 : i32 to vector<16xi32>
          %eq3A_644 = arith.cmpi eq, %and3A_641, %eq3A_643 : vector<16xi32>
          %select_n3A_645 = arith.select %eq3A_644, %add3A_631, %add3A_638 : vector<16xi1>, vector<16xf32>
          %add3A_646 = arith.constant 6 : i32
          %add3A_647 = arith.addi %mul3A_271, %add3A_646 : i32
          %get3A_648 = arith.index_cast %add3A_647 : i32 to index
          %get3A_649 = arith.constant 0 : index
          %get3A_650 = tpu.vector_load %arg12[%get3A_648, %get3A_649] {strides = array<i32>} : memref<80x128xf32, #tpu.memory_space<vmem>>, vector<1x16xf32>,
          %get3A_651 = vector.shape_cast %get3A_650 : vector<1x16xf32> to vector<16xf32>
          %get3A_652 = arith.index_cast %add3A_647 : i32 to index
          %get3A_653 = arith.constant 16 : index
          %get3A_654 = tpu.vector_load %arg12[%get3A_652, %get3A_653] {strides = array<i32>} : memref<80x128xf32, #tpu.memory_space<vmem>>, vector<1x16xf32>,
          %get3A_655 = vector.shape_cast %get3A_654 : vector<1x16xf32> to vector<16xf32>
          %get3A_656 = arith.index_cast %add3A_647 : i32 to index
          %get3A_657 = arith.constant 32 : index
          %get3A_658 = tpu.vector_load %arg12[%get3A_656, %get3A_657] {strides = array<i32>} : memref<80x128xf32, #tpu.memory_space<vmem>>, vector<1x16xf32>,
          %get3A_659 = vector.shape_cast %get3A_658 : vector<1x16xf32> to vector<16xf32>
          %get3A_660 = arith.index_cast %add3A_647 : i32 to index
          %get3A_661 = arith.constant 48 : index
          %get3A_662 = tpu.vector_load %arg12[%get3A_660, %get3A_661] {strides = array<i32>} : memref<80x128xf32, #tpu.memory_space<vmem>>, vector<1x16xf32>,
          %get3A_663 = vector.shape_cast %get3A_662 : vector<1x16xf32> to vector<16xf32>
          %get3A_664 = arith.index_cast %add3A_647 : i32 to index
          %get3A_665 = arith.constant 64 : index
          %get3A_666 = tpu.vector_load %arg12[%get3A_664, %get3A_665] {strides = array<i32>} : memref<80x128xf32, #tpu.memory_space<vmem>>, vector<1x16xf32>,
          %get3A_667 = vector.shape_cast %get3A_666 : vector<1x16xf32> to vector<16xf32>
          %get3A_668 = arith.index_cast %add3A_647 : i32 to index
          %get3A_669 = arith.constant 80 : index
          %get3A_670 = tpu.vector_load %arg12[%get3A_668, %get3A_669] {strides = array<i32>} : memref<80x128xf32, #tpu.memory_space<vmem>>, vector<1x16xf32>,
          %get3A_671 = vector.shape_cast %get3A_670 : vector<1x16xf32> to vector<16xf32>
          %get3A_672 = arith.index_cast %add3A_647 : i32 to index
          %get3A_673 = arith.constant 96 : index
          %get3A_674 = tpu.vector_load %arg12[%get3A_672, %get3A_673] {strides = array<i32>} : memref<80x128xf32, #tpu.memory_space<vmem>>, vector<1x16xf32>,
          %get3A_675 = vector.shape_cast %get3A_674 : vector<1x16xf32> to vector<16xf32>
          %get3A_676 = arith.index_cast %add3A_647 : i32 to index
          %get3A_677 = arith.constant 112 : index
          %get3A_678 = tpu.vector_load %arg12[%get3A_676, %get3A_677] {strides = array<i32>} : memref<80x128xf32, #tpu.memory_space<vmem>>, vector<1x16xf32>,
          %get3A_679 = vector.shape_cast %get3A_678 : vector<1x16xf32> to vector<16xf32>
          %mul3A_680 = arith.mulf %get3A_651, %get3A_651 : vector<16xf32>
          %mul3A_681 = arith.mulf %get3A_655, %get3A_655 : vector<16xf32>
          %mul3A_682 = arith.mulf %get3A_659, %get3A_659 : vector<16xf32>
          %mul3A_683 = arith.mulf %get3A_663, %get3A_663 : vector<16xf32>
          %mul3A_684 = arith.mulf %get3A_667, %get3A_667 : vector<16xf32>
          %mul3A_685 = arith.mulf %get3A_671, %get3A_671 : vector<16xf32>
          %mul3A_686 = arith.mulf %get3A_675, %get3A_675 : vector<16xf32>
          %mul3A_687 = arith.mulf %get3A_679, %get3A_679 : vector<16xf32>
          %add3A_688 = arith.addf %mul3A_680, %mul3A_681 : vector<16xf32>
          %add3A_689 = arith.addf %mul3A_682, %mul3A_683 : vector<16xf32>
          %add3A_690 = arith.addf %mul3A_684, %mul3A_685 : vector<16xf32>
          %add3A_691 = arith.addf %mul3A_686, %mul3A_687 : vector<16xf32>
          %add3A_692 = arith.addf %add3A_688, %add3A_689 : vector<16xf32>
          %add3A_693 = arith.addf %add3A_690, %add3A_691 : vector<16xf32>
          %add3A_694 = arith.addf %add3A_692, %add3A_693 : vector<16xf32>
          %add3A_695 = arith.constant 14 : i32
          %add3A_696 = arith.addi %mul3A_271, %add3A_695 : i32
          %get3A_697 = arith.index_cast %add3A_696 : i32 to index
          %get3A_698 = arith.constant 0 : index
          %get3A_699 = tpu.vector_load %arg12[%get3A_697, %get3A_698] {strides = array<i32>} : memref<80x128xf32, #tpu.memory_space<vmem>>, vector<1x16xf32>,
          %get3A_700 = vector.shape_cast %get3A_699 : vector<1x16xf32> to vector<16xf32>
          %get3A_701 = arith.index_cast %add3A_696 : i32 to index
          %get3A_702 = arith.constant 16 : index
          %get3A_703 = tpu.vector_load %arg12[%get3A_701, %get3A_702] {strides = array<i32>} : memref<80x128xf32, #tpu.memory_space<vmem>>, vector<1x16xf32>,
          %get3A_704 = vector.shape_cast %get3A_703 : vector<1x16xf32> to vector<16xf32>
          %get3A_705 = arith.index_cast %add3A_696 : i32 to index
          %get3A_706 = arith.constant 32 : index
          %get3A_707 = tpu.vector_load %arg12[%get3A_705, %get3A_706] {strides = array<i32>} : memref<80x128xf32, #tpu.memory_space<vmem>>, vector<1x16xf32>,
          %get3A_708 = vector.shape_cast %get3A_707 : vector<1x16xf32> to vector<16xf32>
          %get3A_709 = arith.index_cast %add3A_696 : i32 to index
          %get3A_710 = arith.constant 48 : index
          %get3A_711 = tpu.vector_load %arg12[%get3A_709, %get3A_710] {strides = array<i32>} : memref<80x128xf32, #tpu.memory_space<vmem>>, vector<1x16xf32>,
          %get3A_712 = vector.shape_cast %get3A_711 : vector<1x16xf32> to vector<16xf32>
          %get3A_713 = arith.index_cast %add3A_696 : i32 to index
          %get3A_714 = arith.constant 64 : index
          %get3A_715 = tpu.vector_load %arg12[%get3A_713, %get3A_714] {strides = array<i32>} : memref<80x128xf32, #tpu.memory_space<vmem>>, vector<1x16xf32>,
          %get3A_716 = vector.shape_cast %get3A_715 : vector<1x16xf32> to vector<16xf32>
          %get3A_717 = arith.index_cast %add3A_696 : i32 to index
          %get3A_718 = arith.constant 80 : index
          %get3A_719 = tpu.vector_load %arg12[%get3A_717, %get3A_718] {strides = array<i32>} : memref<80x128xf32, #tpu.memory_space<vmem>>, vector<1x16xf32>,
          %get3A_720 = vector.shape_cast %get3A_719 : vector<1x16xf32> to vector<16xf32>
          %get3A_721 = arith.index_cast %add3A_696 : i32 to index
          %get3A_722 = arith.constant 96 : index
          %get3A_723 = tpu.vector_load %arg12[%get3A_721, %get3A_722] {strides = array<i32>} : memref<80x128xf32, #tpu.memory_space<vmem>>, vector<1x16xf32>,
          %get3A_724 = vector.shape_cast %get3A_723 : vector<1x16xf32> to vector<16xf32>
          %get3A_725 = arith.index_cast %add3A_696 : i32 to index
          %get3A_726 = arith.constant 112 : index
          %get3A_727 = tpu.vector_load %arg12[%get3A_725, %get3A_726] {strides = array<i32>} : memref<80x128xf32, #tpu.memory_space<vmem>>, vector<1x16xf32>,
          %get3A_728 = vector.shape_cast %get3A_727 : vector<1x16xf32> to vector<16xf32>
          %mul3A_729 = arith.mulf %get3A_700, %get3A_700 : vector<16xf32>
          %mul3A_730 = arith.mulf %get3A_704, %get3A_704 : vector<16xf32>
          %mul3A_731 = arith.mulf %get3A_708, %get3A_708 : vector<16xf32>
          %mul3A_732 = arith.mulf %get3A_712, %get3A_712 : vector<16xf32>
          %mul3A_733 = arith.mulf %get3A_716, %get3A_716 : vector<16xf32>
          %mul3A_734 = arith.mulf %get3A_720, %get3A_720 : vector<16xf32>
          %mul3A_735 = arith.mulf %get3A_724, %get3A_724 : vector<16xf32>
          %mul3A_736 = arith.mulf %get3A_728, %get3A_728 : vector<16xf32>
          %add3A_737 = arith.addf %mul3A_729, %mul3A_730 : vector<16xf32>
          %add3A_738 = arith.addf %mul3A_731, %mul3A_732 : vector<16xf32>
          %add3A_739 = arith.addf %mul3A_733, %mul3A_734 : vector<16xf32>
          %add3A_740 = arith.addf %mul3A_735, %mul3A_736 : vector<16xf32>
          %add3A_741 = arith.addf %add3A_737, %add3A_738 : vector<16xf32>
          %add3A_742 = arith.addf %add3A_739, %add3A_740 : vector<16xf32>
          %add3A_743 = arith.addf %add3A_741, %add3A_742 : vector<16xf32>
          %xor3A_744 = arith.constant 8 : i32
          %xor3A_745 = vector.broadcast %xor3A_744 : i32 to vector<16xi32>
          %xor3A_746 = arith.xori %iota3A, %xor3A_745 : vector<16xi32>
          %broadcast_in_dim3A_747 = vector.shape_cast %xor3A_746 : vector<16xi32> to vector<16x1xi32>
          %gather3A_748 = vector.shape_cast %broadcast_in_dim3A_747 : vector<16x1xi32> to vector<16xi32>
          %gather3A_749 = tpu.dynamic_gather %add3A_694[%gather3A_748] in [0] : vector<16xf32>, vector<16xi32> -> vector<16xf32>
          %add3A_750 = arith.addf %add3A_694, %gather3A_749 : vector<16xf32>
          %xor3A_751 = arith.constant 8 : i32
          %xor3A_752 = vector.broadcast %xor3A_751 : i32 to vector<16xi32>
          %xor3A_753 = arith.xori %iota3A, %xor3A_752 : vector<16xi32>
          %broadcast_in_dim3A_754 = vector.shape_cast %xor3A_753 : vector<16xi32> to vector<16x1xi32>
          %gather3A_755 = vector.shape_cast %broadcast_in_dim3A_754 : vector<16x1xi32> to vector<16xi32>
          %gather3A_756 = tpu.dynamic_gather %add3A_743[%gather3A_755] in [0] : vector<16xf32>, vector<16xi32> -> vector<16xf32>
          %add3A_757 = arith.addf %add3A_743, %gather3A_756 : vector<16xf32>
          %and3A_758 = arith.constant 8 : i32
          %and3A_759 = vector.broadcast %and3A_758 : i32 to vector<16xi32>
          %and3A_760 = arith.andi %iota3A, %and3A_759 : vector<16xi32>
          %eq3A_761 = arith.constant 0 : i32
          %eq3A_762 = vector.broadcast %eq3A_761 : i32 to vector<16xi32>
          %eq3A_763 = arith.cmpi eq, %and3A_760, %eq3A_762 : vector<16xi32>
          %select_n3A_764 = arith.select %eq3A_763, %add3A_750, %add3A_757 : vector<16xi1>, vector<16xf32>
          %xor3A_765 = arith.constant 4 : i32
          %xor3A_766 = vector.broadcast %xor3A_765 : i32 to vector<16xi32>
          %xor3A_767 = arith.xori %iota3A, %xor3A_766 : vector<16xi32>
          %broadcast_in_dim3A_768 = vector.shape_cast %xor3A_767 : vector<16xi32> to vector<16x1xi32>
          %gather3A_769 = vector.shape_cast %broadcast_in_dim3A_768 : vector<16x1xi32> to vector<16xi32>
          %gather3A_770 = tpu.dynamic_gather %select_n3A_645[%gather3A_769] in [0] : vector<16xf32>, vector<16xi32> -> vector<16xf32>
          %add3A_771 = arith.addf %select_n3A_645, %gather3A_770 : vector<16xf32>
          %xor3A_772 = arith.constant 4 : i32
          %xor3A_773 = vector.broadcast %xor3A_772 : i32 to vector<16xi32>
          %xor3A_774 = arith.xori %iota3A, %xor3A_773 : vector<16xi32>
          %broadcast_in_dim3A_775 = vector.shape_cast %xor3A_774 : vector<16xi32> to vector<16x1xi32>
          %gather3A_776 = vector.shape_cast %broadcast_in_dim3A_775 : vector<16x1xi32> to vector<16xi32>
          %gather3A_777 = tpu.dynamic_gather %select_n3A_764[%gather3A_776] in [0] : vector<16xf32>, vector<16xi32> -> vector<16xf32>
          %add3A_778 = arith.addf %select_n3A_764, %gather3A_777 : vector<16xf32>
          %and3A_779 = arith.constant 4 : i32
          %and3A_780 = vector.broadcast %and3A_779 : i32 to vector<16xi32>
          %and3A_781 = arith.andi %iota3A, %and3A_780 : vector<16xi32>
          %eq3A_782 = arith.constant 0 : i32
          %eq3A_783 = vector.broadcast %eq3A_782 : i32 to vector<16xi32>
          %eq3A_784 = arith.cmpi eq, %and3A_781, %eq3A_783 : vector<16xi32>
          %select_n3A_785 = arith.select %eq3A_784, %add3A_771, %add3A_778 : vector<16xi1>, vector<16xf32>
          %xor3A_786 = arith.constant 2 : i32
          %xor3A_787 = vector.broadcast %xor3A_786 : i32 to vector<16xi32>
          %xor3A_788 = arith.xori %iota3A, %xor3A_787 : vector<16xi32>
          %broadcast_in_dim3A_789 = vector.shape_cast %xor3A_788 : vector<16xi32> to vector<16x1xi32>
          %gather3A_790 = vector.shape_cast %broadcast_in_dim3A_789 : vector<16x1xi32> to vector<16xi32>
          %gather3A_791 = tpu.dynamic_gather %select_n3A_526[%gather3A_790] in [0] : vector<16xf32>, vector<16xi32> -> vector<16xf32>
          %add3A_792 = arith.addf %select_n3A_526, %gather3A_791 : vector<16xf32>
          %xor3A_793 = arith.constant 2 : i32
          %xor3A_794 = vector.broadcast %xor3A_793 : i32 to vector<16xi32>
          %xor3A_795 = arith.xori %iota3A, %xor3A_794 : vector<16xi32>
          %broadcast_in_dim3A_796 = vector.shape_cast %xor3A_795 : vector<16xi32> to vector<16x1xi32>
          %gather3A_797 = vector.shape_cast %broadcast_in_dim3A_796 : vector<16x1xi32> to vector<16xi32>
          %gather3A_798 = tpu.dynamic_gather %select_n3A_785[%gather3A_797] in [0] : vector<16xf32>, vector<16xi32> -> vector<16xf32>
          %add3A_799 = arith.addf %select_n3A_785, %gather3A_798 : vector<16xf32>
          %and3A_800 = arith.constant 2 : i32
          %and3A_801 = vector.broadcast %and3A_800 : i32 to vector<16xi32>
          %and3A_802 = arith.andi %iota3A, %and3A_801 : vector<16xi32>
          %eq3A_803 = arith.constant 0 : i32
          %eq3A_804 = vector.broadcast %eq3A_803 : i32 to vector<16xi32>
          %eq3A_805 = arith.cmpi eq, %and3A_802, %eq3A_804 : vector<16xi32>
          %select_n3A_806 = arith.select %eq3A_805, %add3A_792, %add3A_799 : vector<16xi1>, vector<16xf32>
          %add3A_807 = arith.constant 1 : i32
          %add3A_808 = arith.addi %mul3A_271, %add3A_807 : i32
          %get3A_809 = arith.index_cast %add3A_808 : i32 to index
          %get3A_810 = arith.constant 0 : index
          %get3A_811 = tpu.vector_load %arg12[%get3A_809, %get3A_810] {strides = array<i32>} : memref<80x128xf32, #tpu.memory_space<vmem>>, vector<1x16xf32>,
          %get3A_812 = vector.shape_cast %get3A_811 : vector<1x16xf32> to vector<16xf32>
          %get3A_813 = arith.index_cast %add3A_808 : i32 to index
          %get3A_814 = arith.constant 16 : index
          %get3A_815 = tpu.vector_load %arg12[%get3A_813, %get3A_814] {strides = array<i32>} : memref<80x128xf32, #tpu.memory_space<vmem>>, vector<1x16xf32>,
          %get3A_816 = vector.shape_cast %get3A_815 : vector<1x16xf32> to vector<16xf32>
          %get3A_817 = arith.index_cast %add3A_808 : i32 to index
          %get3A_818 = arith.constant 32 : index
          %get3A_819 = tpu.vector_load %arg12[%get3A_817, %get3A_818] {strides = array<i32>} : memref<80x128xf32, #tpu.memory_space<vmem>>, vector<1x16xf32>,
          %get3A_820 = vector.shape_cast %get3A_819 : vector<1x16xf32> to vector<16xf32>
          %get3A_821 = arith.index_cast %add3A_808 : i32 to index
          %get3A_822 = arith.constant 48 : index
          %get3A_823 = tpu.vector_load %arg12[%get3A_821, %get3A_822] {strides = array<i32>} : memref<80x128xf32, #tpu.memory_space<vmem>>, vector<1x16xf32>,
          %get3A_824 = vector.shape_cast %get3A_823 : vector<1x16xf32> to vector<16xf32>
          %get3A_825 = arith.index_cast %add3A_808 : i32 to index
          %get3A_826 = arith.constant 64 : index
          %get3A_827 = tpu.vector_load %arg12[%get3A_825, %get3A_826] {strides = array<i32>} : memref<80x128xf32, #tpu.memory_space<vmem>>, vector<1x16xf32>,
          %get3A_828 = vector.shape_cast %get3A_827 : vector<1x16xf32> to vector<16xf32>
          %get3A_829 = arith.index_cast %add3A_808 : i32 to index
          %get3A_830 = arith.constant 80 : index
          %get3A_831 = tpu.vector_load %arg12[%get3A_829, %get3A_830] {strides = array<i32>} : memref<80x128xf32, #tpu.memory_space<vmem>>, vector<1x16xf32>,
          %get3A_832 = vector.shape_cast %get3A_831 : vector<1x16xf32> to vector<16xf32>
          %get3A_833 = arith.index_cast %add3A_808 : i32 to index
          %get3A_834 = arith.constant 96 : index
          %get3A_835 = tpu.vector_load %arg12[%get3A_833, %get3A_834] {strides = array<i32>} : memref<80x128xf32, #tpu.memory_space<vmem>>, vector<1x16xf32>,
          %get3A_836 = vector.shape_cast %get3A_835 : vector<1x16xf32> to vector<16xf32>
          %get3A_837 = arith.index_cast %add3A_808 : i32 to index
          %get3A_838 = arith.constant 112 : index
          %get3A_839 = tpu.vector_load %arg12[%get3A_837, %get3A_838] {strides = array<i32>} : memref<80x128xf32, #tpu.memory_space<vmem>>, vector<1x16xf32>,
          %get3A_840 = vector.shape_cast %get3A_839 : vector<1x16xf32> to vector<16xf32>
          %mul3A_841 = arith.mulf %get3A_812, %get3A_812 : vector<16xf32>
          %mul3A_842 = arith.mulf %get3A_816, %get3A_816 : vector<16xf32>
          %mul3A_843 = arith.mulf %get3A_820, %get3A_820 : vector<16xf32>
          %mul3A_844 = arith.mulf %get3A_824, %get3A_824 : vector<16xf32>
          %mul3A_845 = arith.mulf %get3A_828, %get3A_828 : vector<16xf32>
          %mul3A_846 = arith.mulf %get3A_832, %get3A_832 : vector<16xf32>
          %mul3A_847 = arith.mulf %get3A_836, %get3A_836 : vector<16xf32>
          %mul3A_848 = arith.mulf %get3A_840, %get3A_840 : vector<16xf32>
          %add3A_849 = arith.addf %mul3A_841, %mul3A_842 : vector<16xf32>
          %add3A_850 = arith.addf %mul3A_843, %mul3A_844 : vector<16xf32>
          %add3A_851 = arith.addf %mul3A_845, %mul3A_846 : vector<16xf32>
          %add3A_852 = arith.addf %mul3A_847, %mul3A_848 : vector<16xf32>
          %add3A_853 = arith.addf %add3A_849, %add3A_850 : vector<16xf32>
          %add3A_854 = arith.addf %add3A_851, %add3A_852 : vector<16xf32>
          %add3A_855 = arith.addf %add3A_853, %add3A_854 : vector<16xf32>
          %add3A_856 = arith.constant 9 : i32
          %add3A_857 = arith.addi %mul3A_271, %add3A_856 : i32
          %get3A_858 = arith.index_cast %add3A_857 : i32 to index
          %get3A_859 = arith.constant 0 : index
          %get3A_860 = tpu.vector_load %arg12[%get3A_858, %get3A_859] {strides = array<i32>} : memref<80x128xf32, #tpu.memory_space<vmem>>, vector<1x16xf32>,
          %get3A_861 = vector.shape_cast %get3A_860 : vector<1x16xf32> to vector<16xf32>
          %get3A_862 = arith.index_cast %add3A_857 : i32 to index
          %get3A_863 = arith.constant 16 : index
          %get3A_864 = tpu.vector_load %arg12[%get3A_862, %get3A_863] {strides = array<i32>} : memref<80x128xf32, #tpu.memory_space<vmem>>, vector<1x16xf32>,
          %get3A_865 = vector.shape_cast %get3A_864 : vector<1x16xf32> to vector<16xf32>
          %get3A_866 = arith.index_cast %add3A_857 : i32 to index
          %get3A_867 = arith.constant 32 : index
          %get3A_868 = tpu.vector_load %arg12[%get3A_866, %get3A_867] {strides = array<i32>} : memref<80x128xf32, #tpu.memory_space<vmem>>, vector<1x16xf32>,
          %get3A_869 = vector.shape_cast %get3A_868 : vector<1x16xf32> to vector<16xf32>
          %get3A_870 = arith.index_cast %add3A_857 : i32 to index
          %get3A_871 = arith.constant 48 : index
          %get3A_872 = tpu.vector_load %arg12[%get3A_870, %get3A_871] {strides = array<i32>} : memref<80x128xf32, #tpu.memory_space<vmem>>, vector<1x16xf32>,
          %get3A_873 = vector.shape_cast %get3A_872 : vector<1x16xf32> to vector<16xf32>
          %get3A_874 = arith.index_cast %add3A_857 : i32 to index
          %get3A_875 = arith.constant 64 : index
          %get3A_876 = tpu.vector_load %arg12[%get3A_874, %get3A_875] {strides = array<i32>} : memref<80x128xf32, #tpu.memory_space<vmem>>, vector<1x16xf32>,
          %get3A_877 = vector.shape_cast %get3A_876 : vector<1x16xf32> to vector<16xf32>
          %get3A_878 = arith.index_cast %add3A_857 : i32 to index
          %get3A_879 = arith.constant 80 : index
          %get3A_880 = tpu.vector_load %arg12[%get3A_878, %get3A_879] {strides = array<i32>} : memref<80x128xf32, #tpu.memory_space<vmem>>, vector<1x16xf32>,
          %get3A_881 = vector.shape_cast %get3A_880 : vector<1x16xf32> to vector<16xf32>
          %get3A_882 = arith.index_cast %add3A_857 : i32 to index
          %get3A_883 = arith.constant 96 : index
          %get3A_884 = tpu.vector_load %arg12[%get3A_882, %get3A_883] {strides = array<i32>} : memref<80x128xf32, #tpu.memory_space<vmem>>, vector<1x16xf32>,
          %get3A_885 = vector.shape_cast %get3A_884 : vector<1x16xf32> to vector<16xf32>
          %get3A_886 = arith.index_cast %add3A_857 : i32 to index
          %get3A_887 = arith.constant 112 : index
          %get3A_888 = tpu.vector_load %arg12[%get3A_886, %get3A_887] {strides = array<i32>} : memref<80x128xf32, #tpu.memory_space<vmem>>, vector<1x16xf32>,
          %get3A_889 = vector.shape_cast %get3A_888 : vector<1x16xf32> to vector<16xf32>
          %mul3A_890 = arith.mulf %get3A_861, %get3A_861 : vector<16xf32>
          %mul3A_891 = arith.mulf %get3A_865, %get3A_865 : vector<16xf32>
          %mul3A_892 = arith.mulf %get3A_869, %get3A_869 : vector<16xf32>
          %mul3A_893 = arith.mulf %get3A_873, %get3A_873 : vector<16xf32>
          %mul3A_894 = arith.mulf %get3A_877, %get3A_877 : vector<16xf32>
          %mul3A_895 = arith.mulf %get3A_881, %get3A_881 : vector<16xf32>
          %mul3A_896 = arith.mulf %get3A_885, %get3A_885 : vector<16xf32>
          %mul3A_897 = arith.mulf %get3A_889, %get3A_889 : vector<16xf32>
          %add3A_898 = arith.addf %mul3A_890, %mul3A_891 : vector<16xf32>
          %add3A_899 = arith.addf %mul3A_892, %mul3A_893 : vector<16xf32>
          %add3A_900 = arith.addf %mul3A_894, %mul3A_895 : vector<16xf32>
          %add3A_901 = arith.addf %mul3A_896, %mul3A_897 : vector<16xf32>
          %add3A_902 = arith.addf %add3A_898, %add3A_899 : vector<16xf32>
          %add3A_903 = arith.addf %add3A_900, %add3A_901 : vector<16xf32>
          %add3A_904 = arith.addf %add3A_902, %add3A_903 : vector<16xf32>
          %xor3A_905 = arith.constant 8 : i32
          %xor3A_906 = vector.broadcast %xor3A_905 : i32 to vector<16xi32>
          %xor3A_907 = arith.xori %iota3A, %xor3A_906 : vector<16xi32>
          %broadcast_in_dim3A_908 = vector.shape_cast %xor3A_907 : vector<16xi32> to vector<16x1xi32>
          %gather3A_909 = vector.shape_cast %broadcast_in_dim3A_908 : vector<16x1xi32> to vector<16xi32>
          %gather3A_910 = tpu.dynamic_gather %add3A_855[%gather3A_909] in [0] : vector<16xf32>, vector<16xi32> -> vector<16xf32>
          %add3A_911 = arith.addf %add3A_855, %gather3A_910 : vector<16xf32>
          %xor3A_912 = arith.constant 8 : i32
          %xor3A_913 = vector.broadcast %xor3A_912 : i32 to vector<16xi32>
          %xor3A_914 = arith.xori %iota3A, %xor3A_913 : vector<16xi32>
          %broadcast_in_dim3A_915 = vector.shape_cast %xor3A_914 : vector<16xi32> to vector<16x1xi32>
          %gather3A_916 = vector.shape_cast %broadcast_in_dim3A_915 : vector<16x1xi32> to vector<16xi32>
          %gather3A_917 = tpu.dynamic_gather %add3A_904[%gather3A_916] in [0] : vector<16xf32>, vector<16xi32> -> vector<16xf32>
          %add3A_918 = arith.addf %add3A_904, %gather3A_917 : vector<16xf32>
          %and3A_919 = arith.constant 8 : i32
          %and3A_920 = vector.broadcast %and3A_919 : i32 to vector<16xi32>
          %and3A_921 = arith.andi %iota3A, %and3A_920 : vector<16xi32>
          %eq3A_922 = arith.constant 0 : i32
          %eq3A_923 = vector.broadcast %eq3A_922 : i32 to vector<16xi32>
          %eq3A_924 = arith.cmpi eq, %and3A_921, %eq3A_923 : vector<16xi32>
          %select_n3A_925 = arith.select %eq3A_924, %add3A_911, %add3A_918 : vector<16xi1>, vector<16xf32>
          %add3A_926 = arith.constant 5 : i32
          %add3A_927 = arith.addi %mul3A_271, %add3A_926 : i32
          %get3A_928 = arith.index_cast %add3A_927 : i32 to index
          %get3A_929 = arith.constant 0 : index
          %get3A_930 = tpu.vector_load %arg12[%get3A_928, %get3A_929] {strides = array<i32>} : memref<80x128xf32, #tpu.memory_space<vmem>>, vector<1x16xf32>,
          %get3A_931 = vector.shape_cast %get3A_930 : vector<1x16xf32> to vector<16xf32>
          %get3A_932 = arith.index_cast %add3A_927 : i32 to index
          %get3A_933 = arith.constant 16 : index
          %get3A_934 = tpu.vector_load %arg12[%get3A_932, %get3A_933] {strides = array<i32>} : memref<80x128xf32, #tpu.memory_space<vmem>>, vector<1x16xf32>,
          %get3A_935 = vector.shape_cast %get3A_934 : vector<1x16xf32> to vector<16xf32>
          %get3A_936 = arith.index_cast %add3A_927 : i32 to index
          %get3A_937 = arith.constant 32 : index
          %get3A_938 = tpu.vector_load %arg12[%get3A_936, %get3A_937] {strides = array<i32>} : memref<80x128xf32, #tpu.memory_space<vmem>>, vector<1x16xf32>,
          %get3A_939 = vector.shape_cast %get3A_938 : vector<1x16xf32> to vector<16xf32>
          %get3A_940 = arith.index_cast %add3A_927 : i32 to index
          %get3A_941 = arith.constant 48 : index
          %get3A_942 = tpu.vector_load %arg12[%get3A_940, %get3A_941] {strides = array<i32>} : memref<80x128xf32, #tpu.memory_space<vmem>>, vector<1x16xf32>,
          %get3A_943 = vector.shape_cast %get3A_942 : vector<1x16xf32> to vector<16xf32>
          %get3A_944 = arith.index_cast %add3A_927 : i32 to index
          %get3A_945 = arith.constant 64 : index
          %get3A_946 = tpu.vector_load %arg12[%get3A_944, %get3A_945] {strides = array<i32>} : memref<80x128xf32, #tpu.memory_space<vmem>>, vector<1x16xf32>,
          %get3A_947 = vector.shape_cast %get3A_946 : vector<1x16xf32> to vector<16xf32>
          %get3A_948 = arith.index_cast %add3A_927 : i32 to index
          %get3A_949 = arith.constant 80 : index
          %get3A_950 = tpu.vector_load %arg12[%get3A_948, %get3A_949] {strides = array<i32>} : memref<80x128xf32, #tpu.memory_space<vmem>>, vector<1x16xf32>,
          %get3A_951 = vector.shape_cast %get3A_950 : vector<1x16xf32> to vector<16xf32>
          %get3A_952 = arith.index_cast %add3A_927 : i32 to index
          %get3A_953 = arith.constant 96 : index
          %get3A_954 = tpu.vector_load %arg12[%get3A_952, %get3A_953] {strides = array<i32>} : memref<80x128xf32, #tpu.memory_space<vmem>>, vector<1x16xf32>,
          %get3A_955 = vector.shape_cast %get3A_954 : vector<1x16xf32> to vector<16xf32>
          %get3A_956 = arith.index_cast %add3A_927 : i32 to index
          %get3A_957 = arith.constant 112 : index
          %get3A_958 = tpu.vector_load %arg12[%get3A_956, %get3A_957] {strides = array<i32>} : memref<80x128xf32, #tpu.memory_space<vmem>>, vector<1x16xf32>,
          %get3A_959 = vector.shape_cast %get3A_958 : vector<1x16xf32> to vector<16xf32>
          %mul3A_960 = arith.mulf %get3A_931, %get3A_931 : vector<16xf32>
          %mul3A_961 = arith.mulf %get3A_935, %get3A_935 : vector<16xf32>
          %mul3A_962 = arith.mulf %get3A_939, %get3A_939 : vector<16xf32>
          %mul3A_963 = arith.mulf %get3A_943, %get3A_943 : vector<16xf32>
          %mul3A_964 = arith.mulf %get3A_947, %get3A_947 : vector<16xf32>
          %mul3A_965 = arith.mulf %get3A_951, %get3A_951 : vector<16xf32>
          %mul3A_966 = arith.mulf %get3A_955, %get3A_955 : vector<16xf32>
          %mul3A_967 = arith.mulf %get3A_959, %get3A_959 : vector<16xf32>
          %add3A_968 = arith.addf %mul3A_960, %mul3A_961 : vector<16xf32>
          %add3A_969 = arith.addf %mul3A_962, %mul3A_963 : vector<16xf32>
          %add3A_970 = arith.addf %mul3A_964, %mul3A_965 : vector<16xf32>
          %add3A_971 = arith.addf %mul3A_966, %mul3A_967 : vector<16xf32>
          %add3A_972 = arith.addf %add3A_968, %add3A_969 : vector<16xf32>
          %add3A_973 = arith.addf %add3A_970, %add3A_971 : vector<16xf32>
          %add3A_974 = arith.addf %add3A_972, %add3A_973 : vector<16xf32>
          %add3A_975 = arith.constant 13 : i32
          %add3A_976 = arith.addi %mul3A_271, %add3A_975 : i32
          %get3A_977 = arith.index_cast %add3A_976 : i32 to index
          %get3A_978 = arith.constant 0 : index
          %get3A_979 = tpu.vector_load %arg12[%get3A_977, %get3A_978] {strides = array<i32>} : memref<80x128xf32, #tpu.memory_space<vmem>>, vector<1x16xf32>,
          %get3A_980 = vector.shape_cast %get3A_979 : vector<1x16xf32> to vector<16xf32>
          %get3A_981 = arith.index_cast %add3A_976 : i32 to index
          %get3A_982 = arith.constant 16 : index
          %get3A_983 = tpu.vector_load %arg12[%get3A_981, %get3A_982] {strides = array<i32>} : memref<80x128xf32, #tpu.memory_space<vmem>>, vector<1x16xf32>,
          %get3A_984 = vector.shape_cast %get3A_983 : vector<1x16xf32> to vector<16xf32>
          %get3A_985 = arith.index_cast %add3A_976 : i32 to index
          %get3A_986 = arith.constant 32 : index
          %get3A_987 = tpu.vector_load %arg12[%get3A_985, %get3A_986] {strides = array<i32>} : memref<80x128xf32, #tpu.memory_space<vmem>>, vector<1x16xf32>,
          %get3A_988 = vector.shape_cast %get3A_987 : vector<1x16xf32> to vector<16xf32>
          %get3A_989 = arith.index_cast %add3A_976 : i32 to index
          %get3A_990 = arith.constant 48 : index
          %get3A_991 = tpu.vector_load %arg12[%get3A_989, %get3A_990] {strides = array<i32>} : memref<80x128xf32, #tpu.memory_space<vmem>>, vector<1x16xf32>,
          %get3A_992 = vector.shape_cast %get3A_991 : vector<1x16xf32> to vector<16xf32>
          %get3A_993 = arith.index_cast %add3A_976 : i32 to index
          %get3A_994 = arith.constant 64 : index
          %get3A_995 = tpu.vector_load %arg12[%get3A_993, %get3A_994] {strides = array<i32>} : memref<80x128xf32, #tpu.memory_space<vmem>>, vector<1x16xf32>,
          %get3A_996 = vector.shape_cast %get3A_995 : vector<1x16xf32> to vector<16xf32>
          %get3A_997 = arith.index_cast %add3A_976 : i32 to index
          %get3A_998 = arith.constant 80 : index
          %get3A_999 = tpu.vector_load %arg12[%get3A_997, %get3A_998] {strides = array<i32>} : memref<80x128xf32, #tpu.memory_space<vmem>>, vector<1x16xf32>,
          %get3A_1000 = vector.shape_cast %get3A_999 : vector<1x16xf32> to vector<16xf32>
          %get3A_1001 = arith.index_cast %add3A_976 : i32 to index
          %get3A_1002 = arith.constant 96 : index
          %get3A_1003 = tpu.vector_load %arg12[%get3A_1001, %get3A_1002] {strides = array<i32>} : memref<80x128xf32, #tpu.memory_space<vmem>>, vector<1x16xf32>,
          %get3A_1004 = vector.shape_cast %get3A_1003 : vector<1x16xf32> to vector<16xf32>
          %get3A_1005 = arith.index_cast %add3A_976 : i32 to index
          %get3A_1006 = arith.constant 112 : index
          %get3A_1007 = tpu.vector_load %arg12[%get3A_1005, %get3A_1006] {strides = array<i32>} : memref<80x128xf32, #tpu.memory_space<vmem>>, vector<1x16xf32>,
          %get3A_1008 = vector.shape_cast %get3A_1007 : vector<1x16xf32> to vector<16xf32>
          %mul3A_1009 = arith.mulf %get3A_980, %get3A_980 : vector<16xf32>
          %mul3A_1010 = arith.mulf %get3A_984, %get3A_984 : vector<16xf32>
          %mul3A_1011 = arith.mulf %get3A_988, %get3A_988 : vector<16xf32>
          %mul3A_1012 = arith.mulf %get3A_992, %get3A_992 : vector<16xf32>
          %mul3A_1013 = arith.mulf %get3A_996, %get3A_996 : vector<16xf32>
          %mul3A_1014 = arith.mulf %get3A_1000, %get3A_1000 : vector<16xf32>
          %mul3A_1015 = arith.mulf %get3A_1004, %get3A_1004 : vector<16xf32>
          %mul3A_1016 = arith.mulf %get3A_1008, %get3A_1008 : vector<16xf32>
          %add3A_1017 = arith.addf %mul3A_1009, %mul3A_1010 : vector<16xf32>
          %add3A_1018 = arith.addf %mul3A_1011, %mul3A_1012 : vector<16xf32>
          %add3A_1019 = arith.addf %mul3A_1013, %mul3A_1014 : vector<16xf32>
          %add3A_1020 = arith.addf %mul3A_1015, %mul3A_1016 : vector<16xf32>
          %add3A_1021 = arith.addf %add3A_1017, %add3A_1018 : vector<16xf32>
          %add3A_1022 = arith.addf %add3A_1019, %add3A_1020 : vector<16xf32>
          %add3A_1023 = arith.addf %add3A_1021, %add3A_1022 : vector<16xf32>
          %xor3A_1024 = arith.constant 8 : i32
          %xor3A_1025 = vector.broadcast %xor3A_1024 : i32 to vector<16xi32>
          %xor3A_1026 = arith.xori %iota3A, %xor3A_1025 : vector<16xi32>
          %broadcast_in_dim3A_1027 = vector.shape_cast %xor3A_1026 : vector<16xi32> to vector<16x1xi32>
          %gather3A_1028 = vector.shape_cast %broadcast_in_dim3A_1027 : vector<16x1xi32> to vector<16xi32>
          %gather3A_1029 = tpu.dynamic_gather %add3A_974[%gather3A_1028] in [0] : vector<16xf32>, vector<16xi32> -> vector<16xf32>
          %add3A_1030 = arith.addf %add3A_974, %gather3A_1029 : vector<16xf32>
          %xor3A_1031 = arith.constant 8 : i32
          %xor3A_1032 = vector.broadcast %xor3A_1031 : i32 to vector<16xi32>
          %xor3A_1033 = arith.xori %iota3A, %xor3A_1032 : vector<16xi32>
          %broadcast_in_dim3A_1034 = vector.shape_cast %xor3A_1033 : vector<16xi32> to vector<16x1xi32>
          %gather3A_1035 = vector.shape_cast %broadcast_in_dim3A_1034 : vector<16x1xi32> to vector<16xi32>
          %gather3A_1036 = tpu.dynamic_gather %add3A_1023[%gather3A_1035] in [0] : vector<16xf32>, vector<16xi32> -> vector<16xf32>
          %add3A_1037 = arith.addf %add3A_1023, %gather3A_1036 : vector<16xf32>
          %and3A_1038 = arith.constant 8 : i32
          %and3A_1039 = vector.broadcast %and3A_1038 : i32 to vector<16xi32>
          %and3A_1040 = arith.andi %iota3A, %and3A_1039 : vector<16xi32>
          %eq3A_1041 = arith.constant 0 : i32
          %eq3A_1042 = vector.broadcast %eq3A_1041 : i32 to vector<16xi32>
          %eq3A_1043 = arith.cmpi eq, %and3A_1040, %eq3A_1042 : vector<16xi32>
          %select_n3A_1044 = arith.select %eq3A_1043, %add3A_1030, %add3A_1037 : vector<16xi1>, vector<16xf32>
          %xor3A_1045 = arith.constant 4 : i32
          %xor3A_1046 = vector.broadcast %xor3A_1045 : i32 to vector<16xi32>
          %xor3A_1047 = arith.xori %iota3A, %xor3A_1046 : vector<16xi32>
          %broadcast_in_dim3A_1048 = vector.shape_cast %xor3A_1047 : vector<16xi32> to vector<16x1xi32>
          %gather3A_1049 = vector.shape_cast %broadcast_in_dim3A_1048 : vector<16x1xi32> to vector<16xi32>
          %gather3A_1050 = tpu.dynamic_gather %select_n3A_925[%gather3A_1049] in [0] : vector<16xf32>, vector<16xi32> -> vector<16xf32>
          %add3A_1051 = arith.addf %select_n3A_925, %gather3A_1050 : vector<16xf32>
          %xor3A_1052 = arith.constant 4 : i32
          %xor3A_1053 = vector.broadcast %xor3A_1052 : i32 to vector<16xi32>
          %xor3A_1054 = arith.xori %iota3A, %xor3A_1053 : vector<16xi32>
          %broadcast_in_dim3A_1055 = vector.shape_cast %xor3A_1054 : vector<16xi32> to vector<16x1xi32>
          %gather3A_1056 = vector.shape_cast %broadcast_in_dim3A_1055 : vector<16x1xi32> to vector<16xi32>
          %gather3A_1057 = tpu.dynamic_gather %select_n3A_1044[%gather3A_1056] in [0] : vector<16xf32>, vector<16xi32> -> vector<16xf32>
          %add3A_1058 = arith.addf %select_n3A_1044, %gather3A_1057 : vector<16xf32>
          %and3A_1059 = arith.constant 4 : i32
          %and3A_1060 = vector.broadcast %and3A_1059 : i32 to vector<16xi32>
          %and3A_1061 = arith.andi %iota3A, %and3A_1060 : vector<16xi32>
          %eq3A_1062 = arith.constant 0 : i32
          %eq3A_1063 = vector.broadcast %eq3A_1062 : i32 to vector<16xi32>
          %eq3A_1064 = arith.cmpi eq, %and3A_1061, %eq3A_1063 : vector<16xi32>
          %select_n3A_1065 = arith.select %eq3A_1064, %add3A_1051, %add3A_1058 : vector<16xi1>, vector<16xf32>
          %add3A_1066 = arith.constant 3 : i32
          %add3A_1067 = arith.addi %mul3A_271, %add3A_1066 : i32
          %get3A_1068 = arith.index_cast %add3A_1067 : i32 to index
          %get3A_1069 = arith.constant 0 : index
          %get3A_1070 = tpu.vector_load %arg12[%get3A_1068, %get3A_1069] {strides = array<i32>} : memref<80x128xf32, #tpu.memory_space<vmem>>, vector<1x16xf32>,
          %get3A_1071 = vector.shape_cast %get3A_1070 : vector<1x16xf32> to vector<16xf32>
          %get3A_1072 = arith.index_cast %add3A_1067 : i32 to index
          %get3A_1073 = arith.constant 16 : index
          %get3A_1074 = tpu.vector_load %arg12[%get3A_1072, %get3A_1073] {strides = array<i32>} : memref<80x128xf32, #tpu.memory_space<vmem>>, vector<1x16xf32>,
          %get3A_1075 = vector.shape_cast %get3A_1074 : vector<1x16xf32> to vector<16xf32>
          %get3A_1076 = arith.index_cast %add3A_1067 : i32 to index
          %get3A_1077 = arith.constant 32 : index
          %get3A_1078 = tpu.vector_load %arg12[%get3A_1076, %get3A_1077] {strides = array<i32>} : memref<80x128xf32, #tpu.memory_space<vmem>>, vector<1x16xf32>,
          %get3A_1079 = vector.shape_cast %get3A_1078 : vector<1x16xf32> to vector<16xf32>
          %get3A_1080 = arith.index_cast %add3A_1067 : i32 to index
          %get3A_1081 = arith.constant 48 : index
          %get3A_1082 = tpu.vector_load %arg12[%get3A_1080, %get3A_1081] {strides = array<i32>} : memref<80x128xf32, #tpu.memory_space<vmem>>, vector<1x16xf32>,
          %get3A_1083 = vector.shape_cast %get3A_1082 : vector<1x16xf32> to vector<16xf32>
          %get3A_1084 = arith.index_cast %add3A_1067 : i32 to index
          %get3A_1085 = arith.constant 64 : index
          %get3A_1086 = tpu.vector_load %arg12[%get3A_1084, %get3A_1085] {strides = array<i32>} : memref<80x128xf32, #tpu.memory_space<vmem>>, vector<1x16xf32>,
          %get3A_1087 = vector.shape_cast %get3A_1086 : vector<1x16xf32> to vector<16xf32>
          %get3A_1088 = arith.index_cast %add3A_1067 : i32 to index
          %get3A_1089 = arith.constant 80 : index
          %get3A_1090 = tpu.vector_load %arg12[%get3A_1088, %get3A_1089] {strides = array<i32>} : memref<80x128xf32, #tpu.memory_space<vmem>>, vector<1x16xf32>,
          %get3A_1091 = vector.shape_cast %get3A_1090 : vector<1x16xf32> to vector<16xf32>
          %get3A_1092 = arith.index_cast %add3A_1067 : i32 to index
          %get3A_1093 = arith.constant 96 : index
          %get3A_1094 = tpu.vector_load %arg12[%get3A_1092, %get3A_1093] {strides = array<i32>} : memref<80x128xf32, #tpu.memory_space<vmem>>, vector<1x16xf32>,
          %get3A_1095 = vector.shape_cast %get3A_1094 : vector<1x16xf32> to vector<16xf32>
          %get3A_1096 = arith.index_cast %add3A_1067 : i32 to index
          %get3A_1097 = arith.constant 112 : index
          %get3A_1098 = tpu.vector_load %arg12[%get3A_1096, %get3A_1097] {strides = array<i32>} : memref<80x128xf32, #tpu.memory_space<vmem>>, vector<1x16xf32>,
          %get3A_1099 = vector.shape_cast %get3A_1098 : vector<1x16xf32> to vector<16xf32>
          %mul3A_1100 = arith.mulf %get3A_1071, %get3A_1071 : vector<16xf32>
          %mul3A_1101 = arith.mulf %get3A_1075, %get3A_1075 : vector<16xf32>
          %mul3A_1102 = arith.mulf %get3A_1079, %get3A_1079 : vector<16xf32>
          %mul3A_1103 = arith.mulf %get3A_1083, %get3A_1083 : vector<16xf32>
          %mul3A_1104 = arith.mulf %get3A_1087, %get3A_1087 : vector<16xf32>
          %mul3A_1105 = arith.mulf %get3A_1091, %get3A_1091 : vector<16xf32>
          %mul3A_1106 = arith.mulf %get3A_1095, %get3A_1095 : vector<16xf32>
          %mul3A_1107 = arith.mulf %get3A_1099, %get3A_1099 : vector<16xf32>
          %add3A_1108 = arith.addf %mul3A_1100, %mul3A_1101 : vector<16xf32>
          %add3A_1109 = arith.addf %mul3A_1102, %mul3A_1103 : vector<16xf32>
          %add3A_1110 = arith.addf %mul3A_1104, %mul3A_1105 : vector<16xf32>
          %add3A_1111 = arith.addf %mul3A_1106, %mul3A_1107 : vector<16xf32>
          %add3A_1112 = arith.addf %add3A_1108, %add3A_1109 : vector<16xf32>
          %add3A_1113 = arith.addf %add3A_1110, %add3A_1111 : vector<16xf32>
          %add3A_1114 = arith.addf %add3A_1112, %add3A_1113 : vector<16xf32>
          %add3A_1115 = arith.constant 11 : i32
          %add3A_1116 = arith.addi %mul3A_271, %add3A_1115 : i32
          %get3A_1117 = arith.index_cast %add3A_1116 : i32 to index
          %get3A_1118 = arith.constant 0 : index
          %get3A_1119 = tpu.vector_load %arg12[%get3A_1117, %get3A_1118] {strides = array<i32>} : memref<80x128xf32, #tpu.memory_space<vmem>>, vector<1x16xf32>,
          %get3A_1120 = vector.shape_cast %get3A_1119 : vector<1x16xf32> to vector<16xf32>
          %get3A_1121 = arith.index_cast %add3A_1116 : i32 to index
          %get3A_1122 = arith.constant 16 : index
          %get3A_1123 = tpu.vector_load %arg12[%get3A_1121, %get3A_1122] {strides = array<i32>} : memref<80x128xf32, #tpu.memory_space<vmem>>, vector<1x16xf32>,
          %get3A_1124 = vector.shape_cast %get3A_1123 : vector<1x16xf32> to vector<16xf32>
          %get3A_1125 = arith.index_cast %add3A_1116 : i32 to index
          %get3A_1126 = arith.constant 32 : index
          %get3A_1127 = tpu.vector_load %arg12[%get3A_1125, %get3A_1126] {strides = array<i32>} : memref<80x128xf32, #tpu.memory_space<vmem>>, vector<1x16xf32>,
          %get3A_1128 = vector.shape_cast %get3A_1127 : vector<1x16xf32> to vector<16xf32>
          %get3A_1129 = arith.index_cast %add3A_1116 : i32 to index
          %get3A_1130 = arith.constant 48 : index
          %get3A_1131 = tpu.vector_load %arg12[%get3A_1129, %get3A_1130] {strides = array<i32>} : memref<80x128xf32, #tpu.memory_space<vmem>>, vector<1x16xf32>,
          %get3A_1132 = vector.shape_cast %get3A_1131 : vector<1x16xf32> to vector<16xf32>
          %get3A_1133 = arith.index_cast %add3A_1116 : i32 to index
          %get3A_1134 = arith.constant 64 : index
          %get3A_1135 = tpu.vector_load %arg12[%get3A_1133, %get3A_1134] {strides = array<i32>} : memref<80x128xf32, #tpu.memory_space<vmem>>, vector<1x16xf32>,
          %get3A_1136 = vector.shape_cast %get3A_1135 : vector<1x16xf32> to vector<16xf32>
          %get3A_1137 = arith.index_cast %add3A_1116 : i32 to index
          %get3A_1138 = arith.constant 80 : index
          %get3A_1139 = tpu.vector_load %arg12[%get3A_1137, %get3A_1138] {strides = array<i32>} : memref<80x128xf32, #tpu.memory_space<vmem>>, vector<1x16xf32>,
          %get3A_1140 = vector.shape_cast %get3A_1139 : vector<1x16xf32> to vector<16xf32>
          %get3A_1141 = arith.index_cast %add3A_1116 : i32 to index
          %get3A_1142 = arith.constant 96 : index
          %get3A_1143 = tpu.vector_load %arg12[%get3A_1141, %get3A_1142] {strides = array<i32>} : memref<80x128xf32, #tpu.memory_space<vmem>>, vector<1x16xf32>,
          %get3A_1144 = vector.shape_cast %get3A_1143 : vector<1x16xf32> to vector<16xf32>
          %get3A_1145 = arith.index_cast %add3A_1116 : i32 to index
          %get3A_1146 = arith.constant 112 : index
          %get3A_1147 = tpu.vector_load %arg12[%get3A_1145, %get3A_1146] {strides = array<i32>} : memref<80x128xf32, #tpu.memory_space<vmem>>, vector<1x16xf32>,
          %get3A_1148 = vector.shape_cast %get3A_1147 : vector<1x16xf32> to vector<16xf32>
          %mul3A_1149 = arith.mulf %get3A_1120, %get3A_1120 : vector<16xf32>
          %mul3A_1150 = arith.mulf %get3A_1124, %get3A_1124 : vector<16xf32>
          %mul3A_1151 = arith.mulf %get3A_1128, %get3A_1128 : vector<16xf32>
          %mul3A_1152 = arith.mulf %get3A_1132, %get3A_1132 : vector<16xf32>
          %mul3A_1153 = arith.mulf %get3A_1136, %get3A_1136 : vector<16xf32>
          %mul3A_1154 = arith.mulf %get3A_1140, %get3A_1140 : vector<16xf32>
          %mul3A_1155 = arith.mulf %get3A_1144, %get3A_1144 : vector<16xf32>
          %mul3A_1156 = arith.mulf %get3A_1148, %get3A_1148 : vector<16xf32>
          %add3A_1157 = arith.addf %mul3A_1149, %mul3A_1150 : vector<16xf32>
          %add3A_1158 = arith.addf %mul3A_1151, %mul3A_1152 : vector<16xf32>
          %add3A_1159 = arith.addf %mul3A_1153, %mul3A_1154 : vector<16xf32>
          %add3A_1160 = arith.addf %mul3A_1155, %mul3A_1156 : vector<16xf32>
          %add3A_1161 = arith.addf %add3A_1157, %add3A_1158 : vector<16xf32>
          %add3A_1162 = arith.addf %add3A_1159, %add3A_1160 : vector<16xf32>
          %add3A_1163 = arith.addf %add3A_1161, %add3A_1162 : vector<16xf32>
          %xor3A_1164 = arith.constant 8 : i32
          %xor3A_1165 = vector.broadcast %xor3A_1164 : i32 to vector<16xi32>
          %xor3A_1166 = arith.xori %iota3A, %xor3A_1165 : vector<16xi32>
          %broadcast_in_dim3A_1167 = vector.shape_cast %xor3A_1166 : vector<16xi32> to vector<16x1xi32>
          %gather3A_1168 = vector.shape_cast %broadcast_in_dim3A_1167 : vector<16x1xi32> to vector<16xi32>
          %gather3A_1169 = tpu.dynamic_gather %add3A_1114[%gather3A_1168] in [0] : vector<16xf32>, vector<16xi32> -> vector<16xf32>
          %add3A_1170 = arith.addf %add3A_1114, %gather3A_1169 : vector<16xf32>
          %xor3A_1171 = arith.constant 8 : i32
          %xor3A_1172 = vector.broadcast %xor3A_1171 : i32 to vector<16xi32>
          %xor3A_1173 = arith.xori %iota3A, %xor3A_1172 : vector<16xi32>
          %broadcast_in_dim3A_1174 = vector.shape_cast %xor3A_1173 : vector<16xi32> to vector<16x1xi32>
          %gather3A_1175 = vector.shape_cast %broadcast_in_dim3A_1174 : vector<16x1xi32> to vector<16xi32>
          %gather3A_1176 = tpu.dynamic_gather %add3A_1163[%gather3A_1175] in [0] : vector<16xf32>, vector<16xi32> -> vector<16xf32>
          %add3A_1177 = arith.addf %add3A_1163, %gather3A_1176 : vector<16xf32>
          %and3A_1178 = arith.constant 8 : i32
          %and3A_1179 = vector.broadcast %and3A_1178 : i32 to vector<16xi32>
          %and3A_1180 = arith.andi %iota3A, %and3A_1179 : vector<16xi32>
          %eq3A_1181 = arith.constant 0 : i32
          %eq3A_1182 = vector.broadcast %eq3A_1181 : i32 to vector<16xi32>
          %eq3A_1183 = arith.cmpi eq, %and3A_1180, %eq3A_1182 : vector<16xi32>
          %select_n3A_1184 = arith.select %eq3A_1183, %add3A_1170, %add3A_1177 : vector<16xi1>, vector<16xf32>
          %add3A_1185 = arith.constant 7 : i32
          %add3A_1186 = arith.addi %mul3A_271, %add3A_1185 : i32
          %get3A_1187 = arith.index_cast %add3A_1186 : i32 to index
          %get3A_1188 = arith.constant 0 : index
          %get3A_1189 = tpu.vector_load %arg12[%get3A_1187, %get3A_1188] {strides = array<i32>} : memref<80x128xf32, #tpu.memory_space<vmem>>, vector<1x16xf32>,
          %get3A_1190 = vector.shape_cast %get3A_1189 : vector<1x16xf32> to vector<16xf32>
          %get3A_1191 = arith.index_cast %add3A_1186 : i32 to index
          %get3A_1192 = arith.constant 16 : index
          %get3A_1193 = tpu.vector_load %arg12[%get3A_1191, %get3A_1192] {strides = array<i32>} : memref<80x128xf32, #tpu.memory_space<vmem>>, vector<1x16xf32>,
          %get3A_1194 = vector.shape_cast %get3A_1193 : vector<1x16xf32> to vector<16xf32>
          %get3A_1195 = arith.index_cast %add3A_1186 : i32 to index
          %get3A_1196 = arith.constant 32 : index
          %get3A_1197 = tpu.vector_load %arg12[%get3A_1195, %get3A_1196] {strides = array<i32>} : memref<80x128xf32, #tpu.memory_space<vmem>>, vector<1x16xf32>,
          %get3A_1198 = vector.shape_cast %get3A_1197 : vector<1x16xf32> to vector<16xf32>
          %get3A_1199 = arith.index_cast %add3A_1186 : i32 to index
          %get3A_1200 = arith.constant 48 : index
          %get3A_1201 = tpu.vector_load %arg12[%get3A_1199, %get3A_1200] {strides = array<i32>} : memref<80x128xf32, #tpu.memory_space<vmem>>, vector<1x16xf32>,
          %get3A_1202 = vector.shape_cast %get3A_1201 : vector<1x16xf32> to vector<16xf32>
          %get3A_1203 = arith.index_cast %add3A_1186 : i32 to index
          %get3A_1204 = arith.constant 64 : index
          %get3A_1205 = tpu.vector_load %arg12[%get3A_1203, %get3A_1204] {strides = array<i32>} : memref<80x128xf32, #tpu.memory_space<vmem>>, vector<1x16xf32>,
          %get3A_1206 = vector.shape_cast %get3A_1205 : vector<1x16xf32> to vector<16xf32>
          %get3A_1207 = arith.index_cast %add3A_1186 : i32 to index
          %get3A_1208 = arith.constant 80 : index
          %get3A_1209 = tpu.vector_load %arg12[%get3A_1207, %get3A_1208] {strides = array<i32>} : memref<80x128xf32, #tpu.memory_space<vmem>>, vector<1x16xf32>,
          %get3A_1210 = vector.shape_cast %get3A_1209 : vector<1x16xf32> to vector<16xf32>
          %get3A_1211 = arith.index_cast %add3A_1186 : i32 to index
          %get3A_1212 = arith.constant 96 : index
          %get3A_1213 = tpu.vector_load %arg12[%get3A_1211, %get3A_1212] {strides = array<i32>} : memref<80x128xf32, #tpu.memory_space<vmem>>, vector<1x16xf32>,
          %get3A_1214 = vector.shape_cast %get3A_1213 : vector<1x16xf32> to vector<16xf32>
          %get3A_1215 = arith.index_cast %add3A_1186 : i32 to index
          %get3A_1216 = arith.constant 112 : index
          %get3A_1217 = tpu.vector_load %arg12[%get3A_1215, %get3A_1216] {strides = array<i32>} : memref<80x128xf32, #tpu.memory_space<vmem>>, vector<1x16xf32>,
          %get3A_1218 = vector.shape_cast %get3A_1217 : vector<1x16xf32> to vector<16xf32>
          %mul3A_1219 = arith.mulf %get3A_1190, %get3A_1190 : vector<16xf32>
          %mul3A_1220 = arith.mulf %get3A_1194, %get3A_1194 : vector<16xf32>
          %mul3A_1221 = arith.mulf %get3A_1198, %get3A_1198 : vector<16xf32>
          %mul3A_1222 = arith.mulf %get3A_1202, %get3A_1202 : vector<16xf32>
          %mul3A_1223 = arith.mulf %get3A_1206, %get3A_1206 : vector<16xf32>
          %mul3A_1224 = arith.mulf %get3A_1210, %get3A_1210 : vector<16xf32>
          %mul3A_1225 = arith.mulf %get3A_1214, %get3A_1214 : vector<16xf32>
          %mul3A_1226 = arith.mulf %get3A_1218, %get3A_1218 : vector<16xf32>
          %add3A_1227 = arith.addf %mul3A_1219, %mul3A_1220 : vector<16xf32>
          %add3A_1228 = arith.addf %mul3A_1221, %mul3A_1222 : vector<16xf32>
          %add3A_1229 = arith.addf %mul3A_1223, %mul3A_1224 : vector<16xf32>
          %add3A_1230 = arith.addf %mul3A_1225, %mul3A_1226 : vector<16xf32>
          %add3A_1231 = arith.addf %add3A_1227, %add3A_1228 : vector<16xf32>
          %add3A_1232 = arith.addf %add3A_1229, %add3A_1230 : vector<16xf32>
          %add3A_1233 = arith.addf %add3A_1231, %add3A_1232 : vector<16xf32>
          %add3A_1234 = arith.constant 15 : i32
          %add3A_1235 = arith.addi %mul3A_271, %add3A_1234 : i32
          %get3A_1236 = arith.index_cast %add3A_1235 : i32 to index
          %get3A_1237 = arith.constant 0 : index
          %get3A_1238 = tpu.vector_load %arg12[%get3A_1236, %get3A_1237] {strides = array<i32>} : memref<80x128xf32, #tpu.memory_space<vmem>>, vector<1x16xf32>,
          %get3A_1239 = vector.shape_cast %get3A_1238 : vector<1x16xf32> to vector<16xf32>
          %get3A_1240 = arith.index_cast %add3A_1235 : i32 to index
          %get3A_1241 = arith.constant 16 : index
          %get3A_1242 = tpu.vector_load %arg12[%get3A_1240, %get3A_1241] {strides = array<i32>} : memref<80x128xf32, #tpu.memory_space<vmem>>, vector<1x16xf32>,
          %get3A_1243 = vector.shape_cast %get3A_1242 : vector<1x16xf32> to vector<16xf32>
          %get3A_1244 = arith.index_cast %add3A_1235 : i32 to index
          %get3A_1245 = arith.constant 32 : index
          %get3A_1246 = tpu.vector_load %arg12[%get3A_1244, %get3A_1245] {strides = array<i32>} : memref<80x128xf32, #tpu.memory_space<vmem>>, vector<1x16xf32>,
          %get3A_1247 = vector.shape_cast %get3A_1246 : vector<1x16xf32> to vector<16xf32>
          %get3A_1248 = arith.index_cast %add3A_1235 : i32 to index
          %get3A_1249 = arith.constant 48 : index
          %get3A_1250 = tpu.vector_load %arg12[%get3A_1248, %get3A_1249] {strides = array<i32>} : memref<80x128xf32, #tpu.memory_space<vmem>>, vector<1x16xf32>,
          %get3A_1251 = vector.shape_cast %get3A_1250 : vector<1x16xf32> to vector<16xf32>
          %get3A_1252 = arith.index_cast %add3A_1235 : i32 to index
          %get3A_1253 = arith.constant 64 : index
          %get3A_1254 = tpu.vector_load %arg12[%get3A_1252, %get3A_1253] {strides = array<i32>} : memref<80x128xf32, #tpu.memory_space<vmem>>, vector<1x16xf32>,
          %get3A_1255 = vector.shape_cast %get3A_1254 : vector<1x16xf32> to vector<16xf32>
          %get3A_1256 = arith.index_cast %add3A_1235 : i32 to index
          %get3A_1257 = arith.constant 80 : index
          %get3A_1258 = tpu.vector_load %arg12[%get3A_1256, %get3A_1257] {strides = array<i32>} : memref<80x128xf32, #tpu.memory_space<vmem>>, vector<1x16xf32>,
          %get3A_1259 = vector.shape_cast %get3A_1258 : vector<1x16xf32> to vector<16xf32>
          %get3A_1260 = arith.index_cast %add3A_1235 : i32 to index
          %get3A_1261 = arith.constant 96 : index
          %get3A_1262 = tpu.vector_load %arg12[%get3A_1260, %get3A_1261] {strides = array<i32>} : memref<80x128xf32, #tpu.memory_space<vmem>>, vector<1x16xf32>,
          %get3A_1263 = vector.shape_cast %get3A_1262 : vector<1x16xf32> to vector<16xf32>
          %get3A_1264 = arith.index_cast %add3A_1235 : i32 to index
          %get3A_1265 = arith.constant 112 : index
          %get3A_1266 = tpu.vector_load %arg12[%get3A_1264, %get3A_1265] {strides = array<i32>} : memref<80x128xf32, #tpu.memory_space<vmem>>, vector<1x16xf32>,
          %get3A_1267 = vector.shape_cast %get3A_1266 : vector<1x16xf32> to vector<16xf32>
          %mul3A_1268 = arith.mulf %get3A_1239, %get3A_1239 : vector<16xf32>
          %mul3A_1269 = arith.mulf %get3A_1243, %get3A_1243 : vector<16xf32>
          %mul3A_1270 = arith.mulf %get3A_1247, %get3A_1247 : vector<16xf32>
          %mul3A_1271 = arith.mulf %get3A_1251, %get3A_1251 : vector<16xf32>
          %mul3A_1272 = arith.mulf %get3A_1255, %get3A_1255 : vector<16xf32>
          %mul3A_1273 = arith.mulf %get3A_1259, %get3A_1259 : vector<16xf32>
          %mul3A_1274 = arith.mulf %get3A_1263, %get3A_1263 : vector<16xf32>
          %mul3A_1275 = arith.mulf %get3A_1267, %get3A_1267 : vector<16xf32>
          %add3A_1276 = arith.addf %mul3A_1268, %mul3A_1269 : vector<16xf32>
          %add3A_1277 = arith.addf %mul3A_1270, %mul3A_1271 : vector<16xf32>
          %add3A_1278 = arith.addf %mul3A_1272, %mul3A_1273 : vector<16xf32>
          %add3A_1279 = arith.addf %mul3A_1274, %mul3A_1275 : vector<16xf32>
          %add3A_1280 = arith.addf %add3A_1276, %add3A_1277 : vector<16xf32>
          %add3A_1281 = arith.addf %add3A_1278, %add3A_1279 : vector<16xf32>
          %add3A_1282 = arith.addf %add3A_1280, %add3A_1281 : vector<16xf32>
          %xor3A_1283 = arith.constant 8 : i32
          %xor3A_1284 = vector.broadcast %xor3A_1283 : i32 to vector<16xi32>
          %xor3A_1285 = arith.xori %iota3A, %xor3A_1284 : vector<16xi32>
          %broadcast_in_dim3A_1286 = vector.shape_cast %xor3A_1285 : vector<16xi32> to vector<16x1xi32>
          %gather3A_1287 = vector.shape_cast %broadcast_in_dim3A_1286 : vector<16x1xi32> to vector<16xi32>
          %gather3A_1288 = tpu.dynamic_gather %add3A_1233[%gather3A_1287] in [0] : vector<16xf32>, vector<16xi32> -> vector<16xf32>
          %add3A_1289 = arith.addf %add3A_1233, %gather3A_1288 : vector<16xf32>
          %xor3A_1290 = arith.constant 8 : i32
          %xor3A_1291 = vector.broadcast %xor3A_1290 : i32 to vector<16xi32>
          %xor3A_1292 = arith.xori %iota3A, %xor3A_1291 : vector<16xi32>
          %broadcast_in_dim3A_1293 = vector.shape_cast %xor3A_1292 : vector<16xi32> to vector<16x1xi32>
          %gather3A_1294 = vector.shape_cast %broadcast_in_dim3A_1293 : vector<16x1xi32> to vector<16xi32>
          %gather3A_1295 = tpu.dynamic_gather %add3A_1282[%gather3A_1294] in [0] : vector<16xf32>, vector<16xi32> -> vector<16xf32>
          %add3A_1296 = arith.addf %add3A_1282, %gather3A_1295 : vector<16xf32>
          %and3A_1297 = arith.constant 8 : i32
          %and3A_1298 = vector.broadcast %and3A_1297 : i32 to vector<16xi32>
          %and3A_1299 = arith.andi %iota3A, %and3A_1298 : vector<16xi32>
          %eq3A_1300 = arith.constant 0 : i32
          %eq3A_1301 = vector.broadcast %eq3A_1300 : i32 to vector<16xi32>
          %eq3A_1302 = arith.cmpi eq, %and3A_1299, %eq3A_1301 : vector<16xi32>
          %select_n3A_1303 = arith.select %eq3A_1302, %add3A_1289, %add3A_1296 : vector<16xi1>, vector<16xf32>
          %xor3A_1304 = arith.constant 4 : i32
          %xor3A_1305 = vector.broadcast %xor3A_1304 : i32 to vector<16xi32>
          %xor3A_1306 = arith.xori %iota3A, %xor3A_1305 : vector<16xi32>
          %broadcast_in_dim3A_1307 = vector.shape_cast %xor3A_1306 : vector<16xi32> to vector<16x1xi32>
          %gather3A_1308 = vector.shape_cast %broadcast_in_dim3A_1307 : vector<16x1xi32> to vector<16xi32>
          %gather3A_1309 = tpu.dynamic_gather %select_n3A_1184[%gather3A_1308] in [0] : vector<16xf32>, vector<16xi32> -> vector<16xf32>
          %add3A_1310 = arith.addf %select_n3A_1184, %gather3A_1309 : vector<16xf32>
          %xor3A_1311 = arith.constant 4 : i32
          %xor3A_1312 = vector.broadcast %xor3A_1311 : i32 to vector<16xi32>
          %xor3A_1313 = arith.xori %iota3A, %xor3A_1312 : vector<16xi32>
          %broadcast_in_dim3A_1314 = vector.shape_cast %xor3A_1313 : vector<16xi32> to vector<16x1xi32>
          %gather3A_1315 = vector.shape_cast %broadcast_in_dim3A_1314 : vector<16x1xi32> to vector<16xi32>
          %gather3A_1316 = tpu.dynamic_gather %select_n3A_1303[%gather3A_1315] in [0] : vector<16xf32>, vector<16xi32> -> vector<16xf32>
          %add3A_1317 = arith.addf %select_n3A_1303, %gather3A_1316 : vector<16xf32>
          %and3A_1318 = arith.constant 4 : i32
          %and3A_1319 = vector.broadcast %and3A_1318 : i32 to vector<16xi32>
          %and3A_1320 = arith.andi %iota3A, %and3A_1319 : vector<16xi32>
          %eq3A_1321 = arith.constant 0 : i32
          %eq3A_1322 = vector.broadcast %eq3A_1321 : i32 to vector<16xi32>
          %eq3A_1323 = arith.cmpi eq, %and3A_1320, %eq3A_1322 : vector<16xi32>
          %select_n3A_1324 = arith.select %eq3A_1323, %add3A_1310, %add3A_1317 : vector<16xi1>, vector<16xf32>
          %xor3A_1325 = arith.constant 2 : i32
          %xor3A_1326 = vector.broadcast %xor3A_1325 : i32 to vector<16xi32>
          %xor3A_1327 = arith.xori %iota3A, %xor3A_1326 : vector<16xi32>
          %broadcast_in_dim3A_1328 = vector.shape_cast %xor3A_1327 : vector<16xi32> to vector<16x1xi32>
          %gather3A_1329 = vector.shape_cast %broadcast_in_dim3A_1328 : vector<16x1xi32> to vector<16xi32>
          %gather3A_1330 = tpu.dynamic_gather %select_n3A_1065[%gather3A_1329] in [0] : vector<16xf32>, vector<16xi32> -> vector<16xf32>
          %add3A_1331 = arith.addf %select_n3A_1065, %gather3A_1330 : vector<16xf32>
          %xor3A_1332 = arith.constant 2 : i32
          %xor3A_1333 = vector.broadcast %xor3A_1332 : i32 to vector<16xi32>
          %xor3A_1334 = arith.xori %iota3A, %xor3A_1333 : vector<16xi32>
          %broadcast_in_dim3A_1335 = vector.shape_cast %xor3A_1334 : vector<16xi32> to vector<16x1xi32>
          %gather3A_1336 = vector.shape_cast %broadcast_in_dim3A_1335 : vector<16x1xi32> to vector<16xi32>
          %gather3A_1337 = tpu.dynamic_gather %select_n3A_1324[%gather3A_1336] in [0] : vector<16xf32>, vector<16xi32> -> vector<16xf32>
          %add3A_1338 = arith.addf %select_n3A_1324, %gather3A_1337 : vector<16xf32>
          %and3A_1339 = arith.constant 2 : i32
          %and3A_1340 = vector.broadcast %and3A_1339 : i32 to vector<16xi32>
          %and3A_1341 = arith.andi %iota3A, %and3A_1340 : vector<16xi32>
          %eq3A_1342 = arith.constant 0 : i32
          %eq3A_1343 = vector.broadcast %eq3A_1342 : i32 to vector<16xi32>
          %eq3A_1344 = arith.cmpi eq, %and3A_1341, %eq3A_1343 : vector<16xi32>
          %select_n3A_1345 = arith.select %eq3A_1344, %add3A_1331, %add3A_1338 : vector<16xi1>, vector<16xf32>
          %xor3A_1346 = arith.constant 1 : i32
          %xor3A_1347 = vector.broadcast %xor3A_1346 : i32 to vector<16xi32>
          %xor3A_1348 = arith.xori %iota3A, %xor3A_1347 : vector<16xi32>
          %broadcast_in_dim3A_1349 = vector.shape_cast %xor3A_1348 : vector<16xi32> to vector<16x1xi32>
          %gather3A_1350 = vector.shape_cast %broadcast_in_dim3A_1349 : vector<16x1xi32> to vector<16xi32>
          %gather3A_1351 = tpu.dynamic_gather %select_n3A_806[%gather3A_1350] in [0] : vector<16xf32>, vector<16xi32> -> vector<16xf32>
          %add3A_1352 = arith.addf %select_n3A_806, %gather3A_1351 : vector<16xf32>
          %xor3A_1353 = arith.constant 1 : i32
          %xor3A_1354 = vector.broadcast %xor3A_1353 : i32 to vector<16xi32>
          %xor3A_1355 = arith.xori %iota3A, %xor3A_1354 : vector<16xi32>
          %broadcast_in_dim3A_1356 = vector.shape_cast %xor3A_1355 : vector<16xi32> to vector<16x1xi32>
          %gather3A_1357 = vector.shape_cast %broadcast_in_dim3A_1356 : vector<16x1xi32> to vector<16xi32>
          %gather3A_1358 = tpu.dynamic_gather %select_n3A_1345[%gather3A_1357] in [0] : vector<16xf32>, vector<16xi32> -> vector<16xf32>
          %add3A_1359 = arith.addf %select_n3A_1345, %gather3A_1358 : vector<16xf32>
          %and3A_1360 = arith.constant 1 : i32
          %and3A_1361 = vector.broadcast %and3A_1360 : i32 to vector<16xi32>
          %and3A_1362 = arith.andi %iota3A, %and3A_1361 : vector<16xi32>
          %eq3A_1363 = arith.constant 0 : i32
          %eq3A_1364 = vector.broadcast %eq3A_1363 : i32 to vector<16xi32>
          %eq3A_1365 = arith.cmpi eq, %and3A_1362, %eq3A_1364 : vector<16xi32>
          %select_n3A_1366 = arith.select %eq3A_1365, %add3A_1352, %add3A_1359 : vector<16xi1>, vector<16xf32>
          %get3A_1367 = arith.constant 1 : i32
          %get3A_1368 = arith.index_cast %get3A_1367 : i32 to index
          %get3A_1369 = arith.index_cast %mul3A_271 : i32 to index
          %get3A_1370 = tpu.vector_load %arg14[%get3A_1368, %get3A_1369] {strides = array<i32>} : memref<3x80xf32, #tpu.memory_space<vmem>>, vector<1x16xf32>,
          %get3A_1371 = vector.shape_cast %get3A_1370 : vector<1x16xf32> to vector<16xf32>
          %get3A_1372 = arith.constant 1 : i32
          %get3A_1373 = arith.index_cast %get3A_1372 : i32 to index
          %get3A_1374 = arith.index_cast %mul3A_271 : i32 to index
          %get3A_1375 = tpu.vector_load %arg15[%get3A_1373, %get3A_1374] {strides = array<i32>} : memref<3x80xf32, #tpu.memory_space<vmem>>, vector<1x16xf32>,
          %get3A_1376 = vector.shape_cast %get3A_1375 : vector<1x16xf32> to vector<16xf32>
          %sub3A = arith.subf %select_n3A_1366, %get3A_1371 : vector<16xf32>
          %sub3A_1377 = arith.subf %sub3A, %get3A_1376 : vector<16xf32>
          %mul3A_1378 = arith.constant 5.000000e-01 : f32
          %mul3A_1379 = vector.broadcast %mul3A_1378 : f32 to vector<16xf32>
          %mul3A_1380 = arith.mulf %sub3A_1377, %mul3A_1379 : vector<16xf32>
          %neg3A = arith.constant 0.000000e+00 : f32
          %neg3A_1381 = vector.broadcast %neg3A : f32 to vector<16xf32>
          %neg3A_1382 = arith.subf %neg3A_1381, %mul3A_1380 : vector<16xf32>
          %exp3A = math.exp %neg3A_1382 : vector<16xf32>
          %add3A_1383 = arith.constant 1.000000e+00 : f32
          %add3A_1384 = vector.broadcast %add3A_1383 : f32 to vector<16xf32>
          %add3A_1385 = arith.addf %add3A_1384, %exp3A : vector<16xf32>
          %div3A = arith.constant 1.000000e+00 : f32
          %div3A_1386 = vector.broadcast %div3A : f32 to vector<16xf32>
          %div3A_1387 = arith.divf %div3A_1386, %add3A_1385 : vector<16xf32>
          %swap3A = arith.constant 1 : i32
          %swap3A_1388 = arith.index_cast %swap3A : i32 to index
          %swap3A_1389 = arith.index_cast %mul3A_271 : i32 to index
          %swap3A_1390 = tpu.vector_load %arg16[%swap3A_1388, %swap3A_1389] {strides = array<i32>} : memref<3x80xf32, #tpu.memory_space<vmem>>, vector<1x16xf32>,
          %swap3A_1391 = vector.shape_cast %swap3A_1390 : vector<1x16xf32> to vector<16xf32>
          %swap3A_1392 = vector.shape_cast %div3A_1387 : vector<16xf32> to vector<1x16xf32>
          tpu.vector_store %arg16[%swap3A_1388, %swap3A_1389], %swap3A_1392 {strides = array<i32>} : memref<3x80xf32, #tpu.memory_space<vmem>>, vector<1x16xf32>,
        }
        %scan3A_242 = arith.constant 5 : i32
        %mul3A_243 = arith.constant 80 : i32
        %mul3A_244 = arith.muli %scan3A_154, %mul3A_243 : i32
        %add3A_245 = arith.addi %mul3A_2, %mul3A_244 : i32
        %dma_start3A_246 = arith.constant 1 : i32
        %dma_start3A_247 = arith.constant 0 : i32
        %dma_start3A_248 = tpu.memref_slice %arg16[%dma_start3A_246, %dma_start3A_247] : memref<3x80xf32, #tpu.memory_space<vmem>> -> memref<1x80xf32, #tpu.memory_space<vmem>>
        %dma_start3A_249 = tpu.memref_squeeze %dma_start3A_248 : memref<1x80xf32, #tpu.memory_space<vmem>> -> memref<80xf32, #tpu.memory_space<vmem>>
        %dma_start3A_250 = tpu.memref_slice %arg8[%add3A_245] : memref<320000xf32, #tpu.memory_space<hbm>> -> memref<80xf32, #tpu.memory_space<hbm>>
        %dma_start3A_251 = tpu.memref_slice %arg8[%add3A_245] : memref<320000xf32, #tpu.memory_space<hbm>> -> memref<80xf32, #tpu.memory_space<hbm>>
        %dma_start3A_252 = arith.constant 0 : i32
        %dma_start3A_253 = tpu.memref_slice %arg16[%dma_start3A_246, %dma_start3A_252] : memref<3x80xf32, #tpu.memory_space<vmem>> -> memref<1x80xf32, #tpu.memory_space<vmem>>
        %dma_start3A_254 = tpu.memref_squeeze %dma_start3A_253 : memref<1x80xf32, #tpu.memory_space<vmem>> -> memref<80xf32, #tpu.memory_space<vmem>>
        tpu.enqueue_dma source(%dma_start3A_254 : memref<80xf32, #tpu.memory_space<vmem>>) target(%dma_start3A_251 : memref<80xf32, #tpu.memory_space<hbm>>) target_semaphore(%arg27 : memref<!tpu.dma_semaphore, #tpu.memory_space<semaphore_mem>>)
        %add3A_255 = arith.constant 3 : i32
        %add3A_256 = arith.addi %scan3A_154, %add3A_255 : i32
        %lt3A_257 = arith.constant 125 : i32
        %lt3A_258 = arith.cmpi slt, %add3A_256, %lt3A_257 : i32
        %convert_element_type3A_259 = arith.extui %lt3A_258 : i1 to i32
        %cond3A_260 = arith.constant 0 : i32
        %cond3A_261 = arith.cmpi ne, %convert_element_type3A_259, %cond3A_260 : i32
        scf.if %cond3A_261 {
          %add3A_269 = arith.constant 3 : i32
          %add3A_270 = arith.addi %scan3A_154, %add3A_269 : i32
          %mul3A_271 = arith.constant 80 : i32
          %mul3A_272 = arith.muli %add3A_270, %mul3A_271 : i32
          %dma_start3A_273 = tpu.memref_slice %arg9[%mul3A_272] : memref<10000xi32, #tpu.memory_space<vmem>> -> memref<80xi32, #tpu.memory_space<vmem>>
          %dma_start3A_274 = arith.constant 0 : i32
          %dma_start3A_275 = arith.constant 0 : i32
          %dma_start3A_276 = tpu.memref_slice %arg2[%dma_start3A_274, %dma_start3A_275] : memref<10000x128xf32, #tpu.memory_space<hbm>> -> memref<10000x128xf32, #tpu.memory_space<hbm>>
          tpu.enqueue_indirect_dma source(%dma_start3A_276 : memref<10000x128xf32, #tpu.memory_space<hbm>>) target(%arg12 : memref<80x128xf32, #tpu.memory_space<vmem>>) offsets(%dma_start3A_273 : memref<80xi32, #tpu.memory_space<vmem>>) semaphore(%arg18 : memref<!tpu.dma_semaphore, #tpu.memory_space<semaphore_mem>>)
          %add3A_277 = arith.constant 3 : i32
          %add3A_278 = arith.addi %scan3A_154, %add3A_277 : i32
          %mul3A_279 = arith.constant 80 : i32
          %mul3A_280 = arith.muli %add3A_278, %mul3A_279 : i32
          %dma_start3A_281 = arith.constant 1 : i32
          %dma_start3A_282 = arith.constant 0 : i32
          %dma_start3A_283 = tpu.memref_slice %arg14[%dma_start3A_281, %dma_start3A_282] : memref<3x80xf32, #tpu.memory_space<vmem>> -> memref<1x80xf32, #tpu.memory_space<vmem>>
          %dma_start3A_284 = tpu.memref_squeeze %dma_start3A_283 : memref<1x80xf32, #tpu.memory_space<vmem>> -> memref<80xf32, #tpu.memory_space<vmem>>
          %dma_start3A_285 = tpu.memref_slice %arg9[%mul3A_280] : memref<10000xi32, #tpu.memory_space<vmem>> -> memref<80xi32, #tpu.memory_space<vmem>>
          %dma_start3A_286 = arith.constant 0 : i32
          %dma_start3A_287 = tpu.memref_slice %arg6[%dma_start3A_286] : memref<10000xf32, #tpu.memory_space<hbm>> -> memref<10000xf32, #tpu.memory_space<hbm>>
          tpu.enqueue_indirect_dma source(%dma_start3A_287 : memref<10000xf32, #tpu.memory_space<hbm>>) target(%dma_start3A_284 : memref<80xf32, #tpu.memory_space<vmem>>) offsets(%dma_start3A_285 : memref<80xi32, #tpu.memory_space<vmem>>) semaphore(%arg24 : memref<!tpu.dma_semaphore, #tpu.memory_space<semaphore_mem>>)
          %add3A_288 = arith.constant 3 : i32
          %add3A_289 = arith.addi %scan3A_154, %add3A_288 : i32
          %mul3A_290 = arith.constant 80 : i32
          %mul3A_291 = arith.muli %add3A_289, %mul3A_290 : i32
          %dma_start3A_292 = arith.constant 1 : i32
          %dma_start3A_293 = arith.constant 0 : i32
          %dma_start3A_294 = tpu.memref_slice %arg15[%dma_start3A_292, %dma_start3A_293] : memref<3x80xf32, #tpu.memory_space<vmem>> -> memref<1x80xf32, #tpu.memory_space<vmem>>
          %dma_start3A_295 = tpu.memref_squeeze %dma_start3A_294 : memref<1x80xf32, #tpu.memory_space<vmem>> -> memref<80xf32, #tpu.memory_space<vmem>>
          %dma_start3A_296 = tpu.memref_slice %arg10[%mul3A_291] : memref<10000xi32, #tpu.memory_space<vmem>> -> memref<80xi32, #tpu.memory_space<vmem>>
          %dma_start3A_297 = arith.constant 0 : i32
          %dma_start3A_298 = tpu.memref_slice %arg7[%dma_start3A_297] : memref<10000xf32, #tpu.memory_space<hbm>> -> memref<10000xf32, #tpu.memory_space<hbm>>
          tpu.enqueue_indirect_dma source(%dma_start3A_298 : memref<10000xf32, #tpu.memory_space<hbm>>) target(%dma_start3A_295 : memref<80xf32, #tpu.memory_space<vmem>>) offsets(%dma_start3A_296 : memref<80xi32, #tpu.memory_space<vmem>>) semaphore(%arg24 : memref<!tpu.dma_semaphore, #tpu.memory_space<semaphore_mem>>)
        } else {
        }
        %add3A_262 = arith.constant 2 : i32
        %add3A_263 = arith.addi %scan3A_154, %add3A_262 : i32
        %lt3A_264 = arith.constant 125 : i32
        %lt3A_265 = arith.cmpi slt, %add3A_263, %lt3A_264 : i32
        %convert_element_type3A_266 = arith.extui %lt3A_265 : i1 to i32
        %cond3A_267 = arith.constant 0 : i32
        %cond3A_268 = arith.cmpi ne, %convert_element_type3A_266, %cond3A_267 : i32
        scf.if %cond3A_268 {
          %add3A_269 = arith.constant 2 : i32
          %add3A_270 = arith.addi %scan3A_154, %add3A_269 : i32
          %mul3A_271 = arith.constant 80 : i32
          %mul3A_272 = arith.muli %add3A_270, %mul3A_271 : i32
          %dma_wait3A_273 = tpu.memref_slice %arg9[%mul3A_272] : memref<10000xi32, #tpu.memory_space<vmem>> -> memref<80xi32, #tpu.memory_space<vmem>>
          %dma_wait3A_274 = arith.constant 0 : i32
          %dma_wait3A_275 = arith.constant 0 : i32
          %dma_wait3A_276 = tpu.memref_slice %arg2[%dma_wait3A_274, %dma_wait3A_275] : memref<10000x128xf32, #tpu.memory_space<hbm>> -> memref<10000x128xf32, #tpu.memory_space<hbm>>
          tpu.wait_indirect_dma semaphore(%arg17 : memref<!tpu.dma_semaphore, #tpu.memory_space<semaphore_mem>>) src(%dma_wait3A_276 : memref<10000x128xf32, #tpu.memory_space<hbm>>) dst(%arg11 : memref<80x128xf32, #tpu.memory_space<vmem>>)
          %add3A_277 = arith.constant 2 : i32
          %add3A_278 = arith.addi %scan3A_154, %add3A_277 : i32
          %mul3A_279 = arith.constant 80 : i32
          %mul3A_280 = arith.muli %add3A_278, %mul3A_279 : i32
          %dma_start3A_281 = tpu.memref_slice %arg10[%mul3A_280] : memref<10000xi32, #tpu.memory_space<vmem>> -> memref<80xi32, #tpu.memory_space<vmem>>
          %dma_start3A_282 = arith.constant 0 : i32
          %dma_start3A_283 = arith.constant 0 : i32
          %dma_start3A_284 = tpu.memref_slice %arg3[%dma_start3A_282, %dma_start3A_283] : memref<10000x128xf32, #tpu.memory_space<hbm>> -> memref<10000x128xf32, #tpu.memory_space<hbm>>
          tpu.enqueue_indirect_dma source(%dma_start3A_284 : memref<10000x128xf32, #tpu.memory_space<hbm>>) target(%arg11 : memref<80x128xf32, #tpu.memory_space<vmem>>) offsets(%dma_start3A_281 : memref<80xi32, #tpu.memory_space<vmem>>) semaphore(%arg20 : memref<!tpu.dma_semaphore, #tpu.memory_space<semaphore_mem>>) {add = true}
        } else {
        }
      } else {
      }
      %jit3A_188 = arith.constant 3 : i32
      %eq3A_189 = arith.constant 0 : i32
      %eq3A_190 = arith.cmpi eq, %jit3A_188, %eq3A_189 : i32
      %jit3A_191 = arith.constant 1 : i32
      %select_n3A_192 = arith.select %eq3A_190, %jit3A_191, %jit3A_188 : i32
      %rem3A_193 = arith.remsi %scan3A_154, %select_n3A_192 : i32
      %ne3A_194 = arith.constant 0 : i32
      %ne3A_195 = arith.cmpi ne, %rem3A_193, %ne3A_194 : i32
      %lt3A_196 = arith.constant 0 : i32
      %lt3A_197 = arith.cmpi slt, %rem3A_193, %lt3A_196 : i32
      %lt3A_198 = arith.constant 0 : i32
      %lt3A_199 = arith.cmpi slt, %select_n3A_192, %lt3A_198 : i32
      %ne3A_200 = arith.xori %lt3A_197, %lt3A_199 : i1
      %and3A_201 = arith.andi %ne3A_200, %ne3A_195 : i1
      %add3A_202 = arith.addi %rem3A_193, %select_n3A_192 : i32
      %select_n3A_203 = arith.select %and3A_201, %add3A_202, %rem3A_193 : i32
      %eq3A_204 = arith.constant 2 : i32
      %eq3A_205 = arith.cmpi eq, %select_n3A_203, %eq3A_204 : i32
      %convert_element_type3A_206 = arith.extui %eq3A_205 : i1 to i32
      %cond3A_207 = arith.constant 0 : i32
      %cond3A_208 = arith.cmpi ne, %convert_element_type3A_206, %cond3A_207 : i32
      scf.if %cond3A_208 {
        %mul3A_209 = arith.constant 80 : i32
        %mul3A_210 = arith.muli %scan3A_154, %mul3A_209 : i32
        %dma_wait3A_211 = tpu.memref_slice %arg10[%mul3A_210] : memref<10000xi32, #tpu.memory_space<vmem>> -> memref<80xi32, #tpu.memory_space<vmem>>
        %dma_wait3A_212 = arith.constant 0 : i32
        %dma_wait3A_213 = arith.constant 0 : i32
        %dma_wait3A_214 = tpu.memref_slice %arg3[%dma_wait3A_212, %dma_wait3A_213] : memref<10000x128xf32, #tpu.memory_space<hbm>> -> memref<10000x128xf32, #tpu.memory_space<hbm>>
        tpu.wait_indirect_dma semaphore(%arg22 : memref<!tpu.dma_semaphore, #tpu.memory_space<semaphore_mem>>) src(%dma_wait3A_214 : memref<10000x128xf32, #tpu.memory_space<hbm>>) dst(%arg13 : memref<80x128xf32, #tpu.memory_space<vmem>>)
        %mul3A_215 = arith.constant 80 : i32
        %mul3A_216 = arith.muli %scan3A_154, %mul3A_215 : i32
        %dma_wait3A_217 = arith.constant 2 : i32
        %dma_wait3A_218 = arith.constant 0 : i32
        %dma_wait3A_219 = tpu.memref_slice %arg14[%dma_wait3A_217, %dma_wait3A_218] : memref<3x80xf32, #tpu.memory_space<vmem>> -> memref<1x80xf32, #tpu.memory_space<vmem>>
        %dma_wait3A_220 = tpu.memref_squeeze %dma_wait3A_219 : memref<1x80xf32, #tpu.memory_space<vmem>> -> memref<80xf32, #tpu.memory_space<vmem>>
        %dma_wait3A_221 = tpu.memref_slice %arg9[%mul3A_216] : memref<10000xi32, #tpu.memory_space<vmem>> -> memref<80xi32, #tpu.memory_space<vmem>>
        %dma_wait3A_222 = arith.constant 0 : i32
        %dma_wait3A_223 = tpu.memref_slice %arg6[%dma_wait3A_222] : memref<10000xf32, #tpu.memory_space<hbm>> -> memref<10000xf32, #tpu.memory_space<hbm>>
        tpu.wait_indirect_dma semaphore(%arg25 : memref<!tpu.dma_semaphore, #tpu.memory_space<semaphore_mem>>) src(%dma_wait3A_223 : memref<10000xf32, #tpu.memory_space<hbm>>) dst(%dma_wait3A_220 : memref<80xf32, #tpu.memory_space<vmem>>)
        %mul3A_224 = arith.constant 80 : i32
        %mul3A_225 = arith.muli %scan3A_154, %mul3A_224 : i32
        %dma_wait3A_226 = arith.constant 2 : i32
        %dma_wait3A_227 = arith.constant 0 : i32
        %dma_wait3A_228 = tpu.memref_slice %arg15[%dma_wait3A_226, %dma_wait3A_227] : memref<3x80xf32, #tpu.memory_space<vmem>> -> memref<1x80xf32, #tpu.memory_space<vmem>>
        %dma_wait3A_229 = tpu.memref_squeeze %dma_wait3A_228 : memref<1x80xf32, #tpu.memory_space<vmem>> -> memref<80xf32, #tpu.memory_space<vmem>>
        %dma_wait3A_230 = tpu.memref_slice %arg10[%mul3A_225] : memref<10000xi32, #tpu.memory_space<vmem>> -> memref<80xi32, #tpu.memory_space<vmem>>
        %dma_wait3A_231 = arith.constant 0 : i32
        %dma_wait3A_232 = tpu.memref_slice %arg7[%dma_wait3A_231] : memref<10000xf32, #tpu.memory_space<hbm>> -> memref<10000xf32, #tpu.memory_space<hbm>>
        tpu.wait_indirect_dma semaphore(%arg25 : memref<!tpu.dma_semaphore, #tpu.memory_space<semaphore_mem>>) src(%dma_wait3A_232 : memref<10000xf32, #tpu.memory_space<hbm>>) dst(%dma_wait3A_229 : memref<80xf32, #tpu.memory_space<vmem>>)
        %ge3A = arith.constant 3 : i32
        %ge3A_233 = arith.cmpi sge, %scan3A_154, %ge3A : i32
        %convert_element_type3A_234 = arith.extui %ge3A_233 : i1 to i32
        %cond3A_235 = arith.constant 0 : i32
        %cond3A_236 = arith.cmpi ne, %convert_element_type3A_234, %cond3A_235 : i32
        scf.if %cond3A_236 {
          %mul3A_269 = arith.constant 80 : i32
          %mul3A_270 = arith.muli %scan3A_154, %mul3A_269 : i32
          %add3A_271 = arith.addi %mul3A_2, %mul3A_270 : i32
          %dma_wait3A_272 = arith.constant 2 : i32
          %dma_wait3A_273 = arith.constant 0 : i32
          %dma_wait3A_274 = tpu.memref_slice %arg16[%dma_wait3A_272, %dma_wait3A_273] : memref<3x80xf32, #tpu.memory_space<vmem>> -> memref<1x80xf32, #tpu.memory_space<vmem>>
          %dma_wait3A_275 = tpu.memref_squeeze %dma_wait3A_274 : memref<1x80xf32, #tpu.memory_space<vmem>> -> memref<80xf32, #tpu.memory_space<vmem>>
          %dma_wait3A_276 = tpu.memref_slice %arg8[%add3A_271] : memref<320000xf32, #tpu.memory_space<hbm>> -> memref<80xf32, #tpu.memory_space<hbm>>
          %dma_wait3A_277 = tpu.memref_slice %arg8[%add3A_271] : memref<320000xf32, #tpu.memory_space<hbm>> -> memref<80xf32, #tpu.memory_space<hbm>>
          %dma_wait3A_278 = arith.constant 0 : i32
          %dma_wait3A_279 = tpu.memref_slice %arg16[%dma_wait3A_272, %dma_wait3A_278] : memref<3x80xf32, #tpu.memory_space<vmem>> -> memref<1x80xf32, #tpu.memory_space<vmem>>
          %dma_wait3A_280 = tpu.memref_squeeze %dma_wait3A_279 : memref<1x80xf32, #tpu.memory_space<vmem>> -> memref<80xf32, #tpu.memory_space<vmem>>
          tpu.wait_dma2 semaphore(%arg28 : memref<!tpu.dma_semaphore, #tpu.memory_space<semaphore_mem>>) src(%dma_wait3A_280 : memref<80xf32, #tpu.memory_space<vmem>>) dst(%dma_wait3A_277 : memref<80xf32, #tpu.memory_space<hbm>>)
        } else {
        }
        %scan3A_237 = arith.constant 0 : i32
        %scan3A_238 = arith.constant 0 : i32
        %scan3A_239 = arith.constant 5 : i32
        %scan3A_240 = arith.addi %scan3A_238, %scan3A_239 : i32
        %scan3A_241 = arith.constant 1 : i32
        scf.for %scan3A_269 = %scan3A_238 to %scan3A_240 step %scan3A_241  : i32 {
          %mul3A_270 = arith.constant 16 : i32
          %mul3A_271 = arith.muli %scan3A_269, %mul3A_270 : i32
          %add3A_272 = arith.constant 0 : i32
          %add3A_273 = arith.addi %mul3A_271, %add3A_272 : i32
          %get3A = arith.index_cast %add3A_273 : i32 to index
          %get3A_274 = arith.constant 0 : index
          %get3A_275 = tpu.vector_load %arg13[%get3A, %get3A_274] {strides = array<i32>} : memref<80x128xf32, #tpu.memory_space<vmem>>, vector<1x16xf32>,
          %get3A_276 = vector.shape_cast %get3A_275 : vector<1x16xf32> to vector<16xf32>
          %get3A_277 = arith.index_cast %add3A_273 : i32 to index
          %get3A_278 = arith.constant 16 : index
          %get3A_279 = tpu.vector_load %arg13[%get3A_277, %get3A_278] {strides = array<i32>} : memref<80x128xf32, #tpu.memory_space<vmem>>, vector<1x16xf32>,
          %get3A_280 = vector.shape_cast %get3A_279 : vector<1x16xf32> to vector<16xf32>
          %get3A_281 = arith.index_cast %add3A_273 : i32 to index
          %get3A_282 = arith.constant 32 : index
          %get3A_283 = tpu.vector_load %arg13[%get3A_281, %get3A_282] {strides = array<i32>} : memref<80x128xf32, #tpu.memory_space<vmem>>, vector<1x16xf32>,
          %get3A_284 = vector.shape_cast %get3A_283 : vector<1x16xf32> to vector<16xf32>
          %get3A_285 = arith.index_cast %add3A_273 : i32 to index
          %get3A_286 = arith.constant 48 : index
          %get3A_287 = tpu.vector_load %arg13[%get3A_285, %get3A_286] {strides = array<i32>} : memref<80x128xf32, #tpu.memory_space<vmem>>, vector<1x16xf32>,
          %get3A_288 = vector.shape_cast %get3A_287 : vector<1x16xf32> to vector<16xf32>
          %get3A_289 = arith.index_cast %add3A_273 : i32 to index
          %get3A_290 = arith.constant 64 : index
          %get3A_291 = tpu.vector_load %arg13[%get3A_289, %get3A_290] {strides = array<i32>} : memref<80x128xf32, #tpu.memory_space<vmem>>, vector<1x16xf32>,
          %get3A_292 = vector.shape_cast %get3A_291 : vector<1x16xf32> to vector<16xf32>
          %get3A_293 = arith.index_cast %add3A_273 : i32 to index
          %get3A_294 = arith.constant 80 : index
          %get3A_295 = tpu.vector_load %arg13[%get3A_293, %get3A_294] {strides = array<i32>} : memref<80x128xf32, #tpu.memory_space<vmem>>, vector<1x16xf32>,
          %get3A_296 = vector.shape_cast %get3A_295 : vector<1x16xf32> to vector<16xf32>
          %get3A_297 = arith.index_cast %add3A_273 : i32 to index
          %get3A_298 = arith.constant 96 : index
          %get3A_299 = tpu.vector_load %arg13[%get3A_297, %get3A_298] {strides = array<i32>} : memref<80x128xf32, #tpu.memory_space<vmem>>, vector<1x16xf32>,
          %get3A_300 = vector.shape_cast %get3A_299 : vector<1x16xf32> to vector<16xf32>
          %get3A_301 = arith.index_cast %add3A_273 : i32 to index
          %get3A_302 = arith.constant 112 : index
          %get3A_303 = tpu.vector_load %arg13[%get3A_301, %get3A_302] {strides = array<i32>} : memref<80x128xf32, #tpu.memory_space<vmem>>, vector<1x16xf32>,
          %get3A_304 = vector.shape_cast %get3A_303 : vector<1x16xf32> to vector<16xf32>
          %mul3A_305 = arith.mulf %get3A_276, %get3A_276 : vector<16xf32>
          %mul3A_306 = arith.mulf %get3A_280, %get3A_280 : vector<16xf32>
          %mul3A_307 = arith.mulf %get3A_284, %get3A_284 : vector<16xf32>
          %mul3A_308 = arith.mulf %get3A_288, %get3A_288 : vector<16xf32>
          %mul3A_309 = arith.mulf %get3A_292, %get3A_292 : vector<16xf32>
          %mul3A_310 = arith.mulf %get3A_296, %get3A_296 : vector<16xf32>
          %mul3A_311 = arith.mulf %get3A_300, %get3A_300 : vector<16xf32>
          %mul3A_312 = arith.mulf %get3A_304, %get3A_304 : vector<16xf32>
          %add3A_313 = arith.addf %mul3A_305, %mul3A_306 : vector<16xf32>
          %add3A_314 = arith.addf %mul3A_307, %mul3A_308 : vector<16xf32>
          %add3A_315 = arith.addf %mul3A_309, %mul3A_310 : vector<16xf32>
          %add3A_316 = arith.addf %mul3A_311, %mul3A_312 : vector<16xf32>
          %add3A_317 = arith.addf %add3A_313, %add3A_314 : vector<16xf32>
          %add3A_318 = arith.addf %add3A_315, %add3A_316 : vector<16xf32>
          %add3A_319 = arith.addf %add3A_317, %add3A_318 : vector<16xf32>
          %add3A_320 = arith.constant 8 : i32
          %add3A_321 = arith.addi %mul3A_271, %add3A_320 : i32
          %get3A_322 = arith.index_cast %add3A_321 : i32 to index
          %get3A_323 = arith.constant 0 : index
          %get3A_324 = tpu.vector_load %arg13[%get3A_322, %get3A_323] {strides = array<i32>} : memref<80x128xf32, #tpu.memory_space<vmem>>, vector<1x16xf32>,
          %get3A_325 = vector.shape_cast %get3A_324 : vector<1x16xf32> to vector<16xf32>
          %get3A_326 = arith.index_cast %add3A_321 : i32 to index
          %get3A_327 = arith.constant 16 : index
          %get3A_328 = tpu.vector_load %arg13[%get3A_326, %get3A_327] {strides = array<i32>} : memref<80x128xf32, #tpu.memory_space<vmem>>, vector<1x16xf32>,
          %get3A_329 = vector.shape_cast %get3A_328 : vector<1x16xf32> to vector<16xf32>
          %get3A_330 = arith.index_cast %add3A_321 : i32 to index
          %get3A_331 = arith.constant 32 : index
          %get3A_332 = tpu.vector_load %arg13[%get3A_330, %get3A_331] {strides = array<i32>} : memref<80x128xf32, #tpu.memory_space<vmem>>, vector<1x16xf32>,
          %get3A_333 = vector.shape_cast %get3A_332 : vector<1x16xf32> to vector<16xf32>
          %get3A_334 = arith.index_cast %add3A_321 : i32 to index
          %get3A_335 = arith.constant 48 : index
          %get3A_336 = tpu.vector_load %arg13[%get3A_334, %get3A_335] {strides = array<i32>} : memref<80x128xf32, #tpu.memory_space<vmem>>, vector<1x16xf32>,
          %get3A_337 = vector.shape_cast %get3A_336 : vector<1x16xf32> to vector<16xf32>
          %get3A_338 = arith.index_cast %add3A_321 : i32 to index
          %get3A_339 = arith.constant 64 : index
          %get3A_340 = tpu.vector_load %arg13[%get3A_338, %get3A_339] {strides = array<i32>} : memref<80x128xf32, #tpu.memory_space<vmem>>, vector<1x16xf32>,
          %get3A_341 = vector.shape_cast %get3A_340 : vector<1x16xf32> to vector<16xf32>
          %get3A_342 = arith.index_cast %add3A_321 : i32 to index
          %get3A_343 = arith.constant 80 : index
          %get3A_344 = tpu.vector_load %arg13[%get3A_342, %get3A_343] {strides = array<i32>} : memref<80x128xf32, #tpu.memory_space<vmem>>, vector<1x16xf32>,
          %get3A_345 = vector.shape_cast %get3A_344 : vector<1x16xf32> to vector<16xf32>
          %get3A_346 = arith.index_cast %add3A_321 : i32 to index
          %get3A_347 = arith.constant 96 : index
          %get3A_348 = tpu.vector_load %arg13[%get3A_346, %get3A_347] {strides = array<i32>} : memref<80x128xf32, #tpu.memory_space<vmem>>, vector<1x16xf32>,
          %get3A_349 = vector.shape_cast %get3A_348 : vector<1x16xf32> to vector<16xf32>
          %get3A_350 = arith.index_cast %add3A_321 : i32 to index
          %get3A_351 = arith.constant 112 : index
          %get3A_352 = tpu.vector_load %arg13[%get3A_350, %get3A_351] {strides = array<i32>} : memref<80x128xf32, #tpu.memory_space<vmem>>, vector<1x16xf32>,
          %get3A_353 = vector.shape_cast %get3A_352 : vector<1x16xf32> to vector<16xf32>
          %mul3A_354 = arith.mulf %get3A_325, %get3A_325 : vector<16xf32>
          %mul3A_355 = arith.mulf %get3A_329, %get3A_329 : vector<16xf32>
          %mul3A_356 = arith.mulf %get3A_333, %get3A_333 : vector<16xf32>
          %mul3A_357 = arith.mulf %get3A_337, %get3A_337 : vector<16xf32>
          %mul3A_358 = arith.mulf %get3A_341, %get3A_341 : vector<16xf32>
          %mul3A_359 = arith.mulf %get3A_345, %get3A_345 : vector<16xf32>
          %mul3A_360 = arith.mulf %get3A_349, %get3A_349 : vector<16xf32>
          %mul3A_361 = arith.mulf %get3A_353, %get3A_353 : vector<16xf32>
          %add3A_362 = arith.addf %mul3A_354, %mul3A_355 : vector<16xf32>
          %add3A_363 = arith.addf %mul3A_356, %mul3A_357 : vector<16xf32>
          %add3A_364 = arith.addf %mul3A_358, %mul3A_359 : vector<16xf32>
          %add3A_365 = arith.addf %mul3A_360, %mul3A_361 : vector<16xf32>
          %add3A_366 = arith.addf %add3A_362, %add3A_363 : vector<16xf32>
          %add3A_367 = arith.addf %add3A_364, %add3A_365 : vector<16xf32>
          %add3A_368 = arith.addf %add3A_366, %add3A_367 : vector<16xf32>
          %xor3A = arith.constant 8 : i32
          %xor3A_369 = vector.broadcast %xor3A : i32 to vector<16xi32>
          %xor3A_370 = arith.xori %iota3A, %xor3A_369 : vector<16xi32>
          %broadcast_in_dim3A = vector.shape_cast %xor3A_370 : vector<16xi32> to vector<16x1xi32>
          %gather3A = vector.shape_cast %broadcast_in_dim3A : vector<16x1xi32> to vector<16xi32>
          %gather3A_371 = tpu.dynamic_gather %add3A_319[%gather3A] in [0] : vector<16xf32>, vector<16xi32> -> vector<16xf32>
          %add3A_372 = arith.addf %add3A_319, %gather3A_371 : vector<16xf32>
          %xor3A_373 = arith.constant 8 : i32
          %xor3A_374 = vector.broadcast %xor3A_373 : i32 to vector<16xi32>
          %xor3A_375 = arith.xori %iota3A, %xor3A_374 : vector<16xi32>
          %broadcast_in_dim3A_376 = vector.shape_cast %xor3A_375 : vector<16xi32> to vector<16x1xi32>
          %gather3A_377 = vector.shape_cast %broadcast_in_dim3A_376 : vector<16x1xi32> to vector<16xi32>
          %gather3A_378 = tpu.dynamic_gather %add3A_368[%gather3A_377] in [0] : vector<16xf32>, vector<16xi32> -> vector<16xf32>
          %add3A_379 = arith.addf %add3A_368, %gather3A_378 : vector<16xf32>
          %and3A_380 = arith.constant 8 : i32
          %and3A_381 = vector.broadcast %and3A_380 : i32 to vector<16xi32>
          %and3A_382 = arith.andi %iota3A, %and3A_381 : vector<16xi32>
          %eq3A_383 = arith.constant 0 : i32
          %eq3A_384 = vector.broadcast %eq3A_383 : i32 to vector<16xi32>
          %eq3A_385 = arith.cmpi eq, %and3A_382, %eq3A_384 : vector<16xi32>
          %select_n3A_386 = arith.select %eq3A_385, %add3A_372, %add3A_379 : vector<16xi1>, vector<16xf32>
          %add3A_387 = arith.constant 4 : i32
          %add3A_388 = arith.addi %mul3A_271, %add3A_387 : i32
          %get3A_389 = arith.index_cast %add3A_388 : i32 to index
          %get3A_390 = arith.constant 0 : index
          %get3A_391 = tpu.vector_load %arg13[%get3A_389, %get3A_390] {strides = array<i32>} : memref<80x128xf32, #tpu.memory_space<vmem>>, vector<1x16xf32>,
          %get3A_392 = vector.shape_cast %get3A_391 : vector<1x16xf32> to vector<16xf32>
          %get3A_393 = arith.index_cast %add3A_388 : i32 to index
          %get3A_394 = arith.constant 16 : index
          %get3A_395 = tpu.vector_load %arg13[%get3A_393, %get3A_394] {strides = array<i32>} : memref<80x128xf32, #tpu.memory_space<vmem>>, vector<1x16xf32>,
          %get3A_396 = vector.shape_cast %get3A_395 : vector<1x16xf32> to vector<16xf32>
          %get3A_397 = arith.index_cast %add3A_388 : i32 to index
          %get3A_398 = arith.constant 32 : index
          %get3A_399 = tpu.vector_load %arg13[%get3A_397, %get3A_398] {strides = array<i32>} : memref<80x128xf32, #tpu.memory_space<vmem>>, vector<1x16xf32>,
          %get3A_400 = vector.shape_cast %get3A_399 : vector<1x16xf32> to vector<16xf32>
          %get3A_401 = arith.index_cast %add3A_388 : i32 to index
          %get3A_402 = arith.constant 48 : index
          %get3A_403 = tpu.vector_load %arg13[%get3A_401, %get3A_402] {strides = array<i32>} : memref<80x128xf32, #tpu.memory_space<vmem>>, vector<1x16xf32>,
          %get3A_404 = vector.shape_cast %get3A_403 : vector<1x16xf32> to vector<16xf32>
          %get3A_405 = arith.index_cast %add3A_388 : i32 to index
          %get3A_406 = arith.constant 64 : index
          %get3A_407 = tpu.vector_load %arg13[%get3A_405, %get3A_406] {strides = array<i32>} : memref<80x128xf32, #tpu.memory_space<vmem>>, vector<1x16xf32>,
          %get3A_408 = vector.shape_cast %get3A_407 : vector<1x16xf32> to vector<16xf32>
          %get3A_409 = arith.index_cast %add3A_388 : i32 to index
          %get3A_410 = arith.constant 80 : index
          %get3A_411 = tpu.vector_load %arg13[%get3A_409, %get3A_410] {strides = array<i32>} : memref<80x128xf32, #tpu.memory_space<vmem>>, vector<1x16xf32>,
          %get3A_412 = vector.shape_cast %get3A_411 : vector<1x16xf32> to vector<16xf32>
          %get3A_413 = arith.index_cast %add3A_388 : i32 to index
          %get3A_414 = arith.constant 96 : index
          %get3A_415 = tpu.vector_load %arg13[%get3A_413, %get3A_414] {strides = array<i32>} : memref<80x128xf32, #tpu.memory_space<vmem>>, vector<1x16xf32>,
          %get3A_416 = vector.shape_cast %get3A_415 : vector<1x16xf32> to vector<16xf32>
          %get3A_417 = arith.index_cast %add3A_388 : i32 to index
          %get3A_418 = arith.constant 112 : index
          %get3A_419 = tpu.vector_load %arg13[%get3A_417, %get3A_418] {strides = array<i32>} : memref<80x128xf32, #tpu.memory_space<vmem>>, vector<1x16xf32>,
          %get3A_420 = vector.shape_cast %get3A_419 : vector<1x16xf32> to vector<16xf32>
          %mul3A_421 = arith.mulf %get3A_392, %get3A_392 : vector<16xf32>
          %mul3A_422 = arith.mulf %get3A_396, %get3A_396 : vector<16xf32>
          %mul3A_423 = arith.mulf %get3A_400, %get3A_400 : vector<16xf32>
          %mul3A_424 = arith.mulf %get3A_404, %get3A_404 : vector<16xf32>
          %mul3A_425 = arith.mulf %get3A_408, %get3A_408 : vector<16xf32>
          %mul3A_426 = arith.mulf %get3A_412, %get3A_412 : vector<16xf32>
          %mul3A_427 = arith.mulf %get3A_416, %get3A_416 : vector<16xf32>
          %mul3A_428 = arith.mulf %get3A_420, %get3A_420 : vector<16xf32>
          %add3A_429 = arith.addf %mul3A_421, %mul3A_422 : vector<16xf32>
          %add3A_430 = arith.addf %mul3A_423, %mul3A_424 : vector<16xf32>
          %add3A_431 = arith.addf %mul3A_425, %mul3A_426 : vector<16xf32>
          %add3A_432 = arith.addf %mul3A_427, %mul3A_428 : vector<16xf32>
          %add3A_433 = arith.addf %add3A_429, %add3A_430 : vector<16xf32>
          %add3A_434 = arith.addf %add3A_431, %add3A_432 : vector<16xf32>
          %add3A_435 = arith.addf %add3A_433, %add3A_434 : vector<16xf32>
          %add3A_436 = arith.constant 12 : i32
          %add3A_437 = arith.addi %mul3A_271, %add3A_436 : i32
          %get3A_438 = arith.index_cast %add3A_437 : i32 to index
          %get3A_439 = arith.constant 0 : index
          %get3A_440 = tpu.vector_load %arg13[%get3A_438, %get3A_439] {strides = array<i32>} : memref<80x128xf32, #tpu.memory_space<vmem>>, vector<1x16xf32>,
          %get3A_441 = vector.shape_cast %get3A_440 : vector<1x16xf32> to vector<16xf32>
          %get3A_442 = arith.index_cast %add3A_437 : i32 to index
          %get3A_443 = arith.constant 16 : index
          %get3A_444 = tpu.vector_load %arg13[%get3A_442, %get3A_443] {strides = array<i32>} : memref<80x128xf32, #tpu.memory_space<vmem>>, vector<1x16xf32>,
          %get3A_445 = vector.shape_cast %get3A_444 : vector<1x16xf32> to vector<16xf32>
          %get3A_446 = arith.index_cast %add3A_437 : i32 to index
          %get3A_447 = arith.constant 32 : index
          %get3A_448 = tpu.vector_load %arg13[%get3A_446, %get3A_447] {strides = array<i32>} : memref<80x128xf32, #tpu.memory_space<vmem>>, vector<1x16xf32>,
          %get3A_449 = vector.shape_cast %get3A_448 : vector<1x16xf32> to vector<16xf32>
          %get3A_450 = arith.index_cast %add3A_437 : i32 to index
          %get3A_451 = arith.constant 48 : index
          %get3A_452 = tpu.vector_load %arg13[%get3A_450, %get3A_451] {strides = array<i32>} : memref<80x128xf32, #tpu.memory_space<vmem>>, vector<1x16xf32>,
          %get3A_453 = vector.shape_cast %get3A_452 : vector<1x16xf32> to vector<16xf32>
          %get3A_454 = arith.index_cast %add3A_437 : i32 to index
          %get3A_455 = arith.constant 64 : index
          %get3A_456 = tpu.vector_load %arg13[%get3A_454, %get3A_455] {strides = array<i32>} : memref<80x128xf32, #tpu.memory_space<vmem>>, vector<1x16xf32>,
          %get3A_457 = vector.shape_cast %get3A_456 : vector<1x16xf32> to vector<16xf32>
          %get3A_458 = arith.index_cast %add3A_437 : i32 to index
          %get3A_459 = arith.constant 80 : index
          %get3A_460 = tpu.vector_load %arg13[%get3A_458, %get3A_459] {strides = array<i32>} : memref<80x128xf32, #tpu.memory_space<vmem>>, vector<1x16xf32>,
          %get3A_461 = vector.shape_cast %get3A_460 : vector<1x16xf32> to vector<16xf32>
          %get3A_462 = arith.index_cast %add3A_437 : i32 to index
          %get3A_463 = arith.constant 96 : index
          %get3A_464 = tpu.vector_load %arg13[%get3A_462, %get3A_463] {strides = array<i32>} : memref<80x128xf32, #tpu.memory_space<vmem>>, vector<1x16xf32>,
          %get3A_465 = vector.shape_cast %get3A_464 : vector<1x16xf32> to vector<16xf32>
          %get3A_466 = arith.index_cast %add3A_437 : i32 to index
          %get3A_467 = arith.constant 112 : index
          %get3A_468 = tpu.vector_load %arg13[%get3A_466, %get3A_467] {strides = array<i32>} : memref<80x128xf32, #tpu.memory_space<vmem>>, vector<1x16xf32>,
          %get3A_469 = vector.shape_cast %get3A_468 : vector<1x16xf32> to vector<16xf32>
          %mul3A_470 = arith.mulf %get3A_441, %get3A_441 : vector<16xf32>
          %mul3A_471 = arith.mulf %get3A_445, %get3A_445 : vector<16xf32>
          %mul3A_472 = arith.mulf %get3A_449, %get3A_449 : vector<16xf32>
          %mul3A_473 = arith.mulf %get3A_453, %get3A_453 : vector<16xf32>
          %mul3A_474 = arith.mulf %get3A_457, %get3A_457 : vector<16xf32>
          %mul3A_475 = arith.mulf %get3A_461, %get3A_461 : vector<16xf32>
          %mul3A_476 = arith.mulf %get3A_465, %get3A_465 : vector<16xf32>
          %mul3A_477 = arith.mulf %get3A_469, %get3A_469 : vector<16xf32>
          %add3A_478 = arith.addf %mul3A_470, %mul3A_471 : vector<16xf32>
          %add3A_479 = arith.addf %mul3A_472, %mul3A_473 : vector<16xf32>
          %add3A_480 = arith.addf %mul3A_474, %mul3A_475 : vector<16xf32>
          %add3A_481 = arith.addf %mul3A_476, %mul3A_477 : vector<16xf32>
          %add3A_482 = arith.addf %add3A_478, %add3A_479 : vector<16xf32>
          %add3A_483 = arith.addf %add3A_480, %add3A_481 : vector<16xf32>
          %add3A_484 = arith.addf %add3A_482, %add3A_483 : vector<16xf32>
          %xor3A_485 = arith.constant 8 : i32
          %xor3A_486 = vector.broadcast %xor3A_485 : i32 to vector<16xi32>
          %xor3A_487 = arith.xori %iota3A, %xor3A_486 : vector<16xi32>
          %broadcast_in_dim3A_488 = vector.shape_cast %xor3A_487 : vector<16xi32> to vector<16x1xi32>
          %gather3A_489 = vector.shape_cast %broadcast_in_dim3A_488 : vector<16x1xi32> to vector<16xi32>
          %gather3A_490 = tpu.dynamic_gather %add3A_435[%gather3A_489] in [0] : vector<16xf32>, vector<16xi32> -> vector<16xf32>
          %add3A_491 = arith.addf %add3A_435, %gather3A_490 : vector<16xf32>
          %xor3A_492 = arith.constant 8 : i32
          %xor3A_493 = vector.broadcast %xor3A_492 : i32 to vector<16xi32>
          %xor3A_494 = arith.xori %iota3A, %xor3A_493 : vector<16xi32>
          %broadcast_in_dim3A_495 = vector.shape_cast %xor3A_494 : vector<16xi32> to vector<16x1xi32>
          %gather3A_496 = vector.shape_cast %broadcast_in_dim3A_495 : vector<16x1xi32> to vector<16xi32>
          %gather3A_497 = tpu.dynamic_gather %add3A_484[%gather3A_496] in [0] : vector<16xf32>, vector<16xi32> -> vector<16xf32>
          %add3A_498 = arith.addf %add3A_484, %gather3A_497 : vector<16xf32>
          %and3A_499 = arith.constant 8 : i32
          %and3A_500 = vector.broadcast %and3A_499 : i32 to vector<16xi32>
          %and3A_501 = arith.andi %iota3A, %and3A_500 : vector<16xi32>
          %eq3A_502 = arith.constant 0 : i32
          %eq3A_503 = vector.broadcast %eq3A_502 : i32 to vector<16xi32>
          %eq3A_504 = arith.cmpi eq, %and3A_501, %eq3A_503 : vector<16xi32>
          %select_n3A_505 = arith.select %eq3A_504, %add3A_491, %add3A_498 : vector<16xi1>, vector<16xf32>
          %xor3A_506 = arith.constant 4 : i32
          %xor3A_507 = vector.broadcast %xor3A_506 : i32 to vector<16xi32>
          %xor3A_508 = arith.xori %iota3A, %xor3A_507 : vector<16xi32>
          %broadcast_in_dim3A_509 = vector.shape_cast %xor3A_508 : vector<16xi32> to vector<16x1xi32>
          %gather3A_510 = vector.shape_cast %broadcast_in_dim3A_509 : vector<16x1xi32> to vector<16xi32>
          %gather3A_511 = tpu.dynamic_gather %select_n3A_386[%gather3A_510] in [0] : vector<16xf32>, vector<16xi32> -> vector<16xf32>
          %add3A_512 = arith.addf %select_n3A_386, %gather3A_511 : vector<16xf32>
          %xor3A_513 = arith.constant 4 : i32
          %xor3A_514 = vector.broadcast %xor3A_513 : i32 to vector<16xi32>
          %xor3A_515 = arith.xori %iota3A, %xor3A_514 : vector<16xi32>
          %broadcast_in_dim3A_516 = vector.shape_cast %xor3A_515 : vector<16xi32> to vector<16x1xi32>
          %gather3A_517 = vector.shape_cast %broadcast_in_dim3A_516 : vector<16x1xi32> to vector<16xi32>
          %gather3A_518 = tpu.dynamic_gather %select_n3A_505[%gather3A_517] in [0] : vector<16xf32>, vector<16xi32> -> vector<16xf32>
          %add3A_519 = arith.addf %select_n3A_505, %gather3A_518 : vector<16xf32>
          %and3A_520 = arith.constant 4 : i32
          %and3A_521 = vector.broadcast %and3A_520 : i32 to vector<16xi32>
          %and3A_522 = arith.andi %iota3A, %and3A_521 : vector<16xi32>
          %eq3A_523 = arith.constant 0 : i32
          %eq3A_524 = vector.broadcast %eq3A_523 : i32 to vector<16xi32>
          %eq3A_525 = arith.cmpi eq, %and3A_522, %eq3A_524 : vector<16xi32>
          %select_n3A_526 = arith.select %eq3A_525, %add3A_512, %add3A_519 : vector<16xi1>, vector<16xf32>
          %add3A_527 = arith.constant 2 : i32
          %add3A_528 = arith.addi %mul3A_271, %add3A_527 : i32
          %get3A_529 = arith.index_cast %add3A_528 : i32 to index
          %get3A_530 = arith.constant 0 : index
          %get3A_531 = tpu.vector_load %arg13[%get3A_529, %get3A_530] {strides = array<i32>} : memref<80x128xf32, #tpu.memory_space<vmem>>, vector<1x16xf32>,
          %get3A_532 = vector.shape_cast %get3A_531 : vector<1x16xf32> to vector<16xf32>
          %get3A_533 = arith.index_cast %add3A_528 : i32 to index
          %get3A_534 = arith.constant 16 : index
          %get3A_535 = tpu.vector_load %arg13[%get3A_533, %get3A_534] {strides = array<i32>} : memref<80x128xf32, #tpu.memory_space<vmem>>, vector<1x16xf32>,
          %get3A_536 = vector.shape_cast %get3A_535 : vector<1x16xf32> to vector<16xf32>
          %get3A_537 = arith.index_cast %add3A_528 : i32 to index
          %get3A_538 = arith.constant 32 : index
          %get3A_539 = tpu.vector_load %arg13[%get3A_537, %get3A_538] {strides = array<i32>} : memref<80x128xf32, #tpu.memory_space<vmem>>, vector<1x16xf32>,
          %get3A_540 = vector.shape_cast %get3A_539 : vector<1x16xf32> to vector<16xf32>
          %get3A_541 = arith.index_cast %add3A_528 : i32 to index
          %get3A_542 = arith.constant 48 : index
          %get3A_543 = tpu.vector_load %arg13[%get3A_541, %get3A_542] {strides = array<i32>} : memref<80x128xf32, #tpu.memory_space<vmem>>, vector<1x16xf32>,
          %get3A_544 = vector.shape_cast %get3A_543 : vector<1x16xf32> to vector<16xf32>
          %get3A_545 = arith.index_cast %add3A_528 : i32 to index
          %get3A_546 = arith.constant 64 : index
          %get3A_547 = tpu.vector_load %arg13[%get3A_545, %get3A_546] {strides = array<i32>} : memref<80x128xf32, #tpu.memory_space<vmem>>, vector<1x16xf32>,
          %get3A_548 = vector.shape_cast %get3A_547 : vector<1x16xf32> to vector<16xf32>
          %get3A_549 = arith.index_cast %add3A_528 : i32 to index
          %get3A_550 = arith.constant 80 : index
          %get3A_551 = tpu.vector_load %arg13[%get3A_549, %get3A_550] {strides = array<i32>} : memref<80x128xf32, #tpu.memory_space<vmem>>, vector<1x16xf32>,
          %get3A_552 = vector.shape_cast %get3A_551 : vector<1x16xf32> to vector<16xf32>
          %get3A_553 = arith.index_cast %add3A_528 : i32 to index
          %get3A_554 = arith.constant 96 : index
          %get3A_555 = tpu.vector_load %arg13[%get3A_553, %get3A_554] {strides = array<i32>} : memref<80x128xf32, #tpu.memory_space<vmem>>, vector<1x16xf32>,
          %get3A_556 = vector.shape_cast %get3A_555 : vector<1x16xf32> to vector<16xf32>
          %get3A_557 = arith.index_cast %add3A_528 : i32 to index
          %get3A_558 = arith.constant 112 : index
          %get3A_559 = tpu.vector_load %arg13[%get3A_557, %get3A_558] {strides = array<i32>} : memref<80x128xf32, #tpu.memory_space<vmem>>, vector<1x16xf32>,
          %get3A_560 = vector.shape_cast %get3A_559 : vector<1x16xf32> to vector<16xf32>
          %mul3A_561 = arith.mulf %get3A_532, %get3A_532 : vector<16xf32>
          %mul3A_562 = arith.mulf %get3A_536, %get3A_536 : vector<16xf32>
          %mul3A_563 = arith.mulf %get3A_540, %get3A_540 : vector<16xf32>
          %mul3A_564 = arith.mulf %get3A_544, %get3A_544 : vector<16xf32>
          %mul3A_565 = arith.mulf %get3A_548, %get3A_548 : vector<16xf32>
          %mul3A_566 = arith.mulf %get3A_552, %get3A_552 : vector<16xf32>
          %mul3A_567 = arith.mulf %get3A_556, %get3A_556 : vector<16xf32>
          %mul3A_568 = arith.mulf %get3A_560, %get3A_560 : vector<16xf32>
          %add3A_569 = arith.addf %mul3A_561, %mul3A_562 : vector<16xf32>
          %add3A_570 = arith.addf %mul3A_563, %mul3A_564 : vector<16xf32>
          %add3A_571 = arith.addf %mul3A_565, %mul3A_566 : vector<16xf32>
          %add3A_572 = arith.addf %mul3A_567, %mul3A_568 : vector<16xf32>
          %add3A_573 = arith.addf %add3A_569, %add3A_570 : vector<16xf32>
          %add3A_574 = arith.addf %add3A_571, %add3A_572 : vector<16xf32>
          %add3A_575 = arith.addf %add3A_573, %add3A_574 : vector<16xf32>
          %add3A_576 = arith.constant 10 : i32
          %add3A_577 = arith.addi %mul3A_271, %add3A_576 : i32
          %get3A_578 = arith.index_cast %add3A_577 : i32 to index
          %get3A_579 = arith.constant 0 : index
          %get3A_580 = tpu.vector_load %arg13[%get3A_578, %get3A_579] {strides = array<i32>} : memref<80x128xf32, #tpu.memory_space<vmem>>, vector<1x16xf32>,
          %get3A_581 = vector.shape_cast %get3A_580 : vector<1x16xf32> to vector<16xf32>
          %get3A_582 = arith.index_cast %add3A_577 : i32 to index
          %get3A_583 = arith.constant 16 : index
          %get3A_584 = tpu.vector_load %arg13[%get3A_582, %get3A_583] {strides = array<i32>} : memref<80x128xf32, #tpu.memory_space<vmem>>, vector<1x16xf32>,
          %get3A_585 = vector.shape_cast %get3A_584 : vector<1x16xf32> to vector<16xf32>
          %get3A_586 = arith.index_cast %add3A_577 : i32 to index
          %get3A_587 = arith.constant 32 : index
          %get3A_588 = tpu.vector_load %arg13[%get3A_586, %get3A_587] {strides = array<i32>} : memref<80x128xf32, #tpu.memory_space<vmem>>, vector<1x16xf32>,
          %get3A_589 = vector.shape_cast %get3A_588 : vector<1x16xf32> to vector<16xf32>
          %get3A_590 = arith.index_cast %add3A_577 : i32 to index
          %get3A_591 = arith.constant 48 : index
          %get3A_592 = tpu.vector_load %arg13[%get3A_590, %get3A_591] {strides = array<i32>} : memref<80x128xf32, #tpu.memory_space<vmem>>, vector<1x16xf32>,
          %get3A_593 = vector.shape_cast %get3A_592 : vector<1x16xf32> to vector<16xf32>
          %get3A_594 = arith.index_cast %add3A_577 : i32 to index
          %get3A_595 = arith.constant 64 : index
          %get3A_596 = tpu.vector_load %arg13[%get3A_594, %get3A_595] {strides = array<i32>} : memref<80x128xf32, #tpu.memory_space<vmem>>, vector<1x16xf32>,
          %get3A_597 = vector.shape_cast %get3A_596 : vector<1x16xf32> to vector<16xf32>
          %get3A_598 = arith.index_cast %add3A_577 : i32 to index
          %get3A_599 = arith.constant 80 : index
          %get3A_600 = tpu.vector_load %arg13[%get3A_598, %get3A_599] {strides = array<i32>} : memref<80x128xf32, #tpu.memory_space<vmem>>, vector<1x16xf32>,
          %get3A_601 = vector.shape_cast %get3A_600 : vector<1x16xf32> to vector<16xf32>
          %get3A_602 = arith.index_cast %add3A_577 : i32 to index
          %get3A_603 = arith.constant 96 : index
          %get3A_604 = tpu.vector_load %arg13[%get3A_602, %get3A_603] {strides = array<i32>} : memref<80x128xf32, #tpu.memory_space<vmem>>, vector<1x16xf32>,
          %get3A_605 = vector.shape_cast %get3A_604 : vector<1x16xf32> to vector<16xf32>
          %get3A_606 = arith.index_cast %add3A_577 : i32 to index
          %get3A_607 = arith.constant 112 : index
          %get3A_608 = tpu.vector_load %arg13[%get3A_606, %get3A_607] {strides = array<i32>} : memref<80x128xf32, #tpu.memory_space<vmem>>, vector<1x16xf32>,
          %get3A_609 = vector.shape_cast %get3A_608 : vector<1x16xf32> to vector<16xf32>
          %mul3A_610 = arith.mulf %get3A_581, %get3A_581 : vector<16xf32>
          %mul3A_611 = arith.mulf %get3A_585, %get3A_585 : vector<16xf32>
          %mul3A_612 = arith.mulf %get3A_589, %get3A_589 : vector<16xf32>
          %mul3A_613 = arith.mulf %get3A_593, %get3A_593 : vector<16xf32>
          %mul3A_614 = arith.mulf %get3A_597, %get3A_597 : vector<16xf32>
          %mul3A_615 = arith.mulf %get3A_601, %get3A_601 : vector<16xf32>
          %mul3A_616 = arith.mulf %get3A_605, %get3A_605 : vector<16xf32>
          %mul3A_617 = arith.mulf %get3A_609, %get3A_609 : vector<16xf32>
          %add3A_618 = arith.addf %mul3A_610, %mul3A_611 : vector<16xf32>
          %add3A_619 = arith.addf %mul3A_612, %mul3A_613 : vector<16xf32>
          %add3A_620 = arith.addf %mul3A_614, %mul3A_615 : vector<16xf32>
          %add3A_621 = arith.addf %mul3A_616, %mul3A_617 : vector<16xf32>
          %add3A_622 = arith.addf %add3A_618, %add3A_619 : vector<16xf32>
          %add3A_623 = arith.addf %add3A_620, %add3A_621 : vector<16xf32>
          %add3A_624 = arith.addf %add3A_622, %add3A_623 : vector<16xf32>
          %xor3A_625 = arith.constant 8 : i32
          %xor3A_626 = vector.broadcast %xor3A_625 : i32 to vector<16xi32>
          %xor3A_627 = arith.xori %iota3A, %xor3A_626 : vector<16xi32>
          %broadcast_in_dim3A_628 = vector.shape_cast %xor3A_627 : vector<16xi32> to vector<16x1xi32>
          %gather3A_629 = vector.shape_cast %broadcast_in_dim3A_628 : vector<16x1xi32> to vector<16xi32>
          %gather3A_630 = tpu.dynamic_gather %add3A_575[%gather3A_629] in [0] : vector<16xf32>, vector<16xi32> -> vector<16xf32>
          %add3A_631 = arith.addf %add3A_575, %gather3A_630 : vector<16xf32>
          %xor3A_632 = arith.constant 8 : i32
          %xor3A_633 = vector.broadcast %xor3A_632 : i32 to vector<16xi32>
          %xor3A_634 = arith.xori %iota3A, %xor3A_633 : vector<16xi32>
          %broadcast_in_dim3A_635 = vector.shape_cast %xor3A_634 : vector<16xi32> to vector<16x1xi32>
          %gather3A_636 = vector.shape_cast %broadcast_in_dim3A_635 : vector<16x1xi32> to vector<16xi32>
          %gather3A_637 = tpu.dynamic_gather %add3A_624[%gather3A_636] in [0] : vector<16xf32>, vector<16xi32> -> vector<16xf32>
          %add3A_638 = arith.addf %add3A_624, %gather3A_637 : vector<16xf32>
          %and3A_639 = arith.constant 8 : i32
          %and3A_640 = vector.broadcast %and3A_639 : i32 to vector<16xi32>
          %and3A_641 = arith.andi %iota3A, %and3A_640 : vector<16xi32>
          %eq3A_642 = arith.constant 0 : i32
          %eq3A_643 = vector.broadcast %eq3A_642 : i32 to vector<16xi32>
          %eq3A_644 = arith.cmpi eq, %and3A_641, %eq3A_643 : vector<16xi32>
          %select_n3A_645 = arith.select %eq3A_644, %add3A_631, %add3A_638 : vector<16xi1>, vector<16xf32>
          %add3A_646 = arith.constant 6 : i32
          %add3A_647 = arith.addi %mul3A_271, %add3A_646 : i32
          %get3A_648 = arith.index_cast %add3A_647 : i32 to index
          %get3A_649 = arith.constant 0 : index
          %get3A_650 = tpu.vector_load %arg13[%get3A_648, %get3A_649] {strides = array<i32>} : memref<80x128xf32, #tpu.memory_space<vmem>>, vector<1x16xf32>,
          %get3A_651 = vector.shape_cast %get3A_650 : vector<1x16xf32> to vector<16xf32>
          %get3A_652 = arith.index_cast %add3A_647 : i32 to index
          %get3A_653 = arith.constant 16 : index
          %get3A_654 = tpu.vector_load %arg13[%get3A_652, %get3A_653] {strides = array<i32>} : memref<80x128xf32, #tpu.memory_space<vmem>>, vector<1x16xf32>,
          %get3A_655 = vector.shape_cast %get3A_654 : vector<1x16xf32> to vector<16xf32>
          %get3A_656 = arith.index_cast %add3A_647 : i32 to index
          %get3A_657 = arith.constant 32 : index
          %get3A_658 = tpu.vector_load %arg13[%get3A_656, %get3A_657] {strides = array<i32>} : memref<80x128xf32, #tpu.memory_space<vmem>>, vector<1x16xf32>,
          %get3A_659 = vector.shape_cast %get3A_658 : vector<1x16xf32> to vector<16xf32>
          %get3A_660 = arith.index_cast %add3A_647 : i32 to index
          %get3A_661 = arith.constant 48 : index
          %get3A_662 = tpu.vector_load %arg13[%get3A_660, %get3A_661] {strides = array<i32>} : memref<80x128xf32, #tpu.memory_space<vmem>>, vector<1x16xf32>,
          %get3A_663 = vector.shape_cast %get3A_662 : vector<1x16xf32> to vector<16xf32>
          %get3A_664 = arith.index_cast %add3A_647 : i32 to index
          %get3A_665 = arith.constant 64 : index
          %get3A_666 = tpu.vector_load %arg13[%get3A_664, %get3A_665] {strides = array<i32>} : memref<80x128xf32, #tpu.memory_space<vmem>>, vector<1x16xf32>,
          %get3A_667 = vector.shape_cast %get3A_666 : vector<1x16xf32> to vector<16xf32>
          %get3A_668 = arith.index_cast %add3A_647 : i32 to index
          %get3A_669 = arith.constant 80 : index
          %get3A_670 = tpu.vector_load %arg13[%get3A_668, %get3A_669] {strides = array<i32>} : memref<80x128xf32, #tpu.memory_space<vmem>>, vector<1x16xf32>,
          %get3A_671 = vector.shape_cast %get3A_670 : vector<1x16xf32> to vector<16xf32>
          %get3A_672 = arith.index_cast %add3A_647 : i32 to index
          %get3A_673 = arith.constant 96 : index
          %get3A_674 = tpu.vector_load %arg13[%get3A_672, %get3A_673] {strides = array<i32>} : memref<80x128xf32, #tpu.memory_space<vmem>>, vector<1x16xf32>,
          %get3A_675 = vector.shape_cast %get3A_674 : vector<1x16xf32> to vector<16xf32>
          %get3A_676 = arith.index_cast %add3A_647 : i32 to index
          %get3A_677 = arith.constant 112 : index
          %get3A_678 = tpu.vector_load %arg13[%get3A_676, %get3A_677] {strides = array<i32>} : memref<80x128xf32, #tpu.memory_space<vmem>>, vector<1x16xf32>,
          %get3A_679 = vector.shape_cast %get3A_678 : vector<1x16xf32> to vector<16xf32>
          %mul3A_680 = arith.mulf %get3A_651, %get3A_651 : vector<16xf32>
          %mul3A_681 = arith.mulf %get3A_655, %get3A_655 : vector<16xf32>
          %mul3A_682 = arith.mulf %get3A_659, %get3A_659 : vector<16xf32>
          %mul3A_683 = arith.mulf %get3A_663, %get3A_663 : vector<16xf32>
          %mul3A_684 = arith.mulf %get3A_667, %get3A_667 : vector<16xf32>
          %mul3A_685 = arith.mulf %get3A_671, %get3A_671 : vector<16xf32>
          %mul3A_686 = arith.mulf %get3A_675, %get3A_675 : vector<16xf32>
          %mul3A_687 = arith.mulf %get3A_679, %get3A_679 : vector<16xf32>
          %add3A_688 = arith.addf %mul3A_680, %mul3A_681 : vector<16xf32>
          %add3A_689 = arith.addf %mul3A_682, %mul3A_683 : vector<16xf32>
          %add3A_690 = arith.addf %mul3A_684, %mul3A_685 : vector<16xf32>
          %add3A_691 = arith.addf %mul3A_686, %mul3A_687 : vector<16xf32>
          %add3A_692 = arith.addf %add3A_688, %add3A_689 : vector<16xf32>
          %add3A_693 = arith.addf %add3A_690, %add3A_691 : vector<16xf32>
          %add3A_694 = arith.addf %add3A_692, %add3A_693 : vector<16xf32>
          %add3A_695 = arith.constant 14 : i32
          %add3A_696 = arith.addi %mul3A_271, %add3A_695 : i32
          %get3A_697 = arith.index_cast %add3A_696 : i32 to index
          %get3A_698 = arith.constant 0 : index
          %get3A_699 = tpu.vector_load %arg13[%get3A_697, %get3A_698] {strides = array<i32>} : memref<80x128xf32, #tpu.memory_space<vmem>>, vector<1x16xf32>,
          %get3A_700 = vector.shape_cast %get3A_699 : vector<1x16xf32> to vector<16xf32>
          %get3A_701 = arith.index_cast %add3A_696 : i32 to index
          %get3A_702 = arith.constant 16 : index
          %get3A_703 = tpu.vector_load %arg13[%get3A_701, %get3A_702] {strides = array<i32>} : memref<80x128xf32, #tpu.memory_space<vmem>>, vector<1x16xf32>,
          %get3A_704 = vector.shape_cast %get3A_703 : vector<1x16xf32> to vector<16xf32>
          %get3A_705 = arith.index_cast %add3A_696 : i32 to index
          %get3A_706 = arith.constant 32 : index
          %get3A_707 = tpu.vector_load %arg13[%get3A_705, %get3A_706] {strides = array<i32>} : memref<80x128xf32, #tpu.memory_space<vmem>>, vector<1x16xf32>,
          %get3A_708 = vector.shape_cast %get3A_707 : vector<1x16xf32> to vector<16xf32>
          %get3A_709 = arith.index_cast %add3A_696 : i32 to index
          %get3A_710 = arith.constant 48 : index
          %get3A_711 = tpu.vector_load %arg13[%get3A_709, %get3A_710] {strides = array<i32>} : memref<80x128xf32, #tpu.memory_space<vmem>>, vector<1x16xf32>,
          %get3A_712 = vector.shape_cast %get3A_711 : vector<1x16xf32> to vector<16xf32>
          %get3A_713 = arith.index_cast %add3A_696 : i32 to index
          %get3A_714 = arith.constant 64 : index
          %get3A_715 = tpu.vector_load %arg13[%get3A_713, %get3A_714] {strides = array<i32>} : memref<80x128xf32, #tpu.memory_space<vmem>>, vector<1x16xf32>,
          %get3A_716 = vector.shape_cast %get3A_715 : vector<1x16xf32> to vector<16xf32>
          %get3A_717 = arith.index_cast %add3A_696 : i32 to index
          %get3A_718 = arith.constant 80 : index
          %get3A_719 = tpu.vector_load %arg13[%get3A_717, %get3A_718] {strides = array<i32>} : memref<80x128xf32, #tpu.memory_space<vmem>>, vector<1x16xf32>,
          %get3A_720 = vector.shape_cast %get3A_719 : vector<1x16xf32> to vector<16xf32>
          %get3A_721 = arith.index_cast %add3A_696 : i32 to index
          %get3A_722 = arith.constant 96 : index
          %get3A_723 = tpu.vector_load %arg13[%get3A_721, %get3A_722] {strides = array<i32>} : memref<80x128xf32, #tpu.memory_space<vmem>>, vector<1x16xf32>,
          %get3A_724 = vector.shape_cast %get3A_723 : vector<1x16xf32> to vector<16xf32>
          %get3A_725 = arith.index_cast %add3A_696 : i32 to index
          %get3A_726 = arith.constant 112 : index
          %get3A_727 = tpu.vector_load %arg13[%get3A_725, %get3A_726] {strides = array<i32>} : memref<80x128xf32, #tpu.memory_space<vmem>>, vector<1x16xf32>,
          %get3A_728 = vector.shape_cast %get3A_727 : vector<1x16xf32> to vector<16xf32>
          %mul3A_729 = arith.mulf %get3A_700, %get3A_700 : vector<16xf32>
          %mul3A_730 = arith.mulf %get3A_704, %get3A_704 : vector<16xf32>
          %mul3A_731 = arith.mulf %get3A_708, %get3A_708 : vector<16xf32>
          %mul3A_732 = arith.mulf %get3A_712, %get3A_712 : vector<16xf32>
          %mul3A_733 = arith.mulf %get3A_716, %get3A_716 : vector<16xf32>
          %mul3A_734 = arith.mulf %get3A_720, %get3A_720 : vector<16xf32>
          %mul3A_735 = arith.mulf %get3A_724, %get3A_724 : vector<16xf32>
          %mul3A_736 = arith.mulf %get3A_728, %get3A_728 : vector<16xf32>
          %add3A_737 = arith.addf %mul3A_729, %mul3A_730 : vector<16xf32>
          %add3A_738 = arith.addf %mul3A_731, %mul3A_732 : vector<16xf32>
          %add3A_739 = arith.addf %mul3A_733, %mul3A_734 : vector<16xf32>
          %add3A_740 = arith.addf %mul3A_735, %mul3A_736 : vector<16xf32>
          %add3A_741 = arith.addf %add3A_737, %add3A_738 : vector<16xf32>
          %add3A_742 = arith.addf %add3A_739, %add3A_740 : vector<16xf32>
          %add3A_743 = arith.addf %add3A_741, %add3A_742 : vector<16xf32>
          %xor3A_744 = arith.constant 8 : i32
          %xor3A_745 = vector.broadcast %xor3A_744 : i32 to vector<16xi32>
          %xor3A_746 = arith.xori %iota3A, %xor3A_745 : vector<16xi32>
          %broadcast_in_dim3A_747 = vector.shape_cast %xor3A_746 : vector<16xi32> to vector<16x1xi32>
          %gather3A_748 = vector.shape_cast %broadcast_in_dim3A_747 : vector<16x1xi32> to vector<16xi32>
          %gather3A_749 = tpu.dynamic_gather %add3A_694[%gather3A_748] in [0] : vector<16xf32>, vector<16xi32> -> vector<16xf32>
          %add3A_750 = arith.addf %add3A_694, %gather3A_749 : vector<16xf32>
          %xor3A_751 = arith.constant 8 : i32
          %xor3A_752 = vector.broadcast %xor3A_751 : i32 to vector<16xi32>
          %xor3A_753 = arith.xori %iota3A, %xor3A_752 : vector<16xi32>
          %broadcast_in_dim3A_754 = vector.shape_cast %xor3A_753 : vector<16xi32> to vector<16x1xi32>
          %gather3A_755 = vector.shape_cast %broadcast_in_dim3A_754 : vector<16x1xi32> to vector<16xi32>
          %gather3A_756 = tpu.dynamic_gather %add3A_743[%gather3A_755] in [0] : vector<16xf32>, vector<16xi32> -> vector<16xf32>
          %add3A_757 = arith.addf %add3A_743, %gather3A_756 : vector<16xf32>
          %and3A_758 = arith.constant 8 : i32
          %and3A_759 = vector.broadcast %and3A_758 : i32 to vector<16xi32>
          %and3A_760 = arith.andi %iota3A, %and3A_759 : vector<16xi32>
          %eq3A_761 = arith.constant 0 : i32
          %eq3A_762 = vector.broadcast %eq3A_761 : i32 to vector<16xi32>
          %eq3A_763 = arith.cmpi eq, %and3A_760, %eq3A_762 : vector<16xi32>
          %select_n3A_764 = arith.select %eq3A_763, %add3A_750, %add3A_757 : vector<16xi1>, vector<16xf32>
          %xor3A_765 = arith.constant 4 : i32
          %xor3A_766 = vector.broadcast %xor3A_765 : i32 to vector<16xi32>
          %xor3A_767 = arith.xori %iota3A, %xor3A_766 : vector<16xi32>
          %broadcast_in_dim3A_768 = vector.shape_cast %xor3A_767 : vector<16xi32> to vector<16x1xi32>
          %gather3A_769 = vector.shape_cast %broadcast_in_dim3A_768 : vector<16x1xi32> to vector<16xi32>
          %gather3A_770 = tpu.dynamic_gather %select_n3A_645[%gather3A_769] in [0] : vector<16xf32>, vector<16xi32> -> vector<16xf32>
          %add3A_771 = arith.addf %select_n3A_645, %gather3A_770 : vector<16xf32>
          %xor3A_772 = arith.constant 4 : i32
          %xor3A_773 = vector.broadcast %xor3A_772 : i32 to vector<16xi32>
          %xor3A_774 = arith.xori %iota3A, %xor3A_773 : vector<16xi32>
          %broadcast_in_dim3A_775 = vector.shape_cast %xor3A_774 : vector<16xi32> to vector<16x1xi32>
          %gather3A_776 = vector.shape_cast %broadcast_in_dim3A_775 : vector<16x1xi32> to vector<16xi32>
          %gather3A_777 = tpu.dynamic_gather %select_n3A_764[%gather3A_776] in [0] : vector<16xf32>, vector<16xi32> -> vector<16xf32>
          %add3A_778 = arith.addf %select_n3A_764, %gather3A_777 : vector<16xf32>
          %and3A_779 = arith.constant 4 : i32
          %and3A_780 = vector.broadcast %and3A_779 : i32 to vector<16xi32>
          %and3A_781 = arith.andi %iota3A, %and3A_780 : vector<16xi32>
          %eq3A_782 = arith.constant 0 : i32
          %eq3A_783 = vector.broadcast %eq3A_782 : i32 to vector<16xi32>
          %eq3A_784 = arith.cmpi eq, %and3A_781, %eq3A_783 : vector<16xi32>
          %select_n3A_785 = arith.select %eq3A_784, %add3A_771, %add3A_778 : vector<16xi1>, vector<16xf32>
          %xor3A_786 = arith.constant 2 : i32
          %xor3A_787 = vector.broadcast %xor3A_786 : i32 to vector<16xi32>
          %xor3A_788 = arith.xori %iota3A, %xor3A_787 : vector<16xi32>
          %broadcast_in_dim3A_789 = vector.shape_cast %xor3A_788 : vector<16xi32> to vector<16x1xi32>
          %gather3A_790 = vector.shape_cast %broadcast_in_dim3A_789 : vector<16x1xi32> to vector<16xi32>
          %gather3A_791 = tpu.dynamic_gather %select_n3A_526[%gather3A_790] in [0] : vector<16xf32>, vector<16xi32> -> vector<16xf32>
          %add3A_792 = arith.addf %select_n3A_526, %gather3A_791 : vector<16xf32>
          %xor3A_793 = arith.constant 2 : i32
          %xor3A_794 = vector.broadcast %xor3A_793 : i32 to vector<16xi32>
          %xor3A_795 = arith.xori %iota3A, %xor3A_794 : vector<16xi32>
          %broadcast_in_dim3A_796 = vector.shape_cast %xor3A_795 : vector<16xi32> to vector<16x1xi32>
          %gather3A_797 = vector.shape_cast %broadcast_in_dim3A_796 : vector<16x1xi32> to vector<16xi32>
          %gather3A_798 = tpu.dynamic_gather %select_n3A_785[%gather3A_797] in [0] : vector<16xf32>, vector<16xi32> -> vector<16xf32>
          %add3A_799 = arith.addf %select_n3A_785, %gather3A_798 : vector<16xf32>
          %and3A_800 = arith.constant 2 : i32
          %and3A_801 = vector.broadcast %and3A_800 : i32 to vector<16xi32>
          %and3A_802 = arith.andi %iota3A, %and3A_801 : vector<16xi32>
          %eq3A_803 = arith.constant 0 : i32
          %eq3A_804 = vector.broadcast %eq3A_803 : i32 to vector<16xi32>
          %eq3A_805 = arith.cmpi eq, %and3A_802, %eq3A_804 : vector<16xi32>
          %select_n3A_806 = arith.select %eq3A_805, %add3A_792, %add3A_799 : vector<16xi1>, vector<16xf32>
          %add3A_807 = arith.constant 1 : i32
          %add3A_808 = arith.addi %mul3A_271, %add3A_807 : i32
          %get3A_809 = arith.index_cast %add3A_808 : i32 to index
          %get3A_810 = arith.constant 0 : index
          %get3A_811 = tpu.vector_load %arg13[%get3A_809, %get3A_810] {strides = array<i32>} : memref<80x128xf32, #tpu.memory_space<vmem>>, vector<1x16xf32>,
          %get3A_812 = vector.shape_cast %get3A_811 : vector<1x16xf32> to vector<16xf32>
          %get3A_813 = arith.index_cast %add3A_808 : i32 to index
          %get3A_814 = arith.constant 16 : index
          %get3A_815 = tpu.vector_load %arg13[%get3A_813, %get3A_814] {strides = array<i32>} : memref<80x128xf32, #tpu.memory_space<vmem>>, vector<1x16xf32>,
          %get3A_816 = vector.shape_cast %get3A_815 : vector<1x16xf32> to vector<16xf32>
          %get3A_817 = arith.index_cast %add3A_808 : i32 to index
          %get3A_818 = arith.constant 32 : index
          %get3A_819 = tpu.vector_load %arg13[%get3A_817, %get3A_818] {strides = array<i32>} : memref<80x128xf32, #tpu.memory_space<vmem>>, vector<1x16xf32>,
          %get3A_820 = vector.shape_cast %get3A_819 : vector<1x16xf32> to vector<16xf32>
          %get3A_821 = arith.index_cast %add3A_808 : i32 to index
          %get3A_822 = arith.constant 48 : index
          %get3A_823 = tpu.vector_load %arg13[%get3A_821, %get3A_822] {strides = array<i32>} : memref<80x128xf32, #tpu.memory_space<vmem>>, vector<1x16xf32>,
          %get3A_824 = vector.shape_cast %get3A_823 : vector<1x16xf32> to vector<16xf32>
          %get3A_825 = arith.index_cast %add3A_808 : i32 to index
          %get3A_826 = arith.constant 64 : index
          %get3A_827 = tpu.vector_load %arg13[%get3A_825, %get3A_826] {strides = array<i32>} : memref<80x128xf32, #tpu.memory_space<vmem>>, vector<1x16xf32>,
          %get3A_828 = vector.shape_cast %get3A_827 : vector<1x16xf32> to vector<16xf32>
          %get3A_829 = arith.index_cast %add3A_808 : i32 to index
          %get3A_830 = arith.constant 80 : index
          %get3A_831 = tpu.vector_load %arg13[%get3A_829, %get3A_830] {strides = array<i32>} : memref<80x128xf32, #tpu.memory_space<vmem>>, vector<1x16xf32>,
          %get3A_832 = vector.shape_cast %get3A_831 : vector<1x16xf32> to vector<16xf32>
          %get3A_833 = arith.index_cast %add3A_808 : i32 to index
          %get3A_834 = arith.constant 96 : index
          %get3A_835 = tpu.vector_load %arg13[%get3A_833, %get3A_834] {strides = array<i32>} : memref<80x128xf32, #tpu.memory_space<vmem>>, vector<1x16xf32>,
          %get3A_836 = vector.shape_cast %get3A_835 : vector<1x16xf32> to vector<16xf32>
          %get3A_837 = arith.index_cast %add3A_808 : i32 to index
          %get3A_838 = arith.constant 112 : index
          %get3A_839 = tpu.vector_load %arg13[%get3A_837, %get3A_838] {strides = array<i32>} : memref<80x128xf32, #tpu.memory_space<vmem>>, vector<1x16xf32>,
          %get3A_840 = vector.shape_cast %get3A_839 : vector<1x16xf32> to vector<16xf32>
          %mul3A_841 = arith.mulf %get3A_812, %get3A_812 : vector<16xf32>
          %mul3A_842 = arith.mulf %get3A_816, %get3A_816 : vector<16xf32>
          %mul3A_843 = arith.mulf %get3A_820, %get3A_820 : vector<16xf32>
          %mul3A_844 = arith.mulf %get3A_824, %get3A_824 : vector<16xf32>
          %mul3A_845 = arith.mulf %get3A_828, %get3A_828 : vector<16xf32>
          %mul3A_846 = arith.mulf %get3A_832, %get3A_832 : vector<16xf32>
          %mul3A_847 = arith.mulf %get3A_836, %get3A_836 : vector<16xf32>
          %mul3A_848 = arith.mulf %get3A_840, %get3A_840 : vector<16xf32>
          %add3A_849 = arith.addf %mul3A_841, %mul3A_842 : vector<16xf32>
          %add3A_850 = arith.addf %mul3A_843, %mul3A_844 : vector<16xf32>
          %add3A_851 = arith.addf %mul3A_845, %mul3A_846 : vector<16xf32>
          %add3A_852 = arith.addf %mul3A_847, %mul3A_848 : vector<16xf32>
          %add3A_853 = arith.addf %add3A_849, %add3A_850 : vector<16xf32>
          %add3A_854 = arith.addf %add3A_851, %add3A_852 : vector<16xf32>
          %add3A_855 = arith.addf %add3A_853, %add3A_854 : vector<16xf32>
          %add3A_856 = arith.constant 9 : i32
          %add3A_857 = arith.addi %mul3A_271, %add3A_856 : i32
          %get3A_858 = arith.index_cast %add3A_857 : i32 to index
          %get3A_859 = arith.constant 0 : index
          %get3A_860 = tpu.vector_load %arg13[%get3A_858, %get3A_859] {strides = array<i32>} : memref<80x128xf32, #tpu.memory_space<vmem>>, vector<1x16xf32>,
          %get3A_861 = vector.shape_cast %get3A_860 : vector<1x16xf32> to vector<16xf32>
          %get3A_862 = arith.index_cast %add3A_857 : i32 to index
          %get3A_863 = arith.constant 16 : index
          %get3A_864 = tpu.vector_load %arg13[%get3A_862, %get3A_863] {strides = array<i32>} : memref<80x128xf32, #tpu.memory_space<vmem>>, vector<1x16xf32>,
          %get3A_865 = vector.shape_cast %get3A_864 : vector<1x16xf32> to vector<16xf32>
          %get3A_866 = arith.index_cast %add3A_857 : i32 to index
          %get3A_867 = arith.constant 32 : index
          %get3A_868 = tpu.vector_load %arg13[%get3A_866, %get3A_867] {strides = array<i32>} : memref<80x128xf32, #tpu.memory_space<vmem>>, vector<1x16xf32>,
          %get3A_869 = vector.shape_cast %get3A_868 : vector<1x16xf32> to vector<16xf32>
          %get3A_870 = arith.index_cast %add3A_857 : i32 to index
          %get3A_871 = arith.constant 48 : index
          %get3A_872 = tpu.vector_load %arg13[%get3A_870, %get3A_871] {strides = array<i32>} : memref<80x128xf32, #tpu.memory_space<vmem>>, vector<1x16xf32>,
          %get3A_873 = vector.shape_cast %get3A_872 : vector<1x16xf32> to vector<16xf32>
          %get3A_874 = arith.index_cast %add3A_857 : i32 to index
          %get3A_875 = arith.constant 64 : index
          %get3A_876 = tpu.vector_load %arg13[%get3A_874, %get3A_875] {strides = array<i32>} : memref<80x128xf32, #tpu.memory_space<vmem>>, vector<1x16xf32>,
          %get3A_877 = vector.shape_cast %get3A_876 : vector<1x16xf32> to vector<16xf32>
          %get3A_878 = arith.index_cast %add3A_857 : i32 to index
          %get3A_879 = arith.constant 80 : index
          %get3A_880 = tpu.vector_load %arg13[%get3A_878, %get3A_879] {strides = array<i32>} : memref<80x128xf32, #tpu.memory_space<vmem>>, vector<1x16xf32>,
          %get3A_881 = vector.shape_cast %get3A_880 : vector<1x16xf32> to vector<16xf32>
          %get3A_882 = arith.index_cast %add3A_857 : i32 to index
          %get3A_883 = arith.constant 96 : index
          %get3A_884 = tpu.vector_load %arg13[%get3A_882, %get3A_883] {strides = array<i32>} : memref<80x128xf32, #tpu.memory_space<vmem>>, vector<1x16xf32>,
          %get3A_885 = vector.shape_cast %get3A_884 : vector<1x16xf32> to vector<16xf32>
          %get3A_886 = arith.index_cast %add3A_857 : i32 to index
          %get3A_887 = arith.constant 112 : index
          %get3A_888 = tpu.vector_load %arg13[%get3A_886, %get3A_887] {strides = array<i32>} : memref<80x128xf32, #tpu.memory_space<vmem>>, vector<1x16xf32>,
          %get3A_889 = vector.shape_cast %get3A_888 : vector<1x16xf32> to vector<16xf32>
          %mul3A_890 = arith.mulf %get3A_861, %get3A_861 : vector<16xf32>
          %mul3A_891 = arith.mulf %get3A_865, %get3A_865 : vector<16xf32>
          %mul3A_892 = arith.mulf %get3A_869, %get3A_869 : vector<16xf32>
          %mul3A_893 = arith.mulf %get3A_873, %get3A_873 : vector<16xf32>
          %mul3A_894 = arith.mulf %get3A_877, %get3A_877 : vector<16xf32>
          %mul3A_895 = arith.mulf %get3A_881, %get3A_881 : vector<16xf32>
          %mul3A_896 = arith.mulf %get3A_885, %get3A_885 : vector<16xf32>
          %mul3A_897 = arith.mulf %get3A_889, %get3A_889 : vector<16xf32>
          %add3A_898 = arith.addf %mul3A_890, %mul3A_891 : vector<16xf32>
          %add3A_899 = arith.addf %mul3A_892, %mul3A_893 : vector<16xf32>
          %add3A_900 = arith.addf %mul3A_894, %mul3A_895 : vector<16xf32>
          %add3A_901 = arith.addf %mul3A_896, %mul3A_897 : vector<16xf32>
          %add3A_902 = arith.addf %add3A_898, %add3A_899 : vector<16xf32>
          %add3A_903 = arith.addf %add3A_900, %add3A_901 : vector<16xf32>
          %add3A_904 = arith.addf %add3A_902, %add3A_903 : vector<16xf32>
          %xor3A_905 = arith.constant 8 : i32
          %xor3A_906 = vector.broadcast %xor3A_905 : i32 to vector<16xi32>
          %xor3A_907 = arith.xori %iota3A, %xor3A_906 : vector<16xi32>
          %broadcast_in_dim3A_908 = vector.shape_cast %xor3A_907 : vector<16xi32> to vector<16x1xi32>
          %gather3A_909 = vector.shape_cast %broadcast_in_dim3A_908 : vector<16x1xi32> to vector<16xi32>
          %gather3A_910 = tpu.dynamic_gather %add3A_855[%gather3A_909] in [0] : vector<16xf32>, vector<16xi32> -> vector<16xf32>
          %add3A_911 = arith.addf %add3A_855, %gather3A_910 : vector<16xf32>
          %xor3A_912 = arith.constant 8 : i32
          %xor3A_913 = vector.broadcast %xor3A_912 : i32 to vector<16xi32>
          %xor3A_914 = arith.xori %iota3A, %xor3A_913 : vector<16xi32>
          %broadcast_in_dim3A_915 = vector.shape_cast %xor3A_914 : vector<16xi32> to vector<16x1xi32>
          %gather3A_916 = vector.shape_cast %broadcast_in_dim3A_915 : vector<16x1xi32> to vector<16xi32>
          %gather3A_917 = tpu.dynamic_gather %add3A_904[%gather3A_916] in [0] : vector<16xf32>, vector<16xi32> -> vector<16xf32>
          %add3A_918 = arith.addf %add3A_904, %gather3A_917 : vector<16xf32>
          %and3A_919 = arith.constant 8 : i32
          %and3A_920 = vector.broadcast %and3A_919 : i32 to vector<16xi32>
          %and3A_921 = arith.andi %iota3A, %and3A_920 : vector<16xi32>
          %eq3A_922 = arith.constant 0 : i32
          %eq3A_923 = vector.broadcast %eq3A_922 : i32 to vector<16xi32>
          %eq3A_924 = arith.cmpi eq, %and3A_921, %eq3A_923 : vector<16xi32>
          %select_n3A_925 = arith.select %eq3A_924, %add3A_911, %add3A_918 : vector<16xi1>, vector<16xf32>
          %add3A_926 = arith.constant 5 : i32
          %add3A_927 = arith.addi %mul3A_271, %add3A_926 : i32
          %get3A_928 = arith.index_cast %add3A_927 : i32 to index
          %get3A_929 = arith.constant 0 : index
          %get3A_930 = tpu.vector_load %arg13[%get3A_928, %get3A_929] {strides = array<i32>} : memref<80x128xf32, #tpu.memory_space<vmem>>, vector<1x16xf32>,
          %get3A_931 = vector.shape_cast %get3A_930 : vector<1x16xf32> to vector<16xf32>
          %get3A_932 = arith.index_cast %add3A_927 : i32 to index
          %get3A_933 = arith.constant 16 : index
          %get3A_934 = tpu.vector_load %arg13[%get3A_932, %get3A_933] {strides = array<i32>} : memref<80x128xf32, #tpu.memory_space<vmem>>, vector<1x16xf32>,
          %get3A_935 = vector.shape_cast %get3A_934 : vector<1x16xf32> to vector<16xf32>
          %get3A_936 = arith.index_cast %add3A_927 : i32 to index
          %get3A_937 = arith.constant 32 : index
          %get3A_938 = tpu.vector_load %arg13[%get3A_936, %get3A_937] {strides = array<i32>} : memref<80x128xf32, #tpu.memory_space<vmem>>, vector<1x16xf32>,
          %get3A_939 = vector.shape_cast %get3A_938 : vector<1x16xf32> to vector<16xf32>
          %get3A_940 = arith.index_cast %add3A_927 : i32 to index
          %get3A_941 = arith.constant 48 : index
          %get3A_942 = tpu.vector_load %arg13[%get3A_940, %get3A_941] {strides = array<i32>} : memref<80x128xf32, #tpu.memory_space<vmem>>, vector<1x16xf32>,
          %get3A_943 = vector.shape_cast %get3A_942 : vector<1x16xf32> to vector<16xf32>
          %get3A_944 = arith.index_cast %add3A_927 : i32 to index
          %get3A_945 = arith.constant 64 : index
          %get3A_946 = tpu.vector_load %arg13[%get3A_944, %get3A_945] {strides = array<i32>} : memref<80x128xf32, #tpu.memory_space<vmem>>, vector<1x16xf32>,
          %get3A_947 = vector.shape_cast %get3A_946 : vector<1x16xf32> to vector<16xf32>
          %get3A_948 = arith.index_cast %add3A_927 : i32 to index
          %get3A_949 = arith.constant 80 : index
          %get3A_950 = tpu.vector_load %arg13[%get3A_948, %get3A_949] {strides = array<i32>} : memref<80x128xf32, #tpu.memory_space<vmem>>, vector<1x16xf32>,
          %get3A_951 = vector.shape_cast %get3A_950 : vector<1x16xf32> to vector<16xf32>
          %get3A_952 = arith.index_cast %add3A_927 : i32 to index
          %get3A_953 = arith.constant 96 : index
          %get3A_954 = tpu.vector_load %arg13[%get3A_952, %get3A_953] {strides = array<i32>} : memref<80x128xf32, #tpu.memory_space<vmem>>, vector<1x16xf32>,
          %get3A_955 = vector.shape_cast %get3A_954 : vector<1x16xf32> to vector<16xf32>
          %get3A_956 = arith.index_cast %add3A_927 : i32 to index
          %get3A_957 = arith.constant 112 : index
          %get3A_958 = tpu.vector_load %arg13[%get3A_956, %get3A_957] {strides = array<i32>} : memref<80x128xf32, #tpu.memory_space<vmem>>, vector<1x16xf32>,
          %get3A_959 = vector.shape_cast %get3A_958 : vector<1x16xf32> to vector<16xf32>
          %mul3A_960 = arith.mulf %get3A_931, %get3A_931 : vector<16xf32>
          %mul3A_961 = arith.mulf %get3A_935, %get3A_935 : vector<16xf32>
          %mul3A_962 = arith.mulf %get3A_939, %get3A_939 : vector<16xf32>
          %mul3A_963 = arith.mulf %get3A_943, %get3A_943 : vector<16xf32>
          %mul3A_964 = arith.mulf %get3A_947, %get3A_947 : vector<16xf32>
          %mul3A_965 = arith.mulf %get3A_951, %get3A_951 : vector<16xf32>
          %mul3A_966 = arith.mulf %get3A_955, %get3A_955 : vector<16xf32>
          %mul3A_967 = arith.mulf %get3A_959, %get3A_959 : vector<16xf32>
          %add3A_968 = arith.addf %mul3A_960, %mul3A_961 : vector<16xf32>
          %add3A_969 = arith.addf %mul3A_962, %mul3A_963 : vector<16xf32>
          %add3A_970 = arith.addf %mul3A_964, %mul3A_965 : vector<16xf32>
          %add3A_971 = arith.addf %mul3A_966, %mul3A_967 : vector<16xf32>
          %add3A_972 = arith.addf %add3A_968, %add3A_969 : vector<16xf32>
          %add3A_973 = arith.addf %add3A_970, %add3A_971 : vector<16xf32>
          %add3A_974 = arith.addf %add3A_972, %add3A_973 : vector<16xf32>
          %add3A_975 = arith.constant 13 : i32
          %add3A_976 = arith.addi %mul3A_271, %add3A_975 : i32
          %get3A_977 = arith.index_cast %add3A_976 : i32 to index
          %get3A_978 = arith.constant 0 : index
          %get3A_979 = tpu.vector_load %arg13[%get3A_977, %get3A_978] {strides = array<i32>} : memref<80x128xf32, #tpu.memory_space<vmem>>, vector<1x16xf32>,
          %get3A_980 = vector.shape_cast %get3A_979 : vector<1x16xf32> to vector<16xf32>
          %get3A_981 = arith.index_cast %add3A_976 : i32 to index
          %get3A_982 = arith.constant 16 : index
          %get3A_983 = tpu.vector_load %arg13[%get3A_981, %get3A_982] {strides = array<i32>} : memref<80x128xf32, #tpu.memory_space<vmem>>, vector<1x16xf32>,
          %get3A_984 = vector.shape_cast %get3A_983 : vector<1x16xf32> to vector<16xf32>
          %get3A_985 = arith.index_cast %add3A_976 : i32 to index
          %get3A_986 = arith.constant 32 : index
          %get3A_987 = tpu.vector_load %arg13[%get3A_985, %get3A_986] {strides = array<i32>} : memref<80x128xf32, #tpu.memory_space<vmem>>, vector<1x16xf32>,
          %get3A_988 = vector.shape_cast %get3A_987 : vector<1x16xf32> to vector<16xf32>
          %get3A_989 = arith.index_cast %add3A_976 : i32 to index
          %get3A_990 = arith.constant 48 : index
          %get3A_991 = tpu.vector_load %arg13[%get3A_989, %get3A_990] {strides = array<i32>} : memref<80x128xf32, #tpu.memory_space<vmem>>, vector<1x16xf32>,
          %get3A_992 = vector.shape_cast %get3A_991 : vector<1x16xf32> to vector<16xf32>
          %get3A_993 = arith.index_cast %add3A_976 : i32 to index
          %get3A_994 = arith.constant 64 : index
          %get3A_995 = tpu.vector_load %arg13[%get3A_993, %get3A_994] {strides = array<i32>} : memref<80x128xf32, #tpu.memory_space<vmem>>, vector<1x16xf32>,
          %get3A_996 = vector.shape_cast %get3A_995 : vector<1x16xf32> to vector<16xf32>
          %get3A_997 = arith.index_cast %add3A_976 : i32 to index
          %get3A_998 = arith.constant 80 : index
          %get3A_999 = tpu.vector_load %arg13[%get3A_997, %get3A_998] {strides = array<i32>} : memref<80x128xf32, #tpu.memory_space<vmem>>, vector<1x16xf32>,
          %get3A_1000 = vector.shape_cast %get3A_999 : vector<1x16xf32> to vector<16xf32>
          %get3A_1001 = arith.index_cast %add3A_976 : i32 to index
          %get3A_1002 = arith.constant 96 : index
          %get3A_1003 = tpu.vector_load %arg13[%get3A_1001, %get3A_1002] {strides = array<i32>} : memref<80x128xf32, #tpu.memory_space<vmem>>, vector<1x16xf32>,
          %get3A_1004 = vector.shape_cast %get3A_1003 : vector<1x16xf32> to vector<16xf32>
          %get3A_1005 = arith.index_cast %add3A_976 : i32 to index
          %get3A_1006 = arith.constant 112 : index
          %get3A_1007 = tpu.vector_load %arg13[%get3A_1005, %get3A_1006] {strides = array<i32>} : memref<80x128xf32, #tpu.memory_space<vmem>>, vector<1x16xf32>,
          %get3A_1008 = vector.shape_cast %get3A_1007 : vector<1x16xf32> to vector<16xf32>
          %mul3A_1009 = arith.mulf %get3A_980, %get3A_980 : vector<16xf32>
          %mul3A_1010 = arith.mulf %get3A_984, %get3A_984 : vector<16xf32>
          %mul3A_1011 = arith.mulf %get3A_988, %get3A_988 : vector<16xf32>
          %mul3A_1012 = arith.mulf %get3A_992, %get3A_992 : vector<16xf32>
          %mul3A_1013 = arith.mulf %get3A_996, %get3A_996 : vector<16xf32>
          %mul3A_1014 = arith.mulf %get3A_1000, %get3A_1000 : vector<16xf32>
          %mul3A_1015 = arith.mulf %get3A_1004, %get3A_1004 : vector<16xf32>
          %mul3A_1016 = arith.mulf %get3A_1008, %get3A_1008 : vector<16xf32>
          %add3A_1017 = arith.addf %mul3A_1009, %mul3A_1010 : vector<16xf32>
          %add3A_1018 = arith.addf %mul3A_1011, %mul3A_1012 : vector<16xf32>
          %add3A_1019 = arith.addf %mul3A_1013, %mul3A_1014 : vector<16xf32>
          %add3A_1020 = arith.addf %mul3A_1015, %mul3A_1016 : vector<16xf32>
          %add3A_1021 = arith.addf %add3A_1017, %add3A_1018 : vector<16xf32>
          %add3A_1022 = arith.addf %add3A_1019, %add3A_1020 : vector<16xf32>
          %add3A_1023 = arith.addf %add3A_1021, %add3A_1022 : vector<16xf32>
          %xor3A_1024 = arith.constant 8 : i32
          %xor3A_1025 = vector.broadcast %xor3A_1024 : i32 to vector<16xi32>
          %xor3A_1026 = arith.xori %iota3A, %xor3A_1025 : vector<16xi32>
          %broadcast_in_dim3A_1027 = vector.shape_cast %xor3A_1026 : vector<16xi32> to vector<16x1xi32>
          %gather3A_1028 = vector.shape_cast %broadcast_in_dim3A_1027 : vector<16x1xi32> to vector<16xi32>
          %gather3A_1029 = tpu.dynamic_gather %add3A_974[%gather3A_1028] in [0] : vector<16xf32>, vector<16xi32> -> vector<16xf32>
          %add3A_1030 = arith.addf %add3A_974, %gather3A_1029 : vector<16xf32>
          %xor3A_1031 = arith.constant 8 : i32
          %xor3A_1032 = vector.broadcast %xor3A_1031 : i32 to vector<16xi32>
          %xor3A_1033 = arith.xori %iota3A, %xor3A_1032 : vector<16xi32>
          %broadcast_in_dim3A_1034 = vector.shape_cast %xor3A_1033 : vector<16xi32> to vector<16x1xi32>
          %gather3A_1035 = vector.shape_cast %broadcast_in_dim3A_1034 : vector<16x1xi32> to vector<16xi32>
          %gather3A_1036 = tpu.dynamic_gather %add3A_1023[%gather3A_1035] in [0] : vector<16xf32>, vector<16xi32> -> vector<16xf32>
          %add3A_1037 = arith.addf %add3A_1023, %gather3A_1036 : vector<16xf32>
          %and3A_1038 = arith.constant 8 : i32
          %and3A_1039 = vector.broadcast %and3A_1038 : i32 to vector<16xi32>
          %and3A_1040 = arith.andi %iota3A, %and3A_1039 : vector<16xi32>
          %eq3A_1041 = arith.constant 0 : i32
          %eq3A_1042 = vector.broadcast %eq3A_1041 : i32 to vector<16xi32>
          %eq3A_1043 = arith.cmpi eq, %and3A_1040, %eq3A_1042 : vector<16xi32>
          %select_n3A_1044 = arith.select %eq3A_1043, %add3A_1030, %add3A_1037 : vector<16xi1>, vector<16xf32>
          %xor3A_1045 = arith.constant 4 : i32
          %xor3A_1046 = vector.broadcast %xor3A_1045 : i32 to vector<16xi32>
          %xor3A_1047 = arith.xori %iota3A, %xor3A_1046 : vector<16xi32>
          %broadcast_in_dim3A_1048 = vector.shape_cast %xor3A_1047 : vector<16xi32> to vector<16x1xi32>
          %gather3A_1049 = vector.shape_cast %broadcast_in_dim3A_1048 : vector<16x1xi32> to vector<16xi32>
          %gather3A_1050 = tpu.dynamic_gather %select_n3A_925[%gather3A_1049] in [0] : vector<16xf32>, vector<16xi32> -> vector<16xf32>
          %add3A_1051 = arith.addf %select_n3A_925, %gather3A_1050 : vector<16xf32>
          %xor3A_1052 = arith.constant 4 : i32
          %xor3A_1053 = vector.broadcast %xor3A_1052 : i32 to vector<16xi32>
          %xor3A_1054 = arith.xori %iota3A, %xor3A_1053 : vector<16xi32>
          %broadcast_in_dim3A_1055 = vector.shape_cast %xor3A_1054 : vector<16xi32> to vector<16x1xi32>
          %gather3A_1056 = vector.shape_cast %broadcast_in_dim3A_1055 : vector<16x1xi32> to vector<16xi32>
          %gather3A_1057 = tpu.dynamic_gather %select_n3A_1044[%gather3A_1056] in [0] : vector<16xf32>, vector<16xi32> -> vector<16xf32>
          %add3A_1058 = arith.addf %select_n3A_1044, %gather3A_1057 : vector<16xf32>
          %and3A_1059 = arith.constant 4 : i32
          %and3A_1060 = vector.broadcast %and3A_1059 : i32 to vector<16xi32>
          %and3A_1061 = arith.andi %iota3A, %and3A_1060 : vector<16xi32>
          %eq3A_1062 = arith.constant 0 : i32
          %eq3A_1063 = vector.broadcast %eq3A_1062 : i32 to vector<16xi32>
          %eq3A_1064 = arith.cmpi eq, %and3A_1061, %eq3A_1063 : vector<16xi32>
          %select_n3A_1065 = arith.select %eq3A_1064, %add3A_1051, %add3A_1058 : vector<16xi1>, vector<16xf32>
          %add3A_1066 = arith.constant 3 : i32
          %add3A_1067 = arith.addi %mul3A_271, %add3A_1066 : i32
          %get3A_1068 = arith.index_cast %add3A_1067 : i32 to index
          %get3A_1069 = arith.constant 0 : index
          %get3A_1070 = tpu.vector_load %arg13[%get3A_1068, %get3A_1069] {strides = array<i32>} : memref<80x128xf32, #tpu.memory_space<vmem>>, vector<1x16xf32>,
          %get3A_1071 = vector.shape_cast %get3A_1070 : vector<1x16xf32> to vector<16xf32>
          %get3A_1072 = arith.index_cast %add3A_1067 : i32 to index
          %get3A_1073 = arith.constant 16 : index
          %get3A_1074 = tpu.vector_load %arg13[%get3A_1072, %get3A_1073] {strides = array<i32>} : memref<80x128xf32, #tpu.memory_space<vmem>>, vector<1x16xf32>,
          %get3A_1075 = vector.shape_cast %get3A_1074 : vector<1x16xf32> to vector<16xf32>
          %get3A_1076 = arith.index_cast %add3A_1067 : i32 to index
          %get3A_1077 = arith.constant 32 : index
          %get3A_1078 = tpu.vector_load %arg13[%get3A_1076, %get3A_1077] {strides = array<i32>} : memref<80x128xf32, #tpu.memory_space<vmem>>, vector<1x16xf32>,
          %get3A_1079 = vector.shape_cast %get3A_1078 : vector<1x16xf32> to vector<16xf32>
          %get3A_1080 = arith.index_cast %add3A_1067 : i32 to index
          %get3A_1081 = arith.constant 48 : index
          %get3A_1082 = tpu.vector_load %arg13[%get3A_1080, %get3A_1081] {strides = array<i32>} : memref<80x128xf32, #tpu.memory_space<vmem>>, vector<1x16xf32>,
          %get3A_1083 = vector.shape_cast %get3A_1082 : vector<1x16xf32> to vector<16xf32>
          %get3A_1084 = arith.index_cast %add3A_1067 : i32 to index
          %get3A_1085 = arith.constant 64 : index
          %get3A_1086 = tpu.vector_load %arg13[%get3A_1084, %get3A_1085] {strides = array<i32>} : memref<80x128xf32, #tpu.memory_space<vmem>>, vector<1x16xf32>,
          %get3A_1087 = vector.shape_cast %get3A_1086 : vector<1x16xf32> to vector<16xf32>
          %get3A_1088 = arith.index_cast %add3A_1067 : i32 to index
          %get3A_1089 = arith.constant 80 : index
          %get3A_1090 = tpu.vector_load %arg13[%get3A_1088, %get3A_1089] {strides = array<i32>} : memref<80x128xf32, #tpu.memory_space<vmem>>, vector<1x16xf32>,
          %get3A_1091 = vector.shape_cast %get3A_1090 : vector<1x16xf32> to vector<16xf32>
          %get3A_1092 = arith.index_cast %add3A_1067 : i32 to index
          %get3A_1093 = arith.constant 96 : index
          %get3A_1094 = tpu.vector_load %arg13[%get3A_1092, %get3A_1093] {strides = array<i32>} : memref<80x128xf32, #tpu.memory_space<vmem>>, vector<1x16xf32>,
          %get3A_1095 = vector.shape_cast %get3A_1094 : vector<1x16xf32> to vector<16xf32>
          %get3A_1096 = arith.index_cast %add3A_1067 : i32 to index
          %get3A_1097 = arith.constant 112 : index
          %get3A_1098 = tpu.vector_load %arg13[%get3A_1096, %get3A_1097] {strides = array<i32>} : memref<80x128xf32, #tpu.memory_space<vmem>>, vector<1x16xf32>,
          %get3A_1099 = vector.shape_cast %get3A_1098 : vector<1x16xf32> to vector<16xf32>
          %mul3A_1100 = arith.mulf %get3A_1071, %get3A_1071 : vector<16xf32>
          %mul3A_1101 = arith.mulf %get3A_1075, %get3A_1075 : vector<16xf32>
          %mul3A_1102 = arith.mulf %get3A_1079, %get3A_1079 : vector<16xf32>
          %mul3A_1103 = arith.mulf %get3A_1083, %get3A_1083 : vector<16xf32>
          %mul3A_1104 = arith.mulf %get3A_1087, %get3A_1087 : vector<16xf32>
          %mul3A_1105 = arith.mulf %get3A_1091, %get3A_1091 : vector<16xf32>
          %mul3A_1106 = arith.mulf %get3A_1095, %get3A_1095 : vector<16xf32>
          %mul3A_1107 = arith.mulf %get3A_1099, %get3A_1099 : vector<16xf32>
          %add3A_1108 = arith.addf %mul3A_1100, %mul3A_1101 : vector<16xf32>
          %add3A_1109 = arith.addf %mul3A_1102, %mul3A_1103 : vector<16xf32>
          %add3A_1110 = arith.addf %mul3A_1104, %mul3A_1105 : vector<16xf32>
          %add3A_1111 = arith.addf %mul3A_1106, %mul3A_1107 : vector<16xf32>
          %add3A_1112 = arith.addf %add3A_1108, %add3A_1109 : vector<16xf32>
          %add3A_1113 = arith.addf %add3A_1110, %add3A_1111 : vector<16xf32>
          %add3A_1114 = arith.addf %add3A_1112, %add3A_1113 : vector<16xf32>
          %add3A_1115 = arith.constant 11 : i32
          %add3A_1116 = arith.addi %mul3A_271, %add3A_1115 : i32
          %get3A_1117 = arith.index_cast %add3A_1116 : i32 to index
          %get3A_1118 = arith.constant 0 : index
          %get3A_1119 = tpu.vector_load %arg13[%get3A_1117, %get3A_1118] {strides = array<i32>} : memref<80x128xf32, #tpu.memory_space<vmem>>, vector<1x16xf32>,
          %get3A_1120 = vector.shape_cast %get3A_1119 : vector<1x16xf32> to vector<16xf32>
          %get3A_1121 = arith.index_cast %add3A_1116 : i32 to index
          %get3A_1122 = arith.constant 16 : index
          %get3A_1123 = tpu.vector_load %arg13[%get3A_1121, %get3A_1122] {strides = array<i32>} : memref<80x128xf32, #tpu.memory_space<vmem>>, vector<1x16xf32>,
          %get3A_1124 = vector.shape_cast %get3A_1123 : vector<1x16xf32> to vector<16xf32>
          %get3A_1125 = arith.index_cast %add3A_1116 : i32 to index
          %get3A_1126 = arith.constant 32 : index
          %get3A_1127 = tpu.vector_load %arg13[%get3A_1125, %get3A_1126] {strides = array<i32>} : memref<80x128xf32, #tpu.memory_space<vmem>>, vector<1x16xf32>,
          %get3A_1128 = vector.shape_cast %get3A_1127 : vector<1x16xf32> to vector<16xf32>
          %get3A_1129 = arith.index_cast %add3A_1116 : i32 to index
          %get3A_1130 = arith.constant 48 : index
          %get3A_1131 = tpu.vector_load %arg13[%get3A_1129, %get3A_1130] {strides = array<i32>} : memref<80x128xf32, #tpu.memory_space<vmem>>, vector<1x16xf32>,
          %get3A_1132 = vector.shape_cast %get3A_1131 : vector<1x16xf32> to vector<16xf32>
          %get3A_1133 = arith.index_cast %add3A_1116 : i32 to index
          %get3A_1134 = arith.constant 64 : index
          %get3A_1135 = tpu.vector_load %arg13[%get3A_1133, %get3A_1134] {strides = array<i32>} : memref<80x128xf32, #tpu.memory_space<vmem>>, vector<1x16xf32>,
          %get3A_1136 = vector.shape_cast %get3A_1135 : vector<1x16xf32> to vector<16xf32>
          %get3A_1137 = arith.index_cast %add3A_1116 : i32 to index
          %get3A_1138 = arith.constant 80 : index
          %get3A_1139 = tpu.vector_load %arg13[%get3A_1137, %get3A_1138] {strides = array<i32>} : memref<80x128xf32, #tpu.memory_space<vmem>>, vector<1x16xf32>,
          %get3A_1140 = vector.shape_cast %get3A_1139 : vector<1x16xf32> to vector<16xf32>
          %get3A_1141 = arith.index_cast %add3A_1116 : i32 to index
          %get3A_1142 = arith.constant 96 : index
          %get3A_1143 = tpu.vector_load %arg13[%get3A_1141, %get3A_1142] {strides = array<i32>} : memref<80x128xf32, #tpu.memory_space<vmem>>, vector<1x16xf32>,
          %get3A_1144 = vector.shape_cast %get3A_1143 : vector<1x16xf32> to vector<16xf32>
          %get3A_1145 = arith.index_cast %add3A_1116 : i32 to index
          %get3A_1146 = arith.constant 112 : index
          %get3A_1147 = tpu.vector_load %arg13[%get3A_1145, %get3A_1146] {strides = array<i32>} : memref<80x128xf32, #tpu.memory_space<vmem>>, vector<1x16xf32>,
          %get3A_1148 = vector.shape_cast %get3A_1147 : vector<1x16xf32> to vector<16xf32>
          %mul3A_1149 = arith.mulf %get3A_1120, %get3A_1120 : vector<16xf32>
          %mul3A_1150 = arith.mulf %get3A_1124, %get3A_1124 : vector<16xf32>
          %mul3A_1151 = arith.mulf %get3A_1128, %get3A_1128 : vector<16xf32>
          %mul3A_1152 = arith.mulf %get3A_1132, %get3A_1132 : vector<16xf32>
          %mul3A_1153 = arith.mulf %get3A_1136, %get3A_1136 : vector<16xf32>
          %mul3A_1154 = arith.mulf %get3A_1140, %get3A_1140 : vector<16xf32>
          %mul3A_1155 = arith.mulf %get3A_1144, %get3A_1144 : vector<16xf32>
          %mul3A_1156 = arith.mulf %get3A_1148, %get3A_1148 : vector<16xf32>
          %add3A_1157 = arith.addf %mul3A_1149, %mul3A_1150 : vector<16xf32>
          %add3A_1158 = arith.addf %mul3A_1151, %mul3A_1152 : vector<16xf32>
          %add3A_1159 = arith.addf %mul3A_1153, %mul3A_1154 : vector<16xf32>
          %add3A_1160 = arith.addf %mul3A_1155, %mul3A_1156 : vector<16xf32>
          %add3A_1161 = arith.addf %add3A_1157, %add3A_1158 : vector<16xf32>
          %add3A_1162 = arith.addf %add3A_1159, %add3A_1160 : vector<16xf32>
          %add3A_1163 = arith.addf %add3A_1161, %add3A_1162 : vector<16xf32>
          %xor3A_1164 = arith.constant 8 : i32
          %xor3A_1165 = vector.broadcast %xor3A_1164 : i32 to vector<16xi32>
          %xor3A_1166 = arith.xori %iota3A, %xor3A_1165 : vector<16xi32>
          %broadcast_in_dim3A_1167 = vector.shape_cast %xor3A_1166 : vector<16xi32> to vector<16x1xi32>
          %gather3A_1168 = vector.shape_cast %broadcast_in_dim3A_1167 : vector<16x1xi32> to vector<16xi32>
          %gather3A_1169 = tpu.dynamic_gather %add3A_1114[%gather3A_1168] in [0] : vector<16xf32>, vector<16xi32> -> vector<16xf32>
          %add3A_1170 = arith.addf %add3A_1114, %gather3A_1169 : vector<16xf32>
          %xor3A_1171 = arith.constant 8 : i32
          %xor3A_1172 = vector.broadcast %xor3A_1171 : i32 to vector<16xi32>
          %xor3A_1173 = arith.xori %iota3A, %xor3A_1172 : vector<16xi32>
          %broadcast_in_dim3A_1174 = vector.shape_cast %xor3A_1173 : vector<16xi32> to vector<16x1xi32>
          %gather3A_1175 = vector.shape_cast %broadcast_in_dim3A_1174 : vector<16x1xi32> to vector<16xi32>
          %gather3A_1176 = tpu.dynamic_gather %add3A_1163[%gather3A_1175] in [0] : vector<16xf32>, vector<16xi32> -> vector<16xf32>
          %add3A_1177 = arith.addf %add3A_1163, %gather3A_1176 : vector<16xf32>
          %and3A_1178 = arith.constant 8 : i32
          %and3A_1179 = vector.broadcast %and3A_1178 : i32 to vector<16xi32>
          %and3A_1180 = arith.andi %iota3A, %and3A_1179 : vector<16xi32>
          %eq3A_1181 = arith.constant 0 : i32
          %eq3A_1182 = vector.broadcast %eq3A_1181 : i32 to vector<16xi32>
          %eq3A_1183 = arith.cmpi eq, %and3A_1180, %eq3A_1182 : vector<16xi32>
          %select_n3A_1184 = arith.select %eq3A_1183, %add3A_1170, %add3A_1177 : vector<16xi1>, vector<16xf32>
          %add3A_1185 = arith.constant 7 : i32
          %add3A_1186 = arith.addi %mul3A_271, %add3A_1185 : i32
          %get3A_1187 = arith.index_cast %add3A_1186 : i32 to index
          %get3A_1188 = arith.constant 0 : index
          %get3A_1189 = tpu.vector_load %arg13[%get3A_1187, %get3A_1188] {strides = array<i32>} : memref<80x128xf32, #tpu.memory_space<vmem>>, vector<1x16xf32>,
          %get3A_1190 = vector.shape_cast %get3A_1189 : vector<1x16xf32> to vector<16xf32>
          %get3A_1191 = arith.index_cast %add3A_1186 : i32 to index
          %get3A_1192 = arith.constant 16 : index
          %get3A_1193 = tpu.vector_load %arg13[%get3A_1191, %get3A_1192] {strides = array<i32>} : memref<80x128xf32, #tpu.memory_space<vmem>>, vector<1x16xf32>,
          %get3A_1194 = vector.shape_cast %get3A_1193 : vector<1x16xf32> to vector<16xf32>
          %get3A_1195 = arith.index_cast %add3A_1186 : i32 to index
          %get3A_1196 = arith.constant 32 : index
          %get3A_1197 = tpu.vector_load %arg13[%get3A_1195, %get3A_1196] {strides = array<i32>} : memref<80x128xf32, #tpu.memory_space<vmem>>, vector<1x16xf32>,
          %get3A_1198 = vector.shape_cast %get3A_1197 : vector<1x16xf32> to vector<16xf32>
          %get3A_1199 = arith.index_cast %add3A_1186 : i32 to index
          %get3A_1200 = arith.constant 48 : index
          %get3A_1201 = tpu.vector_load %arg13[%get3A_1199, %get3A_1200] {strides = array<i32>} : memref<80x128xf32, #tpu.memory_space<vmem>>, vector<1x16xf32>,
          %get3A_1202 = vector.shape_cast %get3A_1201 : vector<1x16xf32> to vector<16xf32>
          %get3A_1203 = arith.index_cast %add3A_1186 : i32 to index
          %get3A_1204 = arith.constant 64 : index
          %get3A_1205 = tpu.vector_load %arg13[%get3A_1203, %get3A_1204] {strides = array<i32>} : memref<80x128xf32, #tpu.memory_space<vmem>>, vector<1x16xf32>,
          %get3A_1206 = vector.shape_cast %get3A_1205 : vector<1x16xf32> to vector<16xf32>
          %get3A_1207 = arith.index_cast %add3A_1186 : i32 to index
          %get3A_1208 = arith.constant 80 : index
          %get3A_1209 = tpu.vector_load %arg13[%get3A_1207, %get3A_1208] {strides = array<i32>} : memref<80x128xf32, #tpu.memory_space<vmem>>, vector<1x16xf32>,
          %get3A_1210 = vector.shape_cast %get3A_1209 : vector<1x16xf32> to vector<16xf32>
          %get3A_1211 = arith.index_cast %add3A_1186 : i32 to index
          %get3A_1212 = arith.constant 96 : index
          %get3A_1213 = tpu.vector_load %arg13[%get3A_1211, %get3A_1212] {strides = array<i32>} : memref<80x128xf32, #tpu.memory_space<vmem>>, vector<1x16xf32>,
          %get3A_1214 = vector.shape_cast %get3A_1213 : vector<1x16xf32> to vector<16xf32>
          %get3A_1215 = arith.index_cast %add3A_1186 : i32 to index
          %get3A_1216 = arith.constant 112 : index
          %get3A_1217 = tpu.vector_load %arg13[%get3A_1215, %get3A_1216] {strides = array<i32>} : memref<80x128xf32, #tpu.memory_space<vmem>>, vector<1x16xf32>,
          %get3A_1218 = vector.shape_cast %get3A_1217 : vector<1x16xf32> to vector<16xf32>
          %mul3A_1219 = arith.mulf %get3A_1190, %get3A_1190 : vector<16xf32>
          %mul3A_1220 = arith.mulf %get3A_1194, %get3A_1194 : vector<16xf32>
          %mul3A_1221 = arith.mulf %get3A_1198, %get3A_1198 : vector<16xf32>
          %mul3A_1222 = arith.mulf %get3A_1202, %get3A_1202 : vector<16xf32>
          %mul3A_1223 = arith.mulf %get3A_1206, %get3A_1206 : vector<16xf32>
          %mul3A_1224 = arith.mulf %get3A_1210, %get3A_1210 : vector<16xf32>
          %mul3A_1225 = arith.mulf %get3A_1214, %get3A_1214 : vector<16xf32>
          %mul3A_1226 = arith.mulf %get3A_1218, %get3A_1218 : vector<16xf32>
          %add3A_1227 = arith.addf %mul3A_1219, %mul3A_1220 : vector<16xf32>
          %add3A_1228 = arith.addf %mul3A_1221, %mul3A_1222 : vector<16xf32>
          %add3A_1229 = arith.addf %mul3A_1223, %mul3A_1224 : vector<16xf32>
          %add3A_1230 = arith.addf %mul3A_1225, %mul3A_1226 : vector<16xf32>
          %add3A_1231 = arith.addf %add3A_1227, %add3A_1228 : vector<16xf32>
          %add3A_1232 = arith.addf %add3A_1229, %add3A_1230 : vector<16xf32>
          %add3A_1233 = arith.addf %add3A_1231, %add3A_1232 : vector<16xf32>
          %add3A_1234 = arith.constant 15 : i32
          %add3A_1235 = arith.addi %mul3A_271, %add3A_1234 : i32
          %get3A_1236 = arith.index_cast %add3A_1235 : i32 to index
          %get3A_1237 = arith.constant 0 : index
          %get3A_1238 = tpu.vector_load %arg13[%get3A_1236, %get3A_1237] {strides = array<i32>} : memref<80x128xf32, #tpu.memory_space<vmem>>, vector<1x16xf32>,
          %get3A_1239 = vector.shape_cast %get3A_1238 : vector<1x16xf32> to vector<16xf32>
          %get3A_1240 = arith.index_cast %add3A_1235 : i32 to index
          %get3A_1241 = arith.constant 16 : index
          %get3A_1242 = tpu.vector_load %arg13[%get3A_1240, %get3A_1241] {strides = array<i32>} : memref<80x128xf32, #tpu.memory_space<vmem>>, vector<1x16xf32>,
          %get3A_1243 = vector.shape_cast %get3A_1242 : vector<1x16xf32> to vector<16xf32>
          %get3A_1244 = arith.index_cast %add3A_1235 : i32 to index
          %get3A_1245 = arith.constant 32 : index
          %get3A_1246 = tpu.vector_load %arg13[%get3A_1244, %get3A_1245] {strides = array<i32>} : memref<80x128xf32, #tpu.memory_space<vmem>>, vector<1x16xf32>,
          %get3A_1247 = vector.shape_cast %get3A_1246 : vector<1x16xf32> to vector<16xf32>
          %get3A_1248 = arith.index_cast %add3A_1235 : i32 to index
          %get3A_1249 = arith.constant 48 : index
          %get3A_1250 = tpu.vector_load %arg13[%get3A_1248, %get3A_1249] {strides = array<i32>} : memref<80x128xf32, #tpu.memory_space<vmem>>, vector<1x16xf32>,
          %get3A_1251 = vector.shape_cast %get3A_1250 : vector<1x16xf32> to vector<16xf32>
          %get3A_1252 = arith.index_cast %add3A_1235 : i32 to index
          %get3A_1253 = arith.constant 64 : index
          %get3A_1254 = tpu.vector_load %arg13[%get3A_1252, %get3A_1253] {strides = array<i32>} : memref<80x128xf32, #tpu.memory_space<vmem>>, vector<1x16xf32>,
          %get3A_1255 = vector.shape_cast %get3A_1254 : vector<1x16xf32> to vector<16xf32>
          %get3A_1256 = arith.index_cast %add3A_1235 : i32 to index
          %get3A_1257 = arith.constant 80 : index
          %get3A_1258 = tpu.vector_load %arg13[%get3A_1256, %get3A_1257] {strides = array<i32>} : memref<80x128xf32, #tpu.memory_space<vmem>>, vector<1x16xf32>,
          %get3A_1259 = vector.shape_cast %get3A_1258 : vector<1x16xf32> to vector<16xf32>
          %get3A_1260 = arith.index_cast %add3A_1235 : i32 to index
          %get3A_1261 = arith.constant 96 : index
          %get3A_1262 = tpu.vector_load %arg13[%get3A_1260, %get3A_1261] {strides = array<i32>} : memref<80x128xf32, #tpu.memory_space<vmem>>, vector<1x16xf32>,
          %get3A_1263 = vector.shape_cast %get3A_1262 : vector<1x16xf32> to vector<16xf32>
          %get3A_1264 = arith.index_cast %add3A_1235 : i32 to index
          %get3A_1265 = arith.constant 112 : index
          %get3A_1266 = tpu.vector_load %arg13[%get3A_1264, %get3A_1265] {strides = array<i32>} : memref<80x128xf32, #tpu.memory_space<vmem>>, vector<1x16xf32>,
          %get3A_1267 = vector.shape_cast %get3A_1266 : vector<1x16xf32> to vector<16xf32>
          %mul3A_1268 = arith.mulf %get3A_1239, %get3A_1239 : vector<16xf32>
          %mul3A_1269 = arith.mulf %get3A_1243, %get3A_1243 : vector<16xf32>
          %mul3A_1270 = arith.mulf %get3A_1247, %get3A_1247 : vector<16xf32>
          %mul3A_1271 = arith.mulf %get3A_1251, %get3A_1251 : vector<16xf32>
          %mul3A_1272 = arith.mulf %get3A_1255, %get3A_1255 : vector<16xf32>
          %mul3A_1273 = arith.mulf %get3A_1259, %get3A_1259 : vector<16xf32>
          %mul3A_1274 = arith.mulf %get3A_1263, %get3A_1263 : vector<16xf32>
          %mul3A_1275 = arith.mulf %get3A_1267, %get3A_1267 : vector<16xf32>
          %add3A_1276 = arith.addf %mul3A_1268, %mul3A_1269 : vector<16xf32>
          %add3A_1277 = arith.addf %mul3A_1270, %mul3A_1271 : vector<16xf32>
          %add3A_1278 = arith.addf %mul3A_1272, %mul3A_1273 : vector<16xf32>
          %add3A_1279 = arith.addf %mul3A_1274, %mul3A_1275 : vector<16xf32>
          %add3A_1280 = arith.addf %add3A_1276, %add3A_1277 : vector<16xf32>
          %add3A_1281 = arith.addf %add3A_1278, %add3A_1279 : vector<16xf32>
          %add3A_1282 = arith.addf %add3A_1280, %add3A_1281 : vector<16xf32>
          %xor3A_1283 = arith.constant 8 : i32
          %xor3A_1284 = vector.broadcast %xor3A_1283 : i32 to vector<16xi32>
          %xor3A_1285 = arith.xori %iota3A, %xor3A_1284 : vector<16xi32>
          %broadcast_in_dim3A_1286 = vector.shape_cast %xor3A_1285 : vector<16xi32> to vector<16x1xi32>
          %gather3A_1287 = vector.shape_cast %broadcast_in_dim3A_1286 : vector<16x1xi32> to vector<16xi32>
          %gather3A_1288 = tpu.dynamic_gather %add3A_1233[%gather3A_1287] in [0] : vector<16xf32>, vector<16xi32> -> vector<16xf32>
          %add3A_1289 = arith.addf %add3A_1233, %gather3A_1288 : vector<16xf32>
          %xor3A_1290 = arith.constant 8 : i32
          %xor3A_1291 = vector.broadcast %xor3A_1290 : i32 to vector<16xi32>
          %xor3A_1292 = arith.xori %iota3A, %xor3A_1291 : vector<16xi32>
          %broadcast_in_dim3A_1293 = vector.shape_cast %xor3A_1292 : vector<16xi32> to vector<16x1xi32>
          %gather3A_1294 = vector.shape_cast %broadcast_in_dim3A_1293 : vector<16x1xi32> to vector<16xi32>
          %gather3A_1295 = tpu.dynamic_gather %add3A_1282[%gather3A_1294] in [0] : vector<16xf32>, vector<16xi32> -> vector<16xf32>
          %add3A_1296 = arith.addf %add3A_1282, %gather3A_1295 : vector<16xf32>
          %and3A_1297 = arith.constant 8 : i32
          %and3A_1298 = vector.broadcast %and3A_1297 : i32 to vector<16xi32>
          %and3A_1299 = arith.andi %iota3A, %and3A_1298 : vector<16xi32>
          %eq3A_1300 = arith.constant 0 : i32
          %eq3A_1301 = vector.broadcast %eq3A_1300 : i32 to vector<16xi32>
          %eq3A_1302 = arith.cmpi eq, %and3A_1299, %eq3A_1301 : vector<16xi32>
          %select_n3A_1303 = arith.select %eq3A_1302, %add3A_1289, %add3A_1296 : vector<16xi1>, vector<16xf32>
          %xor3A_1304 = arith.constant 4 : i32
          %xor3A_1305 = vector.broadcast %xor3A_1304 : i32 to vector<16xi32>
          %xor3A_1306 = arith.xori %iota3A, %xor3A_1305 : vector<16xi32>
          %broadcast_in_dim3A_1307 = vector.shape_cast %xor3A_1306 : vector<16xi32> to vector<16x1xi32>
          %gather3A_1308 = vector.shape_cast %broadcast_in_dim3A_1307 : vector<16x1xi32> to vector<16xi32>
          %gather3A_1309 = tpu.dynamic_gather %select_n3A_1184[%gather3A_1308] in [0] : vector<16xf32>, vector<16xi32> -> vector<16xf32>
          %add3A_1310 = arith.addf %select_n3A_1184, %gather3A_1309 : vector<16xf32>
          %xor3A_1311 = arith.constant 4 : i32
          %xor3A_1312 = vector.broadcast %xor3A_1311 : i32 to vector<16xi32>
          %xor3A_1313 = arith.xori %iota3A, %xor3A_1312 : vector<16xi32>
          %broadcast_in_dim3A_1314 = vector.shape_cast %xor3A_1313 : vector<16xi32> to vector<16x1xi32>
          %gather3A_1315 = vector.shape_cast %broadcast_in_dim3A_1314 : vector<16x1xi32> to vector<16xi32>
          %gather3A_1316 = tpu.dynamic_gather %select_n3A_1303[%gather3A_1315] in [0] : vector<16xf32>, vector<16xi32> -> vector<16xf32>
          %add3A_1317 = arith.addf %select_n3A_1303, %gather3A_1316 : vector<16xf32>
          %and3A_1318 = arith.constant 4 : i32
          %and3A_1319 = vector.broadcast %and3A_1318 : i32 to vector<16xi32>
          %and3A_1320 = arith.andi %iota3A, %and3A_1319 : vector<16xi32>
          %eq3A_1321 = arith.constant 0 : i32
          %eq3A_1322 = vector.broadcast %eq3A_1321 : i32 to vector<16xi32>
          %eq3A_1323 = arith.cmpi eq, %and3A_1320, %eq3A_1322 : vector<16xi32>
          %select_n3A_1324 = arith.select %eq3A_1323, %add3A_1310, %add3A_1317 : vector<16xi1>, vector<16xf32>
          %xor3A_1325 = arith.constant 2 : i32
          %xor3A_1326 = vector.broadcast %xor3A_1325 : i32 to vector<16xi32>
          %xor3A_1327 = arith.xori %iota3A, %xor3A_1326 : vector<16xi32>
          %broadcast_in_dim3A_1328 = vector.shape_cast %xor3A_1327 : vector<16xi32> to vector<16x1xi32>
          %gather3A_1329 = vector.shape_cast %broadcast_in_dim3A_1328 : vector<16x1xi32> to vector<16xi32>
          %gather3A_1330 = tpu.dynamic_gather %select_n3A_1065[%gather3A_1329] in [0] : vector<16xf32>, vector<16xi32> -> vector<16xf32>
          %add3A_1331 = arith.addf %select_n3A_1065, %gather3A_1330 : vector<16xf32>
          %xor3A_1332 = arith.constant 2 : i32
          %xor3A_1333 = vector.broadcast %xor3A_1332 : i32 to vector<16xi32>
          %xor3A_1334 = arith.xori %iota3A, %xor3A_1333 : vector<16xi32>
          %broadcast_in_dim3A_1335 = vector.shape_cast %xor3A_1334 : vector<16xi32> to vector<16x1xi32>
          %gather3A_1336 = vector.shape_cast %broadcast_in_dim3A_1335 : vector<16x1xi32> to vector<16xi32>
          %gather3A_1337 = tpu.dynamic_gather %select_n3A_1324[%gather3A_1336] in [0] : vector<16xf32>, vector<16xi32> -> vector<16xf32>
          %add3A_1338 = arith.addf %select_n3A_1324, %gather3A_1337 : vector<16xf32>
          %and3A_1339 = arith.constant 2 : i32
          %and3A_1340 = vector.broadcast %and3A_1339 : i32 to vector<16xi32>
          %and3A_1341 = arith.andi %iota3A, %and3A_1340 : vector<16xi32>
          %eq3A_1342 = arith.constant 0 : i32
          %eq3A_1343 = vector.broadcast %eq3A_1342 : i32 to vector<16xi32>
          %eq3A_1344 = arith.cmpi eq, %and3A_1341, %eq3A_1343 : vector<16xi32>
          %select_n3A_1345 = arith.select %eq3A_1344, %add3A_1331, %add3A_1338 : vector<16xi1>, vector<16xf32>
          %xor3A_1346 = arith.constant 1 : i32
          %xor3A_1347 = vector.broadcast %xor3A_1346 : i32 to vector<16xi32>
          %xor3A_1348 = arith.xori %iota3A, %xor3A_1347 : vector<16xi32>
          %broadcast_in_dim3A_1349 = vector.shape_cast %xor3A_1348 : vector<16xi32> to vector<16x1xi32>
          %gather3A_1350 = vector.shape_cast %broadcast_in_dim3A_1349 : vector<16x1xi32> to vector<16xi32>
          %gather3A_1351 = tpu.dynamic_gather %select_n3A_806[%gather3A_1350] in [0] : vector<16xf32>, vector<16xi32> -> vector<16xf32>
          %add3A_1352 = arith.addf %select_n3A_806, %gather3A_1351 : vector<16xf32>
          %xor3A_1353 = arith.constant 1 : i32
          %xor3A_1354 = vector.broadcast %xor3A_1353 : i32 to vector<16xi32>
          %xor3A_1355 = arith.xori %iota3A, %xor3A_1354 : vector<16xi32>
          %broadcast_in_dim3A_1356 = vector.shape_cast %xor3A_1355 : vector<16xi32> to vector<16x1xi32>
          %gather3A_1357 = vector.shape_cast %broadcast_in_dim3A_1356 : vector<16x1xi32> to vector<16xi32>
          %gather3A_1358 = tpu.dynamic_gather %select_n3A_1345[%gather3A_1357] in [0] : vector<16xf32>, vector<16xi32> -> vector<16xf32>
          %add3A_1359 = arith.addf %select_n3A_1345, %gather3A_1358 : vector<16xf32>
          %and3A_1360 = arith.constant 1 : i32
          %and3A_1361 = vector.broadcast %and3A_1360 : i32 to vector<16xi32>
          %and3A_1362 = arith.andi %iota3A, %and3A_1361 : vector<16xi32>
          %eq3A_1363 = arith.constant 0 : i32
          %eq3A_1364 = vector.broadcast %eq3A_1363 : i32 to vector<16xi32>
          %eq3A_1365 = arith.cmpi eq, %and3A_1362, %eq3A_1364 : vector<16xi32>
          %select_n3A_1366 = arith.select %eq3A_1365, %add3A_1352, %add3A_1359 : vector<16xi1>, vector<16xf32>
          %get3A_1367 = arith.constant 2 : i32
          %get3A_1368 = arith.index_cast %get3A_1367 : i32 to index
          %get3A_1369 = arith.index_cast %mul3A_271 : i32 to index
          %get3A_1370 = tpu.vector_load %arg14[%get3A_1368, %get3A_1369] {strides = array<i32>} : memref<3x80xf32, #tpu.memory_space<vmem>>, vector<1x16xf32>,
          %get3A_1371 = vector.shape_cast %get3A_1370 : vector<1x16xf32> to vector<16xf32>
          %get3A_1372 = arith.constant 2 : i32
          %get3A_1373 = arith.index_cast %get3A_1372 : i32 to index
          %get3A_1374 = arith.index_cast %mul3A_271 : i32 to index
          %get3A_1375 = tpu.vector_load %arg15[%get3A_1373, %get3A_1374] {strides = array<i32>} : memref<3x80xf32, #tpu.memory_space<vmem>>, vector<1x16xf32>,
          %get3A_1376 = vector.shape_cast %get3A_1375 : vector<1x16xf32> to vector<16xf32>
          %sub3A = arith.subf %select_n3A_1366, %get3A_1371 : vector<16xf32>
          %sub3A_1377 = arith.subf %sub3A, %get3A_1376 : vector<16xf32>
          %mul3A_1378 = arith.constant 5.000000e-01 : f32
          %mul3A_1379 = vector.broadcast %mul3A_1378 : f32 to vector<16xf32>
          %mul3A_1380 = arith.mulf %sub3A_1377, %mul3A_1379 : vector<16xf32>
          %neg3A = arith.constant 0.000000e+00 : f32
          %neg3A_1381 = vector.broadcast %neg3A : f32 to vector<16xf32>
          %neg3A_1382 = arith.subf %neg3A_1381, %mul3A_1380 : vector<16xf32>
          %exp3A = math.exp %neg3A_1382 : vector<16xf32>
          %add3A_1383 = arith.constant 1.000000e+00 : f32
          %add3A_1384 = vector.broadcast %add3A_1383 : f32 to vector<16xf32>
          %add3A_1385 = arith.addf %add3A_1384, %exp3A : vector<16xf32>
          %div3A = arith.constant 1.000000e+00 : f32
          %div3A_1386 = vector.broadcast %div3A : f32 to vector<16xf32>
          %div3A_1387 = arith.divf %div3A_1386, %add3A_1385 : vector<16xf32>
          %swap3A = arith.constant 2 : i32
          %swap3A_1388 = arith.index_cast %swap3A : i32 to index
          %swap3A_1389 = arith.index_cast %mul3A_271 : i32 to index
          %swap3A_1390 = tpu.vector_load %arg16[%swap3A_1388, %swap3A_1389] {strides = array<i32>} : memref<3x80xf32, #tpu.memory_space<vmem>>, vector<1x16xf32>,
          %swap3A_1391 = vector.shape_cast %swap3A_1390 : vector<1x16xf32> to vector<16xf32>
          %swap3A_1392 = vector.shape_cast %div3A_1387 : vector<16xf32> to vector<1x16xf32>
          tpu.vector_store %arg16[%swap3A_1388, %swap3A_1389], %swap3A_1392 {strides = array<i32>} : memref<3x80xf32, #tpu.memory_space<vmem>>, vector<1x16xf32>,
        }
        %scan3A_242 = arith.constant 5 : i32
        %mul3A_243 = arith.constant 80 : i32
        %mul3A_244 = arith.muli %scan3A_154, %mul3A_243 : i32
        %add3A_245 = arith.addi %mul3A_2, %mul3A_244 : i32
        %dma_start3A_246 = arith.constant 2 : i32
        %dma_start3A_247 = arith.constant 0 : i32
        %dma_start3A_248 = tpu.memref_slice %arg16[%dma_start3A_246, %dma_start3A_247] : memref<3x80xf32, #tpu.memory_space<vmem>> -> memref<1x80xf32, #tpu.memory_space<vmem>>
        %dma_start3A_249 = tpu.memref_squeeze %dma_start3A_248 : memref<1x80xf32, #tpu.memory_space<vmem>> -> memref<80xf32, #tpu.memory_space<vmem>>
        %dma_start3A_250 = tpu.memref_slice %arg8[%add3A_245] : memref<320000xf32, #tpu.memory_space<hbm>> -> memref<80xf32, #tpu.memory_space<hbm>>
        %dma_start3A_251 = tpu.memref_slice %arg8[%add3A_245] : memref<320000xf32, #tpu.memory_space<hbm>> -> memref<80xf32, #tpu.memory_space<hbm>>
        %dma_start3A_252 = arith.constant 0 : i32
        %dma_start3A_253 = tpu.memref_slice %arg16[%dma_start3A_246, %dma_start3A_252] : memref<3x80xf32, #tpu.memory_space<vmem>> -> memref<1x80xf32, #tpu.memory_space<vmem>>
        %dma_start3A_254 = tpu.memref_squeeze %dma_start3A_253 : memref<1x80xf32, #tpu.memory_space<vmem>> -> memref<80xf32, #tpu.memory_space<vmem>>
        tpu.enqueue_dma source(%dma_start3A_254 : memref<80xf32, #tpu.memory_space<vmem>>) target(%dma_start3A_251 : memref<80xf32, #tpu.memory_space<hbm>>) target_semaphore(%arg28 : memref<!tpu.dma_semaphore, #tpu.memory_space<semaphore_mem>>)
        %add3A_255 = arith.constant 3 : i32
        %add3A_256 = arith.addi %scan3A_154, %add3A_255 : i32
        %lt3A_257 = arith.constant 125 : i32
        %lt3A_258 = arith.cmpi slt, %add3A_256, %lt3A_257 : i32
        %convert_element_type3A_259 = arith.extui %lt3A_258 : i1 to i32
        %cond3A_260 = arith.constant 0 : i32
        %cond3A_261 = arith.cmpi ne, %convert_element_type3A_259, %cond3A_260 : i32
        scf.if %cond3A_261 {
          %add3A_269 = arith.constant 3 : i32
          %add3A_270 = arith.addi %scan3A_154, %add3A_269 : i32
          %mul3A_271 = arith.constant 80 : i32
          %mul3A_272 = arith.muli %add3A_270, %mul3A_271 : i32
          %dma_start3A_273 = tpu.memref_slice %arg9[%mul3A_272] : memref<10000xi32, #tpu.memory_space<vmem>> -> memref<80xi32, #tpu.memory_space<vmem>>
          %dma_start3A_274 = arith.constant 0 : i32
          %dma_start3A_275 = arith.constant 0 : i32
          %dma_start3A_276 = tpu.memref_slice %arg2[%dma_start3A_274, %dma_start3A_275] : memref<10000x128xf32, #tpu.memory_space<hbm>> -> memref<10000x128xf32, #tpu.memory_space<hbm>>
          tpu.enqueue_indirect_dma source(%dma_start3A_276 : memref<10000x128xf32, #tpu.memory_space<hbm>>) target(%arg13 : memref<80x128xf32, #tpu.memory_space<vmem>>) offsets(%dma_start3A_273 : memref<80xi32, #tpu.memory_space<vmem>>) semaphore(%arg19 : memref<!tpu.dma_semaphore, #tpu.memory_space<semaphore_mem>>)
          %add3A_277 = arith.constant 3 : i32
          %add3A_278 = arith.addi %scan3A_154, %add3A_277 : i32
          %mul3A_279 = arith.constant 80 : i32
          %mul3A_280 = arith.muli %add3A_278, %mul3A_279 : i32
          %dma_start3A_281 = arith.constant 2 : i32
          %dma_start3A_282 = arith.constant 0 : i32
          %dma_start3A_283 = tpu.memref_slice %arg14[%dma_start3A_281, %dma_start3A_282] : memref<3x80xf32, #tpu.memory_space<vmem>> -> memref<1x80xf32, #tpu.memory_space<vmem>>
          %dma_start3A_284 = tpu.memref_squeeze %dma_start3A_283 : memref<1x80xf32, #tpu.memory_space<vmem>> -> memref<80xf32, #tpu.memory_space<vmem>>
          %dma_start3A_285 = tpu.memref_slice %arg9[%mul3A_280] : memref<10000xi32, #tpu.memory_space<vmem>> -> memref<80xi32, #tpu.memory_space<vmem>>
          %dma_start3A_286 = arith.constant 0 : i32
          %dma_start3A_287 = tpu.memref_slice %arg6[%dma_start3A_286] : memref<10000xf32, #tpu.memory_space<hbm>> -> memref<10000xf32, #tpu.memory_space<hbm>>
          tpu.enqueue_indirect_dma source(%dma_start3A_287 : memref<10000xf32, #tpu.memory_space<hbm>>) target(%dma_start3A_284 : memref<80xf32, #tpu.memory_space<vmem>>) offsets(%dma_start3A_285 : memref<80xi32, #tpu.memory_space<vmem>>) semaphore(%arg25 : memref<!tpu.dma_semaphore, #tpu.memory_space<semaphore_mem>>)
          %add3A_288 = arith.constant 3 : i32
          %add3A_289 = arith.addi %scan3A_154, %add3A_288 : i32
          %mul3A_290 = arith.constant 80 : i32
          %mul3A_291 = arith.muli %add3A_289, %mul3A_290 : i32
          %dma_start3A_292 = arith.constant 2 : i32
          %dma_start3A_293 = arith.constant 0 : i32
          %dma_start3A_294 = tpu.memref_slice %arg15[%dma_start3A_292, %dma_start3A_293] : memref<3x80xf32, #tpu.memory_space<vmem>> -> memref<1x80xf32, #tpu.memory_space<vmem>>
          %dma_start3A_295 = tpu.memref_squeeze %dma_start3A_294 : memref<1x80xf32, #tpu.memory_space<vmem>> -> memref<80xf32, #tpu.memory_space<vmem>>
          %dma_start3A_296 = tpu.memref_slice %arg10[%mul3A_291] : memref<10000xi32, #tpu.memory_space<vmem>> -> memref<80xi32, #tpu.memory_space<vmem>>
          %dma_start3A_297 = arith.constant 0 : i32
          %dma_start3A_298 = tpu.memref_slice %arg7[%dma_start3A_297] : memref<10000xf32, #tpu.memory_space<hbm>> -> memref<10000xf32, #tpu.memory_space<hbm>>
          tpu.enqueue_indirect_dma source(%dma_start3A_298 : memref<10000xf32, #tpu.memory_space<hbm>>) target(%dma_start3A_295 : memref<80xf32, #tpu.memory_space<vmem>>) offsets(%dma_start3A_296 : memref<80xi32, #tpu.memory_space<vmem>>) semaphore(%arg25 : memref<!tpu.dma_semaphore, #tpu.memory_space<semaphore_mem>>)
        } else {
        }
        %add3A_262 = arith.constant 2 : i32
        %add3A_263 = arith.addi %scan3A_154, %add3A_262 : i32
        %lt3A_264 = arith.constant 125 : i32
        %lt3A_265 = arith.cmpi slt, %add3A_263, %lt3A_264 : i32
        %convert_element_type3A_266 = arith.extui %lt3A_265 : i1 to i32
        %cond3A_267 = arith.constant 0 : i32
        %cond3A_268 = arith.cmpi ne, %convert_element_type3A_266, %cond3A_267 : i32
        scf.if %cond3A_268 {
          %add3A_269 = arith.constant 2 : i32
          %add3A_270 = arith.addi %scan3A_154, %add3A_269 : i32
          %mul3A_271 = arith.constant 80 : i32
          %mul3A_272 = arith.muli %add3A_270, %mul3A_271 : i32
          %dma_wait3A_273 = tpu.memref_slice %arg9[%mul3A_272] : memref<10000xi32, #tpu.memory_space<vmem>> -> memref<80xi32, #tpu.memory_space<vmem>>
          %dma_wait3A_274 = arith.constant 0 : i32
          %dma_wait3A_275 = arith.constant 0 : i32
          %dma_wait3A_276 = tpu.memref_slice %arg2[%dma_wait3A_274, %dma_wait3A_275] : memref<10000x128xf32, #tpu.memory_space<hbm>> -> memref<10000x128xf32, #tpu.memory_space<hbm>>
          tpu.wait_indirect_dma semaphore(%arg18 : memref<!tpu.dma_semaphore, #tpu.memory_space<semaphore_mem>>) src(%dma_wait3A_276 : memref<10000x128xf32, #tpu.memory_space<hbm>>) dst(%arg12 : memref<80x128xf32, #tpu.memory_space<vmem>>)
          %add3A_277 = arith.constant 2 : i32
          %add3A_278 = arith.addi %scan3A_154, %add3A_277 : i32
          %mul3A_279 = arith.constant 80 : i32
          %mul3A_280 = arith.muli %add3A_278, %mul3A_279 : i32
          %dma_start3A_281 = tpu.memref_slice %arg10[%mul3A_280] : memref<10000xi32, #tpu.memory_space<vmem>> -> memref<80xi32, #tpu.memory_space<vmem>>
          %dma_start3A_282 = arith.constant 0 : i32
          %dma_start3A_283 = arith.constant 0 : i32
          %dma_start3A_284 = tpu.memref_slice %arg3[%dma_start3A_282, %dma_start3A_283] : memref<10000x128xf32, #tpu.memory_space<hbm>> -> memref<10000x128xf32, #tpu.memory_space<hbm>>
          tpu.enqueue_indirect_dma source(%dma_start3A_284 : memref<10000x128xf32, #tpu.memory_space<hbm>>) target(%arg12 : memref<80x128xf32, #tpu.memory_space<vmem>>) offsets(%dma_start3A_281 : memref<80xi32, #tpu.memory_space<vmem>>) semaphore(%arg21 : memref<!tpu.dma_semaphore, #tpu.memory_space<semaphore_mem>>) {add = true}
        } else {
        }
      } else {
      }
    }
    %scan3A_114 = arith.constant 125 : i32
    %mul3A_115 = arith.constant 0 : i32
    %mul3A_116 = arith.constant 80 : i32
    %mul3A_117 = arith.muli %mul3A_115, %mul3A_116 : i32
    %add3A_118 = arith.addi %mul3A_2, %mul3A_117 : i32
    %dma_wait3A_119 = arith.constant 0 : i32
    %dma_wait3A_120 = arith.constant 0 : i32
    %dma_wait3A_121 = tpu.memref_slice %arg16[%dma_wait3A_119, %dma_wait3A_120] : memref<3x80xf32, #tpu.memory_space<vmem>> -> memref<1x80xf32, #tpu.memory_space<vmem>>
    %dma_wait3A_122 = tpu.memref_squeeze %dma_wait3A_121 : memref<1x80xf32, #tpu.memory_space<vmem>> -> memref<80xf32, #tpu.memory_space<vmem>>
    %dma_wait3A_123 = tpu.memref_slice %arg8[%add3A_118] : memref<320000xf32, #tpu.memory_space<hbm>> -> memref<80xf32, #tpu.memory_space<hbm>>
    %dma_wait3A_124 = tpu.memref_slice %arg8[%add3A_118] : memref<320000xf32, #tpu.memory_space<hbm>> -> memref<80xf32, #tpu.memory_space<hbm>>
    %dma_wait3A_125 = arith.constant 0 : i32
    %dma_wait3A_126 = tpu.memref_slice %arg16[%dma_wait3A_119, %dma_wait3A_125] : memref<3x80xf32, #tpu.memory_space<vmem>> -> memref<1x80xf32, #tpu.memory_space<vmem>>
    %dma_wait3A_127 = tpu.memref_squeeze %dma_wait3A_126 : memref<1x80xf32, #tpu.memory_space<vmem>> -> memref<80xf32, #tpu.memory_space<vmem>>
    tpu.wait_dma2 semaphore(%arg26 : memref<!tpu.dma_semaphore, #tpu.memory_space<semaphore_mem>>) src(%dma_wait3A_127 : memref<80xf32, #tpu.memory_space<vmem>>) dst(%dma_wait3A_124 : memref<80xf32, #tpu.memory_space<hbm>>)
    %mul3A_128 = arith.constant 1 : i32
    %mul3A_129 = arith.constant 80 : i32
    %mul3A_130 = arith.muli %mul3A_128, %mul3A_129 : i32
    %add3A_131 = arith.addi %mul3A_2, %mul3A_130 : i32
    %dma_wait3A_132 = arith.constant 1 : i32
    %dma_wait3A_133 = arith.constant 0 : i32
    %dma_wait3A_134 = tpu.memref_slice %arg16[%dma_wait3A_132, %dma_wait3A_133] : memref<3x80xf32, #tpu.memory_space<vmem>> -> memref<1x80xf32, #tpu.memory_space<vmem>>
    %dma_wait3A_135 = tpu.memref_squeeze %dma_wait3A_134 : memref<1x80xf32, #tpu.memory_space<vmem>> -> memref<80xf32, #tpu.memory_space<vmem>>
    %dma_wait3A_136 = tpu.memref_slice %arg8[%add3A_131] : memref<320000xf32, #tpu.memory_space<hbm>> -> memref<80xf32, #tpu.memory_space<hbm>>
    %dma_wait3A_137 = tpu.memref_slice %arg8[%add3A_131] : memref<320000xf32, #tpu.memory_space<hbm>> -> memref<80xf32, #tpu.memory_space<hbm>>
    %dma_wait3A_138 = arith.constant 0 : i32
    %dma_wait3A_139 = tpu.memref_slice %arg16[%dma_wait3A_132, %dma_wait3A_138] : memref<3x80xf32, #tpu.memory_space<vmem>> -> memref<1x80xf32, #tpu.memory_space<vmem>>
    %dma_wait3A_140 = tpu.memref_squeeze %dma_wait3A_139 : memref<1x80xf32, #tpu.memory_space<vmem>> -> memref<80xf32, #tpu.memory_space<vmem>>
    tpu.wait_dma2 semaphore(%arg27 : memref<!tpu.dma_semaphore, #tpu.memory_space<semaphore_mem>>) src(%dma_wait3A_140 : memref<80xf32, #tpu.memory_space<vmem>>) dst(%dma_wait3A_137 : memref<80xf32, #tpu.memory_space<hbm>>)
    %mul3A_141 = arith.constant 2 : i32
    %mul3A_142 = arith.constant 80 : i32
    %mul3A_143 = arith.muli %mul3A_141, %mul3A_142 : i32
    %add3A_144 = arith.addi %mul3A_2, %mul3A_143 : i32
    %dma_wait3A_145 = arith.constant 2 : i32
    %dma_wait3A_146 = arith.constant 0 : i32
    %dma_wait3A_147 = tpu.memref_slice %arg16[%dma_wait3A_145, %dma_wait3A_146] : memref<3x80xf32, #tpu.memory_space<vmem>> -> memref<1x80xf32, #tpu.memory_space<vmem>>
    %dma_wait3A_148 = tpu.memref_squeeze %dma_wait3A_147 : memref<1x80xf32, #tpu.memory_space<vmem>> -> memref<80xf32, #tpu.memory_space<vmem>>
    %dma_wait3A_149 = tpu.memref_slice %arg8[%add3A_144] : memref<320000xf32, #tpu.memory_space<hbm>> -> memref<80xf32, #tpu.memory_space<hbm>>
    %dma_wait3A_150 = tpu.memref_slice %arg8[%add3A_144] : memref<320000xf32, #tpu.memory_space<hbm>> -> memref<80xf32, #tpu.memory_space<hbm>>
    %dma_wait3A_151 = arith.constant 0 : i32
    %dma_wait3A_152 = tpu.memref_slice %arg16[%dma_wait3A_145, %dma_wait3A_151] : memref<3x80xf32, #tpu.memory_space<vmem>> -> memref<1x80xf32, #tpu.memory_space<vmem>>
    %dma_wait3A_153 = tpu.memref_squeeze %dma_wait3A_152 : memref<1x80xf32, #tpu.memory_space<vmem>> -> memref<80xf32, #tpu.memory_space<vmem>>
    tpu.wait_dma2 semaphore(%arg28 : memref<!tpu.dma_semaphore, #tpu.memory_space<semaphore_mem>>) src(%dma_wait3A_153 : memref<80xf32, #tpu.memory_space<vmem>>) dst(%dma_wait3A_150 : memref<80xf32, #tpu.memory_space<hbm>>)
    return
  }
}

module attributes {stable_mosaic.version = 14 : i64} {
  func.func @_norm_body(%arg0: memref<10000x128xf32, #tpu.memory_space<vmem>>, %arg1: memref<10000x128xf32, #tpu.memory_space<vmem>>, %arg2: memref<10000x1xf32, #tpu.memory_space<vmem>>, %arg3: memref<10000x1xf32, #tpu.memory_space<vmem>>) attributes {dimension_semantics = [], scalar_prefetch = 0 : i64, scratch_operands = 0 : i64, tpu.core_type = #tpu.core_type<tc>} {
    %get3A = arith.constant 0 : index
    %get3A_0 = arith.constant 0 : index
    %get3A_1 = vector.load %arg0[%get3A, %get3A_0] : memref<10000x128xf32, #tpu.memory_space<vmem>>, vector<10000x128xf32>
    %get3A_2 = arith.constant 0 : index
    %get3A_3 = arith.constant 0 : index
    %get3A_4 = vector.load %arg1[%get3A_2, %get3A_3] : memref<10000x128xf32, #tpu.memory_space<vmem>>, vector<10000x128xf32>
    %mul3A = arith.mulf %get3A_1, %get3A_1 : vector<10000x128xf32>
    %reduce_sum3A = arith.constant dense<0.000000e+00> : vector<10000xf32>
    %reduce_sum3A_5 = vector.multi_reduction <add>, %mul3A, %reduce_sum3A [1] : vector<10000x128xf32> to vector<10000xf32>
    %broadcast_in_dim3A = vector.shape_cast %reduce_sum3A_5 : vector<10000xf32> to vector<10000x1xf32>
    %swap3A = arith.constant 0 : index
    %swap3A_6 = arith.constant 0 : index
    %swap3A_7 = vector.load %arg2[%swap3A, %swap3A_6] : memref<10000x1xf32, #tpu.memory_space<vmem>>, vector<10000x1xf32>
    tpu.vector_store %arg2[%swap3A, %swap3A_6], %broadcast_in_dim3A {strides = array<i32>} : memref<10000x1xf32, #tpu.memory_space<vmem>>, vector<10000x1xf32>,
    %mul3A_8 = arith.mulf %get3A_4, %get3A_4 : vector<10000x128xf32>
    %reduce_sum3A_9 = arith.constant dense<0.000000e+00> : vector<10000xf32>
    %reduce_sum3A_10 = vector.multi_reduction <add>, %mul3A_8, %reduce_sum3A_9 [1] : vector<10000x128xf32> to vector<10000xf32>
    %broadcast_in_dim3A_11 = vector.shape_cast %reduce_sum3A_10 : vector<10000xf32> to vector<10000x1xf32>
    %swap3A_12 = arith.constant 0 : index
    %swap3A_13 = arith.constant 0 : index
    %swap3A_14 = vector.load %arg3[%swap3A_12, %swap3A_13] : memref<10000x1xf32, #tpu.memory_space<vmem>>, vector<10000x1xf32>
    tpu.vector_store %arg3[%swap3A_12, %swap3A_13], %broadcast_in_dim3A_11 {strides = array<i32>} : memref<10000x1xf32, #tpu.memory_space<vmem>>, vector<10000x1xf32>,
    return
  }
}

</mosaic_0001>

<sc_bundles>
// kernel: _decoder.4.cloned.1.call-start
scs
__scs_entry_jumppad:
0x0: {  	(pc) =	sbr.rel $0x88, $3  }
0x1: {  	(tag) =	ssettag $0x0;
	lr =	simm.s32 $0x1  }
0x2: {  	[smem:$0x3F9D] =	sst lr;
	_ =	strace $0xD0000000  }
0x3: {  	_ = 	snop  }
0x4: {  	_ = 	snop  }
0x5: {  	_ = 	snop  }
0x6: {  	_ = 	snop  }
0x7: {  	_ = 	snop  }
__scs_overlays_trampoline_lowered:
0x8: {  	[smem:$0x3FAC] =	sst s0  }
0x9: {  	[smem:$0x3FAD] =	sst s1  }
0xa: {  	[smem:$0x3FAE] =	sst s2  }
0xb: {  	[smem:$0x3FAF] =	sst s3  }
0xc: {  	[smem:$0x3FB0] =	sst s4  }
0xd: {  	[smem:$0x3FB1] =	sst s5  }
0xe: {  	[smem:$0x3FB2] =	sst s6  }
0xf: {  	[smem:$0x3FB3] =	sst s7  }
0x10: {  	[smem:$0x3FB4] =	sst s8  }
0x11: {  	[smem:$0x3FB5] =	sst s9;
	s0 =	simm.s32 @!p0 $0x0  }
0x12: {  	s1 =	sld [smem:$0x3F9B];
	s0 =	simm.s32 @p0 $0x1  }
0x13: {  	[smem:$0x3FB6] =	sst s0;
	s0 =	simm.s32 @!p1 $0x0  }
0x14: {  	s2 =	sld [smem:$0x3F9A];
	s0 =	simm.s32 @p1 $0x1  }
0x15: {  	[smem:$0x3FB7] =	sst s0;
	s0 =	simm.s32 @!p2 $0x0  }
0x16: {  	s3 =	sld [smem:$0x3FDB];
	s0 =	simm.s32 @p2 $0x1  }
0x17: {  	s4 =	simm.s32 $0x1BF5;
	[smem:$0x3FB9] =	sst s0  }
0x18: {  	s0 =	sld [smem:$0x3F9C];
	_ =	swait.ge [sflag:s4], $0x0  }
0x19: {  	s7 =	sld [smem:$0x3F9D]  }
0x1a: {  	s8 =	sadd.s32 $0xFFFFE003, lr  }
0x1b: {  	s9 =	sadd.s32 $0xFFFFFEF7, lr;
	s5 =	simm.s32 $0xFFFFFFFF;
	p2 =	slt.u32 s8, $0xFFFFF086  }
0x1c: {  	p1 =	slt.u32 s9, $0xF7A;
	s5 =	simm.s32 @!p2 $0x0  }
0x1d: {  	s5 =	simm.s32 @p1 $0x1;
	p0 =	seq.s32 s7, s2  }
0x1e: {  	s7 =	smul.u32 @!p0 $0xF7A, s2;
	p2 =	seq.s32 @!p0 s5, $0x0  }
0x1f: {  	s9 =	smul.u32 $0xF7A, s1;
	s8 =	simm.s32 @!p0 $0x1BF5;
	p2 =	por !p2, p0  }
0x20: {  	[sflag:s8] =	ssyncset.s32 @!p0 $0xFFFFF086;
	s6 =	sadd.s32 @!p0 s3, s7;
	s7 =	simm.s32 @!p0 $0x108  }
0x21: {  	s3 =	sadd.s32 s3, s9;
	s6 =	sadd.s32 @!p0 $0x88, s6;
	s7 =	simm.s32 @p2 $0x1082  }
0x22: {  	[simem:s7], [sflag:s8] =	dma.local @!p0 [hbm:s6], $0xF7A  }
0x23: {  	s9 =	sor.u32 $0xD0000000, s2;
	s6 =	simm.s32 $0x108;
	_ =	swait.ge @!p0 [sflag:s8], $0x0  }
0x24: {  	s3 =	sadd.s32 $0x88, s3;
	s6 =	simm.s32 @!p1 $0x1082;
	[sflag:s4] =	ssyncset.s32 $0xFFFFF086  }
0x25: {  	[simem:s6], [sflag:s4] =	dma.local [hbm:s3], $0xF7A  }
0x26: {  	[smem:$0x3F9D] =	sst s1;
	(tag) =	ssettag s2;
	_ =	strace s9  }
0x27: {  	s1 =	sld [smem:$0x3FAD]  }
0x28: {  	s2 =	sld [smem:$0x3FAE]  }
0x29: {  	s4 =	sld [smem:$0x3FB0]  }
0x2a: {  	p0 =	seq.s32 s5, $0x0;
	s5 =	sld [smem:$0x3FB1]  }
0x2b: {  	s6 =	sld [smem:$0x3FB2]  }
0x2c: {  	s7 =	sld [smem:$0x3FB3]  }
0x2d: {  	s3 =	simm.s32 $0x108;
	s8 =	sld [smem:$0x3FB4]  }
0x2e: {  	s3 =	simm.s32 @!p0 $0x1082;
	s9 =	sld [smem:$0x3FB5]  }
0x2f: {  	lr =	sadd.s32 s0, s3;
	s0 =	sld [smem:$0x3FAC]  }
0x30: {  	s3 =	sld [smem:$0x3FAF]  }
0x31: {  	[smem:$0x3FB8] =	sst s10  }
0x32: {  	s10 =	sld [smem:$0x3FB6];
	_ =	sdelay $0x3  }
0x33: {  	p0 =	seq.s32 s10, $0x1;
	s10 =	sld [smem:$0x3FB8];
	_ =	sdelay $0x3  }
0x34: {  	[smem:$0x3FB8] =	sst s10  }
0x35: {  	s10 =	sld [smem:$0x3FB7];
	_ =	sdelay $0x3  }
0x36: {  	p1 =	seq.s32 s10, $0x1;
	s10 =	sld [smem:$0x3FB8];
	_ =	sdelay $0x3  }
0x37: {  	[smem:$0x3FB8] =	sst s10  }
0x38: {  	s10 =	sld [smem:$0x3FB9]  }
0x39: {  	_ = 	snop;
	(pc) =	sbr.ind lr, $3  }
0x3a: {  	_ = 	snop  }
0x3b: {  	_ = 	snop  }
0x3c: {  	p2 =	seq.s32 s10, $0x1;
	s10 =	sld [smem:$0x3FB8]  }
0x3d: {  	_ =	shalt  }
0x3e: {  	_ =	shalt  }
0x3f: {  	_ =	shalt  }
0x40: {  	_ =	shalt  }
0x41: {  	_ =	shalt  }
0x42: {  	_ =	shalt  }
0x43: {  	_ =	shalt  }
0x44: {  	_ =	shalt  }
0x45: {  	_ =	shalt  }
0x46: {  	_ =	shalt  }
0x47: {  	_ =	shalt  }
0x48: {  	_ =	shalt  }
0x49: {  	_ =	shalt  }
0x4a: {  	_ =	shalt  }
0x4b: {  	_ =	shalt  }
0x4c: {  	_ =	shalt  }
0x4d: {  	_ =	shalt  }
0x4e: {  	_ =	shalt  }
0x4f: {  	_ =	shalt  }
0x50: {  	_ =	shalt  }
0x51: {  	_ =	shalt  }
0x52: {  	_ =	shalt  }
0x53: {  	_ =	shalt  }
0x54: {  	_ =	shalt  }
0x55: {  	_ =	shalt  }
0x56: {  	_ =	shalt  }
0x57: {  	_ =	shalt  }
0x58: {  	_ =	shalt  }
0x59: {  	_ =	shalt  }
0x5a: {  	_ =	shalt  }
0x5b: {  	_ =	shalt  }
0x5c: {  	_ =	shalt  }
0x5d: {  	_ =	shalt  }
0x5e: {  	_ =	shalt  }
0x5f: {  	_ =	shalt  }
0x60: {  	_ =	shalt  }
0x61: {  	_ =	shalt  }
0x62: {  	_ =	shalt  }
0x63: {  	_ =	shalt  }
0x64: {  	_ =	shalt  }
0x65: {  	_ =	shalt  }
0x66: {  	_ =	shalt  }
0x67: {  	_ =	shalt  }
0x68: {  	_ =	shalt  }
0x69: {  	_ =	shalt  }
0x6a: {  	_ =	shalt  }
0x6b: {  	_ =	shalt  }
0x6c: {  	_ =	shalt  }
0x6d: {  	_ =	shalt  }
0x6e: {  	_ =	shalt  }
0x6f: {  	_ =	shalt  }
0x70: {  	_ =	shalt  }
0x71: {  	_ =	shalt  }
0x72: {  	_ =	shalt  }
0x73: {  	_ =	shalt  }
0x74: {  	_ =	shalt  }
0x75: {  	_ =	shalt  }
0x76: {  	_ =	shalt  }
0x77: {  	_ =	shalt  }
0x78: {  	_ =	shalt  }
0x79: {  	_ =	shalt  }
0x7a: {  	_ =	shalt  }
0x7b: {  	_ =	shalt  }
0x7c: {  	_ =	shalt  }
0x7d: {  	_ =	shalt  }
0x7e: {  	_ =	shalt  }
0x7f: {  	_ =	shalt  }
0x80: {  	_ =	shalt  }
0x81: {  	_ =	shalt  }
0x82: {  	_ =	shalt  }
0x83: {  	_ =	shalt  }
0x84: {  	_ =	shalt  }
0x85: {  	_ =	shalt  }
0x86: {  	_ =	shalt  }
0x87: {  	_ =	shalt  }
.Lfunc_end0:
.L_simem_size_0:
called_computation_lowered:
.L_overlay_start_0:
0x88: {  	s2 =	sld [smem:$0x3FD9]  }
0x89: {  	s3 =	sld [smem:$0x3FFE];
	_ =	sdelay $0x1  }
0x8a: {  	s1 =	srdreg.scid  }
0x8b: {  	s0 =	sand.u32 $0x1, s1  }
0x8c: {  	s17 =	sshll.u32 s0, $0xA;
	s2 =	sadd.s32 s3, s2  }
0x8d: {  	s2 =	sadd.s32 s2, s17  }
0x8e: {  	[smem:$0x3FC4] =	sst s2  }
0x8f: {  	_ = 	snop  }
0x90: {  	s2 =	sld [smem:$0x3FC9]  }
0x91: {  	s18 =	sld [smem:$0x3FC8]  }
0x92: {  	s4 =	sld [smem:$0x3FC7]  }
0x93: {  	s5 =	sld [smem:$0x3FC6]  }
0x94: {  	s6 =	sld [smem:$0x3FD0];
	(tm) =	ssettm $0x1  }
0x95: {  	s7 =	sld [smem:$0x3FFB];
	_ =	sdelay $0x3  }
0x96: {  	_ =	strace s7  }
0x97: {  	s7 =	sld [smem:$0x3FFC];
	_ =	sdelay $0x3  }
0x98: {  	_ =	strace s7  }
0x99: {  	s7 =	sld [smem:$0x3FFD];
	_ =	sdelay $0x3  }
0x9a: {  	_ =	strace s7  }
0x9b: {  	_ =	strace $0x8FFFFFFF  }
0x9c: {  	s19 =	sld [smem:$0x3FDB];
	_ =	sdelay $0x1  }
0x9d: {  	s8 =	simm.s32 $_scs_section_size  }
0x9e: {  	s9 =	simm.s32 $_size__tile_overlayer_lowered;
	s10 =	simm.s32 $_tile_overlayer_lowered  }
0x9f: {  	s22 =	simm.s32 $0x1BFF;
	s21 =	sshll.u32 s10, $0x1;
	s7 =	sadd.s32 s8, s19  }
0xa0: {  	s11 =	simm.s32 $0x0;
	s20 =	sshll.u32 s9, $0x1;
	s9 =	sadd.s32 s21, s7  }
0xa1: {  	[timem:s11], [sflag:s22] =	dma.local [hbm:s9], s20  }
0xa2: {  	_ =	swait.ge [sflag:s22], s20  }
0xa3: {  	s8 =	ssub.s32 $0x0, s20;
	[sflag:s22] =	ssyncset.done $0x0  }
0xa4: {  	[sflag:s22] =	ssyncadd.s32 s8;
	_ =	sdelay $0x1  }
0xa5: {  	s23 =	simm.s32 $0x1B8B  }
0xa6: {  	_ =	swait.ge [sflag:s23], $0x1  }
0xa7: {  	[sflag:s23] =	ssyncset.done $0x0  }
0xa8: {  	s25 =	simm.s32 $0x1B8E;
	s24 =	sld [smem:$0x3FFE];
	[sflag:s23] =	ssyncadd.s32 $0xFFFFFFFF  }
0xa9: {  	s26 =	simm.s32 $execute0_lowered;
	[smem:$0x3FD2] =	sst s25  }
0xaa: {  	s9 =	sshll.u32 s26, $0x1;
	_ =	strace $0x80000046;
	[dreg:$0x1] =	wrdreg $0xFFFFFFFF  }
0xab: {  	s28 =	simm.s32 $_size_execute0_lowered;
	s7 =	sadd.s32 s7, s9;
	[dreg:$0x0] =	wrdreg $0x0  }
0xac: {  	s9 =	sshll.u32 s28, $0x1;
	[dreg:$0x2] =	wrdreg s7  }
0xad: {  	[dreg:$0x3] =	wrdreg s9  }
0xae: {  	[dreg:$0x4] =	wrdreg $0xC0  }
0xaf: {  	_ =	task [dreg:s11], $0x5FFFF  }
0xb0: {  	[dreg:$0x1] =	wrdreg $0xFFFFFFFF  }
0xb1: {  	[dreg:$0x0] =	wrdreg $0x60  }
0xb2: {  	[dreg:$0x2] =	wrdreg s2  }
0xb3: {  	[dreg:$0x3] =	wrdreg s18  }
0xb4: {  	[dreg:$0x4] =	wrdreg s4  }
0xb5: {  	[dreg:$0x5] =	wrdreg s5  }
0xb6: {  	[dreg:$0x6] =	wrdreg s24  }
0xb7: {  	[dreg:$0x7] =	wrdreg s6  }
0xb8: {  	[dreg:$0x8] =	wrdreg $0x9  }
0xb9: {  	_ =	task.clear_ibuf [dreg:s11], $0x9FFFF;
	_ =	strace $0x90000046  }
0xba: {  	s29 =	simm.s32 $0x9;
	_ =	strace $0x80000048  }
0xbb: {  	_ =	swait.ge [sflag:s29], $0x1  }
0xbc: {  	[sflag:s29] =	ssyncadd.s32 $0xFFFFFFFF  }
0xbd: {  	_ =	strace $0x90000048  }
0xbe: {  	_ =	sfence  }
0xbf: {  	s30 =	sld [smem:$0x0];
	_ =	sdelay $0x2  }
0xc0: {  	s31 =	sshll.u32 s1, $0xD;
	s1 =	sshrl.u32 s1, $0x2  }
0xc1: {  	s3 =	sand.u32 $0x4000, s31;
	s1 =	sadd.s32 s1, s30  }
0xc2: {  	s0 =	sor.u32 s3, s0;
	s1 =	sshll.u32 s1, $0x11  }
0xc3: {  	s0 =	sor.u32 s1, s0  }
0xc4: {  	s0 =	sadd.s32 $0x8F2B, s0  }
0xc5: {  	[sflag:s0] =	ssyncadd.remote.s32 $0x1  }
0xc6: {  	_ =	sfence.sel $0xFFFF  }
0xc7: {  	[dreg:$0x0] =	wrdreg $0xFFFFFFFF;
	(pc) =	sbr.abs _section_cstart, $3  }
0xc8: {  	[dreg:$0x1] =	wrdreg $0xFFFFFFFF  }
0xc9: {  	_ =	task.clear_ibuf [dreg:s11], $0x2FFFF;
	_ =	strace $0x9FFFFFFF  }
0xca: {  	(tm) =	ssettm $0x7FFFFFFF  }
0xcb: {  	_ =	shalt  }
tec
execute0_lowered:
.L_overlay_start_1:
0x0: {  	(tag) =	ssettag $0x1  }
0x1: {  	v0 =	vimm.s32 $0x76543210;
	v1 =	vimm.s32 $0xFEDCBA98;
	v2 =	vimm.s32 $0xBA98FEDC  }
0x2: {  	v3 =	vimm.s32 $0x32107654;
	v4 =	vimm.s32 $0xDCFE98BA;
	v5 =	vimm.s32 $0x54761032  }
0x3: {  	s0 =	rddreg [dreg:$0x0];
	vm0 =	vcmask $0x2F20;
	vm1 =	vcmask $0xF00;
	vm2 =	vcmask $0x1710  }
0x4: {  	s1 =	rddreg [dreg:$0x1];
	vm3 =	vcmask $0x700;
	vm4 =	vcmask $0x300;
	v1 =	vunpack.c.l.s4.s8 v1  }
0x5: {  	s2 =	rddreg [dreg:$0x2];
	v0 =	vunpack.c.l.s4.s8 v0;
	v2 =	vunpack.c.l.s4.s8 v2;
	v3 =	vunpack.c.l.s4.s8 v3  }
0x6: {  	s4 =	rddreg [dreg:$0x3];
	s5 =	srdreg.scid;
	v4 =	vunpack.c.l.s4.s8 v4;
	vm0 =	vmor vm1, vm0;
	v1 =	vunpack.c.0.s8.s32 v1  }
0x7: {  	s6 =	stileid.u32;
	s3 =	rddreg [dreg:$0x4];
	v0 =	vunpack.c.0.s8.s32 v0;
	v2 =	vunpack.c.0.s8.s32 v2;
	v3 =	vunpack.c.0.s8.s32 v3  }
0x8: {  	s14 =	simm.s32 $0x50;
	s15 =	simm.s32 $0x4F00;
	s18 =	simm.s32 $0x7700;
	vm1 =	vmor vm3, vm2;
	vm3 =	vcmask $0xB08;
	v1 =	vand.u32 $0xF, v1  }
0x9: {  	s23 =	simm.s32 $0x9F00;
	s24 =	simm.s32 $0xC800;
	s28 =	simm.s32 $0x1;
	v0 =	vcombine.low v1, v0;
	v1 =	vcombine.low v3, v2;
	v2 =	vunpack.c.l.s4.s8 v5  }
0xa: {  	s29 =	simm.s32 $0x2;
	s30 =	simm.s32 $0x6;
	s31 =	simm.s32 $0x9;
	vm2 =	vcmask $0x2720;
	vm3 =	vmor vm4, vm3  }
0xb: {  	s22 =	simm.s32 $0x5;
	s13 =	simm.s32 $0x7;
	s20 =	simm.s32 $0x0;
	vm4 =	vcmask $0x1310;
	v3 =	vunpack.c.0.s8.s32 v4;
	v2 =	vunpack.c.0.s8.s32 v2  }
0xc: {  	s8 =	sand.u32 $0x1, s5;
	s6 =	sshll.u32 s6, $0x1;
	s5 =	rddreg [dreg:$0x5];
	vm1 =	vmor vm1, vm2;
	vm2 =	vcmask $0x3730;
	vm3 =	vmor vm3, vm4  }
0xd: {  	s7 =	sor.u32 s8, s6;
	s6 =	simm.s32 $0x0;
	s9 =	ssub.s32 $0x2, s8;
	v4 =	vimm.s32 $0x67452301;
	v2 =	vcombine.low v2, v3;
	v3 =	vimm.s32 $0xEFCDAB89  }
0xe: {  	s7 =	smul.u32 $0x2710, s7;
	[smem:$0x7FF] =	sst s6;
	s10 =	sshrl.u32 s9, $0x1;
	vm4 =	vcmask $0x1B18;
	v4 =	vunpack.c.l.s4.s8 v4;
	v3 =	vunpack.c.l.s4.s8 v3  }
0xf: {  	s8 =	sadd.s32 $0x600, s3;
	vm1 =	vmor vm1, vm2;
	_ =	strace $0x80000047;
	s9 =	ssub.s32 s9, s10;
	vm2 =	vmor vm3, vm4  }
.Ltmp0:
0x10: {  	vm3 =	vcmask $0x2320;
	s10 =	simm.s32 $0xCB80;
	s11 =	sshrl.u32 s7, $0x3;
	v4 =	vunpack.c.0.s8.s32 v4;
	v3 =	vunpack.c.0.s8.s32 v3;
	(pc) =	sbr.rel .LBB2_1-.Ltmp0, $4  }
0x11: {  	vm4 =	vcmask $0x2B28;
	s26 =	smax.u32 s9, $0x1;
	vm3 =	vmor vm2, vm3;
	vm2 =	vmmov $0xff;
	s9 =	simm.s32 $0x8;
	s2 =	sadd.s32 s2, s11  }
0x12: {  	s25 =	sadd.s32 s4, s11;
	[dreg:$0x9] =	wrdreg s26;
	s26 =	simm.s32 $0xCA00;
	vm3 =	vmor vm3, vm4;
	vm4 =	vcmask $0x3330;
	v3 =	vcombine.low v4, v3  }
0x13: {  	s4 =	simm.s32 $0xCC00;
	s11 =	simm.s32 $0x4;
	[dreg:$0x7] =	wrdreg s2;
	vm3 =	vmor vm3, vm4;
	vm4 =	vcmask $0x3B38;
	v1 =	vand.u32 $0xF, v1  }
0x14: {  	[dreg:$0x8] =	wrdreg s25;
	s2 =	simm.s32 $0xCB00;
	s25 =	simm.s32 $0x3;
	vm3 =	vmor vm3, vm4;
	v2 =	vand.u32 $0xF, v2;
	v3 =	vand.u32 $0xF, v3  }
.LBB2_23:
0x15: {  	s12 =	simm.s32 $0xA  }
0x16: {  	_ =	swait.ge [sflag:s12], $0x50  }
0x17: {  	[sflag:s12] =	ssyncset.done $0x0  }
0x18: {  	s19 =	simm.s32 $0xB;
	[sflag:s12] =	ssyncadd.s32 $0xFFFFFFB0  }
0x19: {  	_ =	swait.ge [sflag:s19], $0x50  }
0x1a: {  	[sflag:s19] =	ssyncset.done $0x0  }
0x1b: {  	s16 =	simm.s32 $0xC;
	[sflag:s19] =	ssyncadd.s32 $0xFFFFFFB0  }
0x1c: {  	_ =	swait.ge [sflag:s16], $0x50  }
0x1d: {  	s20 =	sadd.s32 $0x1, s20;
	s21 =	rddreg [dreg:$0x9]  }
0x1e: {  	p0 =	sne.s32 s20, s21  }
.Ltmp1:
0x1f: {  	_ = 	snop;
	(pc) =	sbr.rel @!p0 .LBB2_24-.Ltmp1, $3  }
0x20: {  	_ =	sdelay $0x1  }
0x21: {  	[sflag:s16] =	ssyncset.done $0x0  }
0x22: {  	[sflag:s16] =	ssyncadd.s32 $0xFFFFFFB0  }
.LBB2_1:
0x23: {  	s12 =	rddreg [dreg:$0x7];
	s16 =	simm.s32 $0xD  }
0x24: {  	[tilespmem:s6], [sflag:$0xD] =	stream.linear.gather [hbm4b:s12+s6], $0x2710, $0x38;
	[tilespmem:$0xCD00] =	vst v63  }
0x25: {  	_ =	swait.ge [sflag:s16], $0x2710  }
0x26: {  	[sflag:s16] =	ssyncset.done $0x0  }
0x27: {  	s17 =	simm.s32 $0x2780;
	s19 =	rddreg [dreg:$0x8];
	[sflag:s16] =	ssyncadd.s32 $0xFFFFD8F0  }
0x28: {  	[tilespmem:s17], [sflag:$0xD] =	stream.linear.gather [hbm4b:s19+s6], $0x2710, $0x38;
	[tilespmem:$0xCD00] =	vst v63  }
0x29: {  	_ =	swait.ge [sflag:s16], $0x2710  }
0x2a: {  	[sflag:s16] =	ssyncset.done $0x0  }
0x2b: {  	[sflag:s16] =	ssyncadd.s32 $0xFFFFD8F0  }
0x2c: {  	[tilespmem:s15], [sflag:$0x1] =	stream.indirect.gather [hbm4b:s0+s14], $0x80, s6, s14, $0xb8;
	[tilespmem:$0xCD00] =	vst v63  }
0x2d: {  	s21 =	simm.s32 $0xC700  }
0x2e: {  	[tilespmem:s21], [sflag:$0x7] =	stream.indirect.gather [hbm4b:s3+s14], $0x1, s6, s14, $0xb8;
	[tilespmem:$0xCD00] =	vst v63  }
0x2f: {  	s16 =	simm.s32 $0xC900  }
0x30: {  	[tilespmem:s16], [sflag:$0x7] =	stream.indirect.gather [hbm4b:s8+s14], $0x1, s17, s14, $0xb8;
	[tilespmem:$0xCD00] =	vst v63  }
0x31: {  	_ = 	snop  }
0x32: {  	[tilespmem:s18], [sflag:$0x2] =	stream.indirect.gather [hbm4b:s0+s14], $0x80, s14, s14, $0xb8;
	[tilespmem:$0xCD00] =	vst v63  }
0x33: {  	s19 =	simm.s32 $0xC780  }
0x34: {  	[tilespmem:s19], [sflag:$0x8] =	stream.indirect.gather [hbm4b:s3+s14], $0x1, s14, s14, $0xb8;
	[tilespmem:$0xCD00] =	vst v63  }
0x35: {  	s12 =	simm.s32 $0x27D0;
	s21 =	simm.s32 $0xC980  }
0x36: {  	[tilespmem:s21], [sflag:$0x8] =	stream.indirect.gather [hbm4b:s8+s14], $0x1, s12, s14, $0xb8;
	[tilespmem:$0xCD00] =	vst v63  }
0x37: {  	s19 =	simm.s32 $0xA0  }
0x38: {  	[tilespmem:s23], [sflag:$0x3] =	stream.indirect.gather [hbm4b:s0+s14], $0x80, s19, s14, $0xb8;
	[tilespmem:$0xCD00] =	vst v63  }
0x39: {  	_ = 	snop  }
0x3a: {  	[tilespmem:s24], [sflag:$0x9] =	stream.indirect.gather [hbm4b:s3+s14], $0x1, s19, s14, $0xb8;
	[tilespmem:$0xCD00] =	vst v63  }
0x3b: {  	s21 =	simm.s32 $0x2820  }
0x3c: {  	[tilespmem:s26], [sflag:$0x9] =	stream.indirect.gather [hbm4b:s8+s14], $0x1, s21, s14, $0xb8;
	[tilespmem:$0xCD00] =	vst v63  }
0x3d: {  	_ =	swait.ge [sflag:s28], $0x2800  }
0x3e: {  	[sflag:s28] =	ssyncset.done $0x0  }
0x3f: {  	[sflag:s28] =	ssyncadd.s32 $0xFFFFD800  }
0x40: {  	[tilespmem:s15], [sflag:$0x4] =	stream.indirect.gather.add.f32 [hbm:s1], $0x80, s17, s14, $0xb8;
	[tilespmem:$0xCD00] =	vst v63  }
.Ltmp2:
0x41: {  	_ =	swait.ge [sflag:s29], $0x2800;
	(pc) =	sbr.rel .LBB2_2-.Ltmp2, $4  }
0x42: {  	[sflag:s29] =	ssyncset.done $0x0  }
0x43: {  	[sflag:s29] =	ssyncadd.s32 $0xFFFFD800  }
0x44: {  	[tilespmem:s18], [sflag:$0x5] =	stream.indirect.gather.add.f32 [hbm:s1], $0x80, s12, s14, $0xb8;
	[tilespmem:$0xCD00] =	vst v63  }
0x45: {  	s12 =	simm.s32 $0x0  }
.LBB2_13:
0x46: {  	s17 =	sadd.s32 $0xF0, s16  }
0x47: {  	[tilespmem:s18], [sflag:$0x2] =	stream.indirect.gather [hbm4b:s0+s14], $0x80, s17, s14, $0xb8;
	[tilespmem:$0xCD00] =	vst v63  }
0x48: {  	s19 =	simm.s32 $0xC780  }
0x49: {  	[tilespmem:s19], [sflag:$0x8] =	stream.indirect.gather [hbm4b:s3+s14], $0x1, s17, s14, $0xb8;
	[tilespmem:$0xCD00] =	vst v63  }
0x4a: {  	s21 =	simm.s32 $0xC980;
	s19 =	sadd.s32 $0x2870, s16  }
0x4b: {  	[tilespmem:s21], [sflag:$0x8] =	stream.indirect.gather [hbm4b:s8+s14], $0x1, s19, s14, $0xb8;
	[tilespmem:$0xCD00] =	vst v63  }
.LBB2_15:
0x4c: {  	s16 =	smul.u32 $0x140, s12  }
0x4d: {  	_ =	swait.ge [sflag:s28], $0x2800  }
0x4e: {  	[sflag:s28] =	ssyncset.done $0x0;
	s16 =	sshra.s32 s16, $0x2  }
0x4f: {  	[sflag:s28] =	ssyncadd.s32 $0xFFFFD800;
	s16 =	sadd.s32 $0x2820, s16  }
0x50: {  	[tilespmem:s15], [sflag:$0x4] =	stream.indirect.gather.add.f32 [hbm:s1], $0x80, s16, s14, $0xb8;
	[tilespmem:$0xCD00] =	vst v63  }
.LBB2_22:
0x51: {  	s12 =	sadd.s32 $0x1, s12  }
0x52: {  	p0 =	sne.s32 s12, $0x7D  }
.Ltmp3:
0x53: {  	_ = 	snop;
	(pc) =	sbr.rel @!p0 .LBB2_23-.Ltmp3, $1  }
0x54: {  	_ =	sdelay $0x3  }
.LBB2_2:
0x55: {  	s16 =	smul.u32 $0xAB, s12;
	_ =	sdelay $0x1  }
0x56: {  	s16 =	sshrl.u32 s16, $0x9  }
0x57: {  	s16 =	sand.u32 $0x7F, s16  }
0x58: {  	s16 =	smul.u32 $0x3, s16;
	_ =	sdelay $0x1  }
0x59: {  	s16 =	ssub.s32 s12, s16  }
0x5a: {  	s16 =	sand.u32 $0xFF, s16  }
0x5b: {  	p1 =	seq.s32 s16, $0x2  }
.Ltmp4:
0x5c: {  	_ = 	snop;
	(pc) =	sbr.rel @p1 .LBB2_16-.Ltmp4, $2  }
0x5d: {  	_ =	sdelay $0x2  }
0x5e: {  	p0 =	slt.u32 s12, $0x3  }
0x5f: {  	p1 =	seq.s32 s16, $0x1  }
.Ltmp5:
0x60: {  	_ = 	snop;
	(pc) =	sbr.rel @!p1 .LBB2_4-.Ltmp5, $1  }
0x61: {  	_ =	sdelay $0x3  }
0x62: {  	_ =	swait.ge [sflag:s22], $0x2800  }
0x63: {  	[sflag:s22] =	ssyncset.done $0x0  }
0x64: {  	[sflag:s22] =	ssyncadd.s32 $0xFFFFD800  }
0x65: {  	_ =	swait.ge [sflag:s9], $0x50  }
0x66: {  	[sflag:s9] =	ssyncset.done $0x0  }
0x67: {  	[sflag:s9] =	ssyncadd.s32 $0xFFFFFFB0  }
0x68: {  	_ =	swait.ge [sflag:s9], $0x50  }
0x69: {  	[sflag:s9] =	ssyncset.done $0x0  }
0x6a: {  	s16 =	simm.s32 @!p0 $0xB;
	[sflag:s9] =	ssyncadd.s32 $0xFFFFFFB0  }
0x6b: {  	_ =	swait.ge @!p0 [sflag:s16], $0x50  }
0x6c: {  	[sflag:s16] =	ssyncset.done @!p0 $0x0  }
0x6d: {  	[sflag:s16] =	ssyncadd.s32 @!p0 $0xFFFFFFB0;
	s16 =	simm.s32 $0x7B00  }
0x6e: {  	v4 =	vld [tilespmem:s16+$0xFFFFFC00]  }
0x6f: {  	v5 =	vld [tilespmem:s16+$0xFFFFFC10]  }
0x70: {  	v6 =	vld [tilespmem:s16+$0xFFFFFC20]  }
0x71: {  	v7 =	vld [tilespmem:s16+$0xFFFFFC30]  }
0x72: {  	v8 =	vld [tilespmem:s16+$0xFFFFFC40]  }
0x73: {  	v9 =	vld [tilespmem:s16+$0xFFFFFC50]  }
0x74: {  	v10 =	vld [tilespmem:s16+$0xFFFFFC60]  }
0x75: {  	v11 =	vld [tilespmem:s16+$0xFFFFFC70]  }
0x76: {  	v12 =	vld [tilespmem:s16+$0x0]  }
0x77: {  	v13 =	vld [tilespmem:s16+$0x10]  }
0x78: {  	v14 =	vld [tilespmem:s16+$0x20]  }
0x79: {  	v15 =	vld [tilespmem:s16+$0x30]  }
0x7a: {  	v16 =	vld [tilespmem:s16+$0x40]  }
0x7b: {  	v17 =	vld [tilespmem:s16+$0x50]  }
0x7c: {  	v18 =	vld [tilespmem:s16+$0x60]  }
0x7d: {  	v19 =	vld [tilespmem:s16+$0x70]  }
0x7e: {  	v20 =	vld [tilespmem:s16+$0xFFFFFE00]  }
0x7f: {  	v21 =	vld [tilespmem:s16+$0xFFFFFE10]  }
0x80: {  	v22 =	vld [tilespmem:s16+$0xFFFFFE20]  }
0x81: {  	v23 =	vld [tilespmem:s16+$0xFFFFFE30]  }
0x82: {  	v24 =	vld [tilespmem:s16+$0xFFFFFE40]  }
0x83: {  	v25 =	vld [tilespmem:s16+$0xFFFFFE50]  }
0x84: {  	v26 =	vld [tilespmem:s16+$0xFFFFFE60]  }
0x85: {  	v27 =	vld [tilespmem:s16+$0xFFFFFE70]  }
0x86: {  	v28 =	vld [tilespmem:s16+$0x200]  }
0x87: {  	v29 =	vld [tilespmem:s16+$0x210]  }
0x88: {  	v30 =	vld [tilespmem:s16+$0x220]  }
0x89: {  	v31 =	vld [tilespmem:s16+$0x230]  }
0x8a: {  	v32 =	vld [tilespmem:s16+$0x240]  }
0x8b: {  	v33 =	vld [tilespmem:s16+$0x250]  }
0x8c: {  	v34 =	vld [tilespmem:s16+$0x260]  }
0x8d: {  	v35 =	vld [tilespmem:s16+$0x270]  }
0x8e: {  	v36 =	vld [tilespmem:s16+$0xFFFFFD00]  }
0x8f: {  	v37 =	vld [tilespmem:s16+$0xFFFFFD10]  }
0x90: {  	v38 =	vld [tilespmem:s16+$0xFFFFFD20]  }
0x91: {  	v39 =	vld [tilespmem:s16+$0xFFFFFD30]  }
0x92: {  	v40 =	vld [tilespmem:s16+$0xFFFFFD40]  }
0x93: {  	v41 =	vld [tilespmem:s16+$0xFFFFFD50]  }
0x94: {  	v42 =	vld [tilespmem:s16+$0xFFFFFD60]  }
0x95: {  	v43 =	vld [tilespmem:s16+$0xFFFFFD70]  }
0x96: {  	v44 =	vld [tilespmem:s16+$0x100]  }
0x97: {  	v48 =	vld [tilespmem:s16+$0x330]  }
0x98: {  	v50 =	vld [tilespmem:s16+$0x340];
	v4 =	vmul.f32 v4, v4  }
0x99: {  	v52 =	vld [tilespmem:s16+$0x370];
	v5 =	vmul.f32 v5, v5;
	v6 =	vmul.f32 v6, v6  }
0x9a: {  	v54 =	vld [tilespmem:s16+$0xFFFFFC80];
	v7 =	vmul.f32 v7, v7;
	v8 =	vmul.f32 v8, v8  }
0x9b: {  	v56 =	vld [tilespmem:s16+$0xFFFFFC90];
	v9 =	vmul.f32 v9, v9;
	v10 =	vmul.f32 v10, v10  }
0x9c: {  	v58 =	vld [tilespmem:s16+$0xFFFFFCA0];
	v11 =	vmul.f32 v11, v11;
	v24 =	vmul.f32 v24, v24  }
0x9d: {  	v60 =	vld [tilespmem:s16+$0xFFFFFCB0];
	v25 =	vmul.f32 v25, v25;
	v26 =	vmul.f32 v26, v26  }
0x9e: {  	v61 =	vld [tilespmem:s16+$0xFFFFFCC0];
	v27 =	vmul.f32 v27, v27;
	v47 =	vmul.f32 v33, v33  }
0x9f: {  	v62 =	vld [tilespmem:s16+$0xFFFFFCD0];
	v49 =	vmul.f32 v35, v35;
	v51 =	vmul.f32 v37, v37  }
0xa0: {  	v63 =	vld [tilespmem:s16+$0xFFFFFCE0];
	v53 =	vmul.f32 v39, v39;
	v59 =	vmul.f32 v44, v44  }
0xa1: {  	v45 =	vld [tilespmem:s16+$0xFFFFFED0];
	v4 =	vadd.f32 v5, v4;
	v5 =	vmul.f32 v12, v12;
	v12 =	vmul.f32 v13, v13  }
0xa2: {  	v46 =	vld [tilespmem:s16+$0xFFFFFEE0];
	v6 =	vadd.f32 v7, v6;
	v7 =	vmul.f32 v14, v14;
	v14 =	vmul.f32 v15, v15  }
0xa3: {  	v44 =	vld [tilespmem:s16+$0xFFFFFE90];
	v8 =	vadd.f32 v9, v8;
	v9 =	vmul.f32 v16, v16;
	v16 =	vmul.f32 v17, v17  }
0xa4: {  	v13 =	vld [tilespmem:s16+$0x110];
	v10 =	vadd.f32 v11, v10;
	v11 =	vmul.f32 v18, v18;
	v18 =	vmul.f32 v19, v19  }
0xa5: {  	v15 =	vld [tilespmem:s16+$0x120];
	v24 =	vadd.f32 v25, v24;
	v25 =	vmul.f32 v28, v28;
	v26 =	vadd.f32 v27, v26  }
0xa6: {  	v17 =	vld [tilespmem:s16+$0x130];
	v28 =	vmul.f32 v29, v29;
	v5 =	vadd.f32 v12, v5;
	v7 =	vadd.f32 v14, v7  }
0xa7: {  	v19 =	vld [tilespmem:s16+$0x140];
	v27 =	vmul.f32 v30, v30;
	v9 =	vadd.f32 v16, v9;
	v11 =	vadd.f32 v18, v11  }
0xa8: {  	v29 =	vld [tilespmem:s16+$0x310];
	v30 =	vmul.f32 v31, v31;
	v4 =	vadd.f32 v6, v4;
	v6 =	vadd.f32 v10, v8  }
0xa9: {  	v12 =	vld [tilespmem:s16+$0x150];
	v24 =	vadd.f32 v26, v24;
	v26 =	vmul.f32 v34, v34;
	v25 =	vadd.f32 v28, v25  }
0xaa: {  	v55 =	vmul.f32 v41, v41;
	v14 =	vld [tilespmem:s16+$0x160];
	v27 =	vadd.f32 v30, v27;
	v5 =	vadd.f32 v7, v5  }
0xab: {  	v57 =	vmul.f32 v43, v43;
	v8 =	vld [tilespmem:s16+$0x170];
	v7 =	vadd.f32 v11, v9;
	v26 =	vadd.f32 v49, v26  }
0xac: {  	v18 =	vld [tilespmem:s16+$0xFFFFFF40];
	v25 =	vadd.f32 v27, v25;
	v27 =	vmul.f32 v36, v36;
	v49 =	vmul.f32 v62, v62  }
0xad: {  	v28 =	vld [tilespmem:s16+$0x350];
	v4 =	vadd.f32 v6, v4;
	v13 =	vmul.f32 v13, v13;
	v15 =	vmul.f32 v15, v15  }
0xae: {  	v9 =	vld [tilespmem:s16+$0xFFFFFF00];
	v17 =	vmul.f32 v17, v17;
	v19 =	vmul.f32 v19, v19  }
0xaf: {  	v6 =	vld [tilespmem:s16+$0xFFFFFF10];
	v5 =	vadd.f32 v7, v5;
	v10 =	vperm.xlane v4, v0;
	v12 =	vmul.f32 v12, v12  }
0xb0: {  	v31 =	vld [tilespmem:s16+$0x320];
	v27 =	vadd.f32 v51, v27;
	v14 =	vmul.f32 v14, v14;
	v8 =	vmul.f32 v8, v8  }
0xb1: {  	v11 =	vld [tilespmem:s16+$0xFFFFFF30];
	v13 =	vadd.f32 v13, v59;
	v15 =	vadd.f32 v17, v15;
	v18 =	vmul.f32 v18, v18  }
0xb2: {  	v7 =	vld [tilespmem:s16+$0xFFFFFF20];
	v28 =	vmul.f32 v28, v28;
	v16 =	vperm.xlane v5, v0;
	v4 =	vadd.f32 v10, v4  }
0xb3: {  	v17 =	vld [tilespmem:s16+$0xFFFFFCF0];
	v10 =	vmul.f32 v20, v20;
	v20 =	vmul.f32 v21, v21;
	v12 =	vadd.f32 v12, v19  }
0xb4: {  	v21 =	vld [tilespmem:s16+$0xFFFFFF50];
	v8 =	vadd.f32 v8, v14;
	v9 =	vmul.f32 v9, v9;
	v6 =	vmul.f32 v6, v6  }
0xb5: {  	v14 =	vld [tilespmem:s16+$0x80];
	v5 =	vadd.f32 v5, v16;
	v16 =	vmul.f32 v22, v22;
	v22 =	vmul.f32 v23, v23  }
0xb6: {  	v11 =	vmul.f32 v11, v11;
	v23 =	vld [tilespmem:s16+$0xFFFFFF60];
	v10 =	vadd.f32 v20, v10;
	v8 =	vadd.f32 v8, v12  }
0xb7: {  	v20 =	vld [tilespmem:s16+$0xFFFFFF70];
	v7 =	vmul.f32 v7, v7;
	v6 =	vadd.f32 v6, v9;
	v16 =	vadd.f32 v22, v16  }
0xb8: {  	v30 =	vld [tilespmem:s16+$0x360];
	v4 =	vsel vm2, v4, v5;
	v5 =	vadd.f32 v15, v13;
	v17 =	vmul.f32 v17, v17  }
0xb9: {  	v12 =	vld [tilespmem:s16+$0xA0];
	v13 =	vperm.xlane v4, v1;
	v21 =	vmul.f32 v21, v21;
	v7 =	vadd.f32 v11, v7  }
0xba: {  	v22 =	vld [tilespmem:s16+$0x300];
	v10 =	vadd.f32 v16, v10;
	v16 =	vmul.f32 v32, v32;
	v5 =	vadd.f32 v8, v5  }
0xbb: {  	v62 =	vld [tilespmem:s16+$0xFFFFFFD0];
	v14 =	vmul.f32 v14, v14;
	v4 =	vadd.f32 v13, v4;
	v9 =	vmul.f32 v23, v23  }
0xbc: {  	v51 =	vld [tilespmem:s16+$0x2C0];
	v20 =	vmul.f32 v20, v20;
	v6 =	vadd.f32 v7, v6;
	v7 =	vmul.f32 v50, v50  }
0xbd: {  	v59 =	vld [tilespmem:s16+$0xFFFFFF80];
	v16 =	vadd.f32 v47, v16;
	v10 =	vadd.f32 v24, v10;
	v24 =	vmul.f32 v40, v40  }
0xbe: {  	v11 =	vld [tilespmem:s16+$0xFFFFFEA0];
	v18 =	vadd.f32 v21, v18;
	v47 =	vmul.f32 v60, v60;
	v12 =	vmul.f32 v12, v12  }
0xbf: {  	v8 =	vld [tilespmem:s16+$0xC0];
	v21 =	vmul.f32 v22, v22;
	v22 =	vmul.f32 v29, v29;
	v16 =	vadd.f32 v26, v16  }
0xc0: {  	v23 =	vld [tilespmem:s16+$0xFFFFFEB0];
	v9 =	vadd.f32 v20, v9;
	v20 =	vmul.f32 v31, v31;
	v7 =	vadd.f32 v28, v7  }
0xc1: {  	v50 =	vld [tilespmem:s16+$0x2B0];
	v26 =	vmul.f32 v38, v38;
	v16 =	vadd.f32 v16, v25;
	v25 =	vmul.f32 v42, v42  }
0xc2: {  	v60 =	vld [tilespmem:s16+$0xFFFFFFB0];
	v29 =	vmul.f32 v48, v48;
	v24 =	vadd.f32 v55, v24;
	v9 =	vadd.f32 v9, v18  }
0xc3: {  	v31 =	vld [tilespmem:s16+$0xFFFFFEC0];
	v18 =	vmul.f32 v30, v30;
	v26 =	vadd.f32 v53, v26;
	v25 =	vadd.f32 v57, v25  }
0xc4: {  	v28 =	vld [tilespmem:s16+$0x280];
	v30 =	vmul.f32 v52, v52;
	v21 =	vadd.f32 v22, v21;
	v20 =	vadd.f32 v29, v20  }
0xc5: {  	v11 =	vmul.f32 v11, v11;
	v22 =	vld [tilespmem:s16+$0xFFFFFEF0];
	v19 =	vadd.f32 v26, v27;
	v24 =	vadd.f32 v25, v24  }
0xc6: {  	v29 =	vmul.f32 v56, v56;
	v8 =	vmul.f32 v8, v8;
	v53 =	vld [tilespmem:s16+$0x2F0];
	v18 =	vadd.f32 v30, v18  }
0xc7: {  	v20 =	vadd.f32 v20, v21;
	v26 =	vperm.xlane v16, v0;
	v27 =	vld [tilespmem:s16+$0xD0];
	v15 =	vadd.f32 v24, v19  }
0xc8: {  	v21 =	vmul.f32 v54, v54;
	v9 =	vadd.f32 v9, v6;
	v6 =	vmul.f32 v61, v61;
	v25 =	vld [tilespmem:s16+$0x90]  }
0xc9: {  	v7 =	vadd.f32 v18, v7;
	v16 =	vadd.f32 v16, v26;
	v26 =	vld [tilespmem:s16+$0xE0];
	v13 =	vperm.xlane v15, v0  }
0xca: {  	v18 =	vmul.f32 v58, v58;
	v21 =	vadd.f32 v29, v21;
	v6 =	vadd.f32 v49, v6;
	v19 =	vld [tilespmem:s16+$0xB0]  }
0xcb: {  	v20 =	vadd.f32 v7, v20;
	v7 =	vmul.f32 v63, v63;
	v13 =	vadd.f32 v13, v15;
	v15 =	vld [tilespmem:s16+$0xF0]  }
0xcc: {  	v48 =	vld [tilespmem:s16+$0x2A0];
	v22 =	vmul.f32 v22, v22;
	v18 =	vadd.f32 v47, v18;
	v24 =	vperm.xlane v10, v0  }
0xcd: {  	v29 =	vld [tilespmem:s16+$0x2D0];
	v58 =	vmul.f32 v53, v53;
	v27 =	vmul.f32 v27, v27;
	v7 =	vadd.f32 v17, v7  }
0xce: {  	v55 =	vld [tilespmem:s16+$0x1C0];
	v10 =	vadd.f32 v24, v10;
	v24 =	vperm.xlane v5, v0;
	v25 =	vmul.f32 v25, v25  }
0xcf: {  	v52 =	vld [tilespmem:s16+$0x2E0];
	v17 =	vmul.f32 v26, v26;
	v8 =	vadd.f32 v27, v8;
	v6 =	vadd.f32 v7, v6  }
0xd0: {  	v26 =	vld [tilespmem:s16+$0xFFFFFD80];
	v5 =	vadd.f32 v5, v24;
	v19 =	vmul.f32 v19, v19;
	v15 =	vmul.f32 v15, v15  }
0xd1: {  	v10 =	vsel vm2, v10, v16;
	v16 =	vadd.f32 v18, v21;
	v18 =	vld [tilespmem:s16+$0xFFFFFDB0];
	v14 =	vadd.f32 v25, v14  }
0xd2: {  	v56 =	vld [tilespmem:s16+$0x1E0];
	v29 =	vmul.f32 v29, v29;
	v12 =	vadd.f32 v19, v12;
	v15 =	vadd.f32 v15, v17  }
0xd3: {  	v30 =	vld [tilespmem:s16+$0x290];
	v21 =	vperm.xlane v9, v0;
	v25 =	vperm.xlane v20, v0;
	v5 =	vsel vm2, v13, v5  }
0xd4: {  	v54 =	vld [tilespmem:s16+$0xFFFFFDE0];
	v7 =	vadd.f32 v12, v14;
	v14 =	vperm.xlane v5, v1;
	v8 =	vadd.f32 v15, v8  }
0xd5: {  	v24 =	vld [tilespmem:s16+$0xFFFFFE80];
	v13 =	vperm.xlane v10, v1;
	v26 =	vmul.f32 v26, v26;
	v15 =	vadd.f32 v6, v16  }
0xd6: {  	v18 =	vmul.f32 v18, v18;
	v17 =	vld [tilespmem:s16+$0xFFFFFDA0];
	v5 =	vadd.f32 v14, v5;
	v27 =	vadd.f32 v8, v7  }
0xd7: {  	v61 =	vld [tilespmem:s16+$0xFFFFFFC0];
	v6 =	vadd.f32 v10, v13;
	v10 =	vperm.xlane v15, v0;
	v7 =	vadd.f32 v21, v9  }
0xd8: {  	v57 =	vld [tilespmem:s16+$0x1F0];
	v8 =	vadd.f32 v20, v25;
	v21 =	vmul.f32 v44, v44;
	v14 =	vperm.xlane v27, v0  }
0xd9: {  	v19 =	vld [tilespmem:s16+$0xFFFFFD90];
	v25 =	vmul.f32 v31, v31;
	v31 =	vmul.f32 v46, v46;
	v9 =	vadd.f32 v10, v15  }
0xda: {  	v12 =	vld [tilespmem:s16+$0xFFFFFDC0];
	v15 =	vmul.f32 v24, v24;
	v10 =	vadd.f32 v27, v14;
	v14 =	vmul.f32 v23, v23  }
0xdb: {  	v16 =	vld [tilespmem:s16+$0xFFFFFDD0];
	v17 =	vmul.f32 v17, v17;
	v22 =	vadd.f32 v22, v31;
	v27 =	vmul.f32 v45, v45  }
0xdc: {  	v13 =	vld [tilespmem:s16+$0xFFFFFDF0];
	v31 =	vmul.f32 v50, v50;
	v15 =	vadd.f32 v21, v15;
	v11 =	vadd.f32 v14, v11  }
0xdd: {  	v20 =	vld [tilespmem:s16+$0x180];
	v18 =	vadd.f32 v18, v17;
	v14 =	vadd.f32 v27, v25;
	v25 =	vmul.f32 v28, v28  }
0xde: {  	v24 =	vld [tilespmem:s16+$0x190];
	v27 =	vmul.f32 v30, v30;
	v30 =	vmul.f32 v48, v48;
	v11 =	vadd.f32 v11, v15  }
0xdf: {  	v17 =	vld [tilespmem:s16+$0x380];
	v15 =	vmul.f32 v51, v51;
	v14 =	vadd.f32 v22, v14;
	v22 =	vmul.f32 v52, v52  }
0xe0: {  	v19 =	vmul.f32 v19, v19;
	v23 =	vld [tilespmem:s16+$0x1A0];
	v25 =	vadd.f32 v27, v25;
	v27 =	vadd.f32 v31, v30  }
0xe1: {  	v28 =	vld [tilespmem:s16+$0x1D0];
	v15 =	vadd.f32 v29, v15;
	v22 =	vadd.f32 v58, v22  }
0xe2: {  	v19 =	vadd.f32 v19, v26;
	v21 =	vld [tilespmem:s16+$0x1B0]  }
0xe3: {  	v31 =	vld [tilespmem:s16+$0xFFFFFF90];
	v25 =	vadd.f32 v27, v25;
	v15 =	vadd.f32 v22, v15  }
0xe4: {  	v29 =	vld [tilespmem:s16+$0xFFFFFFA0];
	v11 =	vadd.f32 v14, v11;
	v14 =	vmul.f32 v12, v12;
	v22 =	vmul.f32 v16, v16  }
0xe5: {  	v13 =	vmul.f32 v13, v13;
	v16 =	vld [tilespmem:s16+$0xFFFFFFF0];
	v12 =	vadd.f32 v15, v25;
	v25 =	vmul.f32 v54, v54  }
0xe6: {  	v24 =	vmul.f32 v24, v24;
	v26 =	vmul.f32 v28, v28;
	v15 =	vld [tilespmem:s16+$0xFFFFFFE0];
	v14 =	vadd.f32 v22, v14  }
0xe7: {  	v28 =	vmul.f32 v57, v57;
	v22 =	vadd.f32 v13, v25;
	v13 =	vadd.f32 v18, v19;
	v18 =	vld [tilespmem:s16+$0x390]  }
0xe8: {  	v19 =	vmul.f32 v20, v20;
	v20 =	vld [tilespmem:s16+$0x3A0];
	v25 =	vmul.f32 v55, v55  }
0xe9: {  	v14 =	vadd.f32 v22, v14;
	v22 =	vmul.f32 v23, v23;
	v23 =	vmul.f32 v21, v21;
	v21 =	vld [tilespmem:s16+$0x3B0]  }
0xea: {  	v19 =	vadd.f32 v24, v19;
	v24 =	vmul.f32 v56, v56;
	v30 =	vadd.f32 v26, v25;
	v25 =	vld [tilespmem:s16+$0x3F0]  }
0xeb: {  	v32 =	vmul.f32 v62, v62;
	v27 =	vmul.f32 v31, v31;
	v63 =	vadd.f32 v23, v22;
	v22 =	vld [tilespmem:s16+$0x3C0]  }
0xec: {  	v31 =	vmul.f32 v61, v61;
	v26 =	vmul.f32 v59, v59;
	v23 =	vld [tilespmem:s16+$0x3D0];
	v33 =	vadd.f32 v28, v24  }
0xed: {  	s17 =	simm.s32 $0x0;
	s19 =	simm.s32 $0x40;
	v28 =	vmul.f32 v29, v29;
	v29 =	vmul.f32 v60, v60;
	v24 =	vld [tilespmem:s16+$0x3E0];
	v19 =	vadd.f32 v63, v19  }
.LBB2_11:
0xee: {  	p0 =	sne.s32 s19, $0x100;
	v30 =	vadd.f32 v33, v30;
	v15 =	vmul.f32 v15, v15;
	v16 =	vmul.f32 v16, v16  }
0xef: {  	v26 =	vadd.f32 v27, v26;
	v17 =	vmul.f32 v17, v17;
	v18 =	vmul.f32 v18, v18  }
0xf0: {  	v27 =	vadd.f32 v29, v28;
	v20 =	vmul.f32 v20, v20;
	v21 =	vmul.f32 v21, v21  }
0xf1: {  	v28 =	vadd.f32 v32, v31;
	v22 =	vmul.f32 v22, v22;
	v23 =	vmul.f32 v23, v23  }
0xf2: {  	v15 =	vadd.f32 v16, v15;
	v16 =	vmul.f32 v24, v24;
	v24 =	vmul.f32 v25, v25  }
0xf3: {  	v17 =	vadd.f32 v18, v17;
	v18 =	vadd.f32 v21, v20  }
0xf4: {  	v20 =	vadd.f32 v23, v22;
	v16 =	vadd.f32 v24, v16  }
0xf5: {  	v21 =	vadd.f32 v27, v26;
	v15 =	vadd.f32 v15, v28  }
0xf6: {  	v17 =	vadd.f32 v18, v17;
	v16 =	vadd.f32 v16, v20  }
0xf7: {  	v13 =	vadd.f32 v14, v13;
	v14 =	vadd.f32 v30, v19;
	v18 =	vperm.xlane v11, v0  }
0xf8: {  	v19 =	vperm.xlane v12, v0;
	v15 =	vadd.f32 v15, v21;
	v16 =	vadd.f32 v16, v17  }
0xf9: {  	v11 =	vadd.f32 v18, v11;
	v18 =	vperm.xlane v14, v0;
	v17 =	vperm.xlane v13, v0  }
0xfa: {  	v12 =	vadd.f32 v12, v19;
	v19 =	vperm.xlane v15, v0;
	v20 =	vperm.xlane v16, v0  }
0xfb: {  	v7 =	vsel vm2, v7, v8;
	v8 =	vadd.f32 v17, v13;
	v13 =	vadd.f32 v14, v18  }
0xfc: {  	v9 =	vsel vm2, v9, v10;
	v10 =	vadd.f32 v19, v15;
	v14 =	vadd.f32 v16, v20  }
0xfd: {  	v11 =	vsel vm2, v11, v12;
	v12 =	vperm.xlane v9, v1;
	v15 =	vperm.xlane v7, v1  }
0xfe: {  	v16 =	vperm.xlane v11, v1;
	v8 =	vsel vm2, v8, v13;
	v10 =	vsel vm2, v10, v14  }
0xff: {  	v7 =	vadd.f32 v7, v15;
	v13 =	vperm.xlane v8, v1;
	v14 =	vperm.xlane v10, v1  }
0x100: {  	v9 =	vadd.f32 v12, v9;
	v11 =	vadd.f32 v11, v16  }
0x101: {  	v4 =	vsel vm0, v4, v6;
	v6 =	vadd.f32 v13, v8;
	v8 =	vadd.f32 v10, v14  }
0x102: {  	v5 =	vsel vm0, v5, v7;
	v7 =	vperm.xlane v4, v2  }
0x103: {  	v9 =	vsel vm0, v9, v11;
	v10 =	vperm.xlane v5, v2;
	v6 =	vsel vm0, v6, v8  }
0x104: {  	v8 =	vperm.xlane v9, v2;
	v11 =	vperm.xlane v6, v2  }
0x105: {  	v4 =	vadd.f32 v7, v4;
	v5 =	vadd.f32 v5, v10  }
0x106: {  	v7 =	vadd.f32 v8, v9;
	v6 =	vadd.f32 v6, v11;
	_ =	sdelay $0x1  }
0x107: {  	s21 =	sshra.s32 s17, $0x2;
	s17 =	smov.u32 s19;
	v4 =	vsel vm1, v4, v5;
	v5 =	vsel vm1, v7, v6  }
0x108: {  	v6 =	vperm.xlane v4, v3;
	v7 =	vperm.xlane v5, v3;
	v8 =	vld [tilespmem:s21+$0xC780];
	_ =	sdelay $0x1  }
0x109: {  	v4 =	vadd.f32 v6, v4;
	v5 =	vadd.f32 v5, v7;
	v6 =	vld [tilespmem:s21+$0xC980];
	_ =	sdelay $0x1  }
0x10a: {  	v4 =	vsel vm3, v4, v5  }
0x10b: {  	v4 =	vsub.f32 v4, v8;
	_ =	sdelay $0x1  }
0x10c: {  	v4 =	vsub.f32 v4, v6;
	_ =	sdelay $0x1  }
0x10d: {  	v4 =	vmul.f32 $-5.000000000e-01, v4;
	_ =	sdelay $0x1  }
0x10e: {  	v4 =	vadd.f32 $0.0e+00, v4;
	_ =	sdelay $0x1  }
0x10f: {  	v4 =	vmul.f32 $1.442695020e+00, v4;
	_ =	sdelay $0x1  }
0x110: {  	(erf) = vpow2.f32 v4;
	_ =	sdelay $0x8  }
0x111: {  	v4 =	vpop (erf)  }
0x112: {  	v4 =	vadd.f32 $1.000000000e+00, v4;
	_ =	sdelay $0x1  }
0x113: {  	(erf) = vrcp.f32 v4;
	_ =	sdelay $0x8  }
0x114: {  	v4 =	vpop (erf)  }
0x115: {  	s16 =	sadd.s32 $0x800, s16;
	[tilespmem:s21+$0xCB80] =	vst v4  }
0x116: {  	v4 =	vld [tilespmem:s16+$0xFFFFFC00]  }
0x117: {  	v5 =	vld [tilespmem:s16+$0xFFFFFC10]  }
0x118: {  	v6 =	vld [tilespmem:s16+$0xFFFFFC20]  }
0x119: {  	v7 =	vld [tilespmem:s16+$0xFFFFFC30]  }
0x11a: {  	v8 =	vld [tilespmem:s16+$0xFFFFFC40]  }
0x11b: {  	v9 =	vld [tilespmem:s16+$0xFFFFFC50]  }
0x11c: {  	v10 =	vld [tilespmem:s16+$0xFFFFFC60]  }
0x11d: {  	v11 =	vld [tilespmem:s16+$0xFFFFFC70]  }
0x11e: {  	v12 =	vld [tilespmem:s16+$0x0]  }
0x11f: {  	v13 =	vld [tilespmem:s16+$0x10]  }
0x120: {  	v14 =	vld [tilespmem:s16+$0x20]  }
0x121: {  	v15 =	vld [tilespmem:s16+$0x30]  }
0x122: {  	v16 =	vld [tilespmem:s16+$0x40]  }
0x123: {  	v17 =	vld [tilespmem:s16+$0x50]  }
0x124: {  	v18 =	vld [tilespmem:s16+$0x60]  }
0x125: {  	v19 =	vld [tilespmem:s16+$0x70]  }
0x126: {  	v20 =	vld [tilespmem:s16+$0xFFFFFE00]  }
0x127: {  	v21 =	vld [tilespmem:s16+$0xFFFFFE10]  }
0x128: {  	v22 =	vld [tilespmem:s16+$0xFFFFFE20]  }
0x129: {  	v23 =	vld [tilespmem:s16+$0xFFFFFE30]  }
0x12a: {  	v24 =	vld [tilespmem:s16+$0xFFFFFE40]  }
0x12b: {  	v25 =	vld [tilespmem:s16+$0xFFFFFE50]  }
0x12c: {  	v26 =	vld [tilespmem:s16+$0xFFFFFE60]  }
0x12d: {  	v27 =	vld [tilespmem:s16+$0xFFFFFE70]  }
0x12e: {  	v28 =	vld [tilespmem:s16+$0x200]  }
0x12f: {  	v29 =	vld [tilespmem:s16+$0x210]  }
0x130: {  	v30 =	vld [tilespmem:s16+$0x220]  }
0x131: {  	v31 =	vld [tilespmem:s16+$0x230]  }
0x132: {  	v32 =	vld [tilespmem:s16+$0x240]  }
0x133: {  	v33 =	vld [tilespmem:s16+$0x250]  }
0x134: {  	v34 =	vld [tilespmem:s16+$0x260]  }
0x135: {  	v35 =	vld [tilespmem:s16+$0x270]  }
0x136: {  	v36 =	vld [tilespmem:s16+$0xFFFFFD00]  }
0x137: {  	v37 =	vld [tilespmem:s16+$0xFFFFFD10]  }
0x138: {  	v38 =	vld [tilespmem:s16+$0xFFFFFD20]  }
0x139: {  	v39 =	vld [tilespmem:s16+$0xFFFFFD30]  }
0x13a: {  	v40 =	vld [tilespmem:s16+$0xFFFFFD40]  }
0x13b: {  	v4 =	vmul.f32 v4, v4;
	v5 =	vmul.f32 v5, v5;
	v41 =	vld [tilespmem:s16+$0xFFFFFD50]  }
0x13c: {  	v6 =	vmul.f32 v6, v6;
	v7 =	vmul.f32 v7, v7;
	v42 =	vld [tilespmem:s16+$0xFFFFFD60]  }
0x13d: {  	v8 =	vmul.f32 v8, v8;
	v9 =	vmul.f32 v9, v9;
	v43 =	vld [tilespmem:s16+$0xFFFFFD70]  }
0x13e: {  	v10 =	vmul.f32 v10, v10;
	v11 =	vmul.f32 v11, v11;
	v44 =	vld [tilespmem:s16+$0x100]  }
0x13f: {  	v4 =	vadd.f32 v5, v4;
	v5 =	vmul.f32 v12, v12;
	v12 =	vmul.f32 v13, v13;
	v13 =	vld [tilespmem:s16+$0x110]  }
0x140: {  	v6 =	vadd.f32 v7, v6;
	v7 =	vmul.f32 v14, v14;
	v14 =	vmul.f32 v15, v15;
	v15 =	vld [tilespmem:s16+$0x120]  }
0x141: {  	v8 =	vadd.f32 v9, v8;
	v9 =	vmul.f32 v16, v16;
	v16 =	vmul.f32 v17, v17;
	v17 =	vld [tilespmem:s16+$0x130]  }
0x142: {  	v10 =	vadd.f32 v11, v10;
	v11 =	vmul.f32 v18, v18;
	v18 =	vmul.f32 v19, v19;
	v19 =	vld [tilespmem:s16+$0x140]  }
0x143: {  	v5 =	vadd.f32 v12, v5;
	v7 =	vadd.f32 v14, v7;
	v12 =	vld [tilespmem:s16+$0x150]  }
0x144: {  	v9 =	vadd.f32 v16, v9;
	v11 =	vadd.f32 v18, v11;
	v14 =	vld [tilespmem:s16+$0x160]  }
0x145: {  	v4 =	vadd.f32 v6, v4;
	v6 =	vadd.f32 v10, v8;
	v16 =	vld [tilespmem:s16+$0x170]  }
0x146: {  	v8 =	vadd.f32 v7, v5;
	v9 =	vadd.f32 v11, v9;
	v5 =	vld [tilespmem:s16+$0xFFFFFF00]  }
0x147: {  	v4 =	vadd.f32 v6, v4;
	v7 =	vld [tilespmem:s16+$0xFFFFFF10]  }
0x148: {  	v11 =	vadd.f32 v9, v8;
	v6 =	vld [tilespmem:s16+$0xFFFFFF20]  }
0x149: {  	v10 =	vperm.xlane v4, v0;
	v8 =	vld [tilespmem:s16+$0xFFFFFF30]  }
0x14a: {  	v18 =	vperm.xlane v11, v0;
	v9 =	vld [tilespmem:s16+$0xFFFFFF40]  }
0x14b: {  	v20 =	vmul.f32 v20, v20;
	v4 =	vadd.f32 v10, v4;
	v21 =	vmul.f32 v21, v21;
	v10 =	vld [tilespmem:s16+$0xFFFFFF50]  }
0x14c: {  	v22 =	vmul.f32 v22, v22;
	v23 =	vmul.f32 v23, v23;
	v18 =	vadd.f32 v11, v18;
	v11 =	vld [tilespmem:s16+$0xFFFFFF60]  }
0x14d: {  	v20 =	vadd.f32 v21, v20;
	v24 =	vmul.f32 v24, v24;
	v25 =	vmul.f32 v25, v25;
	v21 =	vld [tilespmem:s16+$0xFFFFFF70]  }
0x14e: {  	v22 =	vadd.f32 v23, v22;
	v26 =	vmul.f32 v26, v26;
	v27 =	vmul.f32 v27, v27;
	v23 =	vld [tilespmem:s16+$0x300]  }
0x14f: {  	v24 =	vadd.f32 v25, v24;
	v25 =	vmul.f32 v28, v28;
	v28 =	vmul.f32 v29, v29;
	v29 =	vld [tilespmem:s16+$0x310]  }
0x150: {  	v26 =	vadd.f32 v27, v26;
	v27 =	vmul.f32 v30, v30;
	v30 =	vmul.f32 v31, v31;
	v31 =	vld [tilespmem:s16+$0x320]  }
0x151: {  	v20 =	vadd.f32 v22, v20;
	v22 =	vmul.f32 v32, v32;
	v32 =	vmul.f32 v33, v33;
	v33 =	vld [tilespmem:s16+$0x330]  }
0x152: {  	v24 =	vadd.f32 v26, v24;
	v26 =	vmul.f32 v34, v34;
	v34 =	vmul.f32 v35, v35;
	v35 =	vld [tilespmem:s16+$0x340]  }
0x153: {  	v25 =	vadd.f32 v28, v25;
	v27 =	vadd.f32 v30, v27;
	v28 =	vld [tilespmem:s16+$0x350]  }
0x154: {  	v22 =	vadd.f32 v32, v22;
	v26 =	vadd.f32 v34, v26;
	v30 =	vld [tilespmem:s16+$0x360]  }
0x155: {  	v25 =	vadd.f32 v27, v25;
	v27 =	vmul.f32 v36, v36;
	v32 =	vmul.f32 v37, v37;
	v34 =	vld [tilespmem:s16+$0x370]  }
0x156: {  	v22 =	vadd.f32 v26, v22;
	v26 =	vmul.f32 v38, v38;
	v36 =	vmul.f32 v39, v39;
	v37 =	vld [tilespmem:s16+$0xFFFFFC80]  }
0x157: {  	v20 =	vadd.f32 v24, v20;
	v24 =	vmul.f32 v40, v40;
	v38 =	vmul.f32 v41, v41;
	v39 =	vld [tilespmem:s16+$0xFFFFFC90]  }
0x158: {  	v22 =	vadd.f32 v22, v25;
	v25 =	vmul.f32 v42, v42;
	v40 =	vmul.f32 v43, v43;
	v41 =	vld [tilespmem:s16+$0xFFFFFCA0]  }
0x159: {  	v27 =	vadd.f32 v32, v27;
	v32 =	vmul.f32 v44, v44;
	v13 =	vmul.f32 v13, v13;
	v42 =	vld [tilespmem:s16+$0xFFFFFCB0]  }
0x15a: {  	v26 =	vadd.f32 v36, v26;
	v15 =	vmul.f32 v15, v15;
	v17 =	vmul.f32 v17, v17;
	v36 =	vld [tilespmem:s16+$0xFFFFFCC0]  }
0x15b: {  	v24 =	vadd.f32 v38, v24;
	v19 =	vmul.f32 v19, v19;
	v12 =	vmul.f32 v12, v12;
	v38 =	vld [tilespmem:s16+$0xFFFFFCD0]  }
0x15c: {  	v25 =	vadd.f32 v40, v25;
	v14 =	vmul.f32 v14, v14;
	v16 =	vmul.f32 v16, v16;
	v40 =	vld [tilespmem:s16+$0xFFFFFCE0]  }
0x15d: {  	v13 =	vadd.f32 v13, v32;
	v15 =	vadd.f32 v17, v15;
	v17 =	vld [tilespmem:s16+$0xFFFFFCF0]  }
0x15e: {  	v12 =	vadd.f32 v12, v19;
	v14 =	vadd.f32 v16, v14;
	v16 =	vld [tilespmem:s16+$0x80]  }
0x15f: {  	v24 =	vadd.f32 v25, v24;
	v19 =	vadd.f32 v26, v27;
	v25 =	vld [tilespmem:s16+$0x90]  }
0x160: {  	v4 =	vsel vm2, v4, v18;
	v13 =	vadd.f32 v15, v13;
	v12 =	vadd.f32 v14, v12;
	v14 =	vld [tilespmem:s16+$0xA0]  }
0x161: {  	v15 =	vperm.xlane v4, v1;
	v18 =	vadd.f32 v24, v19;
	v19 =	vld [tilespmem:s16+$0xB0]  }
0x162: {  	v26 =	vperm.xlane v22, v0;
	v24 =	vperm.xlane v20, v0;
	v12 =	vadd.f32 v12, v13;
	v13 =	vld [tilespmem:s16+$0xC0]  }
0x163: {  	v4 =	vadd.f32 v15, v4;
	v15 =	vperm.xlane v18, v0;
	v27 =	vld [tilespmem:s16+$0xD0]  }
0x164: {  	v22 =	vadd.f32 v22, v26;
	v20 =	vadd.f32 v24, v20;
	v24 =	vperm.xlane v12, v0;
	v26 =	vld [tilespmem:s16+$0xE0]  }
0x165: {  	v5 =	vmul.f32 v5, v5;
	v7 =	vmul.f32 v7, v7;
	v15 =	vadd.f32 v15, v18;
	v18 =	vld [tilespmem:s16+$0xF0]  }
0x166: {  	v6 =	vmul.f32 v6, v6;
	v8 =	vmul.f32 v8, v8;
	v12 =	vadd.f32 v12, v24;
	v24 =	vld [tilespmem:s16+$0xFFFFFE80]  }
0x167: {  	v5 =	vadd.f32 v7, v5;
	v9 =	vmul.f32 v9, v9;
	v10 =	vmul.f32 v10, v10;
	v32 =	vld [tilespmem:s16+$0xFFFFFE90]  }
0x168: {  	v6 =	vadd.f32 v8, v6;
	v7 =	vmul.f32 v11, v11;
	v11 =	vmul.f32 v21, v21;
	v21 =	vld [tilespmem:s16+$0xFFFFFEA0]  }
0x169: {  	v8 =	vadd.f32 v10, v9;
	v9 =	vmul.f32 v23, v23;
	v10 =	vmul.f32 v29, v29;
	v23 =	vld [tilespmem:s16+$0xFFFFFEB0]  }
0x16a: {  	v7 =	vadd.f32 v11, v7;
	v11 =	vmul.f32 v31, v31;
	v29 =	vmul.f32 v33, v33;
	v31 =	vld [tilespmem:s16+$0xFFFFFEC0]  }
0x16b: {  	v5 =	vadd.f32 v6, v5;
	v6 =	vmul.f32 v35, v35;
	v28 =	vmul.f32 v28, v28;
	v33 =	vld [tilespmem:s16+$0xFFFFFED0]  }
0x16c: {  	v7 =	vadd.f32 v7, v8;
	v8 =	vmul.f32 v30, v30;
	v30 =	vmul.f32 v34, v34;
	v34 =	vld [tilespmem:s16+$0xFFFFFEE0]  }
0x16d: {  	v9 =	vadd.f32 v10, v9;
	v10 =	vadd.f32 v29, v11;
	v11 =	vld [tilespmem:s16+$0xFFFFFEF0]  }
0x16e: {  	v6 =	vadd.f32 v28, v6;
	v8 =	vadd.f32 v30, v8;
	v28 =	vld [tilespmem:s16+$0x280]  }
0x16f: {  	v9 =	vadd.f32 v10, v9;
	v10 =	vmul.f32 v37, v37;
	v29 =	vmul.f32 v39, v39;
	v30 =	vld [tilespmem:s16+$0x290]  }
0x170: {  	v6 =	vadd.f32 v8, v6;
	v8 =	vmul.f32 v41, v41;
	v35 =	vmul.f32 v42, v42;
	v37 =	vld [tilespmem:s16+$0x2A0]  }
0x171: {  	v7 =	vadd.f32 v7, v5;
	v5 =	vmul.f32 v36, v36;
	v36 =	vmul.f32 v38, v38;
	v38 =	vld [tilespmem:s16+$0x2B0]  }
0x172: {  	v9 =	vadd.f32 v6, v9;
	v6 =	vmul.f32 v40, v40;
	v17 =	vmul.f32 v17, v17;
	v39 =	vld [tilespmem:s16+$0x2C0]  }
0x173: {  	v10 =	vadd.f32 v29, v10;
	v16 =	vmul.f32 v16, v16;
	v25 =	vmul.f32 v25, v25;
	v29 =	vld [tilespmem:s16+$0x2D0]  }
0x174: {  	v8 =	vadd.f32 v35, v8;
	v14 =	vmul.f32 v14, v14;
	v19 =	vmul.f32 v19, v19;
	v35 =	vld [tilespmem:s16+$0x2E0]  }
0x175: {  	v5 =	vadd.f32 v36, v5;
	v13 =	vmul.f32 v13, v13;
	v27 =	vmul.f32 v27, v27;
	v36 =	vld [tilespmem:s16+$0x2F0]  }
0x176: {  	v6 =	vadd.f32 v17, v6;
	v17 =	vmul.f32 v26, v26;
	v18 =	vmul.f32 v18, v18;
	v26 =	vld [tilespmem:s16+$0xFFFFFD80]  }
0x177: {  	v16 =	vadd.f32 v25, v16;
	v14 =	vadd.f32 v19, v14;
	v19 =	vld [tilespmem:s16+$0xFFFFFD90]  }
0x178: {  	v13 =	vadd.f32 v27, v13;
	v17 =	vadd.f32 v18, v17;
	v18 =	vld [tilespmem:s16+$0xFFFFFDA0]  }
0x179: {  	v20 =	vsel vm2, v20, v22;
	v8 =	vadd.f32 v8, v10;
	v5 =	vadd.f32 v6, v5;
	v22 =	vld [tilespmem:s16+$0xFFFFFDB0]  }
0x17a: {  	v10 =	vsel vm2, v15, v12;
	v6 =	vadd.f32 v14, v16;
	v12 =	vadd.f32 v17, v13;
	v13 =	vld [tilespmem:s16+$0xFFFFFDC0]  }
0x17b: {  	v15 =	vperm.xlane v10, v1;
	v14 =	vperm.xlane v20, v1;
	v16 =	vadd.f32 v5, v8;
	v17 =	vld [tilespmem:s16+$0xFFFFFDD0]  }
0x17c: {  	v25 =	vperm.xlane v9, v0;
	v8 =	vperm.xlane v7, v0;
	v12 =	vadd.f32 v12, v6;
	v27 =	vld [tilespmem:s16+$0xFFFFFDE0]  }
0x17d: {  	v5 =	vadd.f32 v15, v10;
	v10 =	vperm.xlane v16, v0;
	v6 =	vadd.f32 v20, v14;
	v14 =	vld [tilespmem:s16+$0xFFFFFDF0]  }
0x17e: {  	v7 =	vadd.f32 v8, v7;
	v8 =	vadd.f32 v9, v25;
	v15 =	vperm.xlane v12, v0;
	v20 =	vld [tilespmem:s16+$0x180]  }
0x17f: {  	v9 =	vadd.f32 v10, v16;
	v16 =	vmul.f32 v24, v24;
	v24 =	vmul.f32 v32, v32;
	v25 =	vld [tilespmem:s16+$0x190]  }
0x180: {  	v10 =	vadd.f32 v12, v15;
	v12 =	vmul.f32 v21, v21;
	v15 =	vmul.f32 v23, v23;
	v21 =	vld [tilespmem:s16+$0x1A0]  }
0x181: {  	v16 =	vadd.f32 v24, v16;
	v23 =	vmul.f32 v31, v31;
	v31 =	vmul.f32 v33, v33;
	v24 =	vld [tilespmem:s16+$0x1B0]  }
0x182: {  	v32 =	vmul.f32 v34, v34;
	v11 =	vmul.f32 v11, v11;
	v12 =	vadd.f32 v15, v12;
	v33 =	vld [tilespmem:s16+$0x1C0]  }
0x183: {  	v15 =	vadd.f32 v31, v23;
	v23 =	vmul.f32 v28, v28;
	v28 =	vmul.f32 v30, v30;
	v30 =	vld [tilespmem:s16+$0x1D0]  }
0x184: {  	v11 =	vadd.f32 v11, v32;
	v31 =	vmul.f32 v37, v37;
	v32 =	vmul.f32 v38, v38;
	v34 =	vld [tilespmem:s16+$0x1E0]  }
0x185: {  	v12 =	vadd.f32 v12, v16;
	v16 =	vmul.f32 v39, v39;
	v29 =	vmul.f32 v29, v29;
	v37 =	vld [tilespmem:s16+$0x1F0]  }
0x186: {  	v11 =	vadd.f32 v11, v15;
	v15 =	vmul.f32 v35, v35;
	v35 =	vmul.f32 v36, v36;
	v36 =	vld [tilespmem:s16+$0xFFFFFF80]  }
0x187: {  	v23 =	vadd.f32 v28, v23;
	v28 =	vadd.f32 v32, v31;
	v31 =	vld [tilespmem:s16+$0xFFFFFF90]  }
0x188: {  	v16 =	vadd.f32 v29, v16;
	v15 =	vadd.f32 v35, v15;
	v29 =	vld [tilespmem:s16+$0xFFFFFFA0]  }
0x189: {  	v23 =	vadd.f32 v28, v23;
	v26 =	vmul.f32 v26, v26;
	v19 =	vmul.f32 v19, v19;
	v32 =	vld [tilespmem:s16+$0xFFFFFFB0]  }
0x18a: {  	v15 =	vadd.f32 v15, v16;
	v16 =	vmul.f32 v18, v18;
	v18 =	vmul.f32 v22, v22;
	v35 =	vld [tilespmem:s16+$0xFFFFFFC0]  }
0x18b: {  	v11 =	vadd.f32 v11, v12;
	v13 =	vmul.f32 v13, v13;
	v17 =	vmul.f32 v17, v17;
	v38 =	vld [tilespmem:s16+$0xFFFFFFD0]  }
0x18c: {  	v12 =	vadd.f32 v15, v23;
	v22 =	vmul.f32 v27, v27;
	v14 =	vmul.f32 v14, v14;
	v15 =	vld [tilespmem:s16+$0xFFFFFFE0]  }
0x18d: {  	v19 =	vadd.f32 v19, v26;
	v18 =	vadd.f32 v18, v16;
	v16 =	vld [tilespmem:s16+$0xFFFFFFF0]  }
0x18e: {  	v23 =	vadd.f32 v17, v13;
	v14 =	vadd.f32 v14, v22;
	v17 =	vld [tilespmem:s16+$0x380]  }
0x18f: {  	v13 =	vadd.f32 v18, v19;
	v19 =	vmul.f32 v20, v20;
	v22 =	vmul.f32 v25, v25;
	v18 =	vld [tilespmem:s16+$0x390]  }
0x190: {  	v14 =	vadd.f32 v14, v23;
	v23 =	vmul.f32 v21, v21;
	v24 =	vmul.f32 v24, v24;
	v20 =	vld [tilespmem:s16+$0x3A0]  }
.Ltmp6:
0x191: {  	v19 =	vadd.f32 v22, v19;
	v25 =	vmul.f32 v33, v33;
	v26 =	vmul.f32 v30, v30;
	v21 =	vld [tilespmem:s16+$0x3B0];
	(pc) =	sbr.rel @p0 .LBB2_11-.Ltmp6, $4  }
0x192: {  	v28 =	vmul.f32 v34, v34;
	v34 =	vadd.f32 v24, v23;
	v33 =	vmul.f32 v37, v37;
	v22 =	vld [tilespmem:s16+$0x3C0]  }
0x193: {  	v30 =	vadd.f32 v26, v25;
	v26 =	vmul.f32 v36, v36;
	v27 =	vmul.f32 v31, v31;
	v23 =	vld [tilespmem:s16+$0x3D0]  }
0x194: {  	v33 =	vadd.f32 v33, v28;
	v28 =	vmul.f32 v29, v29;
	v29 =	vmul.f32 v32, v32;
	v24 =	vld [tilespmem:s16+$0x3E0]  }
0x195: {  	s19 =	sadd.s32 $0x40, s19;
	v19 =	vadd.f32 v34, v19;
	v31 =	vmul.f32 v35, v35;
	v32 =	vmul.f32 v38, v38;
	v25 =	vld [tilespmem:s16+$0x3F0]  }
0x196: {  	v30 =	vadd.f32 v33, v30;
	v15 =	vmul.f32 v15, v15;
	v16 =	vmul.f32 v16, v16  }
0x197: {  	v26 =	vadd.f32 v27, v26;
	v17 =	vmul.f32 v17, v17;
	v18 =	vmul.f32 v18, v18  }
0x198: {  	v33 =	vadd.f32 v29, v28;
	v20 =	vmul.f32 v20, v20;
	v21 =	vmul.f32 v21, v21  }
0x199: {  	v34 =	vadd.f32 v32, v31;
	v22 =	vmul.f32 v22, v22;
	v23 =	vmul.f32 v23, v23  }
0x19a: {  	v15 =	vadd.f32 v16, v15;
	v35 =	vmul.f32 v24, v24;
	v36 =	vmul.f32 v25, v25  }
0x19b: {  	v17 =	vadd.f32 v18, v17;
	v37 =	vadd.f32 v21, v20  }
0x19c: {  	v38 =	vadd.f32 v23, v22;
	v16 =	vadd.f32 v36, v35  }
0x19d: {  	v39 =	vadd.f32 v33, v26;
	v15 =	vadd.f32 v15, v34  }
0x19e: {  	v17 =	vadd.f32 v37, v17;
	v16 =	vadd.f32 v16, v38  }
0x19f: {  	v40 =	vperm.xlane v11, v0;
	v13 =	vadd.f32 v14, v13;
	v41 =	vadd.f32 v30, v19  }
0x1a0: {  	v42 =	vperm.xlane v12, v0;
	v15 =	vadd.f32 v15, v39;
	v16 =	vadd.f32 v16, v17  }
0x1a1: {  	v11 =	vadd.f32 v40, v11;
	v43 =	vperm.xlane v13, v0;
	v44 =	vperm.xlane v41, v0  }
0x1a2: {  	v12 =	vadd.f32 v12, v42;
	v45 =	vperm.xlane v15, v0;
	v46 =	vperm.xlane v16, v0  }
0x1a3: {  	v7 =	vsel vm2, v7, v8;
	v47 =	vadd.f32 v43, v13;
	v48 =	vadd.f32 v41, v44  }
0x1a4: {  	v9 =	vsel vm2, v9, v10;
	v49 =	vadd.f32 v45, v15;
	v50 =	vadd.f32 v16, v46  }
0x1a5: {  	v51 =	vperm.xlane v7, v1;
	v52 =	vperm.xlane v9, v1;
	v11 =	vsel vm2, v11, v12  }
0x1a6: {  	v53 =	vperm.xlane v11, v1;
	v8 =	vsel vm2, v47, v48;
	v10 =	vsel vm2, v49, v50  }
0x1a7: {  	v7 =	vadd.f32 v7, v51;
	v13 =	vperm.xlane v8, v1;
	v14 =	vperm.xlane v10, v1  }
0x1a8: {  	v9 =	vadd.f32 v52, v9;
	v11 =	vadd.f32 v11, v53  }
0x1a9: {  	v4 =	vsel vm0, v4, v6;
	v54 =	vadd.f32 v13, v8;
	v55 =	vadd.f32 v10, v14  }
0x1aa: {  	v56 =	vperm.xlane v4, v2;
	v5 =	vsel vm0, v5, v7  }
0x1ab: {  	v57 =	vperm.xlane v5, v2;
	v9 =	vsel vm0, v9, v11;
	v6 =	vsel vm0, v54, v55  }
0x1ac: {  	v58 =	vperm.xlane v9, v2;
	v59 =	vperm.xlane v6, v2  }
0x1ad: {  	v4 =	vadd.f32 v56, v4;
	v5 =	vadd.f32 v5, v57  }
0x1ae: {  	v60 =	vadd.f32 v58, v9;
	v6 =	vadd.f32 v6, v59;
	_ =	sdelay $0x1  }
0x1af: {  	s17 =	sshra.s32 s17, $0x2;
	v4 =	vsel vm1, v4, v5;
	v5 =	vsel vm1, v60, v6  }
0x1b0: {  	v62 =	vld [tilespmem:s17+$0xC780];
	v61 =	vperm.xlane v4, v3;
	v7 =	vperm.xlane v5, v3;
	_ =	sdelay $0x1  }
0x1b1: {  	v63 =	vld [tilespmem:s17+$0xC980];
	v4 =	vadd.f32 v61, v4;
	v5 =	vadd.f32 v5, v7;
	_ =	sdelay $0x1  }
0x1b2: {  	v4 =	vsel vm3, v4, v5  }
0x1b3: {  	v4 =	vsub.f32 v4, v62;
	_ =	sdelay $0x1  }
0x1b4: {  	v4 =	vsub.f32 v4, v63;
	_ =	sdelay $0x1  }
0x1b5: {  	v4 =	vmul.f32 $-5.000000000e-01, v4;
	_ =	sdelay $0x1  }
0x1b6: {  	v4 =	vadd.f32 $0.0e+00, v4;
	_ =	sdelay $0x1  }
0x1b7: {  	v4 =	vmul.f32 $1.442695020e+00, v4;
	_ =	sdelay $0x1  }
0x1b8: {  	(erf) = vpow2.f32 v4;
	_ =	sdelay $0x8  }
0x1b9: {  	v4 =	vpop (erf)  }
0x1ba: {  	v4 =	vadd.f32 $1.000000000e+00, v4;
	_ =	sdelay $0x1  }
0x1bb: {  	(erf) = vrcp.f32 v4;
	_ =	sdelay $0x5  }
0x1bc: {  	s16 =	smul.u32 $0x50, s12;
	p0 =	sgt.u32 s12, $0x79  }
.Ltmp7:
0x1bd: {  	_ = 	snop;
	(pc) =	sbr.rel @!p0 .LBB2_13-.Ltmp7, $4  }
0x1be: {  	s19 =	sadd.s32 s7, s16  }
0x1bf: {  	s19 =	sshrl.u32 s19, $0x3;
	v4 =	vpop (erf)  }
0x1c0: {  	s21 =	sadd.s32 s5, s19;
	[tilespmem:s17+$0xCB80] =	vst v4  }
0x1c1: {  	[hbm4b:s21+s6] =	stream.linear.scatter [tilespmem:s10], [sflag:$0xB], $0x50, $0x38;
	[tilespmem:$0xCD00] =	vst v63  }
0x1c2: {  	p0 =	sne.s32 s12, $0x7A  }
.Ltmp8:
0x1c3: {  	_ = 	snop;
	(pc) =	sbr.rel @p0 .LBB2_22-.Ltmp8, $4  }
.Ltmp9:
0x1c4: {  	_ = 	snop;
	(pc) =	sbr.rel @!p0 .LBB2_15-.Ltmp9, $4  }
0x1c5: {  	_ = 	snop  }
0x1c6: {  	_ = 	snop  }
0x1c7: {  	_ = 	snop  }
0x1c8: {  	_ = 	snop  }
.LBB2_16:
0x1c9: {  	_ =	swait.ge [sflag:s30], $0x2800  }
0x1ca: {  	[sflag:s30] =	ssyncset.done $0x0  }
0x1cb: {  	[sflag:s30] =	ssyncadd.s32 $0xFFFFD800  }
0x1cc: {  	_ =	swait.ge [sflag:s31], $0x50  }
0x1cd: {  	[sflag:s31] =	ssyncset.done $0x0  }
0x1ce: {  	[sflag:s31] =	ssyncadd.s32 $0xFFFFFFB0  }
0x1cf: {  	_ =	swait.ge [sflag:s31], $0x50  }
0x1d0: {  	[sflag:s31] =	ssyncset.done $0x0  }
0x1d1: {  	s16 =	simm.s32 @!p0 $0xC;
	[sflag:s31] =	ssyncadd.s32 $0xFFFFFFB0  }
0x1d2: {  	_ =	swait.ge @!p0 [sflag:s16], $0x50  }
0x1d3: {  	[sflag:s16] =	ssyncset.done @!p0 $0x0  }
0x1d4: {  	[sflag:s16] =	ssyncadd.s32 @!p0 $0xFFFFFFB0;
	s16 =	simm.s32 $0xA300  }
0x1d5: {  	v4 =	vld [tilespmem:s16+$0xFFFFFC00]  }
0x1d6: {  	v5 =	vld [tilespmem:s16+$0xFFFFFC10]  }
0x1d7: {  	v6 =	vld [tilespmem:s16+$0xFFFFFC20]  }
0x1d8: {  	v7 =	vld [tilespmem:s16+$0xFFFFFC30]  }
0x1d9: {  	v8 =	vld [tilespmem:s16+$0xFFFFFC40]  }
0x1da: {  	v9 =	vld [tilespmem:s16+$0xFFFFFC50]  }
0x1db: {  	v10 =	vld [tilespmem:s16+$0xFFFFFC60]  }
0x1dc: {  	v11 =	vld [tilespmem:s16+$0xFFFFFC70]  }
0x1dd: {  	v12 =	vld [tilespmem:s16+$0x0]  }
0x1de: {  	v13 =	vld [tilespmem:s16+$0x10]  }
0x1df: {  	v14 =	vld [tilespmem:s16+$0x20]  }
0x1e0: {  	v15 =	vld [tilespmem:s16+$0x30]  }
0x1e1: {  	v16 =	vld [tilespmem:s16+$0x40]  }
0x1e2: {  	v17 =	vld [tilespmem:s16+$0x50]  }
0x1e3: {  	v18 =	vld [tilespmem:s16+$0x60]  }
0x1e4: {  	v19 =	vld [tilespmem:s16+$0x70]  }
0x1e5: {  	v20 =	vld [tilespmem:s16+$0xFFFFFE00]  }
0x1e6: {  	v21 =	vld [tilespmem:s16+$0xFFFFFE10]  }
0x1e7: {  	v22 =	vld [tilespmem:s16+$0xFFFFFE20]  }
0x1e8: {  	v23 =	vld [tilespmem:s16+$0xFFFFFE30]  }
0x1e9: {  	v24 =	vld [tilespmem:s16+$0xFFFFFE40]  }
0x1ea: {  	v25 =	vld [tilespmem:s16+$0xFFFFFE50]  }
0x1eb: {  	v26 =	vld [tilespmem:s16+$0xFFFFFE60]  }
0x1ec: {  	v27 =	vld [tilespmem:s16+$0xFFFFFE70]  }
0x1ed: {  	v28 =	vld [tilespmem:s16+$0x200]  }
0x1ee: {  	v29 =	vld [tilespmem:s16+$0x210]  }
0x1ef: {  	v30 =	vld [tilespmem:s16+$0x220]  }
0x1f0: {  	v31 =	vld [tilespmem:s16+$0x230]  }
0x1f1: {  	v32 =	vld [tilespmem:s16+$0x240]  }
0x1f2: {  	v33 =	vld [tilespmem:s16+$0x250]  }
0x1f3: {  	v34 =	vld [tilespmem:s16+$0x260]  }
0x1f4: {  	v35 =	vld [tilespmem:s16+$0x270]  }
0x1f5: {  	v36 =	vld [tilespmem:s16+$0xFFFFFD00]  }
0x1f6: {  	v37 =	vld [tilespmem:s16+$0xFFFFFD10]  }
0x1f7: {  	v38 =	vld [tilespmem:s16+$0xFFFFFD20]  }
0x1f8: {  	v39 =	vld [tilespmem:s16+$0xFFFFFD30]  }
0x1f9: {  	v40 =	vld [tilespmem:s16+$0xFFFFFD40]  }
0x1fa: {  	v41 =	vld [tilespmem:s16+$0xFFFFFD50]  }
0x1fb: {  	v42 =	vld [tilespmem:s16+$0xFFFFFD60]  }
0x1fc: {  	v43 =	vld [tilespmem:s16+$0xFFFFFD70]  }
0x1fd: {  	v44 =	vld [tilespmem:s16+$0x100]  }
0x1fe: {  	v48 =	vld [tilespmem:s16+$0x330]  }
0x1ff: {  	v50 =	vld [tilespmem:s16+$0x340];
	v4 =	vmul.f32 v4, v4  }
0x200: {  	v52 =	vld [tilespmem:s16+$0x370];
	v5 =	vmul.f32 v5, v5;
	v6 =	vmul.f32 v6, v6  }
0x201: {  	v54 =	vld [tilespmem:s16+$0xFFFFFC80];
	v7 =	vmul.f32 v7, v7;
	v8 =	vmul.f32 v8, v8  }
0x202: {  	v56 =	vld [tilespmem:s16+$0xFFFFFC90];
	v9 =	vmul.f32 v9, v9;
	v10 =	vmul.f32 v10, v10  }
0x203: {  	v58 =	vld [tilespmem:s16+$0xFFFFFCA0];
	v11 =	vmul.f32 v11, v11;
	v24 =	vmul.f32 v24, v24  }
0x204: {  	v60 =	vld [tilespmem:s16+$0xFFFFFCB0];
	v25 =	vmul.f32 v25, v25;
	v26 =	vmul.f32 v26, v26  }
0x205: {  	v61 =	vld [tilespmem:s16+$0xFFFFFCC0];
	v27 =	vmul.f32 v27, v27;
	v47 =	vmul.f32 v33, v33  }
0x206: {  	v62 =	vld [tilespmem:s16+$0xFFFFFCD0];
	v49 =	vmul.f32 v35, v35;
	v51 =	vmul.f32 v37, v37  }
0x207: {  	v63 =	vld [tilespmem:s16+$0xFFFFFCE0];
	v53 =	vmul.f32 v39, v39;
	v59 =	vmul.f32 v44, v44  }
0x208: {  	v45 =	vld [tilespmem:s16+$0xFFFFFED0];
	v4 =	vadd.f32 v5, v4;
	v5 =	vmul.f32 v12, v12;
	v12 =	vmul.f32 v13, v13  }
0x209: {  	v46 =	vld [tilespmem:s16+$0xFFFFFEE0];
	v6 =	vadd.f32 v7, v6;
	v7 =	vmul.f32 v14, v14;
	v14 =	vmul.f32 v15, v15  }
0x20a: {  	v44 =	vld [tilespmem:s16+$0xFFFFFE90];
	v8 =	vadd.f32 v9, v8;
	v9 =	vmul.f32 v16, v16;
	v16 =	vmul.f32 v17, v17  }
0x20b: {  	v13 =	vld [tilespmem:s16+$0x110];
	v10 =	vadd.f32 v11, v10;
	v11 =	vmul.f32 v18, v18;
	v18 =	vmul.f32 v19, v19  }
0x20c: {  	v15 =	vld [tilespmem:s16+$0x120];
	v24 =	vadd.f32 v25, v24;
	v25 =	vmul.f32 v28, v28;
	v26 =	vadd.f32 v27, v26  }
0x20d: {  	v17 =	vld [tilespmem:s16+$0x130];
	v28 =	vmul.f32 v29, v29;
	v5 =	vadd.f32 v12, v5;
	v7 =	vadd.f32 v14, v7  }
0x20e: {  	v19 =	vld [tilespmem:s16+$0x140];
	v27 =	vmul.f32 v30, v30;
	v9 =	vadd.f32 v16, v9;
	v11 =	vadd.f32 v18, v11  }
0x20f: {  	v29 =	vld [tilespmem:s16+$0x310];
	v30 =	vmul.f32 v31, v31;
	v4 =	vadd.f32 v6, v4;
	v6 =	vadd.f32 v10, v8  }
0x210: {  	v12 =	vld [tilespmem:s16+$0x150];
	v24 =	vadd.f32 v26, v24;
	v26 =	vmul.f32 v34, v34;
	v25 =	vadd.f32 v28, v25  }
0x211: {  	v55 =	vmul.f32 v41, v41;
	v14 =	vld [tilespmem:s16+$0x160];
	v27 =	vadd.f32 v30, v27;
	v5 =	vadd.f32 v7, v5  }
0x212: {  	v57 =	vmul.f32 v43, v43;
	v8 =	vld [tilespmem:s16+$0x170];
	v7 =	vadd.f32 v11, v9;
	v26 =	vadd.f32 v49, v26  }
0x213: {  	v18 =	vld [tilespmem:s16+$0xFFFFFF40];
	v25 =	vadd.f32 v27, v25;
	v27 =	vmul.f32 v36, v36;
	v49 =	vmul.f32 v62, v62  }
0x214: {  	v28 =	vld [tilespmem:s16+$0x350];
	v4 =	vadd.f32 v6, v4;
	v13 =	vmul.f32 v13, v13;
	v15 =	vmul.f32 v15, v15  }
0x215: {  	v9 =	vld [tilespmem:s16+$0xFFFFFF00];
	v17 =	vmul.f32 v17, v17;
	v19 =	vmul.f32 v19, v19  }
0x216: {  	v6 =	vld [tilespmem:s16+$0xFFFFFF10];
	v5 =	vadd.f32 v7, v5;
	v10 =	vperm.xlane v4, v0;
	v12 =	vmul.f32 v12, v12  }
0x217: {  	v31 =	vld [tilespmem:s16+$0x320];
	v27 =	vadd.f32 v51, v27;
	v14 =	vmul.f32 v14, v14;
	v8 =	vmul.f32 v8, v8  }
0x218: {  	v11 =	vld [tilespmem:s16+$0xFFFFFF30];
	v13 =	vadd.f32 v13, v59;
	v15 =	vadd.f32 v17, v15;
	v18 =	vmul.f32 v18, v18  }
0x219: {  	v7 =	vld [tilespmem:s16+$0xFFFFFF20];
	v28 =	vmul.f32 v28, v28;
	v16 =	vperm.xlane v5, v0;
	v4 =	vadd.f32 v10, v4  }
0x21a: {  	v17 =	vld [tilespmem:s16+$0xFFFFFCF0];
	v10 =	vmul.f32 v20, v20;
	v20 =	vmul.f32 v21, v21;
	v12 =	vadd.f32 v12, v19  }
0x21b: {  	v21 =	vld [tilespmem:s16+$0xFFFFFF50];
	v8 =	vadd.f32 v8, v14;
	v9 =	vmul.f32 v9, v9;
	v6 =	vmul.f32 v6, v6  }
0x21c: {  	v14 =	vld [tilespmem:s16+$0x80];
	v5 =	vadd.f32 v5, v16;
	v16 =	vmul.f32 v22, v22;
	v22 =	vmul.f32 v23, v23  }
0x21d: {  	v11 =	vmul.f32 v11, v11;
	v23 =	vld [tilespmem:s16+$0xFFFFFF60];
	v10 =	vadd.f32 v20, v10;
	v8 =	vadd.f32 v8, v12  }
0x21e: {  	v20 =	vld [tilespmem:s16+$0xFFFFFF70];
	v7 =	vmul.f32 v7, v7;
	v6 =	vadd.f32 v6, v9;
	v16 =	vadd.f32 v22, v16  }
0x21f: {  	v30 =	vld [tilespmem:s16+$0x360];
	v4 =	vsel vm2, v4, v5;
	v5 =	vadd.f32 v15, v13;
	v17 =	vmul.f32 v17, v17  }
0x220: {  	v12 =	vld [tilespmem:s16+$0xA0];
	v13 =	vperm.xlane v4, v1;
	v21 =	vmul.f32 v21, v21;
	v7 =	vadd.f32 v11, v7  }
0x221: {  	v22 =	vld [tilespmem:s16+$0x300];
	v10 =	vadd.f32 v16, v10;
	v16 =	vmul.f32 v32, v32;
	v5 =	vadd.f32 v8, v5  }
0x222: {  	v62 =	vld [tilespmem:s16+$0xFFFFFFD0];
	v14 =	vmul.f32 v14, v14;
	v4 =	vadd.f32 v13, v4;
	v9 =	vmul.f32 v23, v23  }
0x223: {  	v51 =	vld [tilespmem:s16+$0x2C0];
	v20 =	vmul.f32 v20, v20;
	v6 =	vadd.f32 v7, v6;
	v7 =	vmul.f32 v50, v50  }
0x224: {  	v59 =	vld [tilespmem:s16+$0xFFFFFF80];
	v16 =	vadd.f32 v47, v16;
	v10 =	vadd.f32 v24, v10;
	v24 =	vmul.f32 v40, v40  }
0x225: {  	v11 =	vld [tilespmem:s16+$0xFFFFFEA0];
	v18 =	vadd.f32 v21, v18;
	v47 =	vmul.f32 v60, v60;
	v12 =	vmul.f32 v12, v12  }
0x226: {  	v8 =	vld [tilespmem:s16+$0xC0];
	v21 =	vmul.f32 v22, v22;
	v22 =	vmul.f32 v29, v29;
	v16 =	vadd.f32 v26, v16  }
0x227: {  	v23 =	vld [tilespmem:s16+$0xFFFFFEB0];
	v9 =	vadd.f32 v20, v9;
	v20 =	vmul.f32 v31, v31;
	v7 =	vadd.f32 v28, v7  }
0x228: {  	v50 =	vld [tilespmem:s16+$0x2B0];
	v26 =	vmul.f32 v38, v38;
	v16 =	vadd.f32 v16, v25;
	v25 =	vmul.f32 v42, v42  }
0x229: {  	v60 =	vld [tilespmem:s16+$0xFFFFFFB0];
	v29 =	vmul.f32 v48, v48;
	v24 =	vadd.f32 v55, v24;
	v9 =	vadd.f32 v9, v18  }
0x22a: {  	v31 =	vld [tilespmem:s16+$0xFFFFFEC0];
	v18 =	vmul.f32 v30, v30;
	v26 =	vadd.f32 v53, v26;
	v25 =	vadd.f32 v57, v25  }
0x22b: {  	v28 =	vld [tilespmem:s16+$0x280];
	v30 =	vmul.f32 v52, v52;
	v21 =	vadd.f32 v22, v21;
	v20 =	vadd.f32 v29, v20  }
0x22c: {  	v11 =	vmul.f32 v11, v11;
	v22 =	vld [tilespmem:s16+$0xFFFFFEF0];
	v19 =	vadd.f32 v26, v27;
	v24 =	vadd.f32 v25, v24  }
0x22d: {  	v29 =	vmul.f32 v56, v56;
	v8 =	vmul.f32 v8, v8;
	v53 =	vld [tilespmem:s16+$0x2F0];
	v18 =	vadd.f32 v30, v18  }
0x22e: {  	v20 =	vadd.f32 v20, v21;
	v26 =	vperm.xlane v16, v0;
	v27 =	vld [tilespmem:s16+$0xD0];
	v15 =	vadd.f32 v24, v19  }
0x22f: {  	v21 =	vmul.f32 v54, v54;
	v9 =	vadd.f32 v9, v6;
	v6 =	vmul.f32 v61, v61;
	v25 =	vld [tilespmem:s16+$0x90]  }
0x230: {  	v7 =	vadd.f32 v18, v7;
	v16 =	vadd.f32 v16, v26;
	v26 =	vld [tilespmem:s16+$0xE0];
	v13 =	vperm.xlane v15, v0  }
0x231: {  	v18 =	vmul.f32 v58, v58;
	v21 =	vadd.f32 v29, v21;
	v6 =	vadd.f32 v49, v6;
	v19 =	vld [tilespmem:s16+$0xB0]  }
0x232: {  	v20 =	vadd.f32 v7, v20;
	v7 =	vmul.f32 v63, v63;
	v13 =	vadd.f32 v13, v15;
	v15 =	vld [tilespmem:s16+$0xF0]  }
0x233: {  	v48 =	vld [tilespmem:s16+$0x2A0];
	v22 =	vmul.f32 v22, v22;
	v18 =	vadd.f32 v47, v18;
	v24 =	vperm.xlane v10, v0  }
0x234: {  	v29 =	vld [tilespmem:s16+$0x2D0];
	v58 =	vmul.f32 v53, v53;
	v27 =	vmul.f32 v27, v27;
	v7 =	vadd.f32 v17, v7  }
0x235: {  	v55 =	vld [tilespmem:s16+$0x1C0];
	v10 =	vadd.f32 v24, v10;
	v24 =	vperm.xlane v5, v0;
	v25 =	vmul.f32 v25, v25  }
0x236: {  	v52 =	vld [tilespmem:s16+$0x2E0];
	v17 =	vmul.f32 v26, v26;
	v8 =	vadd.f32 v27, v8;
	v6 =	vadd.f32 v7, v6  }
0x237: {  	v26 =	vld [tilespmem:s16+$0xFFFFFD80];
	v5 =	vadd.f32 v5, v24;
	v19 =	vmul.f32 v19, v19;
	v15 =	vmul.f32 v15, v15  }
0x238: {  	v10 =	vsel vm2, v10, v16;
	v16 =	vadd.f32 v18, v21;
	v18 =	vld [tilespmem:s16+$0xFFFFFDB0];
	v14 =	vadd.f32 v25, v14  }
0x239: {  	v56 =	vld [tilespmem:s16+$0x1E0];
	v29 =	vmul.f32 v29, v29;
	v12 =	vadd.f32 v19, v12;
	v15 =	vadd.f32 v15, v17  }
0x23a: {  	v30 =	vld [tilespmem:s16+$0x290];
	v21 =	vperm.xlane v9, v0;
	v25 =	vperm.xlane v20, v0;
	v5 =	vsel vm2, v13, v5  }
0x23b: {  	v54 =	vld [tilespmem:s16+$0xFFFFFDE0];
	v7 =	vadd.f32 v12, v14;
	v14 =	vperm.xlane v5, v1;
	v8 =	vadd.f32 v15, v8  }
0x23c: {  	v24 =	vld [tilespmem:s16+$0xFFFFFE80];
	v13 =	vperm.xlane v10, v1;
	v26 =	vmul.f32 v26, v26;
	v15 =	vadd.f32 v6, v16  }
0x23d: {  	v18 =	vmul.f32 v18, v18;
	v17 =	vld [tilespmem:s16+$0xFFFFFDA0];
	v5 =	vadd.f32 v14, v5;
	v27 =	vadd.f32 v8, v7  }
0x23e: {  	v61 =	vld [tilespmem:s16+$0xFFFFFFC0];
	v6 =	vadd.f32 v10, v13;
	v10 =	vperm.xlane v15, v0;
	v7 =	vadd.f32 v21, v9  }
0x23f: {  	v57 =	vld [tilespmem:s16+$0x1F0];
	v8 =	vadd.f32 v20, v25;
	v21 =	vmul.f32 v44, v44;
	v14 =	vperm.xlane v27, v0  }
0x240: {  	v19 =	vld [tilespmem:s16+$0xFFFFFD90];
	v25 =	vmul.f32 v31, v31;
	v31 =	vmul.f32 v46, v46;
	v9 =	vadd.f32 v10, v15  }
0x241: {  	v12 =	vld [tilespmem:s16+$0xFFFFFDC0];
	v15 =	vmul.f32 v24, v24;
	v10 =	vadd.f32 v27, v14;
	v14 =	vmul.f32 v23, v23  }
0x242: {  	v16 =	vld [tilespmem:s16+$0xFFFFFDD0];
	v17 =	vmul.f32 v17, v17;
	v22 =	vadd.f32 v22, v31;
	v27 =	vmul.f32 v45, v45  }
0x243: {  	v13 =	vld [tilespmem:s16+$0xFFFFFDF0];
	v31 =	vmul.f32 v50, v50;
	v15 =	vadd.f32 v21, v15;
	v11 =	vadd.f32 v14, v11  }
0x244: {  	v20 =	vld [tilespmem:s16+$0x180];
	v18 =	vadd.f32 v18, v17;
	v14 =	vadd.f32 v27, v25;
	v25 =	vmul.f32 v28, v28  }
0x245: {  	v24 =	vld [tilespmem:s16+$0x190];
	v27 =	vmul.f32 v30, v30;
	v30 =	vmul.f32 v48, v48;
	v11 =	vadd.f32 v11, v15  }
0x246: {  	v17 =	vld [tilespmem:s16+$0x380];
	v15 =	vmul.f32 v51, v51;
	v14 =	vadd.f32 v22, v14;
	v22 =	vmul.f32 v52, v52  }
0x247: {  	v19 =	vmul.f32 v19, v19;
	v23 =	vld [tilespmem:s16+$0x1A0];
	v25 =	vadd.f32 v27, v25;
	v27 =	vadd.f32 v31, v30  }
0x248: {  	v28 =	vld [tilespmem:s16+$0x1D0];
	v15 =	vadd.f32 v29, v15;
	v22 =	vadd.f32 v58, v22  }
0x249: {  	v19 =	vadd.f32 v19, v26;
	v21 =	vld [tilespmem:s16+$0x1B0]  }
0x24a: {  	v31 =	vld [tilespmem:s16+$0xFFFFFF90];
	v25 =	vadd.f32 v27, v25;
	v15 =	vadd.f32 v22, v15  }
0x24b: {  	v29 =	vld [tilespmem:s16+$0xFFFFFFA0];
	v11 =	vadd.f32 v14, v11;
	v14 =	vmul.f32 v12, v12;
	v22 =	vmul.f32 v16, v16  }
0x24c: {  	v13 =	vmul.f32 v13, v13;
	v16 =	vld [tilespmem:s16+$0xFFFFFFF0];
	v12 =	vadd.f32 v15, v25;
	v25 =	vmul.f32 v54, v54  }
0x24d: {  	v24 =	vmul.f32 v24, v24;
	v26 =	vmul.f32 v28, v28;
	v15 =	vld [tilespmem:s16+$0xFFFFFFE0];
	v14 =	vadd.f32 v22, v14  }
0x24e: {  	v28 =	vmul.f32 v57, v57;
	v22 =	vadd.f32 v13, v25;
	v13 =	vadd.f32 v18, v19;
	v18 =	vld [tilespmem:s16+$0x390]  }
0x24f: {  	v19 =	vmul.f32 v20, v20;
	v20 =	vld [tilespmem:s16+$0x3A0];
	v25 =	vmul.f32 v55, v55  }
0x250: {  	v14 =	vadd.f32 v22, v14;
	v22 =	vmul.f32 v23, v23;
	v23 =	vmul.f32 v21, v21;
	v21 =	vld [tilespmem:s16+$0x3B0]  }
0x251: {  	v19 =	vadd.f32 v24, v19;
	v24 =	vmul.f32 v56, v56;
	v30 =	vadd.f32 v26, v25;
	v25 =	vld [tilespmem:s16+$0x3F0]  }
0x252: {  	v32 =	vmul.f32 v62, v62;
	v27 =	vmul.f32 v31, v31;
	v63 =	vadd.f32 v23, v22;
	v22 =	vld [tilespmem:s16+$0x3C0]  }
0x253: {  	v31 =	vmul.f32 v61, v61;
	v26 =	vmul.f32 v59, v59;
	v23 =	vld [tilespmem:s16+$0x3D0];
	v33 =	vadd.f32 v28, v24  }
0x254: {  	s17 =	simm.s32 $0x0;
	s19 =	simm.s32 $0x40;
	v28 =	vmul.f32 v29, v29;
	v29 =	vmul.f32 v60, v60;
	v24 =	vld [tilespmem:s16+$0x3E0];
	v19 =	vadd.f32 v63, v19  }
.LBB2_17:
0x255: {  	p0 =	sne.s32 s19, $0x100;
	v30 =	vadd.f32 v33, v30;
	v15 =	vmul.f32 v15, v15;
	v16 =	vmul.f32 v16, v16  }
0x256: {  	v26 =	vadd.f32 v27, v26;
	v17 =	vmul.f32 v17, v17;
	v18 =	vmul.f32 v18, v18  }
0x257: {  	v27 =	vadd.f32 v29, v28;
	v20 =	vmul.f32 v20, v20;
	v21 =	vmul.f32 v21, v21  }
0x258: {  	v28 =	vadd.f32 v32, v31;
	v22 =	vmul.f32 v22, v22;
	v23 =	vmul.f32 v23, v23  }
0x259: {  	v15 =	vadd.f32 v16, v15;
	v16 =	vmul.f32 v24, v24;
	v24 =	vmul.f32 v25, v25  }
0x25a: {  	v17 =	vadd.f32 v18, v17;
	v18 =	vadd.f32 v21, v20  }
0x25b: {  	v20 =	vadd.f32 v23, v22;
	v16 =	vadd.f32 v24, v16  }
0x25c: {  	v21 =	vadd.f32 v27, v26;
	v15 =	vadd.f32 v15, v28  }
0x25d: {  	v17 =	vadd.f32 v18, v17;
	v16 =	vadd.f32 v16, v20  }
0x25e: {  	v13 =	vadd.f32 v14, v13;
	v14 =	vadd.f32 v30, v19;
	v18 =	vperm.xlane v11, v0  }
0x25f: {  	v19 =	vperm.xlane v12, v0;
	v15 =	vadd.f32 v15, v21;
	v16 =	vadd.f32 v16, v17  }
0x260: {  	v11 =	vadd.f32 v18, v11;
	v18 =	vperm.xlane v14, v0;
	v17 =	vperm.xlane v13, v0  }
0x261: {  	v12 =	vadd.f32 v12, v19;
	v19 =	vperm.xlane v15, v0;
	v20 =	vperm.xlane v16, v0  }
0x262: {  	v7 =	vsel vm2, v7, v8;
	v8 =	vadd.f32 v17, v13;
	v13 =	vadd.f32 v14, v18  }
0x263: {  	v9 =	vsel vm2, v9, v10;
	v10 =	vadd.f32 v19, v15;
	v14 =	vadd.f32 v16, v20  }
0x264: {  	v11 =	vsel vm2, v11, v12;
	v12 =	vperm.xlane v9, v1;
	v15 =	vperm.xlane v7, v1  }
0x265: {  	v16 =	vperm.xlane v11, v1;
	v8 =	vsel vm2, v8, v13;
	v10 =	vsel vm2, v10, v14  }
0x266: {  	v7 =	vadd.f32 v7, v15;
	v13 =	vperm.xlane v8, v1;
	v14 =	vperm.xlane v10, v1  }
0x267: {  	v9 =	vadd.f32 v12, v9;
	v11 =	vadd.f32 v11, v16  }
0x268: {  	v4 =	vsel vm0, v4, v6;
	v6 =	vadd.f32 v13, v8;
	v8 =	vadd.f32 v10, v14  }
0x269: {  	v5 =	vsel vm0, v5, v7;
	v7 =	vperm.xlane v4, v2  }
0x26a: {  	v9 =	vsel vm0, v9, v11;
	v10 =	vperm.xlane v5, v2;
	v6 =	vsel vm0, v6, v8  }
0x26b: {  	v8 =	vperm.xlane v9, v2;
	v11 =	vperm.xlane v6, v2  }
0x26c: {  	v4 =	vadd.f32 v7, v4;
	v5 =	vadd.f32 v5, v10  }
0x26d: {  	v7 =	vadd.f32 v8, v9;
	v6 =	vadd.f32 v6, v11;
	_ =	sdelay $0x1  }
0x26e: {  	s21 =	sshra.s32 s17, $0x2;
	s17 =	smov.u32 s19;
	v4 =	vsel vm1, v4, v5;
	v5 =	vsel vm1, v7, v6  }
0x26f: {  	v6 =	vperm.xlane v4, v3;
	v7 =	vperm.xlane v5, v3;
	v8 =	vld [tilespmem:s21+$0xC800];
	_ =	sdelay $0x1  }
0x270: {  	v4 =	vadd.f32 v6, v4;
	v5 =	vadd.f32 v5, v7;
	v6 =	vld [tilespmem:s21+$0xCA00];
	_ =	sdelay $0x1  }
0x271: {  	v4 =	vsel vm3, v4, v5  }
0x272: {  	v4 =	vsub.f32 v4, v8;
	_ =	sdelay $0x1  }
0x273: {  	v4 =	vsub.f32 v4, v6;
	_ =	sdelay $0x1  }
0x274: {  	v4 =	vmul.f32 $-5.000000000e-01, v4;
	_ =	sdelay $0x1  }
0x275: {  	v4 =	vadd.f32 $0.0e+00, v4;
	_ =	sdelay $0x1  }
0x276: {  	v4 =	vmul.f32 $1.442695020e+00, v4;
	_ =	sdelay $0x1  }
0x277: {  	(erf) = vpow2.f32 v4;
	_ =	sdelay $0x8  }
0x278: {  	v4 =	vpop (erf)  }
0x279: {  	v4 =	vadd.f32 $1.000000000e+00, v4;
	_ =	sdelay $0x1  }
0x27a: {  	(erf) = vrcp.f32 v4;
	_ =	sdelay $0x8  }
0x27b: {  	v4 =	vpop (erf)  }
0x27c: {  	s16 =	sadd.s32 $0x800, s16;
	[tilespmem:s21+$0xCC00] =	vst v4  }
0x27d: {  	v4 =	vld [tilespmem:s16+$0xFFFFFC00]  }
0x27e: {  	v5 =	vld [tilespmem:s16+$0xFFFFFC10]  }
0x27f: {  	v6 =	vld [tilespmem:s16+$0xFFFFFC20]  }
0x280: {  	v7 =	vld [tilespmem:s16+$0xFFFFFC30]  }
0x281: {  	v8 =	vld [tilespmem:s16+$0xFFFFFC40]  }
0x282: {  	v9 =	vld [tilespmem:s16+$0xFFFFFC50]  }
0x283: {  	v10 =	vld [tilespmem:s16+$0xFFFFFC60]  }
0x284: {  	v11 =	vld [tilespmem:s16+$0xFFFFFC70]  }
0x285: {  	v12 =	vld [tilespmem:s16+$0x0]  }
0x286: {  	v13 =	vld [tilespmem:s16+$0x10]  }
0x287: {  	v14 =	vld [tilespmem:s16+$0x20]  }
0x288: {  	v15 =	vld [tilespmem:s16+$0x30]  }
0x289: {  	v16 =	vld [tilespmem:s16+$0x40]  }
0x28a: {  	v17 =	vld [tilespmem:s16+$0x50]  }
0x28b: {  	v18 =	vld [tilespmem:s16+$0x60]  }
0x28c: {  	v19 =	vld [tilespmem:s16+$0x70]  }
0x28d: {  	v20 =	vld [tilespmem:s16+$0xFFFFFE00]  }
0x28e: {  	v21 =	vld [tilespmem:s16+$0xFFFFFE10]  }
0x28f: {  	v22 =	vld [tilespmem:s16+$0xFFFFFE20]  }
0x290: {  	v23 =	vld [tilespmem:s16+$0xFFFFFE30]  }
0x291: {  	v24 =	vld [tilespmem:s16+$0xFFFFFE40]  }
0x292: {  	v25 =	vld [tilespmem:s16+$0xFFFFFE50]  }
0x293: {  	v26 =	vld [tilespmem:s16+$0xFFFFFE60]  }
0x294: {  	v27 =	vld [tilespmem:s16+$0xFFFFFE70]  }
0x295: {  	v28 =	vld [tilespmem:s16+$0x200]  }
0x296: {  	v29 =	vld [tilespmem:s16+$0x210]  }
0x297: {  	v30 =	vld [tilespmem:s16+$0x220]  }
0x298: {  	v31 =	vld [tilespmem:s16+$0x230]  }
0x299: {  	v32 =	vld [tilespmem:s16+$0x240]  }
0x29a: {  	v33 =	vld [tilespmem:s16+$0x250]  }
0x29b: {  	v34 =	vld [tilespmem:s16+$0x260]  }
0x29c: {  	v35 =	vld [tilespmem:s16+$0x270]  }
0x29d: {  	v36 =	vld [tilespmem:s16+$0xFFFFFD00]  }
0x29e: {  	v37 =	vld [tilespmem:s16+$0xFFFFFD10]  }
0x29f: {  	v38 =	vld [tilespmem:s16+$0xFFFFFD20]  }
0x2a0: {  	v39 =	vld [tilespmem:s16+$0xFFFFFD30]  }
0x2a1: {  	v40 =	vld [tilespmem:s16+$0xFFFFFD40]  }
0x2a2: {  	v4 =	vmul.f32 v4, v4;
	v5 =	vmul.f32 v5, v5;
	v41 =	vld [tilespmem:s16+$0xFFFFFD50]  }
0x2a3: {  	v6 =	vmul.f32 v6, v6;
	v7 =	vmul.f32 v7, v7;
	v42 =	vld [tilespmem:s16+$0xFFFFFD60]  }
0x2a4: {  	v8 =	vmul.f32 v8, v8;
	v9 =	vmul.f32 v9, v9;
	v43 =	vld [tilespmem:s16+$0xFFFFFD70]  }
0x2a5: {  	v10 =	vmul.f32 v10, v10;
	v11 =	vmul.f32 v11, v11;
	v44 =	vld [tilespmem:s16+$0x100]  }
0x2a6: {  	v4 =	vadd.f32 v5, v4;
	v5 =	vmul.f32 v12, v12;
	v12 =	vmul.f32 v13, v13;
	v13 =	vld [tilespmem:s16+$0x110]  }
0x2a7: {  	v6 =	vadd.f32 v7, v6;
	v7 =	vmul.f32 v14, v14;
	v14 =	vmul.f32 v15, v15;
	v15 =	vld [tilespmem:s16+$0x120]  }
0x2a8: {  	v8 =	vadd.f32 v9, v8;
	v9 =	vmul.f32 v16, v16;
	v16 =	vmul.f32 v17, v17;
	v17 =	vld [tilespmem:s16+$0x130]  }
0x2a9: {  	v10 =	vadd.f32 v11, v10;
	v11 =	vmul.f32 v18, v18;
	v18 =	vmul.f32 v19, v19;
	v19 =	vld [tilespmem:s16+$0x140]  }
0x2aa: {  	v5 =	vadd.f32 v12, v5;
	v7 =	vadd.f32 v14, v7;
	v12 =	vld [tilespmem:s16+$0x150]  }
0x2ab: {  	v9 =	vadd.f32 v16, v9;
	v11 =	vadd.f32 v18, v11;
	v14 =	vld [tilespmem:s16+$0x160]  }
0x2ac: {  	v4 =	vadd.f32 v6, v4;
	v6 =	vadd.f32 v10, v8;
	v16 =	vld [tilespmem:s16+$0x170]  }
0x2ad: {  	v8 =	vadd.f32 v7, v5;
	v9 =	vadd.f32 v11, v9;
	v5 =	vld [tilespmem:s16+$0xFFFFFF00]  }
0x2ae: {  	v4 =	vadd.f32 v6, v4;
	v7 =	vld [tilespmem:s16+$0xFFFFFF10]  }
0x2af: {  	v11 =	vadd.f32 v9, v8;
	v6 =	vld [tilespmem:s16+$0xFFFFFF20]  }
0x2b0: {  	v10 =	vperm.xlane v4, v0;
	v8 =	vld [tilespmem:s16+$0xFFFFFF30]  }
0x2b1: {  	v18 =	vperm.xlane v11, v0;
	v9 =	vld [tilespmem:s16+$0xFFFFFF40]  }
0x2b2: {  	v20 =	vmul.f32 v20, v20;
	v4 =	vadd.f32 v10, v4;
	v21 =	vmul.f32 v21, v21;
	v10 =	vld [tilespmem:s16+$0xFFFFFF50]  }
0x2b3: {  	v22 =	vmul.f32 v22, v22;
	v23 =	vmul.f32 v23, v23;
	v18 =	vadd.f32 v11, v18;
	v11 =	vld [tilespmem:s16+$0xFFFFFF60]  }
0x2b4: {  	v20 =	vadd.f32 v21, v20;
	v24 =	vmul.f32 v24, v24;
	v25 =	vmul.f32 v25, v25;
	v21 =	vld [tilespmem:s16+$0xFFFFFF70]  }
0x2b5: {  	v22 =	vadd.f32 v23, v22;
	v26 =	vmul.f32 v26, v26;
	v27 =	vmul.f32 v27, v27;
	v23 =	vld [tilespmem:s16+$0x300]  }
0x2b6: {  	v24 =	vadd.f32 v25, v24;
	v25 =	vmul.f32 v28, v28;
	v28 =	vmul.f32 v29, v29;
	v29 =	vld [tilespmem:s16+$0x310]  }
0x2b7: {  	v26 =	vadd.f32 v27, v26;
	v27 =	vmul.f32 v30, v30;
	v30 =	vmul.f32 v31, v31;
	v31 =	vld [tilespmem:s16+$0x320]  }
0x2b8: {  	v20 =	vadd.f32 v22, v20;
	v22 =	vmul.f32 v32, v32;
	v32 =	vmul.f32 v33, v33;
	v33 =	vld [tilespmem:s16+$0x330]  }
0x2b9: {  	v24 =	vadd.f32 v26, v24;
	v26 =	vmul.f32 v34, v34;
	v34 =	vmul.f32 v35, v35;
	v35 =	vld [tilespmem:s16+$0x340]  }
0x2ba: {  	v25 =	vadd.f32 v28, v25;
	v27 =	vadd.f32 v30, v27;
	v28 =	vld [tilespmem:s16+$0x350]  }
0x2bb: {  	v22 =	vadd.f32 v32, v22;
	v26 =	vadd.f32 v34, v26;
	v30 =	vld [tilespmem:s16+$0x360]  }
0x2bc: {  	v25 =	vadd.f32 v27, v25;
	v27 =	vmul.f32 v36, v36;
	v32 =	vmul.f32 v37, v37;
	v34 =	vld [tilespmem:s16+$0x370]  }
0x2bd: {  	v22 =	vadd.f32 v26, v22;
	v26 =	vmul.f32 v38, v38;
	v36 =	vmul.f32 v39, v39;
	v37 =	vld [tilespmem:s16+$0xFFFFFC80]  }
0x2be: {  	v20 =	vadd.f32 v24, v20;
	v24 =	vmul.f32 v40, v40;
	v38 =	vmul.f32 v41, v41;
	v39 =	vld [tilespmem:s16+$0xFFFFFC90]  }
0x2bf: {  	v22 =	vadd.f32 v22, v25;
	v25 =	vmul.f32 v42, v42;
	v40 =	vmul.f32 v43, v43;
	v41 =	vld [tilespmem:s16+$0xFFFFFCA0]  }
0x2c0: {  	v27 =	vadd.f32 v32, v27;
	v32 =	vmul.f32 v44, v44;
	v13 =	vmul.f32 v13, v13;
	v42 =	vld [tilespmem:s16+$0xFFFFFCB0]  }
0x2c1: {  	v26 =	vadd.f32 v36, v26;
	v15 =	vmul.f32 v15, v15;
	v17 =	vmul.f32 v17, v17;
	v36 =	vld [tilespmem:s16+$0xFFFFFCC0]  }
0x2c2: {  	v24 =	vadd.f32 v38, v24;
	v19 =	vmul.f32 v19, v19;
	v12 =	vmul.f32 v12, v12;
	v38 =	vld [tilespmem:s16+$0xFFFFFCD0]  }
0x2c3: {  	v25 =	vadd.f32 v40, v25;
	v14 =	vmul.f32 v14, v14;
	v16 =	vmul.f32 v16, v16;
	v40 =	vld [tilespmem:s16+$0xFFFFFCE0]  }
0x2c4: {  	v13 =	vadd.f32 v13, v32;
	v15 =	vadd.f32 v17, v15;
	v17 =	vld [tilespmem:s16+$0xFFFFFCF0]  }
0x2c5: {  	v12 =	vadd.f32 v12, v19;
	v14 =	vadd.f32 v16, v14;
	v16 =	vld [tilespmem:s16+$0x80]  }
0x2c6: {  	v24 =	vadd.f32 v25, v24;
	v19 =	vadd.f32 v26, v27;
	v25 =	vld [tilespmem:s16+$0x90]  }
0x2c7: {  	v4 =	vsel vm2, v4, v18;
	v13 =	vadd.f32 v15, v13;
	v12 =	vadd.f32 v14, v12;
	v14 =	vld [tilespmem:s16+$0xA0]  }
0x2c8: {  	v15 =	vperm.xlane v4, v1;
	v18 =	vadd.f32 v24, v19;
	v19 =	vld [tilespmem:s16+$0xB0]  }
0x2c9: {  	v26 =	vperm.xlane v22, v0;
	v24 =	vperm.xlane v20, v0;
	v12 =	vadd.f32 v12, v13;
	v13 =	vld [tilespmem:s16+$0xC0]  }
0x2ca: {  	v4 =	vadd.f32 v15, v4;
	v15 =	vperm.xlane v18, v0;
	v27 =	vld [tilespmem:s16+$0xD0]  }
0x2cb: {  	v22 =	vadd.f32 v22, v26;
	v20 =	vadd.f32 v24, v20;
	v24 =	vperm.xlane v12, v0;
	v26 =	vld [tilespmem:s16+$0xE0]  }
0x2cc: {  	v5 =	vmul.f32 v5, v5;
	v7 =	vmul.f32 v7, v7;
	v15 =	vadd.f32 v15, v18;
	v18 =	vld [tilespmem:s16+$0xF0]  }
0x2cd: {  	v6 =	vmul.f32 v6, v6;
	v8 =	vmul.f32 v8, v8;
	v12 =	vadd.f32 v12, v24;
	v24 =	vld [tilespmem:s16+$0xFFFFFE80]  }
0x2ce: {  	v5 =	vadd.f32 v7, v5;
	v9 =	vmul.f32 v9, v9;
	v10 =	vmul.f32 v10, v10;
	v32 =	vld [tilespmem:s16+$0xFFFFFE90]  }
0x2cf: {  	v6 =	vadd.f32 v8, v6;
	v7 =	vmul.f32 v11, v11;
	v11 =	vmul.f32 v21, v21;
	v21 =	vld [tilespmem:s16+$0xFFFFFEA0]  }
0x2d0: {  	v8 =	vadd.f32 v10, v9;
	v9 =	vmul.f32 v23, v23;
	v10 =	vmul.f32 v29, v29;
	v23 =	vld [tilespmem:s16+$0xFFFFFEB0]  }
0x2d1: {  	v7 =	vadd.f32 v11, v7;
	v11 =	vmul.f32 v31, v31;
	v29 =	vmul.f32 v33, v33;
	v31 =	vld [tilespmem:s16+$0xFFFFFEC0]  }
0x2d2: {  	v5 =	vadd.f32 v6, v5;
	v6 =	vmul.f32 v35, v35;
	v28 =	vmul.f32 v28, v28;
	v33 =	vld [tilespmem:s16+$0xFFFFFED0]  }
0x2d3: {  	v7 =	vadd.f32 v7, v8;
	v8 =	vmul.f32 v30, v30;
	v30 =	vmul.f32 v34, v34;
	v34 =	vld [tilespmem:s16+$0xFFFFFEE0]  }
0x2d4: {  	v9 =	vadd.f32 v10, v9;
	v10 =	vadd.f32 v29, v11;
	v11 =	vld [tilespmem:s16+$0xFFFFFEF0]  }
0x2d5: {  	v6 =	vadd.f32 v28, v6;
	v8 =	vadd.f32 v30, v8;
	v28 =	vld [tilespmem:s16+$0x280]  }
0x2d6: {  	v9 =	vadd.f32 v10, v9;
	v10 =	vmul.f32 v37, v37;
	v29 =	vmul.f32 v39, v39;
	v30 =	vld [tilespmem:s16+$0x290]  }
0x2d7: {  	v6 =	vadd.f32 v8, v6;
	v8 =	vmul.f32 v41, v41;
	v35 =	vmul.f32 v42, v42;
	v37 =	vld [tilespmem:s16+$0x2A0]  }
0x2d8: {  	v7 =	vadd.f32 v7, v5;
	v5 =	vmul.f32 v36, v36;
	v36 =	vmul.f32 v38, v38;
	v38 =	vld [tilespmem:s16+$0x2B0]  }
0x2d9: {  	v9 =	vadd.f32 v6, v9;
	v6 =	vmul.f32 v40, v40;
	v17 =	vmul.f32 v17, v17;
	v39 =	vld [tilespmem:s16+$0x2C0]  }
0x2da: {  	v10 =	vadd.f32 v29, v10;
	v16 =	vmul.f32 v16, v16;
	v25 =	vmul.f32 v25, v25;
	v29 =	vld [tilespmem:s16+$0x2D0]  }
0x2db: {  	v8 =	vadd.f32 v35, v8;
	v14 =	vmul.f32 v14, v14;
	v19 =	vmul.f32 v19, v19;
	v35 =	vld [tilespmem:s16+$0x2E0]  }
0x2dc: {  	v5 =	vadd.f32 v36, v5;
	v13 =	vmul.f32 v13, v13;
	v27 =	vmul.f32 v27, v27;
	v36 =	vld [tilespmem:s16+$0x2F0]  }
0x2dd: {  	v6 =	vadd.f32 v17, v6;
	v17 =	vmul.f32 v26, v26;
	v18 =	vmul.f32 v18, v18;
	v26 =	vld [tilespmem:s16+$0xFFFFFD80]  }
0x2de: {  	v16 =	vadd.f32 v25, v16;
	v14 =	vadd.f32 v19, v14;
	v19 =	vld [tilespmem:s16+$0xFFFFFD90]  }
0x2df: {  	v13 =	vadd.f32 v27, v13;
	v17 =	vadd.f32 v18, v17;
	v18 =	vld [tilespmem:s16+$0xFFFFFDA0]  }
0x2e0: {  	v20 =	vsel vm2, v20, v22;
	v8 =	vadd.f32 v8, v10;
	v5 =	vadd.f32 v6, v5;
	v22 =	vld [tilespmem:s16+$0xFFFFFDB0]  }
0x2e1: {  	v10 =	vsel vm2, v15, v12;
	v6 =	vadd.f32 v14, v16;
	v12 =	vadd.f32 v17, v13;
	v13 =	vld [tilespmem:s16+$0xFFFFFDC0]  }
0x2e2: {  	v15 =	vperm.xlane v10, v1;
	v14 =	vperm.xlane v20, v1;
	v16 =	vadd.f32 v5, v8;
	v17 =	vld [tilespmem:s16+$0xFFFFFDD0]  }
0x2e3: {  	v25 =	vperm.xlane v9, v0;
	v8 =	vperm.xlane v7, v0;
	v12 =	vadd.f32 v12, v6;
	v27 =	vld [tilespmem:s16+$0xFFFFFDE0]  }
0x2e4: {  	v5 =	vadd.f32 v15, v10;
	v10 =	vperm.xlane v16, v0;
	v6 =	vadd.f32 v20, v14;
	v14 =	vld [tilespmem:s16+$0xFFFFFDF0]  }
0x2e5: {  	v7 =	vadd.f32 v8, v7;
	v8 =	vadd.f32 v9, v25;
	v15 =	vperm.xlane v12, v0;
	v20 =	vld [tilespmem:s16+$0x180]  }
0x2e6: {  	v9 =	vadd.f32 v10, v16;
	v16 =	vmul.f32 v24, v24;
	v24 =	vmul.f32 v32, v32;
	v25 =	vld [tilespmem:s16+$0x190]  }
0x2e7: {  	v10 =	vadd.f32 v12, v15;
	v12 =	vmul.f32 v21, v21;
	v15 =	vmul.f32 v23, v23;
	v21 =	vld [tilespmem:s16+$0x1A0]  }
0x2e8: {  	v16 =	vadd.f32 v24, v16;
	v23 =	vmul.f32 v31, v31;
	v31 =	vmul.f32 v33, v33;
	v24 =	vld [tilespmem:s16+$0x1B0]  }
0x2e9: {  	v32 =	vmul.f32 v34, v34;
	v11 =	vmul.f32 v11, v11;
	v12 =	vadd.f32 v15, v12;
	v33 =	vld [tilespmem:s16+$0x1C0]  }
0x2ea: {  	v15 =	vadd.f32 v31, v23;
	v23 =	vmul.f32 v28, v28;
	v28 =	vmul.f32 v30, v30;
	v30 =	vld [tilespmem:s16+$0x1D0]  }
0x2eb: {  	v11 =	vadd.f32 v11, v32;
	v31 =	vmul.f32 v37, v37;
	v32 =	vmul.f32 v38, v38;
	v34 =	vld [tilespmem:s16+$0x1E0]  }
0x2ec: {  	v12 =	vadd.f32 v12, v16;
	v16 =	vmul.f32 v39, v39;
	v29 =	vmul.f32 v29, v29;
	v37 =	vld [tilespmem:s16+$0x1F0]  }
0x2ed: {  	v11 =	vadd.f32 v11, v15;
	v15 =	vmul.f32 v35, v35;
	v35 =	vmul.f32 v36, v36;
	v36 =	vld [tilespmem:s16+$0xFFFFFF80]  }
0x2ee: {  	v23 =	vadd.f32 v28, v23;
	v28 =	vadd.f32 v32, v31;
	v31 =	vld [tilespmem:s16+$0xFFFFFF90]  }
0x2ef: {  	v16 =	vadd.f32 v29, v16;
	v15 =	vadd.f32 v35, v15;
	v29 =	vld [tilespmem:s16+$0xFFFFFFA0]  }
0x2f0: {  	v23 =	vadd.f32 v28, v23;
	v26 =	vmul.f32 v26, v26;
	v19 =	vmul.f32 v19, v19;
	v32 =	vld [tilespmem:s16+$0xFFFFFFB0]  }
0x2f1: {  	v15 =	vadd.f32 v15, v16;
	v16 =	vmul.f32 v18, v18;
	v18 =	vmul.f32 v22, v22;
	v35 =	vld [tilespmem:s16+$0xFFFFFFC0]  }
0x2f2: {  	v11 =	vadd.f32 v11, v12;
	v13 =	vmul.f32 v13, v13;
	v17 =	vmul.f32 v17, v17;
	v38 =	vld [tilespmem:s16+$0xFFFFFFD0]  }
0x2f3: {  	v12 =	vadd.f32 v15, v23;
	v22 =	vmul.f32 v27, v27;
	v14 =	vmul.f32 v14, v14;
	v15 =	vld [tilespmem:s16+$0xFFFFFFE0]  }
0x2f4: {  	v19 =	vadd.f32 v19, v26;
	v18 =	vadd.f32 v18, v16;
	v16 =	vld [tilespmem:s16+$0xFFFFFFF0]  }
0x2f5: {  	v23 =	vadd.f32 v17, v13;
	v14 =	vadd.f32 v14, v22;
	v17 =	vld [tilespmem:s16+$0x380]  }
0x2f6: {  	v13 =	vadd.f32 v18, v19;
	v19 =	vmul.f32 v20, v20;
	v22 =	vmul.f32 v25, v25;
	v18 =	vld [tilespmem:s16+$0x390]  }
0x2f7: {  	v14 =	vadd.f32 v14, v23;
	v23 =	vmul.f32 v21, v21;
	v24 =	vmul.f32 v24, v24;
	v20 =	vld [tilespmem:s16+$0x3A0]  }
.Ltmp10:
0x2f8: {  	v19 =	vadd.f32 v22, v19;
	v25 =	vmul.f32 v33, v33;
	v26 =	vmul.f32 v30, v30;
	v21 =	vld [tilespmem:s16+$0x3B0];
	(pc) =	sbr.rel @p0 .LBB2_17-.Ltmp10, $4  }
0x2f9: {  	v28 =	vmul.f32 v34, v34;
	v34 =	vadd.f32 v24, v23;
	v33 =	vmul.f32 v37, v37;
	v22 =	vld [tilespmem:s16+$0x3C0]  }
0x2fa: {  	v30 =	vadd.f32 v26, v25;
	v26 =	vmul.f32 v36, v36;
	v27 =	vmul.f32 v31, v31;
	v23 =	vld [tilespmem:s16+$0x3D0]  }
0x2fb: {  	v33 =	vadd.f32 v33, v28;
	v28 =	vmul.f32 v29, v29;
	v29 =	vmul.f32 v32, v32;
	v24 =	vld [tilespmem:s16+$0x3E0]  }
0x2fc: {  	s19 =	sadd.s32 $0x40, s19;
	v19 =	vadd.f32 v34, v19;
	v31 =	vmul.f32 v35, v35;
	v32 =	vmul.f32 v38, v38;
	v25 =	vld [tilespmem:s16+$0x3F0]  }
0x2fd: {  	v30 =	vadd.f32 v33, v30;
	v15 =	vmul.f32 v15, v15;
	v16 =	vmul.f32 v16, v16  }
0x2fe: {  	v26 =	vadd.f32 v27, v26;
	v17 =	vmul.f32 v17, v17;
	v18 =	vmul.f32 v18, v18  }
0x2ff: {  	v33 =	vadd.f32 v29, v28;
	v20 =	vmul.f32 v20, v20;
	v21 =	vmul.f32 v21, v21  }
0x300: {  	v34 =	vadd.f32 v32, v31;
	v22 =	vmul.f32 v22, v22;
	v23 =	vmul.f32 v23, v23  }
0x301: {  	v15 =	vadd.f32 v16, v15;
	v35 =	vmul.f32 v24, v24;
	v36 =	vmul.f32 v25, v25  }
0x302: {  	v17 =	vadd.f32 v18, v17;
	v37 =	vadd.f32 v21, v20  }
0x303: {  	v38 =	vadd.f32 v23, v22;
	v16 =	vadd.f32 v36, v35  }
0x304: {  	v39 =	vadd.f32 v33, v26;
	v15 =	vadd.f32 v15, v34  }
0x305: {  	v17 =	vadd.f32 v37, v17;
	v16 =	vadd.f32 v16, v38  }
0x306: {  	v40 =	vperm.xlane v11, v0;
	v13 =	vadd.f32 v14, v13;
	v41 =	vadd.f32 v30, v19  }
0x307: {  	v42 =	vperm.xlane v12, v0;
	v15 =	vadd.f32 v15, v39;
	v16 =	vadd.f32 v16, v17  }
0x308: {  	v11 =	vadd.f32 v40, v11;
	v43 =	vperm.xlane v13, v0;
	v44 =	vperm.xlane v41, v0  }
0x309: {  	v12 =	vadd.f32 v12, v42;
	v45 =	vperm.xlane v15, v0;
	v46 =	vperm.xlane v16, v0  }
0x30a: {  	v7 =	vsel vm2, v7, v8;
	v47 =	vadd.f32 v43, v13;
	v48 =	vadd.f32 v41, v44  }
0x30b: {  	v9 =	vsel vm2, v9, v10;
	v49 =	vadd.f32 v45, v15;
	v50 =	vadd.f32 v16, v46  }
0x30c: {  	v51 =	vperm.xlane v7, v1;
	v52 =	vperm.xlane v9, v1;
	v11 =	vsel vm2, v11, v12  }
0x30d: {  	v53 =	vperm.xlane v11, v1;
	v8 =	vsel vm2, v47, v48;
	v10 =	vsel vm2, v49, v50  }
0x30e: {  	v7 =	vadd.f32 v7, v51;
	v13 =	vperm.xlane v8, v1;
	v14 =	vperm.xlane v10, v1  }
0x30f: {  	v9 =	vadd.f32 v52, v9;
	v11 =	vadd.f32 v11, v53  }
0x310: {  	v4 =	vsel vm0, v4, v6;
	v54 =	vadd.f32 v13, v8;
	v55 =	vadd.f32 v10, v14  }
0x311: {  	v56 =	vperm.xlane v4, v2;
	v5 =	vsel vm0, v5, v7  }
0x312: {  	v57 =	vperm.xlane v5, v2;
	v9 =	vsel vm0, v9, v11;
	v6 =	vsel vm0, v54, v55  }
0x313: {  	v58 =	vperm.xlane v9, v2;
	v59 =	vperm.xlane v6, v2  }
0x314: {  	v4 =	vadd.f32 v56, v4;
	v5 =	vadd.f32 v5, v57  }
0x315: {  	v60 =	vadd.f32 v58, v9;
	v6 =	vadd.f32 v6, v59;
	_ =	sdelay $0x1  }
0x316: {  	s17 =	sshra.s32 s17, $0x2;
	v4 =	vsel vm1, v4, v5;
	v5 =	vsel vm1, v60, v6  }
0x317: {  	v62 =	vld [tilespmem:s17+$0xC800];
	v61 =	vperm.xlane v4, v3;
	v7 =	vperm.xlane v5, v3;
	_ =	sdelay $0x1  }
0x318: {  	v63 =	vld [tilespmem:s17+$0xCA00];
	v4 =	vadd.f32 v61, v4;
	v5 =	vadd.f32 v5, v7;
	_ =	sdelay $0x1  }
0x319: {  	v4 =	vsel vm3, v4, v5  }
0x31a: {  	v4 =	vsub.f32 v4, v62;
	_ =	sdelay $0x1  }
0x31b: {  	v4 =	vsub.f32 v4, v63;
	_ =	sdelay $0x1  }
0x31c: {  	v4 =	vmul.f32 $-5.000000000e-01, v4;
	_ =	sdelay $0x1  }
0x31d: {  	v4 =	vadd.f32 $0.0e+00, v4;
	_ =	sdelay $0x1  }
0x31e: {  	v4 =	vmul.f32 $1.442695020e+00, v4;
	_ =	sdelay $0x1  }
0x31f: {  	(erf) = vpow2.f32 v4;
	_ =	sdelay $0x8  }
0x320: {  	v4 =	vpop (erf)  }
0x321: {  	v4 =	vadd.f32 $1.000000000e+00, v4;
	_ =	sdelay $0x1  }
0x322: {  	(erf) = vrcp.f32 v4;
	_ =	sdelay $0x5  }
0x323: {  	s16 =	smul.u32 $0x50, s12;
	p0 =	sgt.u32 s12, $0x79  }
.Ltmp11:
0x324: {  	_ = 	snop;
	(pc) =	sbr.rel @p0 .LBB2_20-.Ltmp11, $4  }
0x325: {  	s19 =	sadd.s32 s7, s16  }
0x326: {  	s19 =	sshrl.u32 s19, $0x3;
	v4 =	vpop (erf)  }
0x327: {  	s21 =	sadd.s32 s5, s19;
	[tilespmem:s17+$0xCC00] =	vst v4  }
0x328: {  	[hbm4b:s21+s6] =	stream.linear.scatter [tilespmem:s4], [sflag:$0xC], $0x50, $0x38;
	[tilespmem:$0xCD00] =	vst v63  }
0x329: {  	s17 =	sadd.s32 $0xF0, s16  }
0x32a: {  	[tilespmem:s23], [sflag:$0x3] =	stream.indirect.gather [hbm4b:s0+s14], $0x80, s17, s14, $0xb8;
	[tilespmem:$0xCD00] =	vst v63  }
.Ltmp12:
0x32b: {  	_ = 	snop;
	(pc) =	sbr.rel .LBB2_21-.Ltmp12, $4  }
0x32c: {  	_ = 	snop  }
0x32d: {  	[tilespmem:s24], [sflag:$0x9] =	stream.indirect.gather [hbm4b:s3+s14], $0x1, s17, s14, $0xb8;
	[tilespmem:$0xCD00] =	vst v63  }
0x32e: {  	s21 =	sadd.s32 $0x2870, s16  }
0x32f: {  	[tilespmem:s26], [sflag:$0x9] =	stream.indirect.gather [hbm4b:s8+s14], $0x1, s21, s14, $0xb8;
	[tilespmem:$0xCD00] =	vst v63  }
.LBB2_4:
0x330: {  	_ =	swait.ge [sflag:s11], $0x2800  }
0x331: {  	[sflag:s11] =	ssyncset.done $0x0  }
0x332: {  	[sflag:s11] =	ssyncadd.s32 $0xFFFFD800  }
0x333: {  	_ =	swait.ge [sflag:s13], $0x50  }
0x334: {  	[sflag:s13] =	ssyncset.done $0x0  }
0x335: {  	[sflag:s13] =	ssyncadd.s32 $0xFFFFFFB0  }
0x336: {  	_ =	swait.ge [sflag:s13], $0x50  }
0x337: {  	[sflag:s13] =	ssyncset.done $0x0  }
0x338: {  	s16 =	simm.s32 @!p0 $0xA;
	[sflag:s13] =	ssyncadd.s32 $0xFFFFFFB0  }
0x339: {  	_ =	swait.ge @!p0 [sflag:s16], $0x50  }
0x33a: {  	[sflag:s16] =	ssyncset.done @!p0 $0x0  }
0x33b: {  	[sflag:s16] =	ssyncadd.s32 @!p0 $0xFFFFFFB0;
	s16 =	simm.s32 $0x5300  }
0x33c: {  	v4 =	vld [tilespmem:s16+$0xFFFFFC00]  }
0x33d: {  	v5 =	vld [tilespmem:s16+$0xFFFFFC10]  }
0x33e: {  	v6 =	vld [tilespmem:s16+$0xFFFFFC20]  }
0x33f: {  	v7 =	vld [tilespmem:s16+$0xFFFFFC30]  }
0x340: {  	v8 =	vld [tilespmem:s16+$0xFFFFFC40]  }
0x341: {  	v9 =	vld [tilespmem:s16+$0xFFFFFC50]  }
0x342: {  	v10 =	vld [tilespmem:s16+$0xFFFFFC60]  }
0x343: {  	v11 =	vld [tilespmem:s16+$0xFFFFFC70]  }
0x344: {  	v12 =	vld [tilespmem:s16+$0x0]  }
0x345: {  	v13 =	vld [tilespmem:s16+$0x10]  }
0x346: {  	v14 =	vld [tilespmem:s16+$0x20]  }
0x347: {  	v15 =	vld [tilespmem:s16+$0x30]  }
0x348: {  	v16 =	vld [tilespmem:s16+$0x40]  }
0x349: {  	v17 =	vld [tilespmem:s16+$0x50]  }
0x34a: {  	v18 =	vld [tilespmem:s16+$0x60]  }
0x34b: {  	v19 =	vld [tilespmem:s16+$0x70]  }
0x34c: {  	v20 =	vld [tilespmem:s16+$0xFFFFFE00]  }
0x34d: {  	v21 =	vld [tilespmem:s16+$0xFFFFFE10]  }
0x34e: {  	v22 =	vld [tilespmem:s16+$0xFFFFFE20]  }
0x34f: {  	v23 =	vld [tilespmem:s16+$0xFFFFFE30]  }
0x350: {  	v24 =	vld [tilespmem:s16+$0xFFFFFE40]  }
0x351: {  	v25 =	vld [tilespmem:s16+$0xFFFFFE50]  }
0x352: {  	v26 =	vld [tilespmem:s16+$0xFFFFFE60]  }
0x353: {  	v27 =	vld [tilespmem:s16+$0xFFFFFE70]  }
0x354: {  	v28 =	vld [tilespmem:s16+$0x200]  }
0x355: {  	v29 =	vld [tilespmem:s16+$0x210]  }
0x356: {  	v30 =	vld [tilespmem:s16+$0x220]  }
0x357: {  	v31 =	vld [tilespmem:s16+$0x230]  }
0x358: {  	v32 =	vld [tilespmem:s16+$0x240]  }
0x359: {  	v33 =	vld [tilespmem:s16+$0x250]  }
0x35a: {  	v34 =	vld [tilespmem:s16+$0x260]  }
0x35b: {  	v35 =	vld [tilespmem:s16+$0x270]  }
0x35c: {  	v36 =	vld [tilespmem:s16+$0xFFFFFD00]  }
0x35d: {  	v37 =	vld [tilespmem:s16+$0xFFFFFD10]  }
0x35e: {  	v38 =	vld [tilespmem:s16+$0xFFFFFD20]  }
0x35f: {  	v39 =	vld [tilespmem:s16+$0xFFFFFD30]  }
0x360: {  	v40 =	vld [tilespmem:s16+$0xFFFFFD40]  }
0x361: {  	v41 =	vld [tilespmem:s16+$0xFFFFFD50]  }
0x362: {  	v42 =	vld [tilespmem:s16+$0xFFFFFD60]  }
0x363: {  	v43 =	vld [tilespmem:s16+$0xFFFFFD70]  }
0x364: {  	v44 =	vld [tilespmem:s16+$0x100]  }
0x365: {  	v48 =	vld [tilespmem:s16+$0x330]  }
0x366: {  	v50 =	vld [tilespmem:s16+$0x340];
	v4 =	vmul.f32 v4, v4  }
0x367: {  	v52 =	vld [tilespmem:s16+$0x370];
	v5 =	vmul.f32 v5, v5;
	v6 =	vmul.f32 v6, v6  }
0x368: {  	v54 =	vld [tilespmem:s16+$0xFFFFFC80];
	v7 =	vmul.f32 v7, v7;
	v8 =	vmul.f32 v8, v8  }
0x369: {  	v56 =	vld [tilespmem:s16+$0xFFFFFC90];
	v9 =	vmul.f32 v9, v9;
	v10 =	vmul.f32 v10, v10  }
0x36a: {  	v58 =	vld [tilespmem:s16+$0xFFFFFCA0];
	v11 =	vmul.f32 v11, v11;
	v24 =	vmul.f32 v24, v24  }
0x36b: {  	v60 =	vld [tilespmem:s16+$0xFFFFFCB0];
	v25 =	vmul.f32 v25, v25;
	v26 =	vmul.f32 v26, v26  }
0x36c: {  	v61 =	vld [tilespmem:s16+$0xFFFFFCC0];
	v27 =	vmul.f32 v27, v27;
	v47 =	vmul.f32 v33, v33  }
0x36d: {  	v62 =	vld [tilespmem:s16+$0xFFFFFCD0];
	v49 =	vmul.f32 v35, v35;
	v51 =	vmul.f32 v37, v37  }
0x36e: {  	v63 =	vld [tilespmem:s16+$0xFFFFFCE0];
	v53 =	vmul.f32 v39, v39;
	v59 =	vmul.f32 v44, v44  }
0x36f: {  	v45 =	vld [tilespmem:s16+$0xFFFFFED0];
	v4 =	vadd.f32 v5, v4;
	v5 =	vmul.f32 v12, v12;
	v12 =	vmul.f32 v13, v13  }
0x370: {  	v46 =	vld [tilespmem:s16+$0xFFFFFEE0];
	v6 =	vadd.f32 v7, v6;
	v7 =	vmul.f32 v14, v14;
	v14 =	vmul.f32 v15, v15  }
0x371: {  	v44 =	vld [tilespmem:s16+$0xFFFFFE90];
	v8 =	vadd.f32 v9, v8;
	v9 =	vmul.f32 v16, v16;
	v16 =	vmul.f32 v17, v17  }
0x372: {  	v13 =	vld [tilespmem:s16+$0x110];
	v10 =	vadd.f32 v11, v10;
	v11 =	vmul.f32 v18, v18;
	v18 =	vmul.f32 v19, v19  }
0x373: {  	v15 =	vld [tilespmem:s16+$0x120];
	v24 =	vadd.f32 v25, v24;
	v25 =	vmul.f32 v28, v28;
	v26 =	vadd.f32 v27, v26  }
0x374: {  	v17 =	vld [tilespmem:s16+$0x130];
	v28 =	vmul.f32 v29, v29;
	v5 =	vadd.f32 v12, v5;
	v7 =	vadd.f32 v14, v7  }
0x375: {  	v19 =	vld [tilespmem:s16+$0x140];
	v27 =	vmul.f32 v30, v30;
	v9 =	vadd.f32 v16, v9;
	v11 =	vadd.f32 v18, v11  }
0x376: {  	v29 =	vld [tilespmem:s16+$0x310];
	v30 =	vmul.f32 v31, v31;
	v4 =	vadd.f32 v6, v4;
	v6 =	vadd.f32 v10, v8  }
0x377: {  	v12 =	vld [tilespmem:s16+$0x150];
	v24 =	vadd.f32 v26, v24;
	v26 =	vmul.f32 v34, v34;
	v25 =	vadd.f32 v28, v25  }
0x378: {  	v55 =	vmul.f32 v41, v41;
	v14 =	vld [tilespmem:s16+$0x160];
	v27 =	vadd.f32 v30, v27;
	v5 =	vadd.f32 v7, v5  }
0x379: {  	v57 =	vmul.f32 v43, v43;
	v8 =	vld [tilespmem:s16+$0x170];
	v7 =	vadd.f32 v11, v9;
	v26 =	vadd.f32 v49, v26  }
0x37a: {  	v18 =	vld [tilespmem:s16+$0xFFFFFF40];
	v25 =	vadd.f32 v27, v25;
	v27 =	vmul.f32 v36, v36;
	v49 =	vmul.f32 v62, v62  }
0x37b: {  	v28 =	vld [tilespmem:s16+$0x350];
	v4 =	vadd.f32 v6, v4;
	v13 =	vmul.f32 v13, v13;
	v15 =	vmul.f32 v15, v15  }
0x37c: {  	v9 =	vld [tilespmem:s16+$0xFFFFFF00];
	v17 =	vmul.f32 v17, v17;
	v19 =	vmul.f32 v19, v19  }
0x37d: {  	v6 =	vld [tilespmem:s16+$0xFFFFFF10];
	v5 =	vadd.f32 v7, v5;
	v10 =	vperm.xlane v4, v0;
	v12 =	vmul.f32 v12, v12  }
0x37e: {  	v31 =	vld [tilespmem:s16+$0x320];
	v27 =	vadd.f32 v51, v27;
	v14 =	vmul.f32 v14, v14;
	v8 =	vmul.f32 v8, v8  }
0x37f: {  	v11 =	vld [tilespmem:s16+$0xFFFFFF30];
	v13 =	vadd.f32 v13, v59;
	v15 =	vadd.f32 v17, v15;
	v18 =	vmul.f32 v18, v18  }
0x380: {  	v7 =	vld [tilespmem:s16+$0xFFFFFF20];
	v28 =	vmul.f32 v28, v28;
	v16 =	vperm.xlane v5, v0;
	v4 =	vadd.f32 v10, v4  }
0x381: {  	v17 =	vld [tilespmem:s16+$0xFFFFFCF0];
	v10 =	vmul.f32 v20, v20;
	v20 =	vmul.f32 v21, v21;
	v12 =	vadd.f32 v12, v19  }
0x382: {  	v21 =	vld [tilespmem:s16+$0xFFFFFF50];
	v8 =	vadd.f32 v8, v14;
	v9 =	vmul.f32 v9, v9;
	v6 =	vmul.f32 v6, v6  }
0x383: {  	v14 =	vld [tilespmem:s16+$0x80];
	v5 =	vadd.f32 v5, v16;
	v16 =	vmul.f32 v22, v22;
	v22 =	vmul.f32 v23, v23  }
0x384: {  	v11 =	vmul.f32 v11, v11;
	v23 =	vld [tilespmem:s16+$0xFFFFFF60];
	v10 =	vadd.f32 v20, v10;
	v8 =	vadd.f32 v8, v12  }
0x385: {  	v20 =	vld [tilespmem:s16+$0xFFFFFF70];
	v7 =	vmul.f32 v7, v7;
	v6 =	vadd.f32 v6, v9;
	v16 =	vadd.f32 v22, v16  }
0x386: {  	v30 =	vld [tilespmem:s16+$0x360];
	v4 =	vsel vm2, v4, v5;
	v5 =	vadd.f32 v15, v13;
	v17 =	vmul.f32 v17, v17  }
0x387: {  	v12 =	vld [tilespmem:s16+$0xA0];
	v13 =	vperm.xlane v4, v1;
	v21 =	vmul.f32 v21, v21;
	v7 =	vadd.f32 v11, v7  }
0x388: {  	v22 =	vld [tilespmem:s16+$0x300];
	v10 =	vadd.f32 v16, v10;
	v16 =	vmul.f32 v32, v32;
	v5 =	vadd.f32 v8, v5  }
0x389: {  	v62 =	vld [tilespmem:s16+$0xFFFFFFD0];
	v14 =	vmul.f32 v14, v14;
	v4 =	vadd.f32 v13, v4;
	v9 =	vmul.f32 v23, v23  }
0x38a: {  	v51 =	vld [tilespmem:s16+$0x2C0];
	v20 =	vmul.f32 v20, v20;
	v6 =	vadd.f32 v7, v6;
	v7 =	vmul.f32 v50, v50  }
0x38b: {  	v59 =	vld [tilespmem:s16+$0xFFFFFF80];
	v16 =	vadd.f32 v47, v16;
	v10 =	vadd.f32 v24, v10;
	v24 =	vmul.f32 v40, v40  }
0x38c: {  	v11 =	vld [tilespmem:s16+$0xFFFFFEA0];
	v18 =	vadd.f32 v21, v18;
	v47 =	vmul.f32 v60, v60;
	v12 =	vmul.f32 v12, v12  }
0x38d: {  	v8 =	vld [tilespmem:s16+$0xC0];
	v21 =	vmul.f32 v22, v22;
	v22 =	vmul.f32 v29, v29;
	v16 =	vadd.f32 v26, v16  }
0x38e: {  	v23 =	vld [tilespmem:s16+$0xFFFFFEB0];
	v9 =	vadd.f32 v20, v9;
	v20 =	vmul.f32 v31, v31;
	v7 =	vadd.f32 v28, v7  }
0x38f: {  	v50 =	vld [tilespmem:s16+$0x2B0];
	v26 =	vmul.f32 v38, v38;
	v16 =	vadd.f32 v16, v25;
	v25 =	vmul.f32 v42, v42  }
0x390: {  	v60 =	vld [tilespmem:s16+$0xFFFFFFB0];
	v29 =	vmul.f32 v48, v48;
	v24 =	vadd.f32 v55, v24;
	v9 =	vadd.f32 v9, v18  }
0x391: {  	v31 =	vld [tilespmem:s16+$0xFFFFFEC0];
	v18 =	vmul.f32 v30, v30;
	v26 =	vadd.f32 v53, v26;
	v25 =	vadd.f32 v57, v25  }
0x392: {  	v28 =	vld [tilespmem:s16+$0x280];
	v30 =	vmul.f32 v52, v52;
	v21 =	vadd.f32 v22, v21;
	v20 =	vadd.f32 v29, v20  }
0x393: {  	v11 =	vmul.f32 v11, v11;
	v22 =	vld [tilespmem:s16+$0xFFFFFEF0];
	v19 =	vadd.f32 v26, v27;
	v24 =	vadd.f32 v25, v24  }
0x394: {  	v29 =	vmul.f32 v56, v56;
	v8 =	vmul.f32 v8, v8;
	v53 =	vld [tilespmem:s16+$0x2F0];
	v18 =	vadd.f32 v30, v18  }
0x395: {  	v20 =	vadd.f32 v20, v21;
	v26 =	vperm.xlane v16, v0;
	v27 =	vld [tilespmem:s16+$0xD0];
	v15 =	vadd.f32 v24, v19  }
0x396: {  	v21 =	vmul.f32 v54, v54;
	v9 =	vadd.f32 v9, v6;
	v6 =	vmul.f32 v61, v61;
	v25 =	vld [tilespmem:s16+$0x90]  }
0x397: {  	v7 =	vadd.f32 v18, v7;
	v16 =	vadd.f32 v16, v26;
	v26 =	vld [tilespmem:s16+$0xE0];
	v13 =	vperm.xlane v15, v0  }
0x398: {  	v18 =	vmul.f32 v58, v58;
	v21 =	vadd.f32 v29, v21;
	v6 =	vadd.f32 v49, v6;
	v19 =	vld [tilespmem:s16+$0xB0]  }
0x399: {  	v20 =	vadd.f32 v7, v20;
	v7 =	vmul.f32 v63, v63;
	v13 =	vadd.f32 v13, v15;
	v15 =	vld [tilespmem:s16+$0xF0]  }
0x39a: {  	v48 =	vld [tilespmem:s16+$0x2A0];
	v22 =	vmul.f32 v22, v22;
	v18 =	vadd.f32 v47, v18;
	v24 =	vperm.xlane v10, v0  }
0x39b: {  	v29 =	vld [tilespmem:s16+$0x2D0];
	v58 =	vmul.f32 v53, v53;
	v27 =	vmul.f32 v27, v27;
	v7 =	vadd.f32 v17, v7  }
0x39c: {  	v55 =	vld [tilespmem:s16+$0x1C0];
	v10 =	vadd.f32 v24, v10;
	v24 =	vperm.xlane v5, v0;
	v25 =	vmul.f32 v25, v25  }
0x39d: {  	v52 =	vld [tilespmem:s16+$0x2E0];
	v17 =	vmul.f32 v26, v26;
	v8 =	vadd.f32 v27, v8;
	v6 =	vadd.f32 v7, v6  }
0x39e: {  	v26 =	vld [tilespmem:s16+$0xFFFFFD80];
	v5 =	vadd.f32 v5, v24;
	v19 =	vmul.f32 v19, v19;
	v15 =	vmul.f32 v15, v15  }
0x39f: {  	v10 =	vsel vm2, v10, v16;
	v16 =	vadd.f32 v18, v21;
	v18 =	vld [tilespmem:s16+$0xFFFFFDB0];
	v14 =	vadd.f32 v25, v14  }
0x3a0: {  	v56 =	vld [tilespmem:s16+$0x1E0];
	v29 =	vmul.f32 v29, v29;
	v12 =	vadd.f32 v19, v12;
	v15 =	vadd.f32 v15, v17  }
0x3a1: {  	v30 =	vld [tilespmem:s16+$0x290];
	v21 =	vperm.xlane v9, v0;
	v25 =	vperm.xlane v20, v0;
	v5 =	vsel vm2, v13, v5  }
0x3a2: {  	v54 =	vld [tilespmem:s16+$0xFFFFFDE0];
	v7 =	vadd.f32 v12, v14;
	v14 =	vperm.xlane v5, v1;
	v8 =	vadd.f32 v15, v8  }
0x3a3: {  	v24 =	vld [tilespmem:s16+$0xFFFFFE80];
	v13 =	vperm.xlane v10, v1;
	v26 =	vmul.f32 v26, v26;
	v15 =	vadd.f32 v6, v16  }
0x3a4: {  	v18 =	vmul.f32 v18, v18;
	v17 =	vld [tilespmem:s16+$0xFFFFFDA0];
	v5 =	vadd.f32 v14, v5;
	v27 =	vadd.f32 v8, v7  }
0x3a5: {  	v61 =	vld [tilespmem:s16+$0xFFFFFFC0];
	v6 =	vadd.f32 v10, v13;
	v10 =	vperm.xlane v15, v0;
	v7 =	vadd.f32 v21, v9  }
0x3a6: {  	v57 =	vld [tilespmem:s16+$0x1F0];
	v8 =	vadd.f32 v20, v25;
	v21 =	vmul.f32 v44, v44;
	v14 =	vperm.xlane v27, v0  }
0x3a7: {  	v19 =	vld [tilespmem:s16+$0xFFFFFD90];
	v25 =	vmul.f32 v31, v31;
	v31 =	vmul.f32 v46, v46;
	v9 =	vadd.f32 v10, v15  }
0x3a8: {  	v12 =	vld [tilespmem:s16+$0xFFFFFDC0];
	v15 =	vmul.f32 v24, v24;
	v10 =	vadd.f32 v27, v14;
	v14 =	vmul.f32 v23, v23  }
0x3a9: {  	v16 =	vld [tilespmem:s16+$0xFFFFFDD0];
	v17 =	vmul.f32 v17, v17;
	v22 =	vadd.f32 v22, v31;
	v27 =	vmul.f32 v45, v45  }
0x3aa: {  	v13 =	vld [tilespmem:s16+$0xFFFFFDF0];
	v31 =	vmul.f32 v50, v50;
	v15 =	vadd.f32 v21, v15;
	v11 =	vadd.f32 v14, v11  }
0x3ab: {  	v20 =	vld [tilespmem:s16+$0x180];
	v18 =	vadd.f32 v18, v17;
	v14 =	vadd.f32 v27, v25;
	v25 =	vmul.f32 v28, v28  }
0x3ac: {  	v24 =	vld [tilespmem:s16+$0x190];
	v27 =	vmul.f32 v30, v30;
	v30 =	vmul.f32 v48, v48;
	v11 =	vadd.f32 v11, v15  }
0x3ad: {  	v17 =	vld [tilespmem:s16+$0x380];
	v15 =	vmul.f32 v51, v51;
	v14 =	vadd.f32 v22, v14;
	v22 =	vmul.f32 v52, v52  }
0x3ae: {  	v19 =	vmul.f32 v19, v19;
	v23 =	vld [tilespmem:s16+$0x1A0];
	v25 =	vadd.f32 v27, v25;
	v27 =	vadd.f32 v31, v30  }
0x3af: {  	v28 =	vld [tilespmem:s16+$0x1D0];
	v15 =	vadd.f32 v29, v15;
	v22 =	vadd.f32 v58, v22  }
0x3b0: {  	v19 =	vadd.f32 v19, v26;
	v21 =	vld [tilespmem:s16+$0x1B0]  }
0x3b1: {  	v31 =	vld [tilespmem:s16+$0xFFFFFF90];
	v25 =	vadd.f32 v27, v25;
	v15 =	vadd.f32 v22, v15  }
0x3b2: {  	v29 =	vld [tilespmem:s16+$0xFFFFFFA0];
	v11 =	vadd.f32 v14, v11;
	v14 =	vmul.f32 v12, v12;
	v22 =	vmul.f32 v16, v16  }
0x3b3: {  	v13 =	vmul.f32 v13, v13;
	v16 =	vld [tilespmem:s16+$0xFFFFFFF0];
	v12 =	vadd.f32 v15, v25;
	v25 =	vmul.f32 v54, v54  }
0x3b4: {  	v24 =	vmul.f32 v24, v24;
	v26 =	vmul.f32 v28, v28;
	v15 =	vld [tilespmem:s16+$0xFFFFFFE0];
	v14 =	vadd.f32 v22, v14  }
0x3b5: {  	v28 =	vmul.f32 v57, v57;
	v22 =	vadd.f32 v13, v25;
	v13 =	vadd.f32 v18, v19;
	v18 =	vld [tilespmem:s16+$0x390]  }
0x3b6: {  	v19 =	vmul.f32 v20, v20;
	v20 =	vld [tilespmem:s16+$0x3A0];
	v25 =	vmul.f32 v55, v55  }
0x3b7: {  	v14 =	vadd.f32 v22, v14;
	v22 =	vmul.f32 v23, v23;
	v23 =	vmul.f32 v21, v21;
	v21 =	vld [tilespmem:s16+$0x3B0]  }
0x3b8: {  	v19 =	vadd.f32 v24, v19;
	v24 =	vmul.f32 v56, v56;
	v30 =	vadd.f32 v26, v25;
	v25 =	vld [tilespmem:s16+$0x3F0]  }
0x3b9: {  	v32 =	vmul.f32 v62, v62;
	v27 =	vmul.f32 v31, v31;
	v63 =	vadd.f32 v23, v22;
	v22 =	vld [tilespmem:s16+$0x3C0]  }
0x3ba: {  	v31 =	vmul.f32 v61, v61;
	v26 =	vmul.f32 v59, v59;
	v23 =	vld [tilespmem:s16+$0x3D0];
	v33 =	vadd.f32 v28, v24  }
0x3bb: {  	s17 =	simm.s32 $0x0;
	s19 =	simm.s32 $0x40;
	v28 =	vmul.f32 v29, v29;
	v29 =	vmul.f32 v60, v60;
	v24 =	vld [tilespmem:s16+$0x3E0];
	v19 =	vadd.f32 v63, v19  }
.LBB2_5:
0x3bc: {  	p0 =	sne.s32 s19, $0x100;
	v30 =	vadd.f32 v33, v30;
	v15 =	vmul.f32 v15, v15;
	v16 =	vmul.f32 v16, v16  }
0x3bd: {  	v26 =	vadd.f32 v27, v26;
	v17 =	vmul.f32 v17, v17;
	v18 =	vmul.f32 v18, v18  }
0x3be: {  	v27 =	vadd.f32 v29, v28;
	v20 =	vmul.f32 v20, v20;
	v21 =	vmul.f32 v21, v21  }
0x3bf: {  	v28 =	vadd.f32 v32, v31;
	v22 =	vmul.f32 v22, v22;
	v23 =	vmul.f32 v23, v23  }
0x3c0: {  	v15 =	vadd.f32 v16, v15;
	v16 =	vmul.f32 v24, v24;
	v24 =	vmul.f32 v25, v25  }
0x3c1: {  	v17 =	vadd.f32 v18, v17;
	v18 =	vadd.f32 v21, v20  }
0x3c2: {  	v20 =	vadd.f32 v23, v22;
	v16 =	vadd.f32 v24, v16  }
0x3c3: {  	v21 =	vadd.f32 v27, v26;
	v15 =	vadd.f32 v15, v28  }
0x3c4: {  	v17 =	vadd.f32 v18, v17;
	v16 =	vadd.f32 v16, v20  }
0x3c5: {  	v13 =	vadd.f32 v14, v13;
	v14 =	vadd.f32 v30, v19;
	v18 =	vperm.xlane v11, v0  }
0x3c6: {  	v19 =	vperm.xlane v12, v0;
	v15 =	vadd.f32 v15, v21;
	v16 =	vadd.f32 v16, v17  }
0x3c7: {  	v11 =	vadd.f32 v18, v11;
	v18 =	vperm.xlane v14, v0;
	v17 =	vperm.xlane v13, v0  }
0x3c8: {  	v12 =	vadd.f32 v12, v19;
	v19 =	vperm.xlane v15, v0;
	v20 =	vperm.xlane v16, v0  }
0x3c9: {  	v7 =	vsel vm2, v7, v8;
	v8 =	vadd.f32 v17, v13;
	v13 =	vadd.f32 v14, v18  }
0x3ca: {  	v9 =	vsel vm2, v9, v10;
	v10 =	vadd.f32 v19, v15;
	v14 =	vadd.f32 v16, v20  }
0x3cb: {  	v11 =	vsel vm2, v11, v12;
	v12 =	vperm.xlane v9, v1;
	v15 =	vperm.xlane v7, v1  }
0x3cc: {  	v16 =	vperm.xlane v11, v1;
	v8 =	vsel vm2, v8, v13;
	v10 =	vsel vm2, v10, v14  }
0x3cd: {  	v7 =	vadd.f32 v7, v15;
	v13 =	vperm.xlane v8, v1;
	v14 =	vperm.xlane v10, v1  }
0x3ce: {  	v9 =	vadd.f32 v12, v9;
	v11 =	vadd.f32 v11, v16  }
0x3cf: {  	v4 =	vsel vm0, v4, v6;
	v6 =	vadd.f32 v13, v8;
	v8 =	vadd.f32 v10, v14  }
0x3d0: {  	v5 =	vsel vm0, v5, v7;
	v7 =	vperm.xlane v4, v2  }
0x3d1: {  	v9 =	vsel vm0, v9, v11;
	v10 =	vperm.xlane v5, v2;
	v6 =	vsel vm0, v6, v8  }
0x3d2: {  	v8 =	vperm.xlane v9, v2;
	v11 =	vperm.xlane v6, v2  }
0x3d3: {  	v4 =	vadd.f32 v7, v4;
	v5 =	vadd.f32 v5, v10  }
0x3d4: {  	v7 =	vadd.f32 v8, v9;
	v6 =	vadd.f32 v6, v11;
	_ =	sdelay $0x1  }
0x3d5: {  	s21 =	sshra.s32 s17, $0x2;
	s17 =	smov.u32 s19;
	v4 =	vsel vm1, v4, v5;
	v5 =	vsel vm1, v7, v6  }
0x3d6: {  	v6 =	vperm.xlane v4, v3;
	v7 =	vperm.xlane v5, v3;
	v8 =	vld [tilespmem:s21+$0xC700];
	_ =	sdelay $0x1  }
0x3d7: {  	v4 =	vadd.f32 v6, v4;
	v5 =	vadd.f32 v5, v7;
	v6 =	vld [tilespmem:s21+$0xC900];
	_ =	sdelay $0x1  }
0x3d8: {  	v4 =	vsel vm3, v4, v5  }
0x3d9: {  	v4 =	vsub.f32 v4, v8;
	_ =	sdelay $0x1  }
0x3da: {  	v4 =	vsub.f32 v4, v6;
	_ =	sdelay $0x1  }
0x3db: {  	v4 =	vmul.f32 $-5.000000000e-01, v4;
	_ =	sdelay $0x1  }
0x3dc: {  	v4 =	vadd.f32 $0.0e+00, v4;
	_ =	sdelay $0x1  }
0x3dd: {  	v4 =	vmul.f32 $1.442695020e+00, v4;
	_ =	sdelay $0x1  }
0x3de: {  	(erf) = vpow2.f32 v4;
	_ =	sdelay $0x8  }
0x3df: {  	v4 =	vpop (erf)  }
0x3e0: {  	v4 =	vadd.f32 $1.000000000e+00, v4;
	_ =	sdelay $0x1  }
0x3e1: {  	(erf) = vrcp.f32 v4;
	_ =	sdelay $0x8  }
0x3e2: {  	v4 =	vpop (erf)  }
0x3e3: {  	s16 =	sadd.s32 $0x800, s16;
	[tilespmem:s21+$0xCB00] =	vst v4  }
0x3e4: {  	v4 =	vld [tilespmem:s16+$0xFFFFFC00]  }
0x3e5: {  	v5 =	vld [tilespmem:s16+$0xFFFFFC10]  }
0x3e6: {  	v6 =	vld [tilespmem:s16+$0xFFFFFC20]  }
0x3e7: {  	v7 =	vld [tilespmem:s16+$0xFFFFFC30]  }
0x3e8: {  	v8 =	vld [tilespmem:s16+$0xFFFFFC40]  }
0x3e9: {  	v9 =	vld [tilespmem:s16+$0xFFFFFC50]  }
0x3ea: {  	v10 =	vld [tilespmem:s16+$0xFFFFFC60]  }
0x3eb: {  	v11 =	vld [tilespmem:s16+$0xFFFFFC70]  }
0x3ec: {  	v12 =	vld [tilespmem:s16+$0x0]  }
0x3ed: {  	v13 =	vld [tilespmem:s16+$0x10]  }
0x3ee: {  	v14 =	vld [tilespmem:s16+$0x20]  }
0x3ef: {  	v15 =	vld [tilespmem:s16+$0x30]  }
0x3f0: {  	v16 =	vld [tilespmem:s16+$0x40]  }
0x3f1: {  	v17 =	vld [tilespmem:s16+$0x50]  }
0x3f2: {  	v18 =	vld [tilespmem:s16+$0x60]  }
0x3f3: {  	v19 =	vld [tilespmem:s16+$0x70]  }
0x3f4: {  	v20 =	vld [tilespmem:s16+$0xFFFFFE00]  }
0x3f5: {  	v21 =	vld [tilespmem:s16+$0xFFFFFE10]  }
0x3f6: {  	v22 =	vld [tilespmem:s16+$0xFFFFFE20]  }
0x3f7: {  	v23 =	vld [tilespmem:s16+$0xFFFFFE30]  }
0x3f8: {  	v24 =	vld [tilespmem:s16+$0xFFFFFE40]  }
0x3f9: {  	v25 =	vld [tilespmem:s16+$0xFFFFFE50]  }
0x3fa: {  	v26 =	vld [tilespmem:s16+$0xFFFFFE60]  }
0x3fb: {  	v27 =	vld [tilespmem:s16+$0xFFFFFE70]  }
0x3fc: {  	v28 =	vld [tilespmem:s16+$0x200]  }
0x3fd: {  	v29 =	vld [tilespmem:s16+$0x210]  }
0x3fe: {  	v30 =	vld [tilespmem:s16+$0x220]  }
0x3ff: {  	v31 =	vld [tilespmem:s16+$0x230]  }
0x400: {  	v32 =	vld [tilespmem:s16+$0x240]  }
0x401: {  	v33 =	vld [tilespmem:s16+$0x250]  }
0x402: {  	v34 =	vld [tilespmem:s16+$0x260]  }
0x403: {  	v35 =	vld [tilespmem:s16+$0x270]  }
0x404: {  	v36 =	vld [tilespmem:s16+$0xFFFFFD00]  }
0x405: {  	v37 =	vld [tilespmem:s16+$0xFFFFFD10]  }
0x406: {  	v38 =	vld [tilespmem:s16+$0xFFFFFD20]  }
0x407: {  	v39 =	vld [tilespmem:s16+$0xFFFFFD30]  }
0x408: {  	v40 =	vld [tilespmem:s16+$0xFFFFFD40]  }
0x409: {  	v4 =	vmul.f32 v4, v4;
	v5 =	vmul.f32 v5, v5;
	v41 =	vld [tilespmem:s16+$0xFFFFFD50]  }
0x40a: {  	v6 =	vmul.f32 v6, v6;
	v7 =	vmul.f32 v7, v7;
	v42 =	vld [tilespmem:s16+$0xFFFFFD60]  }
0x40b: {  	v8 =	vmul.f32 v8, v8;
	v9 =	vmul.f32 v9, v9;
	v43 =	vld [tilespmem:s16+$0xFFFFFD70]  }
0x40c: {  	v10 =	vmul.f32 v10, v10;
	v11 =	vmul.f32 v11, v11;
	v44 =	vld [tilespmem:s16+$0x100]  }
0x40d: {  	v4 =	vadd.f32 v5, v4;
	v5 =	vmul.f32 v12, v12;
	v12 =	vmul.f32 v13, v13;
	v13 =	vld [tilespmem:s16+$0x110]  }
0x40e: {  	v6 =	vadd.f32 v7, v6;
	v7 =	vmul.f32 v14, v14;
	v14 =	vmul.f32 v15, v15;
	v15 =	vld [tilespmem:s16+$0x120]  }
0x40f: {  	v8 =	vadd.f32 v9, v8;
	v9 =	vmul.f32 v16, v16;
	v16 =	vmul.f32 v17, v17;
	v17 =	vld [tilespmem:s16+$0x130]  }
0x410: {  	v10 =	vadd.f32 v11, v10;
	v11 =	vmul.f32 v18, v18;
	v18 =	vmul.f32 v19, v19;
	v19 =	vld [tilespmem:s16+$0x140]  }
0x411: {  	v5 =	vadd.f32 v12, v5;
	v7 =	vadd.f32 v14, v7;
	v12 =	vld [tilespmem:s16+$0x150]  }
0x412: {  	v9 =	vadd.f32 v16, v9;
	v11 =	vadd.f32 v18, v11;
	v14 =	vld [tilespmem:s16+$0x160]  }
0x413: {  	v4 =	vadd.f32 v6, v4;
	v6 =	vadd.f32 v10, v8;
	v16 =	vld [tilespmem:s16+$0x170]  }
0x414: {  	v8 =	vadd.f32 v7, v5;
	v9 =	vadd.f32 v11, v9;
	v5 =	vld [tilespmem:s16+$0xFFFFFF00]  }
0x415: {  	v4 =	vadd.f32 v6, v4;
	v7 =	vld [tilespmem:s16+$0xFFFFFF10]  }
0x416: {  	v11 =	vadd.f32 v9, v8;
	v6 =	vld [tilespmem:s16+$0xFFFFFF20]  }
0x417: {  	v10 =	vperm.xlane v4, v0;
	v8 =	vld [tilespmem:s16+$0xFFFFFF30]  }
0x418: {  	v18 =	vperm.xlane v11, v0;
	v9 =	vld [tilespmem:s16+$0xFFFFFF40]  }
0x419: {  	v20 =	vmul.f32 v20, v20;
	v4 =	vadd.f32 v10, v4;
	v21 =	vmul.f32 v21, v21;
	v10 =	vld [tilespmem:s16+$0xFFFFFF50]  }
0x41a: {  	v22 =	vmul.f32 v22, v22;
	v23 =	vmul.f32 v23, v23;
	v18 =	vadd.f32 v11, v18;
	v11 =	vld [tilespmem:s16+$0xFFFFFF60]  }
0x41b: {  	v20 =	vadd.f32 v21, v20;
	v24 =	vmul.f32 v24, v24;
	v25 =	vmul.f32 v25, v25;
	v21 =	vld [tilespmem:s16+$0xFFFFFF70]  }
0x41c: {  	v22 =	vadd.f32 v23, v22;
	v26 =	vmul.f32 v26, v26;
	v27 =	vmul.f32 v27, v27;
	v23 =	vld [tilespmem:s16+$0x300]  }
0x41d: {  	v24 =	vadd.f32 v25, v24;
	v25 =	vmul.f32 v28, v28;
	v28 =	vmul.f32 v29, v29;
	v29 =	vld [tilespmem:s16+$0x310]  }
0x41e: {  	v26 =	vadd.f32 v27, v26;
	v27 =	vmul.f32 v30, v30;
	v30 =	vmul.f32 v31, v31;
	v31 =	vld [tilespmem:s16+$0x320]  }
0x41f: {  	v20 =	vadd.f32 v22, v20;
	v22 =	vmul.f32 v32, v32;
	v32 =	vmul.f32 v33, v33;
	v33 =	vld [tilespmem:s16+$0x330]  }
0x420: {  	v24 =	vadd.f32 v26, v24;
	v26 =	vmul.f32 v34, v34;
	v34 =	vmul.f32 v35, v35;
	v35 =	vld [tilespmem:s16+$0x340]  }
0x421: {  	v25 =	vadd.f32 v28, v25;
	v27 =	vadd.f32 v30, v27;
	v28 =	vld [tilespmem:s16+$0x350]  }
0x422: {  	v22 =	vadd.f32 v32, v22;
	v26 =	vadd.f32 v34, v26;
	v30 =	vld [tilespmem:s16+$0x360]  }
0x423: {  	v25 =	vadd.f32 v27, v25;
	v27 =	vmul.f32 v36, v36;
	v32 =	vmul.f32 v37, v37;
	v34 =	vld [tilespmem:s16+$0x370]  }
0x424: {  	v22 =	vadd.f32 v26, v22;
	v26 =	vmul.f32 v38, v38;
	v36 =	vmul.f32 v39, v39;
	v37 =	vld [tilespmem:s16+$0xFFFFFC80]  }
0x425: {  	v20 =	vadd.f32 v24, v20;
	v24 =	vmul.f32 v40, v40;
	v38 =	vmul.f32 v41, v41;
	v39 =	vld [tilespmem:s16+$0xFFFFFC90]  }
0x426: {  	v22 =	vadd.f32 v22, v25;
	v25 =	vmul.f32 v42, v42;
	v40 =	vmul.f32 v43, v43;
	v41 =	vld [tilespmem:s16+$0xFFFFFCA0]  }
0x427: {  	v27 =	vadd.f32 v32, v27;
	v32 =	vmul.f32 v44, v44;
	v13 =	vmul.f32 v13, v13;
	v42 =	vld [tilespmem:s16+$0xFFFFFCB0]  }
0x428: {  	v26 =	vadd.f32 v36, v26;
	v15 =	vmul.f32 v15, v15;
	v17 =	vmul.f32 v17, v17;
	v36 =	vld [tilespmem:s16+$0xFFFFFCC0]  }
0x429: {  	v24 =	vadd.f32 v38, v24;
	v19 =	vmul.f32 v19, v19;
	v12 =	vmul.f32 v12, v12;
	v38 =	vld [tilespmem:s16+$0xFFFFFCD0]  }
0x42a: {  	v25 =	vadd.f32 v40, v25;
	v14 =	vmul.f32 v14, v14;
	v16 =	vmul.f32 v16, v16;
	v40 =	vld [tilespmem:s16+$0xFFFFFCE0]  }
0x42b: {  	v13 =	vadd.f32 v13, v32;
	v15 =	vadd.f32 v17, v15;
	v17 =	vld [tilespmem:s16+$0xFFFFFCF0]  }
0x42c: {  	v12 =	vadd.f32 v12, v19;
	v14 =	vadd.f32 v16, v14;
	v16 =	vld [tilespmem:s16+$0x80]  }
0x42d: {  	v24 =	vadd.f32 v25, v24;
	v19 =	vadd.f32 v26, v27;
	v25 =	vld [tilespmem:s16+$0x90]  }
0x42e: {  	v4 =	vsel vm2, v4, v18;
	v13 =	vadd.f32 v15, v13;
	v12 =	vadd.f32 v14, v12;
	v14 =	vld [tilespmem:s16+$0xA0]  }
0x42f: {  	v15 =	vperm.xlane v4, v1;
	v18 =	vadd.f32 v24, v19;
	v19 =	vld [tilespmem:s16+$0xB0]  }
0x430: {  	v26 =	vperm.xlane v22, v0;
	v24 =	vperm.xlane v20, v0;
	v12 =	vadd.f32 v12, v13;
	v13 =	vld [tilespmem:s16+$0xC0]  }
0x431: {  	v4 =	vadd.f32 v15, v4;
	v15 =	vperm.xlane v18, v0;
	v27 =	vld [tilespmem:s16+$0xD0]  }
0x432: {  	v22 =	vadd.f32 v22, v26;
	v20 =	vadd.f32 v24, v20;
	v24 =	vperm.xlane v12, v0;
	v26 =	vld [tilespmem:s16+$0xE0]  }
0x433: {  	v5 =	vmul.f32 v5, v5;
	v7 =	vmul.f32 v7, v7;
	v15 =	vadd.f32 v15, v18;
	v18 =	vld [tilespmem:s16+$0xF0]  }
0x434: {  	v6 =	vmul.f32 v6, v6;
	v8 =	vmul.f32 v8, v8;
	v12 =	vadd.f32 v12, v24;
	v24 =	vld [tilespmem:s16+$0xFFFFFE80]  }
0x435: {  	v5 =	vadd.f32 v7, v5;
	v9 =	vmul.f32 v9, v9;
	v10 =	vmul.f32 v10, v10;
	v32 =	vld [tilespmem:s16+$0xFFFFFE90]  }
0x436: {  	v6 =	vadd.f32 v8, v6;
	v7 =	vmul.f32 v11, v11;
	v11 =	vmul.f32 v21, v21;
	v21 =	vld [tilespmem:s16+$0xFFFFFEA0]  }
0x437: {  	v8 =	vadd.f32 v10, v9;
	v9 =	vmul.f32 v23, v23;
	v10 =	vmul.f32 v29, v29;
	v23 =	vld [tilespmem:s16+$0xFFFFFEB0]  }
0x438: {  	v7 =	vadd.f32 v11, v7;
	v11 =	vmul.f32 v31, v31;
	v29 =	vmul.f32 v33, v33;
	v31 =	vld [tilespmem:s16+$0xFFFFFEC0]  }
0x439: {  	v5 =	vadd.f32 v6, v5;
	v6 =	vmul.f32 v35, v35;
	v28 =	vmul.f32 v28, v28;
	v33 =	vld [tilespmem:s16+$0xFFFFFED0]  }
0x43a: {  	v7 =	vadd.f32 v7, v8;
	v8 =	vmul.f32 v30, v30;
	v30 =	vmul.f32 v34, v34;
	v34 =	vld [tilespmem:s16+$0xFFFFFEE0]  }
0x43b: {  	v9 =	vadd.f32 v10, v9;
	v10 =	vadd.f32 v29, v11;
	v11 =	vld [tilespmem:s16+$0xFFFFFEF0]  }
0x43c: {  	v6 =	vadd.f32 v28, v6;
	v8 =	vadd.f32 v30, v8;
	v28 =	vld [tilespmem:s16+$0x280]  }
0x43d: {  	v9 =	vadd.f32 v10, v9;
	v10 =	vmul.f32 v37, v37;
	v29 =	vmul.f32 v39, v39;
	v30 =	vld [tilespmem:s16+$0x290]  }
0x43e: {  	v6 =	vadd.f32 v8, v6;
	v8 =	vmul.f32 v41, v41;
	v35 =	vmul.f32 v42, v42;
	v37 =	vld [tilespmem:s16+$0x2A0]  }
0x43f: {  	v7 =	vadd.f32 v7, v5;
	v5 =	vmul.f32 v36, v36;
	v36 =	vmul.f32 v38, v38;
	v38 =	vld [tilespmem:s16+$0x2B0]  }
0x440: {  	v9 =	vadd.f32 v6, v9;
	v6 =	vmul.f32 v40, v40;
	v17 =	vmul.f32 v17, v17;
	v39 =	vld [tilespmem:s16+$0x2C0]  }
0x441: {  	v10 =	vadd.f32 v29, v10;
	v16 =	vmul.f32 v16, v16;
	v25 =	vmul.f32 v25, v25;
	v29 =	vld [tilespmem:s16+$0x2D0]  }
0x442: {  	v8 =	vadd.f32 v35, v8;
	v14 =	vmul.f32 v14, v14;
	v19 =	vmul.f32 v19, v19;
	v35 =	vld [tilespmem:s16+$0x2E0]  }
0x443: {  	v5 =	vadd.f32 v36, v5;
	v13 =	vmul.f32 v13, v13;
	v27 =	vmul.f32 v27, v27;
	v36 =	vld [tilespmem:s16+$0x2F0]  }
0x444: {  	v6 =	vadd.f32 v17, v6;
	v17 =	vmul.f32 v26, v26;
	v18 =	vmul.f32 v18, v18;
	v26 =	vld [tilespmem:s16+$0xFFFFFD80]  }
0x445: {  	v16 =	vadd.f32 v25, v16;
	v14 =	vadd.f32 v19, v14;
	v19 =	vld [tilespmem:s16+$0xFFFFFD90]  }
0x446: {  	v13 =	vadd.f32 v27, v13;
	v17 =	vadd.f32 v18, v17;
	v18 =	vld [tilespmem:s16+$0xFFFFFDA0]  }
0x447: {  	v20 =	vsel vm2, v20, v22;
	v8 =	vadd.f32 v8, v10;
	v5 =	vadd.f32 v6, v5;
	v22 =	vld [tilespmem:s16+$0xFFFFFDB0]  }
0x448: {  	v10 =	vsel vm2, v15, v12;
	v6 =	vadd.f32 v14, v16;
	v12 =	vadd.f32 v17, v13;
	v13 =	vld [tilespmem:s16+$0xFFFFFDC0]  }
0x449: {  	v15 =	vperm.xlane v10, v1;
	v14 =	vperm.xlane v20, v1;
	v16 =	vadd.f32 v5, v8;
	v17 =	vld [tilespmem:s16+$0xFFFFFDD0]  }
0x44a: {  	v25 =	vperm.xlane v9, v0;
	v8 =	vperm.xlane v7, v0;
	v12 =	vadd.f32 v12, v6;
	v27 =	vld [tilespmem:s16+$0xFFFFFDE0]  }
0x44b: {  	v5 =	vadd.f32 v15, v10;
	v10 =	vperm.xlane v16, v0;
	v6 =	vadd.f32 v20, v14;
	v14 =	vld [tilespmem:s16+$0xFFFFFDF0]  }
0x44c: {  	v7 =	vadd.f32 v8, v7;
	v8 =	vadd.f32 v9, v25;
	v15 =	vperm.xlane v12, v0;
	v20 =	vld [tilespmem:s16+$0x180]  }
0x44d: {  	v9 =	vadd.f32 v10, v16;
	v16 =	vmul.f32 v24, v24;
	v24 =	vmul.f32 v32, v32;
	v25 =	vld [tilespmem:s16+$0x190]  }
0x44e: {  	v10 =	vadd.f32 v12, v15;
	v12 =	vmul.f32 v21, v21;
	v15 =	vmul.f32 v23, v23;
	v21 =	vld [tilespmem:s16+$0x1A0]  }
0x44f: {  	v16 =	vadd.f32 v24, v16;
	v23 =	vmul.f32 v31, v31;
	v31 =	vmul.f32 v33, v33;
	v24 =	vld [tilespmem:s16+$0x1B0]  }
0x450: {  	v32 =	vmul.f32 v34, v34;
	v11 =	vmul.f32 v11, v11;
	v12 =	vadd.f32 v15, v12;
	v33 =	vld [tilespmem:s16+$0x1C0]  }
0x451: {  	v15 =	vadd.f32 v31, v23;
	v23 =	vmul.f32 v28, v28;
	v28 =	vmul.f32 v30, v30;
	v30 =	vld [tilespmem:s16+$0x1D0]  }
0x452: {  	v11 =	vadd.f32 v11, v32;
	v31 =	vmul.f32 v37, v37;
	v32 =	vmul.f32 v38, v38;
	v34 =	vld [tilespmem:s16+$0x1E0]  }
0x453: {  	v12 =	vadd.f32 v12, v16;
	v16 =	vmul.f32 v39, v39;
	v29 =	vmul.f32 v29, v29;
	v37 =	vld [tilespmem:s16+$0x1F0]  }
0x454: {  	v11 =	vadd.f32 v11, v15;
	v15 =	vmul.f32 v35, v35;
	v35 =	vmul.f32 v36, v36;
	v36 =	vld [tilespmem:s16+$0xFFFFFF80]  }
0x455: {  	v23 =	vadd.f32 v28, v23;
	v28 =	vadd.f32 v32, v31;
	v31 =	vld [tilespmem:s16+$0xFFFFFF90]  }
0x456: {  	v16 =	vadd.f32 v29, v16;
	v15 =	vadd.f32 v35, v15;
	v29 =	vld [tilespmem:s16+$0xFFFFFFA0]  }
0x457: {  	v23 =	vadd.f32 v28, v23;
	v26 =	vmul.f32 v26, v26;
	v19 =	vmul.f32 v19, v19;
	v32 =	vld [tilespmem:s16+$0xFFFFFFB0]  }
0x458: {  	v15 =	vadd.f32 v15, v16;
	v16 =	vmul.f32 v18, v18;
	v18 =	vmul.f32 v22, v22;
	v35 =	vld [tilespmem:s16+$0xFFFFFFC0]  }
0x459: {  	v11 =	vadd.f32 v11, v12;
	v13 =	vmul.f32 v13, v13;
	v17 =	vmul.f32 v17, v17;
	v38 =	vld [tilespmem:s16+$0xFFFFFFD0]  }
0x45a: {  	v12 =	vadd.f32 v15, v23;
	v22 =	vmul.f32 v27, v27;
	v14 =	vmul.f32 v14, v14;
	v15 =	vld [tilespmem:s16+$0xFFFFFFE0]  }
0x45b: {  	v19 =	vadd.f32 v19, v26;
	v18 =	vadd.f32 v18, v16;
	v16 =	vld [tilespmem:s16+$0xFFFFFFF0]  }
0x45c: {  	v23 =	vadd.f32 v17, v13;
	v14 =	vadd.f32 v14, v22;
	v17 =	vld [tilespmem:s16+$0x380]  }
0x45d: {  	v13 =	vadd.f32 v18, v19;
	v19 =	vmul.f32 v20, v20;
	v22 =	vmul.f32 v25, v25;
	v18 =	vld [tilespmem:s16+$0x390]  }
0x45e: {  	v14 =	vadd.f32 v14, v23;
	v23 =	vmul.f32 v21, v21;
	v24 =	vmul.f32 v24, v24;
	v20 =	vld [tilespmem:s16+$0x3A0]  }
.Ltmp13:
0x45f: {  	v19 =	vadd.f32 v22, v19;
	v25 =	vmul.f32 v33, v33;
	v26 =	vmul.f32 v30, v30;
	v21 =	vld [tilespmem:s16+$0x3B0];
	(pc) =	sbr.rel @p0 .LBB2_5-.Ltmp13, $4  }
0x460: {  	v28 =	vmul.f32 v34, v34;
	v34 =	vadd.f32 v24, v23;
	v33 =	vmul.f32 v37, v37;
	v22 =	vld [tilespmem:s16+$0x3C0]  }
0x461: {  	v30 =	vadd.f32 v26, v25;
	v26 =	vmul.f32 v36, v36;
	v27 =	vmul.f32 v31, v31;
	v23 =	vld [tilespmem:s16+$0x3D0]  }
0x462: {  	v33 =	vadd.f32 v33, v28;
	v28 =	vmul.f32 v29, v29;
	v29 =	vmul.f32 v32, v32;
	v24 =	vld [tilespmem:s16+$0x3E0]  }
0x463: {  	s19 =	sadd.s32 $0x40, s19;
	v19 =	vadd.f32 v34, v19;
	v31 =	vmul.f32 v35, v35;
	v32 =	vmul.f32 v38, v38;
	v25 =	vld [tilespmem:s16+$0x3F0]  }
0x464: {  	v30 =	vadd.f32 v33, v30;
	v15 =	vmul.f32 v15, v15;
	v16 =	vmul.f32 v16, v16  }
0x465: {  	v26 =	vadd.f32 v27, v26;
	v17 =	vmul.f32 v17, v17;
	v18 =	vmul.f32 v18, v18  }
0x466: {  	v33 =	vadd.f32 v29, v28;
	v20 =	vmul.f32 v20, v20;
	v21 =	vmul.f32 v21, v21  }
0x467: {  	v34 =	vadd.f32 v32, v31;
	v22 =	vmul.f32 v22, v22;
	v23 =	vmul.f32 v23, v23  }
0x468: {  	v15 =	vadd.f32 v16, v15;
	v35 =	vmul.f32 v24, v24;
	v36 =	vmul.f32 v25, v25  }
0x469: {  	v17 =	vadd.f32 v18, v17;
	v37 =	vadd.f32 v21, v20  }
0x46a: {  	v38 =	vadd.f32 v23, v22;
	v16 =	vadd.f32 v36, v35  }
0x46b: {  	v39 =	vadd.f32 v33, v26;
	v15 =	vadd.f32 v15, v34  }
0x46c: {  	v17 =	vadd.f32 v37, v17;
	v16 =	vadd.f32 v16, v38  }
0x46d: {  	v40 =	vperm.xlane v11, v0;
	v13 =	vadd.f32 v14, v13;
	v41 =	vadd.f32 v30, v19  }
0x46e: {  	v42 =	vperm.xlane v12, v0;
	v15 =	vadd.f32 v15, v39;
	v16 =	vadd.f32 v16, v17  }
0x46f: {  	v11 =	vadd.f32 v40, v11;
	v43 =	vperm.xlane v13, v0;
	v44 =	vperm.xlane v41, v0  }
0x470: {  	v12 =	vadd.f32 v12, v42;
	v45 =	vperm.xlane v15, v0;
	v46 =	vperm.xlane v16, v0  }
0x471: {  	v7 =	vsel vm2, v7, v8;
	v47 =	vadd.f32 v43, v13;
	v48 =	vadd.f32 v41, v44  }
0x472: {  	v9 =	vsel vm2, v9, v10;
	v49 =	vadd.f32 v45, v15;
	v50 =	vadd.f32 v16, v46  }
0x473: {  	v51 =	vperm.xlane v7, v1;
	v52 =	vperm.xlane v9, v1;
	v11 =	vsel vm2, v11, v12  }
0x474: {  	v53 =	vperm.xlane v11, v1;
	v8 =	vsel vm2, v47, v48;
	v10 =	vsel vm2, v49, v50  }
0x475: {  	v7 =	vadd.f32 v7, v51;
	v13 =	vperm.xlane v8, v1;
	v14 =	vperm.xlane v10, v1  }
0x476: {  	v9 =	vadd.f32 v52, v9;
	v11 =	vadd.f32 v11, v53  }
0x477: {  	v4 =	vsel vm0, v4, v6;
	v54 =	vadd.f32 v13, v8;
	v55 =	vadd.f32 v10, v14  }
0x478: {  	v56 =	vperm.xlane v4, v2;
	v5 =	vsel vm0, v5, v7  }
0x479: {  	v57 =	vperm.xlane v5, v2;
	v9 =	vsel vm0, v9, v11;
	v6 =	vsel vm0, v54, v55  }
0x47a: {  	v58 =	vperm.xlane v9, v2;
	v59 =	vperm.xlane v6, v2  }
0x47b: {  	v4 =	vadd.f32 v56, v4;
	v5 =	vadd.f32 v5, v57  }
0x47c: {  	v60 =	vadd.f32 v58, v9;
	v6 =	vadd.f32 v6, v59;
	_ =	sdelay $0x1  }
0x47d: {  	s17 =	sshra.s32 s17, $0x2;
	v4 =	vsel vm1, v4, v5;
	v5 =	vsel vm1, v60, v6  }
0x47e: {  	v62 =	vld [tilespmem:s17+$0xC700];
	v61 =	vperm.xlane v4, v3;
	v7 =	vperm.xlane v5, v3;
	_ =	sdelay $0x1  }
0x47f: {  	v63 =	vld [tilespmem:s17+$0xC900];
	v4 =	vadd.f32 v61, v4;
	v5 =	vadd.f32 v5, v7;
	_ =	sdelay $0x1  }
0x480: {  	v4 =	vsel vm3, v4, v5  }
0x481: {  	v4 =	vsub.f32 v4, v62;
	_ =	sdelay $0x1  }
0x482: {  	v4 =	vsub.f32 v4, v63;
	_ =	sdelay $0x1  }
0x483: {  	v4 =	vmul.f32 $-5.000000000e-01, v4;
	_ =	sdelay $0x1  }
0x484: {  	v4 =	vadd.f32 $0.0e+00, v4;
	_ =	sdelay $0x1  }
0x485: {  	v4 =	vmul.f32 $1.442695020e+00, v4;
	_ =	sdelay $0x1  }
0x486: {  	(erf) = vpow2.f32 v4;
	_ =	sdelay $0x8  }
0x487: {  	v4 =	vpop (erf)  }
0x488: {  	v4 =	vadd.f32 $1.000000000e+00, v4;
	_ =	sdelay $0x1  }
0x489: {  	(erf) = vrcp.f32 v4;
	_ =	sdelay $0x5  }
0x48a: {  	s16 =	smul.u32 $0x50, s12;
	p0 =	sgt.u32 s12, $0x79  }
.Ltmp14:
0x48b: {  	_ = 	snop;
	(pc) =	sbr.rel @p0 .LBB2_8-.Ltmp14, $4  }
0x48c: {  	s19 =	sadd.s32 s7, s16  }
0x48d: {  	s19 =	sshrl.u32 s19, $0x3;
	v4 =	vpop (erf)  }
0x48e: {  	s21 =	sadd.s32 s5, s19;
	[tilespmem:s17+$0xCB00] =	vst v4  }
0x48f: {  	[hbm4b:s21+s6] =	stream.linear.scatter [tilespmem:s2], [sflag:$0xA], $0x50, $0x38;
	[tilespmem:$0xCD00] =	vst v63  }
0x490: {  	s17 =	sadd.s32 $0xF0, s16  }
0x491: {  	[tilespmem:s15], [sflag:$0x1] =	stream.indirect.gather [hbm4b:s0+s14], $0x80, s17, s14, $0xb8;
	[tilespmem:$0xCD00] =	vst v63  }
.Ltmp15:
0x492: {  	_ = 	snop;
	(pc) =	sbr.rel .LBB2_9-.Ltmp15, $4  }
0x493: {  	s19 =	simm.s32 $0xC700  }
0x494: {  	[tilespmem:s19], [sflag:$0x7] =	stream.indirect.gather [hbm4b:s3+s14], $0x1, s17, s14, $0xb8;
	[tilespmem:$0xCD00] =	vst v63  }
0x495: {  	s21 =	simm.s32 $0xC900;
	s19 =	sadd.s32 $0x2870, s16  }
0x496: {  	[tilespmem:s21], [sflag:$0x7] =	stream.indirect.gather [hbm4b:s8+s14], $0x1, s19, s14, $0xb8;
	[tilespmem:$0xCD00] =	vst v63  }
.LBB2_20:
0x497: {  	p0 =	sne.s32 s12, $0x7A  }
.Ltmp16:
0x498: {  	_ = 	snop;
	(pc) =	sbr.rel @p0 .LBB2_22-.Ltmp16, $1  }
0x499: {  	_ =	sdelay $0x3  }
.LBB2_21:
0x49a: {  	s16 =	smul.u32 $0x140, s12  }
.Ltmp17:
0x49b: {  	_ = 	snop;
	(pc) =	sbr.rel .LBB2_22-.Ltmp17, $4  }
0x49c: {  	_ =	swait.ge [sflag:s29], $0x2800  }
0x49d: {  	[sflag:s29] =	ssyncset.done $0x0;
	s16 =	sshra.s32 s16, $0x2  }
0x49e: {  	[sflag:s29] =	ssyncadd.s32 $0xFFFFD800;
	s16 =	sadd.s32 $0x2820, s16  }
0x49f: {  	[tilespmem:s18], [sflag:$0x5] =	stream.indirect.gather.add.f32 [hbm:s1], $0x80, s16, s14, $0xb8;
	[tilespmem:$0xCD00] =	vst v63  }
.LBB2_8:
0x4a0: {  	p0 =	sne.s32 s12, $0x7A  }
.Ltmp18:
0x4a1: {  	_ = 	snop;
	(pc) =	sbr.rel @p0 .LBB2_22-.Ltmp18, $1  }
0x4a2: {  	_ =	sdelay $0x3  }
.LBB2_9:
0x4a3: {  	s16 =	smul.u32 $0x140, s12  }
.Ltmp19:
0x4a4: {  	_ = 	snop;
	(pc) =	sbr.rel .LBB2_22-.Ltmp19, $4  }
0x4a5: {  	_ =	swait.ge [sflag:s25], $0x2800  }
0x4a6: {  	[sflag:s25] =	ssyncset.done $0x0;
	s16 =	sshra.s32 s16, $0x2  }
0x4a7: {  	[sflag:s25] =	ssyncadd.s32 $0xFFFFD800;
	s16 =	sadd.s32 $0x2820, s16  }
0x4a8: {  	[tilespmem:s23], [sflag:$0x6] =	stream.indirect.gather.add.f32 [hbm:s1], $0x80, s16, s14, $0xb8;
	[tilespmem:$0xCD00] =	vst v63  }
.LBB2_24:
0x4a9: {  	_ =	sfence.sel $0x180000  }
0x4aa: {  	[bflag:$0x0] =	sbarrier.arrive $0xFFFF  }
0x4ab: {  	_ =	strace $0x90000047  }
0x4ac: {  	s0 =	stileid.u32;
	[bflag:$0x2] =	sbarrier.arrive $0xFFFF  }
0x4ad: {  	p0 =	sne.s32 s0, $0x0;
	s0 =	rddreg [dreg:$0x6]  }
0x4ae: {  	s0 =	sadd.s32 @!p0 $0x100000, s0  }
0x4af: {  	[sflag:s0] =	ssyncadd.tile.s32 @!p0 $0x1;
	_ =	shalt  }
.Lfunc_end2:
_tile_overlayer_lowered:
.L_overlay_start_2:
0x4b0: {  	(tag) =	ssettag $0x2  }
0x4b1: {  	s0 =	rddreg [dreg:$0x0];
	s2 =	stileid.u32  }
0x4b2: {  	s1 =	rddreg [dreg:$0x1];
	p0 =	sne.s32 s2, $0x0  }
0x4b3: {  	s3 =	rddreg [dreg:$0x2];
	[bflag:$0x3] =	sbarrier.arrive $0xFFFF;
	s2 =	simm.s32 @!p0 $0x1C0D  }
0x4b4: {  	[timem:s3], [sflag:s2] =	dma.local @!p0 [hbm:s0], s1  }
0x4b5: {  	s0 =	simm.s32 @!p0 $0xD  }
0x4b6: {  	_ =	swait.ge @!p0 [sflag:s0], s1  }
0x4b7: {  	s1 =	ssub.s32 @!p0 $0x0, s1;
	[sflag:s0] =	ssyncset.done @!p0 $0x0  }
0x4b8: {  	[sflag:s0] =	ssyncadd.s32 @!p0 s1  }
0x4b9: {  	[bflag:$0x3] =	sbarrier.arrive $0xFFFF  }
0x4ba: {  	_ =	shalt  }

</sc_bundles>
